<compile_context>
chip_gen: v7x
topology: tpu7x:2x2x1
jax: 0.10.2.dev20260603
libtpu: 0.0.44.dev20260713+nightly
codegen_flags: <defaults>
</compile_context>

<pallas_src>
import jax
import jax.numpy as jnp
from jax import lax
from jax.experimental import pallas as pl
from jax.experimental.pallas import tpu as pltpu
from jax.experimental.pallas import tpu_sc as plsc

R, C = 128, 100000
NC, NS = 2, 16
NW = NC * NS

T_SPLIT = 32000
Q = 1000
Q_LAST0 = T_SPLIT - Q
CKT = 200
NCH = Q // CKT

TC_BW = 4000
TC_BLK0 = T_SPLIT // TC_BW
TC_NBLK = (C - T_SPLIT) // TC_BW
A = 10
SUB = TC_BW // 8

NEG_INF = float("-inf")
BIG = 1 << 30


def _merge(va, ia, vb, ib):
    take_b = (vb > va) | ((vb == va) & (ib < ia))
    return jnp.where(take_b, vb, va), jnp.where(take_b, ib, ia)


def _sc_body(y_hbm, oval_hbm, oidx_hbm,
             bufa, bufb, stage_v, stage_i, mrg_v, mrg_i, shv, shi,
             sema, semb):
    cid = lax.axis_index("c")
    sid = lax.axis_index("s")
    wid = sid * NC + cid
    base = jnp.minimum(wid * Q, Q_LAST0)
    base = pl.multiple_of(base, 8)
    lanes = lax.iota(jnp.int32, 16)

    bufs = (bufa, bufb)
    sems = (sema, semb)
    pend = [None, None]
    pend[0] = pltpu.make_async_copy(
        y_hbm.at[pl.ds(base, CKT), :], bufs[0], sems[0])
    pend[0].start()
    pend[1] = pltpu.make_async_copy(
        y_hbm.at[pl.ds(base + CKT, CKT), :], bufs[1], sems[1])
    pend[1].start()

    gv = [jnp.full((16,), NEG_INF, jnp.float32) for _ in range(8)]
    gi = [jnp.full((16,), BIG, jnp.int32) for _ in range(8)]

    for k in range(NCH):
        pend[k % 2].wait()
        buf = bufs[k % 2]
        t0 = base + k * CKT

        def step(t, carry, buf=buf, t0=t0):
            cv, ci = carry
            nv, ni = [], []
            col = t0 + t
            for g in range(8):
                v = buf[t, pl.ds(g * 16, 16)]
                m = v > cv[g]
                nv.append(jnp.where(m, v, cv[g]))
                ni.append(jnp.where(m, col, ci[g]))
            return tuple(nv), tuple(ni)

        gv, gi = lax.fori_loop(0, CKT, step, (tuple(gv), tuple(gi)))
        gv, gi = list(gv), list(gi)
        if k + 2 < NCH:
            pend[k % 2] = pltpu.make_async_copy(
                y_hbm.at[pl.ds(base + (k + 2) * CKT, CKT), :],
                bufs[k % 2], sems[k % 2])
            pend[k % 2].start()

    for g in range(8):
        stage_v[pl.ds(g * 16, 16)] = gv[g]
        stage_i[pl.ds(g * 16, 16)] = gi[g]
    sbase = pl.multiple_of(sid * 16, 16)
    for g in range(8):
        pltpu.sync_copy(stage_v.at[pl.ds(g * 16, 16)],
                        shv.at[pl.ds(g * 256 + sbase, 16)])
        pltpu.sync_copy(stage_i.at[pl.ds(g * 16, 16)],
                        shi.at[pl.ds(g * 256 + sbase, 16)])
    plsc.subcore_barrier()

    @pl.when(sid < 8)
    def _():
        gbase = pl.multiple_of(sid * 256, 16)
        pltpu.sync_copy(shv.at[pl.ds(gbase, 256)], mrg_v)
        pltpu.sync_copy(shi.at[pl.ds(gbase, 256)], mrg_i)
        bv = mrg_v[pl.ds(0, 16)]
        bi = mrg_i[pl.ds(0, 16)]
        for s in range(1, 16):
            bv, bi = _merge(bv, bi, mrg_v[pl.ds(s * 16, 16)],
                            mrg_i[pl.ds(s * 16, 16)])
        stage_v[pl.ds(0, 16)] = bv
        stage_i[pl.ds(0, 16)] = bi
        obase = pl.multiple_of(cid * R + sid * 16, 16)
        pltpu.sync_copy(stage_v.at[pl.ds(0, 16)],
                        oval_hbm.at[pl.ds(obase, 16)])
        pltpu.sync_copy(stage_i.at[pl.ds(0, 16)],
                        oidx_hbm.at[pl.ds(obase, 16)])


def _tc_body(y_ref, oval_ref, oidx_ref):
    i = pl.program_id(0)
    tb = (i + TC_BLK0) * TC_BW

    accv = [None] * A
    accj = [None] * A
    for j in range(SUB):
        a = j % A
        v = y_ref[pl.ds(j * 8, 8), :]
        if accv[a] is None:
            accv[a] = v
            accj[a] = jnp.full((8, 128), j, jnp.int32)
        else:
            m = v > accv[a]
            accv[a] = jnp.where(m, v, accv[a])
            accj[a] = jnp.where(m, jnp.int32(j), accj[a])

    bv, bj = accv[0], accj[0]
    for a in range(1, A):
        t = (accv[a] > bv) | ((accv[a] == bv) & (accj[a] < bj))
        bv = jnp.where(t, accv[a], bv)
        bj = jnp.where(t, accj[a], bj)

    sub = lax.broadcasted_iota(jnp.int32, (8, 128), 0)
    bc = bj * 8 + sub + tb
    vmax = jnp.max(bv, axis=0)
    cand = jnp.where(bv == vmax[None, :], bc, jnp.int32(BIG))
    cmin = jnp.min(cand, axis=0)

    @pl.when(i == 0)
    def _():
        oval_ref[0, 0, :] = vmax
        oidx_ref[0, 0, :] = cmin

    @pl.when(i > 0)
    def _():
        pv = oval_ref[0, 0, :]
        pi = oidx_ref[0, 0, :]
        t = (vmax > pv) | ((vmax == pv) & (cmin < pi))
        oval_ref[0, 0, :] = jnp.where(t, vmax, pv)
        oidx_ref[0, 0, :] = jnp.where(t, cmin, pi)


def kernel(x):
    y = jnp.transpose(x)

    mesh = plsc.VectorSubcoreMesh(core_axis_name="c", subcore_axis_name="s")
    sc_kern = pl.kernel(
        _sc_body,
        mesh=mesh,
        compiler_params=pltpu.CompilerParams(use_tc_tiling_on_sc=True),
        out_type=(
            jax.ShapeDtypeStruct((NC * R,), jnp.float32),
            jax.ShapeDtypeStruct((NC * R,), jnp.int32),
        ),
        scratch_types=[
            pltpu.VMEM((CKT, 128), jnp.float32),
            pltpu.VMEM((CKT, 128), jnp.float32),
            pltpu.VMEM((128,), jnp.float32),
            pltpu.VMEM((128,), jnp.int32),
            pltpu.VMEM((256,), jnp.float32),
            pltpu.VMEM((256,), jnp.int32),
            pltpu.VMEM_SHARED((2048,), jnp.float32),
            pltpu.VMEM_SHARED((2048,), jnp.int32),
            pltpu.SemaphoreType.DMA,
            pltpu.SemaphoreType.DMA,
        ],
    )
    sval, sidx = sc_kern(y)

    tval, tidx = pl.pallas_call(
        _tc_body,
        grid=(TC_NBLK,),
        in_specs=[pl.BlockSpec((TC_BW, 128), lambda i: (i + TC_BLK0, 0))],
        out_specs=[
            pl.BlockSpec((1, 1, 128), lambda i: (0, 0, 0)),
            pl.BlockSpec((1, 1, 128), lambda i: (0, 0, 0)),
        ],
        out_shape=[
            jax.ShapeDtypeStruct((1, 1, 128), jnp.float32),
            jax.ShapeDtypeStruct((1, 1, 128), jnp.int32),
        ],
    )(y)

    tv = tval.reshape(R)
    ti = tidx.reshape(R)
    sv = sval.reshape(NC, R)
    si = sidx.reshape(NC, R)

    v, i = sv[0], si[0]
    for vb, ib in ((sv[1], si[1]), (tv, ti)):
        t = (vb > v) | ((vb == v) & (ib < i))
        v = jnp.where(t, vb, v)
        i = jnp.where(t, ib, i)
    return i.astype(jnp.int64)

# --- scband reference (transcript-rebuilt; emitter-appended) ---
"""Pipeline reference for scband-argmax-28767690948819 (READ-ONLY COPY).

The authoritative reference and input builder live on the scoring server;
editing this copy changes nothing except your own understanding.
"""

import jax, jax.numpy as jnp
import numpy as np

DIM = 1

def setup_inputs(seed: int = 0) -> dict:
    key = jax.random.key(seed)
    x = jax.random.normal(key, (128, 100000), dtype=jnp.float32)
    return {"x": x}

def reference(x) -> jnp.ndarray:
    # Faithful translation of tf.argmax(x, dim) with dim=1.
    # tf.argmax returns int64 by default.
    return jnp.argmax(x, axis=DIM).astype(jnp.int64)

if __name__ == "__main__":
    import jax
    _d = setup_inputs()
    print(jax.jit(kernel)(*tuple(_d.values())))

</pallas_src>

<mosaic_0001>
#map = affine_map<(d0, d1) -> (0, 0)>
#map1 = affine_map<(d0, d1) -> (0)>
module attributes {stable_mosaic.version = 14 : i64} {
  func.func @_sc_body(%arg0: i32, %arg1: i32, %arg2: memref<100000x128xf32, #tpu.memory_space<hbm>>, %arg3: memref<256xf32, #tpu.memory_space<hbm>>, %arg4: memref<256xi32, #tpu.memory_space<hbm>>, %arg5: memref<200x128xf32, #tpu.memory_space<vmem>>, %arg6: memref<200x128xf32, #tpu.memory_space<vmem>>, %arg7: memref<128xf32, #tpu.memory_space<vmem>>, %arg8: memref<128xi32, #tpu.memory_space<vmem>>, %arg9: memref<256xf32, #tpu.memory_space<vmem>>, %arg10: memref<256xi32, #tpu.memory_space<vmem>>, %arg11: memref<2048xf32, #tpu.memory_space<vmem_shared>>, %arg12: memref<2048xi32, #tpu.memory_space<vmem_shared>>, %arg13: memref<!tpu.dma_semaphore, #tpu.memory_space<semaphore_mem>>, %arg14: memref<!tpu.dma_semaphore, #tpu.memory_space<semaphore_mem>>) attributes {dimension_semantics = [#tpu.dimension_semantics<core_parallel>, #tpu.dimension_semantics<subcore_parallel>], iteration_bounds = array<i64: 2, 16>, scalar_prefetch = 0 : i64, scratch_operands = 10 : i64, tpu.core_type = #tpu.core_type<sc_vector_subcore>, window_params = [{transform_indices = #map}, {transform_indices = #map1}, {transform_indices = #map1}]} {
    %mul3A = arith.constant 2 : i32
    %mul3A_0 = arith.muli %arg1, %mul3A : i32
    %add3A = arith.addi %mul3A_0, %arg0 : i32
    %mul3A_1 = arith.constant 1000 : i32
    %mul3A_2 = arith.muli %add3A, %mul3A_1 : i32
    %min3A = arith.constant 31000 : i32
    %min3A_3 = arith.minsi %mul3A_2, %min3A : i32
    %multiple_of3A = tpu.assume_multiple %min3A_3, 8 : i32
    %iota3A = tpu.iota {dimensions = array<i32: 0>} : vector<16xi32>
    %dma_start3A = arith.constant 0 : i32
    %dma_start3A_4 = tpu.memref_slice %arg2[%multiple_of3A, %dma_start3A] : memref<100000x128xf32, #tpu.memory_space<hbm>> -> memref<200x128xf32, #tpu.memory_space<hbm>>
    %dma_start3A_5 = arith.constant 0 : i32
    %dma_start3A_6 = tpu.memref_slice %arg2[%multiple_of3A, %dma_start3A_5] : memref<100000x128xf32, #tpu.memory_space<hbm>> -> memref<200x128xf32, #tpu.memory_space<hbm>>
    tpu.enqueue_dma source(%dma_start3A_6 : memref<200x128xf32, #tpu.memory_space<hbm>>) target(%arg5 : memref<200x128xf32, #tpu.memory_space<vmem>>) target_semaphore(%arg13 : memref<!tpu.dma_semaphore, #tpu.memory_space<semaphore_mem>>)
    %add3A_7 = arith.constant 200 : i32
    %add3A_8 = arith.addi %multiple_of3A, %add3A_7 : i32
    %dma_start3A_9 = arith.constant 0 : i32
    %dma_start3A_10 = tpu.memref_slice %arg2[%add3A_8, %dma_start3A_9] : memref<100000x128xf32, #tpu.memory_space<hbm>> -> memref<200x128xf32, #tpu.memory_space<hbm>>
    %dma_start3A_11 = arith.constant 0 : i32
    %dma_start3A_12 = tpu.memref_slice %arg2[%add3A_8, %dma_start3A_11] : memref<100000x128xf32, #tpu.memory_space<hbm>> -> memref<200x128xf32, #tpu.memory_space<hbm>>
    tpu.enqueue_dma source(%dma_start3A_12 : memref<200x128xf32, #tpu.memory_space<hbm>>) target(%arg6 : memref<200x128xf32, #tpu.memory_space<vmem>>) target_semaphore(%arg14 : memref<!tpu.dma_semaphore, #tpu.memory_space<semaphore_mem>>)
    %broadcast_in_dim3A = arith.constant 0xFF800000 : f32
    %broadcast_in_dim3A_13 = vector.broadcast %broadcast_in_dim3A : f32 to vector<16xf32>
    %broadcast_in_dim3A_14 = arith.constant 0xFF800000 : f32
    %broadcast_in_dim3A_15 = vector.broadcast %broadcast_in_dim3A_14 : f32 to vector<16xf32>
    %broadcast_in_dim3A_16 = arith.constant 0xFF800000 : f32
    %broadcast_in_dim3A_17 = vector.broadcast %broadcast_in_dim3A_16 : f32 to vector<16xf32>
    %broadcast_in_dim3A_18 = arith.constant 0xFF800000 : f32
    %broadcast_in_dim3A_19 = vector.broadcast %broadcast_in_dim3A_18 : f32 to vector<16xf32>
    %broadcast_in_dim3A_20 = arith.constant 0xFF800000 : f32
    %broadcast_in_dim3A_21 = vector.broadcast %broadcast_in_dim3A_20 : f32 to vector<16xf32>
    %broadcast_in_dim3A_22 = arith.constant 0xFF800000 : f32
    %broadcast_in_dim3A_23 = vector.broadcast %broadcast_in_dim3A_22 : f32 to vector<16xf32>
    %broadcast_in_dim3A_24 = arith.constant 0xFF800000 : f32
    %broadcast_in_dim3A_25 = vector.broadcast %broadcast_in_dim3A_24 : f32 to vector<16xf32>
    %broadcast_in_dim3A_26 = arith.constant 0xFF800000 : f32
    %broadcast_in_dim3A_27 = vector.broadcast %broadcast_in_dim3A_26 : f32 to vector<16xf32>
    %broadcast_in_dim3A_28 = arith.constant 1073741824 : i32
    %broadcast_in_dim3A_29 = vector.broadcast %broadcast_in_dim3A_28 : i32 to vector<16xi32>
    %broadcast_in_dim3A_30 = arith.constant 1073741824 : i32
    %broadcast_in_dim3A_31 = vector.broadcast %broadcast_in_dim3A_30 : i32 to vector<16xi32>
    %broadcast_in_dim3A_32 = arith.constant 1073741824 : i32
    %broadcast_in_dim3A_33 = vector.broadcast %broadcast_in_dim3A_32 : i32 to vector<16xi32>
    %broadcast_in_dim3A_34 = arith.constant 1073741824 : i32
    %broadcast_in_dim3A_35 = vector.broadcast %broadcast_in_dim3A_34 : i32 to vector<16xi32>
    %broadcast_in_dim3A_36 = arith.constant 1073741824 : i32
    %broadcast_in_dim3A_37 = vector.broadcast %broadcast_in_dim3A_36 : i32 to vector<16xi32>
    %broadcast_in_dim3A_38 = arith.constant 1073741824 : i32
    %broadcast_in_dim3A_39 = vector.broadcast %broadcast_in_dim3A_38 : i32 to vector<16xi32>
    %broadcast_in_dim3A_40 = arith.constant 1073741824 : i32
    %broadcast_in_dim3A_41 = vector.broadcast %broadcast_in_dim3A_40 : i32 to vector<16xi32>
    %broadcast_in_dim3A_42 = arith.constant 1073741824 : i32
    %broadcast_in_dim3A_43 = vector.broadcast %broadcast_in_dim3A_42 : i32 to vector<16xi32>
    %dma_wait3A = arith.constant 0 : i32
    %dma_wait3A_44 = tpu.memref_slice %arg2[%multiple_of3A, %dma_wait3A] : memref<100000x128xf32, #tpu.memory_space<hbm>> -> memref<200x128xf32, #tpu.memory_space<hbm>>
    %dma_wait3A_45 = arith.constant 0 : i32
    %dma_wait3A_46 = tpu.memref_slice %arg2[%multiple_of3A, %dma_wait3A_45] : memref<100000x128xf32, #tpu.memory_space<hbm>> -> memref<200x128xf32, #tpu.memory_space<hbm>>
    tpu.wait_dma2 semaphore(%arg13 : memref<!tpu.dma_semaphore, #tpu.memory_space<semaphore_mem>>) src(%dma_wait3A_46 : memref<200x128xf32, #tpu.memory_space<hbm>>) dst(%arg5 : memref<200x128xf32, #tpu.memory_space<vmem>>)
    %add3A_47 = arith.constant 0 : i32
    %add3A_48 = arith.addi %multiple_of3A, %add3A_47 : i32
    %scan3A = arith.constant 0 : i32
    %scan3A_49 = arith.constant 200 : i32
    %scan3A_50 = arith.addi %scan3A, %scan3A_49 : i32
    %scan3A_51 = arith.constant 1 : i32
    %scan3A_52:16 = scf.for %scan3A_220 = %scan3A to %scan3A_50 step %scan3A_51 iter_args(%scan3A_221 = %broadcast_in_dim3A_13, %scan3A_222 = %broadcast_in_dim3A_15, %scan3A_223 = %broadcast_in_dim3A_17, %scan3A_224 = %broadcast_in_dim3A_19, %scan3A_225 = %broadcast_in_dim3A_21, %scan3A_226 = %broadcast_in_dim3A_23, %scan3A_227 = %broadcast_in_dim3A_25, %scan3A_228 = %broadcast_in_dim3A_27, %scan3A_229 = %broadcast_in_dim3A_29, %scan3A_230 = %broadcast_in_dim3A_31, %scan3A_231 = %broadcast_in_dim3A_33, %scan3A_232 = %broadcast_in_dim3A_35, %scan3A_233 = %broadcast_in_dim3A_37, %scan3A_234 = %broadcast_in_dim3A_39, %scan3A_235 = %broadcast_in_dim3A_41, %scan3A_236 = %broadcast_in_dim3A_43) -> (vector<16xf32>, vector<16xf32>, vector<16xf32>, vector<16xf32>, vector<16xf32>, vector<16xf32>, vector<16xf32>, vector<16xf32>, vector<16xi32>, vector<16xi32>, vector<16xi32>, vector<16xi32>, vector<16xi32>, vector<16xi32>, vector<16xi32>, vector<16xi32>)  : i32 {
      %add3A_237 = arith.addi %add3A_48, %scan3A_220 : i32
      %get3A = arith.index_cast %scan3A_220 : i32 to index
      %get3A_238 = arith.constant 0 : index
      %get3A_239 = tpu.vector_load %arg5[%get3A, %get3A_238] {strides = array<i32>} : memref<200x128xf32, #tpu.memory_space<vmem>>, vector<1x16xf32>,
      %get3A_240 = vector.shape_cast %get3A_239 : vector<1x16xf32> to vector<16xf32>
      %gt3A = arith.cmpf ogt, %get3A_240, %scan3A_221 : vector<16xf32>
      %select_n3A = arith.select %gt3A, %get3A_240, %scan3A_221 : vector<16xi1>, vector<16xf32>
      %broadcast_in_dim3A_241 = vector.broadcast %add3A_237 : i32 to vector<16xi32>
      %select_n3A_242 = arith.select %gt3A, %broadcast_in_dim3A_241, %scan3A_229 : vector<16xi1>, vector<16xi32>
      %get3A_243 = arith.index_cast %scan3A_220 : i32 to index
      %get3A_244 = arith.constant 16 : index
      %get3A_245 = tpu.vector_load %arg5[%get3A_243, %get3A_244] {strides = array<i32>} : memref<200x128xf32, #tpu.memory_space<vmem>>, vector<1x16xf32>,
      %get3A_246 = vector.shape_cast %get3A_245 : vector<1x16xf32> to vector<16xf32>
      %gt3A_247 = arith.cmpf ogt, %get3A_246, %scan3A_222 : vector<16xf32>
      %select_n3A_248 = arith.select %gt3A_247, %get3A_246, %scan3A_222 : vector<16xi1>, vector<16xf32>
      %broadcast_in_dim3A_249 = vector.broadcast %add3A_237 : i32 to vector<16xi32>
      %select_n3A_250 = arith.select %gt3A_247, %broadcast_in_dim3A_249, %scan3A_230 : vector<16xi1>, vector<16xi32>
      %get3A_251 = arith.index_cast %scan3A_220 : i32 to index
      %get3A_252 = arith.constant 32 : index
      %get3A_253 = tpu.vector_load %arg5[%get3A_251, %get3A_252] {strides = array<i32>} : memref<200x128xf32, #tpu.memory_space<vmem>>, vector<1x16xf32>,
      %get3A_254 = vector.shape_cast %get3A_253 : vector<1x16xf32> to vector<16xf32>
      %gt3A_255 = arith.cmpf ogt, %get3A_254, %scan3A_223 : vector<16xf32>
      %select_n3A_256 = arith.select %gt3A_255, %get3A_254, %scan3A_223 : vector<16xi1>, vector<16xf32>
      %broadcast_in_dim3A_257 = vector.broadcast %add3A_237 : i32 to vector<16xi32>
      %select_n3A_258 = arith.select %gt3A_255, %broadcast_in_dim3A_257, %scan3A_231 : vector<16xi1>, vector<16xi32>
      %get3A_259 = arith.index_cast %scan3A_220 : i32 to index
      %get3A_260 = arith.constant 48 : index
      %get3A_261 = tpu.vector_load %arg5[%get3A_259, %get3A_260] {strides = array<i32>} : memref<200x128xf32, #tpu.memory_space<vmem>>, vector<1x16xf32>,
      %get3A_262 = vector.shape_cast %get3A_261 : vector<1x16xf32> to vector<16xf32>
      %gt3A_263 = arith.cmpf ogt, %get3A_262, %scan3A_224 : vector<16xf32>
      %select_n3A_264 = arith.select %gt3A_263, %get3A_262, %scan3A_224 : vector<16xi1>, vector<16xf32>
      %broadcast_in_dim3A_265 = vector.broadcast %add3A_237 : i32 to vector<16xi32>
      %select_n3A_266 = arith.select %gt3A_263, %broadcast_in_dim3A_265, %scan3A_232 : vector<16xi1>, vector<16xi32>
      %get3A_267 = arith.index_cast %scan3A_220 : i32 to index
      %get3A_268 = arith.constant 64 : index
      %get3A_269 = tpu.vector_load %arg5[%get3A_267, %get3A_268] {strides = array<i32>} : memref<200x128xf32, #tpu.memory_space<vmem>>, vector<1x16xf32>,
      %get3A_270 = vector.shape_cast %get3A_269 : vector<1x16xf32> to vector<16xf32>
      %gt3A_271 = arith.cmpf ogt, %get3A_270, %scan3A_225 : vector<16xf32>
      %select_n3A_272 = arith.select %gt3A_271, %get3A_270, %scan3A_225 : vector<16xi1>, vector<16xf32>
      %broadcast_in_dim3A_273 = vector.broadcast %add3A_237 : i32 to vector<16xi32>
      %select_n3A_274 = arith.select %gt3A_271, %broadcast_in_dim3A_273, %scan3A_233 : vector<16xi1>, vector<16xi32>
      %get3A_275 = arith.index_cast %scan3A_220 : i32 to index
      %get3A_276 = arith.constant 80 : index
      %get3A_277 = tpu.vector_load %arg5[%get3A_275, %get3A_276] {strides = array<i32>} : memref<200x128xf32, #tpu.memory_space<vmem>>, vector<1x16xf32>,
      %get3A_278 = vector.shape_cast %get3A_277 : vector<1x16xf32> to vector<16xf32>
      %gt3A_279 = arith.cmpf ogt, %get3A_278, %scan3A_226 : vector<16xf32>
      %select_n3A_280 = arith.select %gt3A_279, %get3A_278, %scan3A_226 : vector<16xi1>, vector<16xf32>
      %broadcast_in_dim3A_281 = vector.broadcast %add3A_237 : i32 to vector<16xi32>
      %select_n3A_282 = arith.select %gt3A_279, %broadcast_in_dim3A_281, %scan3A_234 : vector<16xi1>, vector<16xi32>
      %get3A_283 = arith.index_cast %scan3A_220 : i32 to index
      %get3A_284 = arith.constant 96 : index
      %get3A_285 = tpu.vector_load %arg5[%get3A_283, %get3A_284] {strides = array<i32>} : memref<200x128xf32, #tpu.memory_space<vmem>>, vector<1x16xf32>,
      %get3A_286 = vector.shape_cast %get3A_285 : vector<1x16xf32> to vector<16xf32>
      %gt3A_287 = arith.cmpf ogt, %get3A_286, %scan3A_227 : vector<16xf32>
      %select_n3A_288 = arith.select %gt3A_287, %get3A_286, %scan3A_227 : vector<16xi1>, vector<16xf32>
      %broadcast_in_dim3A_289 = vector.broadcast %add3A_237 : i32 to vector<16xi32>
      %select_n3A_290 = arith.select %gt3A_287, %broadcast_in_dim3A_289, %scan3A_235 : vector<16xi1>, vector<16xi32>
      %get3A_291 = arith.index_cast %scan3A_220 : i32 to index
      %get3A_292 = arith.constant 112 : index
      %get3A_293 = tpu.vector_load %arg5[%get3A_291, %get3A_292] {strides = array<i32>} : memref<200x128xf32, #tpu.memory_space<vmem>>, vector<1x16xf32>,
      %get3A_294 = vector.shape_cast %get3A_293 : vector<1x16xf32> to vector<16xf32>
      %gt3A_295 = arith.cmpf ogt, %get3A_294, %scan3A_228 : vector<16xf32>
      %select_n3A_296 = arith.select %gt3A_295, %get3A_294, %scan3A_228 : vector<16xi1>, vector<16xf32>
      %broadcast_in_dim3A_297 = vector.broadcast %add3A_237 : i32 to vector<16xi32>
      %select_n3A_298 = arith.select %gt3A_295, %broadcast_in_dim3A_297, %scan3A_236 : vector<16xi1>, vector<16xi32>
      scf.yield %select_n3A, %select_n3A_248, %select_n3A_256, %select_n3A_264, %select_n3A_272, %select_n3A_280, %select_n3A_288, %select_n3A_296, %select_n3A_242, %select_n3A_250, %select_n3A_258, %select_n3A_266, %select_n3A_274, %select_n3A_282, %select_n3A_290, %select_n3A_298 : vector<16xf32>, vector<16xf32>, vector<16xf32>, vector<16xf32>, vector<16xf32>, vector<16xf32>, vector<16xf32>, vector<16xf32>, vector<16xi32>, vector<16xi32>, vector<16xi32>, vector<16xi32>, vector<16xi32>, vector<16xi32>, vector<16xi32>, vector<16xi32>
    }
    %scan3A_53 = arith.constant 200 : i32
    %add3A_54 = arith.constant 400 : i32
    %add3A_55 = arith.addi %multiple_of3A, %add3A_54 : i32
    %dma_start3A_56 = arith.constant 0 : i32
    %dma_start3A_57 = tpu.memref_slice %arg2[%add3A_55, %dma_start3A_56] : memref<100000x128xf32, #tpu.memory_space<hbm>> -> memref<200x128xf32, #tpu.memory_space<hbm>>
    %dma_start3A_58 = arith.constant 0 : i32
    %dma_start3A_59 = tpu.memref_slice %arg2[%add3A_55, %dma_start3A_58] : memref<100000x128xf32, #tpu.memory_space<hbm>> -> memref<200x128xf32, #tpu.memory_space<hbm>>
    tpu.enqueue_dma source(%dma_start3A_59 : memref<200x128xf32, #tpu.memory_space<hbm>>) target(%arg5 : memref<200x128xf32, #tpu.memory_space<vmem>>) target_semaphore(%arg13 : memref<!tpu.dma_semaphore, #tpu.memory_space<semaphore_mem>>)
    %dma_wait3A_60 = arith.constant 0 : i32
    %dma_wait3A_61 = tpu.memref_slice %arg2[%add3A_8, %dma_wait3A_60] : memref<100000x128xf32, #tpu.memory_space<hbm>> -> memref<200x128xf32, #tpu.memory_space<hbm>>
    %dma_wait3A_62 = arith.constant 0 : i32
    %dma_wait3A_63 = tpu.memref_slice %arg2[%add3A_8, %dma_wait3A_62] : memref<100000x128xf32, #tpu.memory_space<hbm>> -> memref<200x128xf32, #tpu.memory_space<hbm>>
    tpu.wait_dma2 semaphore(%arg14 : memref<!tpu.dma_semaphore, #tpu.memory_space<semaphore_mem>>) src(%dma_wait3A_63 : memref<200x128xf32, #tpu.memory_space<hbm>>) dst(%arg6 : memref<200x128xf32, #tpu.memory_space<vmem>>)
    %add3A_64 = arith.constant 200 : i32
    %add3A_65 = arith.addi %multiple_of3A, %add3A_64 : i32
    %scan3A_66 = arith.constant 0 : i32
    %scan3A_67 = arith.constant 200 : i32
    %scan3A_68 = arith.addi %scan3A_66, %scan3A_67 : i32
    %scan3A_69 = arith.constant 1 : i32
    %scan3A_70:16 = scf.for %scan3A_220 = %scan3A_66 to %scan3A_68 step %scan3A_69 iter_args(%scan3A_221 = %scan3A_52#0, %scan3A_222 = %scan3A_52#1, %scan3A_223 = %scan3A_52#2, %scan3A_224 = %scan3A_52#3, %scan3A_225 = %scan3A_52#4, %scan3A_226 = %scan3A_52#5, %scan3A_227 = %scan3A_52#6, %scan3A_228 = %scan3A_52#7, %scan3A_229 = %scan3A_52#8, %scan3A_230 = %scan3A_52#9, %scan3A_231 = %scan3A_52#10, %scan3A_232 = %scan3A_52#11, %scan3A_233 = %scan3A_52#12, %scan3A_234 = %scan3A_52#13, %scan3A_235 = %scan3A_52#14, %scan3A_236 = %scan3A_52#15) -> (vector<16xf32>, vector<16xf32>, vector<16xf32>, vector<16xf32>, vector<16xf32>, vector<16xf32>, vector<16xf32>, vector<16xf32>, vector<16xi32>, vector<16xi32>, vector<16xi32>, vector<16xi32>, vector<16xi32>, vector<16xi32>, vector<16xi32>, vector<16xi32>)  : i32 {
      %add3A_237 = arith.addi %add3A_65, %scan3A_220 : i32
      %get3A = arith.index_cast %scan3A_220 : i32 to index
      %get3A_238 = arith.constant 0 : index
      %get3A_239 = tpu.vector_load %arg6[%get3A, %get3A_238] {strides = array<i32>} : memref<200x128xf32, #tpu.memory_space<vmem>>, vector<1x16xf32>,
      %get3A_240 = vector.shape_cast %get3A_239 : vector<1x16xf32> to vector<16xf32>
      %gt3A = arith.cmpf ogt, %get3A_240, %scan3A_221 : vector<16xf32>
      %select_n3A = arith.select %gt3A, %get3A_240, %scan3A_221 : vector<16xi1>, vector<16xf32>
      %broadcast_in_dim3A_241 = vector.broadcast %add3A_237 : i32 to vector<16xi32>
      %select_n3A_242 = arith.select %gt3A, %broadcast_in_dim3A_241, %scan3A_229 : vector<16xi1>, vector<16xi32>
      %get3A_243 = arith.index_cast %scan3A_220 : i32 to index
      %get3A_244 = arith.constant 16 : index
      %get3A_245 = tpu.vector_load %arg6[%get3A_243, %get3A_244] {strides = array<i32>} : memref<200x128xf32, #tpu.memory_space<vmem>>, vector<1x16xf32>,
      %get3A_246 = vector.shape_cast %get3A_245 : vector<1x16xf32> to vector<16xf32>
      %gt3A_247 = arith.cmpf ogt, %get3A_246, %scan3A_222 : vector<16xf32>
      %select_n3A_248 = arith.select %gt3A_247, %get3A_246, %scan3A_222 : vector<16xi1>, vector<16xf32>
      %broadcast_in_dim3A_249 = vector.broadcast %add3A_237 : i32 to vector<16xi32>
      %select_n3A_250 = arith.select %gt3A_247, %broadcast_in_dim3A_249, %scan3A_230 : vector<16xi1>, vector<16xi32>
      %get3A_251 = arith.index_cast %scan3A_220 : i32 to index
      %get3A_252 = arith.constant 32 : index
      %get3A_253 = tpu.vector_load %arg6[%get3A_251, %get3A_252] {strides = array<i32>} : memref<200x128xf32, #tpu.memory_space<vmem>>, vector<1x16xf32>,
      %get3A_254 = vector.shape_cast %get3A_253 : vector<1x16xf32> to vector<16xf32>
      %gt3A_255 = arith.cmpf ogt, %get3A_254, %scan3A_223 : vector<16xf32>
      %select_n3A_256 = arith.select %gt3A_255, %get3A_254, %scan3A_223 : vector<16xi1>, vector<16xf32>
      %broadcast_in_dim3A_257 = vector.broadcast %add3A_237 : i32 to vector<16xi32>
      %select_n3A_258 = arith.select %gt3A_255, %broadcast_in_dim3A_257, %scan3A_231 : vector<16xi1>, vector<16xi32>
      %get3A_259 = arith.index_cast %scan3A_220 : i32 to index
      %get3A_260 = arith.constant 48 : index
      %get3A_261 = tpu.vector_load %arg6[%get3A_259, %get3A_260] {strides = array<i32>} : memref<200x128xf32, #tpu.memory_space<vmem>>, vector<1x16xf32>,
      %get3A_262 = vector.shape_cast %get3A_261 : vector<1x16xf32> to vector<16xf32>
      %gt3A_263 = arith.cmpf ogt, %get3A_262, %scan3A_224 : vector<16xf32>
      %select_n3A_264 = arith.select %gt3A_263, %get3A_262, %scan3A_224 : vector<16xi1>, vector<16xf32>
      %broadcast_in_dim3A_265 = vector.broadcast %add3A_237 : i32 to vector<16xi32>
      %select_n3A_266 = arith.select %gt3A_263, %broadcast_in_dim3A_265, %scan3A_232 : vector<16xi1>, vector<16xi32>
      %get3A_267 = arith.index_cast %scan3A_220 : i32 to index
      %get3A_268 = arith.constant 64 : index
      %get3A_269 = tpu.vector_load %arg6[%get3A_267, %get3A_268] {strides = array<i32>} : memref<200x128xf32, #tpu.memory_space<vmem>>, vector<1x16xf32>,
      %get3A_270 = vector.shape_cast %get3A_269 : vector<1x16xf32> to vector<16xf32>
      %gt3A_271 = arith.cmpf ogt, %get3A_270, %scan3A_225 : vector<16xf32>
      %select_n3A_272 = arith.select %gt3A_271, %get3A_270, %scan3A_225 : vector<16xi1>, vector<16xf32>
      %broadcast_in_dim3A_273 = vector.broadcast %add3A_237 : i32 to vector<16xi32>
      %select_n3A_274 = arith.select %gt3A_271, %broadcast_in_dim3A_273, %scan3A_233 : vector<16xi1>, vector<16xi32>
      %get3A_275 = arith.index_cast %scan3A_220 : i32 to index
      %get3A_276 = arith.constant 80 : index
      %get3A_277 = tpu.vector_load %arg6[%get3A_275, %get3A_276] {strides = array<i32>} : memref<200x128xf32, #tpu.memory_space<vmem>>, vector<1x16xf32>,
      %get3A_278 = vector.shape_cast %get3A_277 : vector<1x16xf32> to vector<16xf32>
      %gt3A_279 = arith.cmpf ogt, %get3A_278, %scan3A_226 : vector<16xf32>
      %select_n3A_280 = arith.select %gt3A_279, %get3A_278, %scan3A_226 : vector<16xi1>, vector<16xf32>
      %broadcast_in_dim3A_281 = vector.broadcast %add3A_237 : i32 to vector<16xi32>
      %select_n3A_282 = arith.select %gt3A_279, %broadcast_in_dim3A_281, %scan3A_234 : vector<16xi1>, vector<16xi32>
      %get3A_283 = arith.index_cast %scan3A_220 : i32 to index
      %get3A_284 = arith.constant 96 : index
      %get3A_285 = tpu.vector_load %arg6[%get3A_283, %get3A_284] {strides = array<i32>} : memref<200x128xf32, #tpu.memory_space<vmem>>, vector<1x16xf32>,
      %get3A_286 = vector.shape_cast %get3A_285 : vector<1x16xf32> to vector<16xf32>
      %gt3A_287 = arith.cmpf ogt, %get3A_286, %scan3A_227 : vector<16xf32>
      %select_n3A_288 = arith.select %gt3A_287, %get3A_286, %scan3A_227 : vector<16xi1>, vector<16xf32>
      %broadcast_in_dim3A_289 = vector.broadcast %add3A_237 : i32 to vector<16xi32>
      %select_n3A_290 = arith.select %gt3A_287, %broadcast_in_dim3A_289, %scan3A_235 : vector<16xi1>, vector<16xi32>
      %get3A_291 = arith.index_cast %scan3A_220 : i32 to index
      %get3A_292 = arith.constant 112 : index
      %get3A_293 = tpu.vector_load %arg6[%get3A_291, %get3A_292] {strides = array<i32>} : memref<200x128xf32, #tpu.memory_space<vmem>>, vector<1x16xf32>,
      %get3A_294 = vector.shape_cast %get3A_293 : vector<1x16xf32> to vector<16xf32>
      %gt3A_295 = arith.cmpf ogt, %get3A_294, %scan3A_228 : vector<16xf32>
      %select_n3A_296 = arith.select %gt3A_295, %get3A_294, %scan3A_228 : vector<16xi1>, vector<16xf32>
      %broadcast_in_dim3A_297 = vector.broadcast %add3A_237 : i32 to vector<16xi32>
      %select_n3A_298 = arith.select %gt3A_295, %broadcast_in_dim3A_297, %scan3A_236 : vector<16xi1>, vector<16xi32>
      scf.yield %select_n3A, %select_n3A_248, %select_n3A_256, %select_n3A_264, %select_n3A_272, %select_n3A_280, %select_n3A_288, %select_n3A_296, %select_n3A_242, %select_n3A_250, %select_n3A_258, %select_n3A_266, %select_n3A_274, %select_n3A_282, %select_n3A_290, %select_n3A_298 : vector<16xf32>, vector<16xf32>, vector<16xf32>, vector<16xf32>, vector<16xf32>, vector<16xf32>, vector<16xf32>, vector<16xf32>, vector<16xi32>, vector<16xi32>, vector<16xi32>, vector<16xi32>, vector<16xi32>, vector<16xi32>, vector<16xi32>, vector<16xi32>
    }
    %scan3A_71 = arith.constant 200 : i32
    %add3A_72 = arith.constant 600 : i32
    %add3A_73 = arith.addi %multiple_of3A, %add3A_72 : i32
    %dma_start3A_74 = arith.constant 0 : i32
    %dma_start3A_75 = tpu.memref_slice %arg2[%add3A_73, %dma_start3A_74] : memref<100000x128xf32, #tpu.memory_space<hbm>> -> memref<200x128xf32, #tpu.memory_space<hbm>>
    %dma_start3A_76 = arith.constant 0 : i32
    %dma_start3A_77 = tpu.memref_slice %arg2[%add3A_73, %dma_start3A_76] : memref<100000x128xf32, #tpu.memory_space<hbm>> -> memref<200x128xf32, #tpu.memory_space<hbm>>
    tpu.enqueue_dma source(%dma_start3A_77 : memref<200x128xf32, #tpu.memory_space<hbm>>) target(%arg6 : memref<200x128xf32, #tpu.memory_space<vmem>>) target_semaphore(%arg14 : memref<!tpu.dma_semaphore, #tpu.memory_space<semaphore_mem>>)
    %dma_wait3A_78 = arith.constant 0 : i32
    %dma_wait3A_79 = tpu.memref_slice %arg2[%add3A_55, %dma_wait3A_78] : memref<100000x128xf32, #tpu.memory_space<hbm>> -> memref<200x128xf32, #tpu.memory_space<hbm>>
    %dma_wait3A_80 = arith.constant 0 : i32
    %dma_wait3A_81 = tpu.memref_slice %arg2[%add3A_55, %dma_wait3A_80] : memref<100000x128xf32, #tpu.memory_space<hbm>> -> memref<200x128xf32, #tpu.memory_space<hbm>>
    tpu.wait_dma2 semaphore(%arg13 : memref<!tpu.dma_semaphore, #tpu.memory_space<semaphore_mem>>) src(%dma_wait3A_81 : memref<200x128xf32, #tpu.memory_space<hbm>>) dst(%arg5 : memref<200x128xf32, #tpu.memory_space<vmem>>)
    %add3A_82 = arith.constant 400 : i32
    %add3A_83 = arith.addi %multiple_of3A, %add3A_82 : i32
    %scan3A_84 = arith.constant 0 : i32
    %scan3A_85 = arith.constant 200 : i32
    %scan3A_86 = arith.addi %scan3A_84, %scan3A_85 : i32
    %scan3A_87 = arith.constant 1 : i32
    %scan3A_88:16 = scf.for %scan3A_220 = %scan3A_84 to %scan3A_86 step %scan3A_87 iter_args(%scan3A_221 = %scan3A_70#0, %scan3A_222 = %scan3A_70#1, %scan3A_223 = %scan3A_70#2, %scan3A_224 = %scan3A_70#3, %scan3A_225 = %scan3A_70#4, %scan3A_226 = %scan3A_70#5, %scan3A_227 = %scan3A_70#6, %scan3A_228 = %scan3A_70#7, %scan3A_229 = %scan3A_70#8, %scan3A_230 = %scan3A_70#9, %scan3A_231 = %scan3A_70#10, %scan3A_232 = %scan3A_70#11, %scan3A_233 = %scan3A_70#12, %scan3A_234 = %scan3A_70#13, %scan3A_235 = %scan3A_70#14, %scan3A_236 = %scan3A_70#15) -> (vector<16xf32>, vector<16xf32>, vector<16xf32>, vector<16xf32>, vector<16xf32>, vector<16xf32>, vector<16xf32>, vector<16xf32>, vector<16xi32>, vector<16xi32>, vector<16xi32>, vector<16xi32>, vector<16xi32>, vector<16xi32>, vector<16xi32>, vector<16xi32>)  : i32 {
      %add3A_237 = arith.addi %add3A_83, %scan3A_220 : i32
      %get3A = arith.index_cast %scan3A_220 : i32 to index
      %get3A_238 = arith.constant 0 : index
      %get3A_239 = tpu.vector_load %arg5[%get3A, %get3A_238] {strides = array<i32>} : memref<200x128xf32, #tpu.memory_space<vmem>>, vector<1x16xf32>,
      %get3A_240 = vector.shape_cast %get3A_239 : vector<1x16xf32> to vector<16xf32>
      %gt3A = arith.cmpf ogt, %get3A_240, %scan3A_221 : vector<16xf32>
      %select_n3A = arith.select %gt3A, %get3A_240, %scan3A_221 : vector<16xi1>, vector<16xf32>
      %broadcast_in_dim3A_241 = vector.broadcast %add3A_237 : i32 to vector<16xi32>
      %select_n3A_242 = arith.select %gt3A, %broadcast_in_dim3A_241, %scan3A_229 : vector<16xi1>, vector<16xi32>
      %get3A_243 = arith.index_cast %scan3A_220 : i32 to index
      %get3A_244 = arith.constant 16 : index
      %get3A_245 = tpu.vector_load %arg5[%get3A_243, %get3A_244] {strides = array<i32>} : memref<200x128xf32, #tpu.memory_space<vmem>>, vector<1x16xf32>,
      %get3A_246 = vector.shape_cast %get3A_245 : vector<1x16xf32> to vector<16xf32>
      %gt3A_247 = arith.cmpf ogt, %get3A_246, %scan3A_222 : vector<16xf32>
      %select_n3A_248 = arith.select %gt3A_247, %get3A_246, %scan3A_222 : vector<16xi1>, vector<16xf32>
      %broadcast_in_dim3A_249 = vector.broadcast %add3A_237 : i32 to vector<16xi32>
      %select_n3A_250 = arith.select %gt3A_247, %broadcast_in_dim3A_249, %scan3A_230 : vector<16xi1>, vector<16xi32>
      %get3A_251 = arith.index_cast %scan3A_220 : i32 to index
      %get3A_252 = arith.constant 32 : index
      %get3A_253 = tpu.vector_load %arg5[%get3A_251, %get3A_252] {strides = array<i32>} : memref<200x128xf32, #tpu.memory_space<vmem>>, vector<1x16xf32>,
      %get3A_254 = vector.shape_cast %get3A_253 : vector<1x16xf32> to vector<16xf32>
      %gt3A_255 = arith.cmpf ogt, %get3A_254, %scan3A_223 : vector<16xf32>
      %select_n3A_256 = arith.select %gt3A_255, %get3A_254, %scan3A_223 : vector<16xi1>, vector<16xf32>
      %broadcast_in_dim3A_257 = vector.broadcast %add3A_237 : i32 to vector<16xi32>
      %select_n3A_258 = arith.select %gt3A_255, %broadcast_in_dim3A_257, %scan3A_231 : vector<16xi1>, vector<16xi32>
      %get3A_259 = arith.index_cast %scan3A_220 : i32 to index
      %get3A_260 = arith.constant 48 : index
      %get3A_261 = tpu.vector_load %arg5[%get3A_259, %get3A_260] {strides = array<i32>} : memref<200x128xf32, #tpu.memory_space<vmem>>, vector<1x16xf32>,
      %get3A_262 = vector.shape_cast %get3A_261 : vector<1x16xf32> to vector<16xf32>
      %gt3A_263 = arith.cmpf ogt, %get3A_262, %scan3A_224 : vector<16xf32>
      %select_n3A_264 = arith.select %gt3A_263, %get3A_262, %scan3A_224 : vector<16xi1>, vector<16xf32>
      %broadcast_in_dim3A_265 = vector.broadcast %add3A_237 : i32 to vector<16xi32>
      %select_n3A_266 = arith.select %gt3A_263, %broadcast_in_dim3A_265, %scan3A_232 : vector<16xi1>, vector<16xi32>
      %get3A_267 = arith.index_cast %scan3A_220 : i32 to index
      %get3A_268 = arith.constant 64 : index
      %get3A_269 = tpu.vector_load %arg5[%get3A_267, %get3A_268] {strides = array<i32>} : memref<200x128xf32, #tpu.memory_space<vmem>>, vector<1x16xf32>,
      %get3A_270 = vector.shape_cast %get3A_269 : vector<1x16xf32> to vector<16xf32>
      %gt3A_271 = arith.cmpf ogt, %get3A_270, %scan3A_225 : vector<16xf32>
      %select_n3A_272 = arith.select %gt3A_271, %get3A_270, %scan3A_225 : vector<16xi1>, vector<16xf32>
      %broadcast_in_dim3A_273 = vector.broadcast %add3A_237 : i32 to vector<16xi32>
      %select_n3A_274 = arith.select %gt3A_271, %broadcast_in_dim3A_273, %scan3A_233 : vector<16xi1>, vector<16xi32>
      %get3A_275 = arith.index_cast %scan3A_220 : i32 to index
      %get3A_276 = arith.constant 80 : index
      %get3A_277 = tpu.vector_load %arg5[%get3A_275, %get3A_276] {strides = array<i32>} : memref<200x128xf32, #tpu.memory_space<vmem>>, vector<1x16xf32>,
      %get3A_278 = vector.shape_cast %get3A_277 : vector<1x16xf32> to vector<16xf32>
      %gt3A_279 = arith.cmpf ogt, %get3A_278, %scan3A_226 : vector<16xf32>
      %select_n3A_280 = arith.select %gt3A_279, %get3A_278, %scan3A_226 : vector<16xi1>, vector<16xf32>
      %broadcast_in_dim3A_281 = vector.broadcast %add3A_237 : i32 to vector<16xi32>
      %select_n3A_282 = arith.select %gt3A_279, %broadcast_in_dim3A_281, %scan3A_234 : vector<16xi1>, vector<16xi32>
      %get3A_283 = arith.index_cast %scan3A_220 : i32 to index
      %get3A_284 = arith.constant 96 : index
      %get3A_285 = tpu.vector_load %arg5[%get3A_283, %get3A_284] {strides = array<i32>} : memref<200x128xf32, #tpu.memory_space<vmem>>, vector<1x16xf32>,
      %get3A_286 = vector.shape_cast %get3A_285 : vector<1x16xf32> to vector<16xf32>
      %gt3A_287 = arith.cmpf ogt, %get3A_286, %scan3A_227 : vector<16xf32>
      %select_n3A_288 = arith.select %gt3A_287, %get3A_286, %scan3A_227 : vector<16xi1>, vector<16xf32>
      %broadcast_in_dim3A_289 = vector.broadcast %add3A_237 : i32 to vector<16xi32>
      %select_n3A_290 = arith.select %gt3A_287, %broadcast_in_dim3A_289, %scan3A_235 : vector<16xi1>, vector<16xi32>
      %get3A_291 = arith.index_cast %scan3A_220 : i32 to index
      %get3A_292 = arith.constant 112 : index
      %get3A_293 = tpu.vector_load %arg5[%get3A_291, %get3A_292] {strides = array<i32>} : memref<200x128xf32, #tpu.memory_space<vmem>>, vector<1x16xf32>,
      %get3A_294 = vector.shape_cast %get3A_293 : vector<1x16xf32> to vector<16xf32>
      %gt3A_295 = arith.cmpf ogt, %get3A_294, %scan3A_228 : vector<16xf32>
      %select_n3A_296 = arith.select %gt3A_295, %get3A_294, %scan3A_228 : vector<16xi1>, vector<16xf32>
      %broadcast_in_dim3A_297 = vector.broadcast %add3A_237 : i32 to vector<16xi32>
      %select_n3A_298 = arith.select %gt3A_295, %broadcast_in_dim3A_297, %scan3A_236 : vector<16xi1>, vector<16xi32>
      scf.yield %select_n3A, %select_n3A_248, %select_n3A_256, %select_n3A_264, %select_n3A_272, %select_n3A_280, %select_n3A_288, %select_n3A_296, %select_n3A_242, %select_n3A_250, %select_n3A_258, %select_n3A_266, %select_n3A_274, %select_n3A_282, %select_n3A_290, %select_n3A_298 : vector<16xf32>, vector<16xf32>, vector<16xf32>, vector<16xf32>, vector<16xf32>, vector<16xf32>, vector<16xf32>, vector<16xf32>, vector<16xi32>, vector<16xi32>, vector<16xi32>, vector<16xi32>, vector<16xi32>, vector<16xi32>, vector<16xi32>, vector<16xi32>
    }
    %scan3A_89 = arith.constant 200 : i32
    %add3A_90 = arith.constant 800 : i32
    %add3A_91 = arith.addi %multiple_of3A, %add3A_90 : i32
    %dma_start3A_92 = arith.constant 0 : i32
    %dma_start3A_93 = tpu.memref_slice %arg2[%add3A_91, %dma_start3A_92] : memref<100000x128xf32, #tpu.memory_space<hbm>> -> memref<200x128xf32, #tpu.memory_space<hbm>>
    %dma_start3A_94 = arith.constant 0 : i32
    %dma_start3A_95 = tpu.memref_slice %arg2[%add3A_91, %dma_start3A_94] : memref<100000x128xf32, #tpu.memory_space<hbm>> -> memref<200x128xf32, #tpu.memory_space<hbm>>
    tpu.enqueue_dma source(%dma_start3A_95 : memref<200x128xf32, #tpu.memory_space<hbm>>) target(%arg5 : memref<200x128xf32, #tpu.memory_space<vmem>>) target_semaphore(%arg13 : memref<!tpu.dma_semaphore, #tpu.memory_space<semaphore_mem>>)
    %dma_wait3A_96 = arith.constant 0 : i32
    %dma_wait3A_97 = tpu.memref_slice %arg2[%add3A_73, %dma_wait3A_96] : memref<100000x128xf32, #tpu.memory_space<hbm>> -> memref<200x128xf32, #tpu.memory_space<hbm>>
    %dma_wait3A_98 = arith.constant 0 : i32
    %dma_wait3A_99 = tpu.memref_slice %arg2[%add3A_73, %dma_wait3A_98] : memref<100000x128xf32, #tpu.memory_space<hbm>> -> memref<200x128xf32, #tpu.memory_space<hbm>>
    tpu.wait_dma2 semaphore(%arg14 : memref<!tpu.dma_semaphore, #tpu.memory_space<semaphore_mem>>) src(%dma_wait3A_99 : memref<200x128xf32, #tpu.memory_space<hbm>>) dst(%arg6 : memref<200x128xf32, #tpu.memory_space<vmem>>)
    %add3A_100 = arith.constant 600 : i32
    %add3A_101 = arith.addi %multiple_of3A, %add3A_100 : i32
    %scan3A_102 = arith.constant 0 : i32
    %scan3A_103 = arith.constant 200 : i32
    %scan3A_104 = arith.addi %scan3A_102, %scan3A_103 : i32
    %scan3A_105 = arith.constant 1 : i32
    %scan3A_106:16 = scf.for %scan3A_220 = %scan3A_102 to %scan3A_104 step %scan3A_105 iter_args(%scan3A_221 = %scan3A_88#0, %scan3A_222 = %scan3A_88#1, %scan3A_223 = %scan3A_88#2, %scan3A_224 = %scan3A_88#3, %scan3A_225 = %scan3A_88#4, %scan3A_226 = %scan3A_88#5, %scan3A_227 = %scan3A_88#6, %scan3A_228 = %scan3A_88#7, %scan3A_229 = %scan3A_88#8, %scan3A_230 = %scan3A_88#9, %scan3A_231 = %scan3A_88#10, %scan3A_232 = %scan3A_88#11, %scan3A_233 = %scan3A_88#12, %scan3A_234 = %scan3A_88#13, %scan3A_235 = %scan3A_88#14, %scan3A_236 = %scan3A_88#15) -> (vector<16xf32>, vector<16xf32>, vector<16xf32>, vector<16xf32>, vector<16xf32>, vector<16xf32>, vector<16xf32>, vector<16xf32>, vector<16xi32>, vector<16xi32>, vector<16xi32>, vector<16xi32>, vector<16xi32>, vector<16xi32>, vector<16xi32>, vector<16xi32>)  : i32 {
      %add3A_237 = arith.addi %add3A_101, %scan3A_220 : i32
      %get3A = arith.index_cast %scan3A_220 : i32 to index
      %get3A_238 = arith.constant 0 : index
      %get3A_239 = tpu.vector_load %arg6[%get3A, %get3A_238] {strides = array<i32>} : memref<200x128xf32, #tpu.memory_space<vmem>>, vector<1x16xf32>,
      %get3A_240 = vector.shape_cast %get3A_239 : vector<1x16xf32> to vector<16xf32>
      %gt3A = arith.cmpf ogt, %get3A_240, %scan3A_221 : vector<16xf32>
      %select_n3A = arith.select %gt3A, %get3A_240, %scan3A_221 : vector<16xi1>, vector<16xf32>
      %broadcast_in_dim3A_241 = vector.broadcast %add3A_237 : i32 to vector<16xi32>
      %select_n3A_242 = arith.select %gt3A, %broadcast_in_dim3A_241, %scan3A_229 : vector<16xi1>, vector<16xi32>
      %get3A_243 = arith.index_cast %scan3A_220 : i32 to index
      %get3A_244 = arith.constant 16 : index
      %get3A_245 = tpu.vector_load %arg6[%get3A_243, %get3A_244] {strides = array<i32>} : memref<200x128xf32, #tpu.memory_space<vmem>>, vector<1x16xf32>,
      %get3A_246 = vector.shape_cast %get3A_245 : vector<1x16xf32> to vector<16xf32>
      %gt3A_247 = arith.cmpf ogt, %get3A_246, %scan3A_222 : vector<16xf32>
      %select_n3A_248 = arith.select %gt3A_247, %get3A_246, %scan3A_222 : vector<16xi1>, vector<16xf32>
      %broadcast_in_dim3A_249 = vector.broadcast %add3A_237 : i32 to vector<16xi32>
      %select_n3A_250 = arith.select %gt3A_247, %broadcast_in_dim3A_249, %scan3A_230 : vector<16xi1>, vector<16xi32>
      %get3A_251 = arith.index_cast %scan3A_220 : i32 to index
      %get3A_252 = arith.constant 32 : index
      %get3A_253 = tpu.vector_load %arg6[%get3A_251, %get3A_252] {strides = array<i32>} : memref<200x128xf32, #tpu.memory_space<vmem>>, vector<1x16xf32>,
      %get3A_254 = vector.shape_cast %get3A_253 : vector<1x16xf32> to vector<16xf32>
      %gt3A_255 = arith.cmpf ogt, %get3A_254, %scan3A_223 : vector<16xf32>
      %select_n3A_256 = arith.select %gt3A_255, %get3A_254, %scan3A_223 : vector<16xi1>, vector<16xf32>
      %broadcast_in_dim3A_257 = vector.broadcast %add3A_237 : i32 to vector<16xi32>
      %select_n3A_258 = arith.select %gt3A_255, %broadcast_in_dim3A_257, %scan3A_231 : vector<16xi1>, vector<16xi32>
      %get3A_259 = arith.index_cast %scan3A_220 : i32 to index
      %get3A_260 = arith.constant 48 : index
      %get3A_261 = tpu.vector_load %arg6[%get3A_259, %get3A_260] {strides = array<i32>} : memref<200x128xf32, #tpu.memory_space<vmem>>, vector<1x16xf32>,
      %get3A_262 = vector.shape_cast %get3A_261 : vector<1x16xf32> to vector<16xf32>
      %gt3A_263 = arith.cmpf ogt, %get3A_262, %scan3A_224 : vector<16xf32>
      %select_n3A_264 = arith.select %gt3A_263, %get3A_262, %scan3A_224 : vector<16xi1>, vector<16xf32>
      %broadcast_in_dim3A_265 = vector.broadcast %add3A_237 : i32 to vector<16xi32>
      %select_n3A_266 = arith.select %gt3A_263, %broadcast_in_dim3A_265, %scan3A_232 : vector<16xi1>, vector<16xi32>
      %get3A_267 = arith.index_cast %scan3A_220 : i32 to index
      %get3A_268 = arith.constant 64 : index
      %get3A_269 = tpu.vector_load %arg6[%get3A_267, %get3A_268] {strides = array<i32>} : memref<200x128xf32, #tpu.memory_space<vmem>>, vector<1x16xf32>,
      %get3A_270 = vector.shape_cast %get3A_269 : vector<1x16xf32> to vector<16xf32>
      %gt3A_271 = arith.cmpf ogt, %get3A_270, %scan3A_225 : vector<16xf32>
      %select_n3A_272 = arith.select %gt3A_271, %get3A_270, %scan3A_225 : vector<16xi1>, vector<16xf32>
      %broadcast_in_dim3A_273 = vector.broadcast %add3A_237 : i32 to vector<16xi32>
      %select_n3A_274 = arith.select %gt3A_271, %broadcast_in_dim3A_273, %scan3A_233 : vector<16xi1>, vector<16xi32>
      %get3A_275 = arith.index_cast %scan3A_220 : i32 to index
      %get3A_276 = arith.constant 80 : index
      %get3A_277 = tpu.vector_load %arg6[%get3A_275, %get3A_276] {strides = array<i32>} : memref<200x128xf32, #tpu.memory_space<vmem>>, vector<1x16xf32>,
      %get3A_278 = vector.shape_cast %get3A_277 : vector<1x16xf32> to vector<16xf32>
      %gt3A_279 = arith.cmpf ogt, %get3A_278, %scan3A_226 : vector<16xf32>
      %select_n3A_280 = arith.select %gt3A_279, %get3A_278, %scan3A_226 : vector<16xi1>, vector<16xf32>
      %broadcast_in_dim3A_281 = vector.broadcast %add3A_237 : i32 to vector<16xi32>
      %select_n3A_282 = arith.select %gt3A_279, %broadcast_in_dim3A_281, %scan3A_234 : vector<16xi1>, vector<16xi32>
      %get3A_283 = arith.index_cast %scan3A_220 : i32 to index
      %get3A_284 = arith.constant 96 : index
      %get3A_285 = tpu.vector_load %arg6[%get3A_283, %get3A_284] {strides = array<i32>} : memref<200x128xf32, #tpu.memory_space<vmem>>, vector<1x16xf32>,
      %get3A_286 = vector.shape_cast %get3A_285 : vector<1x16xf32> to vector<16xf32>
      %gt3A_287 = arith.cmpf ogt, %get3A_286, %scan3A_227 : vector<16xf32>
      %select_n3A_288 = arith.select %gt3A_287, %get3A_286, %scan3A_227 : vector<16xi1>, vector<16xf32>
      %broadcast_in_dim3A_289 = vector.broadcast %add3A_237 : i32 to vector<16xi32>
      %select_n3A_290 = arith.select %gt3A_287, %broadcast_in_dim3A_289, %scan3A_235 : vector<16xi1>, vector<16xi32>
      %get3A_291 = arith.index_cast %scan3A_220 : i32 to index
      %get3A_292 = arith.constant 112 : index
      %get3A_293 = tpu.vector_load %arg6[%get3A_291, %get3A_292] {strides = array<i32>} : memref<200x128xf32, #tpu.memory_space<vmem>>, vector<1x16xf32>,
      %get3A_294 = vector.shape_cast %get3A_293 : vector<1x16xf32> to vector<16xf32>
      %gt3A_295 = arith.cmpf ogt, %get3A_294, %scan3A_228 : vector<16xf32>
      %select_n3A_296 = arith.select %gt3A_295, %get3A_294, %scan3A_228 : vector<16xi1>, vector<16xf32>
      %broadcast_in_dim3A_297 = vector.broadcast %add3A_237 : i32 to vector<16xi32>
      %select_n3A_298 = arith.select %gt3A_295, %broadcast_in_dim3A_297, %scan3A_236 : vector<16xi1>, vector<16xi32>
      scf.yield %select_n3A, %select_n3A_248, %select_n3A_256, %select_n3A_264, %select_n3A_272, %select_n3A_280, %select_n3A_288, %select_n3A_296, %select_n3A_242, %select_n3A_250, %select_n3A_258, %select_n3A_266, %select_n3A_274, %select_n3A_282, %select_n3A_290, %select_n3A_298 : vector<16xf32>, vector<16xf32>, vector<16xf32>, vector<16xf32>, vector<16xf32>, vector<16xf32>, vector<16xf32>, vector<16xf32>, vector<16xi32>, vector<16xi32>, vector<16xi32>, vector<16xi32>, vector<16xi32>, vector<16xi32>, vector<16xi32>, vector<16xi32>
    }
    %scan3A_107 = arith.constant 200 : i32
    %dma_wait3A_108 = arith.constant 0 : i32
    %dma_wait3A_109 = tpu.memref_slice %arg2[%add3A_91, %dma_wait3A_108] : memref<100000x128xf32, #tpu.memory_space<hbm>> -> memref<200x128xf32, #tpu.memory_space<hbm>>
    %dma_wait3A_110 = arith.constant 0 : i32
    %dma_wait3A_111 = tpu.memref_slice %arg2[%add3A_91, %dma_wait3A_110] : memref<100000x128xf32, #tpu.memory_space<hbm>> -> memref<200x128xf32, #tpu.memory_space<hbm>>
    tpu.wait_dma2 semaphore(%arg13 : memref<!tpu.dma_semaphore, #tpu.memory_space<semaphore_mem>>) src(%dma_wait3A_111 : memref<200x128xf32, #tpu.memory_space<hbm>>) dst(%arg5 : memref<200x128xf32, #tpu.memory_space<vmem>>)
    %add3A_112 = arith.constant 800 : i32
    %add3A_113 = arith.addi %multiple_of3A, %add3A_112 : i32
    %scan3A_114 = arith.constant 0 : i32
    %scan3A_115 = arith.constant 200 : i32
    %scan3A_116 = arith.addi %scan3A_114, %scan3A_115 : i32
    %scan3A_117 = arith.constant 1 : i32
    %scan3A_118:16 = scf.for %scan3A_220 = %scan3A_114 to %scan3A_116 step %scan3A_117 iter_args(%scan3A_221 = %scan3A_106#0, %scan3A_222 = %scan3A_106#1, %scan3A_223 = %scan3A_106#2, %scan3A_224 = %scan3A_106#3, %scan3A_225 = %scan3A_106#4, %scan3A_226 = %scan3A_106#5, %scan3A_227 = %scan3A_106#6, %scan3A_228 = %scan3A_106#7, %scan3A_229 = %scan3A_106#8, %scan3A_230 = %scan3A_106#9, %scan3A_231 = %scan3A_106#10, %scan3A_232 = %scan3A_106#11, %scan3A_233 = %scan3A_106#12, %scan3A_234 = %scan3A_106#13, %scan3A_235 = %scan3A_106#14, %scan3A_236 = %scan3A_106#15) -> (vector<16xf32>, vector<16xf32>, vector<16xf32>, vector<16xf32>, vector<16xf32>, vector<16xf32>, vector<16xf32>, vector<16xf32>, vector<16xi32>, vector<16xi32>, vector<16xi32>, vector<16xi32>, vector<16xi32>, vector<16xi32>, vector<16xi32>, vector<16xi32>)  : i32 {
      %add3A_237 = arith.addi %add3A_113, %scan3A_220 : i32
      %get3A = arith.index_cast %scan3A_220 : i32 to index
      %get3A_238 = arith.constant 0 : index
      %get3A_239 = tpu.vector_load %arg5[%get3A, %get3A_238] {strides = array<i32>} : memref<200x128xf32, #tpu.memory_space<vmem>>, vector<1x16xf32>,
      %get3A_240 = vector.shape_cast %get3A_239 : vector<1x16xf32> to vector<16xf32>
      %gt3A = arith.cmpf ogt, %get3A_240, %scan3A_221 : vector<16xf32>
      %select_n3A = arith.select %gt3A, %get3A_240, %scan3A_221 : vector<16xi1>, vector<16xf32>
      %broadcast_in_dim3A_241 = vector.broadcast %add3A_237 : i32 to vector<16xi32>
      %select_n3A_242 = arith.select %gt3A, %broadcast_in_dim3A_241, %scan3A_229 : vector<16xi1>, vector<16xi32>
      %get3A_243 = arith.index_cast %scan3A_220 : i32 to index
      %get3A_244 = arith.constant 16 : index
      %get3A_245 = tpu.vector_load %arg5[%get3A_243, %get3A_244] {strides = array<i32>} : memref<200x128xf32, #tpu.memory_space<vmem>>, vector<1x16xf32>,
      %get3A_246 = vector.shape_cast %get3A_245 : vector<1x16xf32> to vector<16xf32>
      %gt3A_247 = arith.cmpf ogt, %get3A_246, %scan3A_222 : vector<16xf32>
      %select_n3A_248 = arith.select %gt3A_247, %get3A_246, %scan3A_222 : vector<16xi1>, vector<16xf32>
      %broadcast_in_dim3A_249 = vector.broadcast %add3A_237 : i32 to vector<16xi32>
      %select_n3A_250 = arith.select %gt3A_247, %broadcast_in_dim3A_249, %scan3A_230 : vector<16xi1>, vector<16xi32>
      %get3A_251 = arith.index_cast %scan3A_220 : i32 to index
      %get3A_252 = arith.constant 32 : index
      %get3A_253 = tpu.vector_load %arg5[%get3A_251, %get3A_252] {strides = array<i32>} : memref<200x128xf32, #tpu.memory_space<vmem>>, vector<1x16xf32>,
      %get3A_254 = vector.shape_cast %get3A_253 : vector<1x16xf32> to vector<16xf32>
      %gt3A_255 = arith.cmpf ogt, %get3A_254, %scan3A_223 : vector<16xf32>
      %select_n3A_256 = arith.select %gt3A_255, %get3A_254, %scan3A_223 : vector<16xi1>, vector<16xf32>
      %broadcast_in_dim3A_257 = vector.broadcast %add3A_237 : i32 to vector<16xi32>
      %select_n3A_258 = arith.select %gt3A_255, %broadcast_in_dim3A_257, %scan3A_231 : vector<16xi1>, vector<16xi32>
      %get3A_259 = arith.index_cast %scan3A_220 : i32 to index
      %get3A_260 = arith.constant 48 : index
      %get3A_261 = tpu.vector_load %arg5[%get3A_259, %get3A_260] {strides = array<i32>} : memref<200x128xf32, #tpu.memory_space<vmem>>, vector<1x16xf32>,
      %get3A_262 = vector.shape_cast %get3A_261 : vector<1x16xf32> to vector<16xf32>
      %gt3A_263 = arith.cmpf ogt, %get3A_262, %scan3A_224 : vector<16xf32>
      %select_n3A_264 = arith.select %gt3A_263, %get3A_262, %scan3A_224 : vector<16xi1>, vector<16xf32>
      %broadcast_in_dim3A_265 = vector.broadcast %add3A_237 : i32 to vector<16xi32>
      %select_n3A_266 = arith.select %gt3A_263, %broadcast_in_dim3A_265, %scan3A_232 : vector<16xi1>, vector<16xi32>
      %get3A_267 = arith.index_cast %scan3A_220 : i32 to index
      %get3A_268 = arith.constant 64 : index
      %get3A_269 = tpu.vector_load %arg5[%get3A_267, %get3A_268] {strides = array<i32>} : memref<200x128xf32, #tpu.memory_space<vmem>>, vector<1x16xf32>,
      %get3A_270 = vector.shape_cast %get3A_269 : vector<1x16xf32> to vector<16xf32>
      %gt3A_271 = arith.cmpf ogt, %get3A_270, %scan3A_225 : vector<16xf32>
      %select_n3A_272 = arith.select %gt3A_271, %get3A_270, %scan3A_225 : vector<16xi1>, vector<16xf32>
      %broadcast_in_dim3A_273 = vector.broadcast %add3A_237 : i32 to vector<16xi32>
      %select_n3A_274 = arith.select %gt3A_271, %broadcast_in_dim3A_273, %scan3A_233 : vector<16xi1>, vector<16xi32>
      %get3A_275 = arith.index_cast %scan3A_220 : i32 to index
      %get3A_276 = arith.constant 80 : index
      %get3A_277 = tpu.vector_load %arg5[%get3A_275, %get3A_276] {strides = array<i32>} : memref<200x128xf32, #tpu.memory_space<vmem>>, vector<1x16xf32>,
      %get3A_278 = vector.shape_cast %get3A_277 : vector<1x16xf32> to vector<16xf32>
      %gt3A_279 = arith.cmpf ogt, %get3A_278, %scan3A_226 : vector<16xf32>
      %select_n3A_280 = arith.select %gt3A_279, %get3A_278, %scan3A_226 : vector<16xi1>, vector<16xf32>
      %broadcast_in_dim3A_281 = vector.broadcast %add3A_237 : i32 to vector<16xi32>
      %select_n3A_282 = arith.select %gt3A_279, %broadcast_in_dim3A_281, %scan3A_234 : vector<16xi1>, vector<16xi32>
      %get3A_283 = arith.index_cast %scan3A_220 : i32 to index
      %get3A_284 = arith.constant 96 : index
      %get3A_285 = tpu.vector_load %arg5[%get3A_283, %get3A_284] {strides = array<i32>} : memref<200x128xf32, #tpu.memory_space<vmem>>, vector<1x16xf32>,
      %get3A_286 = vector.shape_cast %get3A_285 : vector<1x16xf32> to vector<16xf32>
      %gt3A_287 = arith.cmpf ogt, %get3A_286, %scan3A_227 : vector<16xf32>
      %select_n3A_288 = arith.select %gt3A_287, %get3A_286, %scan3A_227 : vector<16xi1>, vector<16xf32>
      %broadcast_in_dim3A_289 = vector.broadcast %add3A_237 : i32 to vector<16xi32>
      %select_n3A_290 = arith.select %gt3A_287, %broadcast_in_dim3A_289, %scan3A_235 : vector<16xi1>, vector<16xi32>
      %get3A_291 = arith.index_cast %scan3A_220 : i32 to index
      %get3A_292 = arith.constant 112 : index
      %get3A_293 = tpu.vector_load %arg5[%get3A_291, %get3A_292] {strides = array<i32>} : memref<200x128xf32, #tpu.memory_space<vmem>>, vector<1x16xf32>,
      %get3A_294 = vector.shape_cast %get3A_293 : vector<1x16xf32> to vector<16xf32>
      %gt3A_295 = arith.cmpf ogt, %get3A_294, %scan3A_228 : vector<16xf32>
      %select_n3A_296 = arith.select %gt3A_295, %get3A_294, %scan3A_228 : vector<16xi1>, vector<16xf32>
      %broadcast_in_dim3A_297 = vector.broadcast %add3A_237 : i32 to vector<16xi32>
      %select_n3A_298 = arith.select %gt3A_295, %broadcast_in_dim3A_297, %scan3A_236 : vector<16xi1>, vector<16xi32>
      scf.yield %select_n3A, %select_n3A_248, %select_n3A_256, %select_n3A_264, %select_n3A_272, %select_n3A_280, %select_n3A_288, %select_n3A_296, %select_n3A_242, %select_n3A_250, %select_n3A_258, %select_n3A_266, %select_n3A_274, %select_n3A_282, %select_n3A_290, %select_n3A_298 : vector<16xf32>, vector<16xf32>, vector<16xf32>, vector<16xf32>, vector<16xf32>, vector<16xf32>, vector<16xf32>, vector<16xf32>, vector<16xi32>, vector<16xi32>, vector<16xi32>, vector<16xi32>, vector<16xi32>, vector<16xi32>, vector<16xi32>, vector<16xi32>
    }
    %scan3A_119 = arith.constant 200 : i32
    %swap3A = arith.constant 0 : index
    %swap3A_120 = tpu.vector_load %arg7[%swap3A] {strides = array<i32>} : memref<128xf32, #tpu.memory_space<vmem>>, vector<16xf32>,
    %swap3A_121 = vector.shape_cast %swap3A_120 : vector<16xf32> to vector<16xf32>
    %swap3A_122 = vector.shape_cast %scan3A_118#0 : vector<16xf32> to vector<16xf32>
    tpu.vector_store %arg7[%swap3A], %swap3A_122 {strides = array<i32>} : memref<128xf32, #tpu.memory_space<vmem>>, vector<16xf32>,
    %swap3A_123 = arith.constant 0 : index
    %swap3A_124 = tpu.vector_load %arg8[%swap3A_123] {strides = array<i32>} : memref<128xi32, #tpu.memory_space<vmem>>, vector<16xi32>,
    %swap3A_125 = vector.shape_cast %swap3A_124 : vector<16xi32> to vector<16xi32>
    %swap3A_126 = vector.shape_cast %scan3A_118#8 : vector<16xi32> to vector<16xi32>
    tpu.vector_store %arg8[%swap3A_123], %swap3A_126 {strides = array<i32>} : memref<128xi32, #tpu.memory_space<vmem>>, vector<16xi32>,
    %swap3A_127 = arith.constant 16 : index
    %swap3A_128 = tpu.vector_load %arg7[%swap3A_127] {strides = array<i32>} : memref<128xf32, #tpu.memory_space<vmem>>, vector<16xf32>,
    %swap3A_129 = vector.shape_cast %swap3A_128 : vector<16xf32> to vector<16xf32>
    %swap3A_130 = vector.shape_cast %scan3A_118#1 : vector<16xf32> to vector<16xf32>
    tpu.vector_store %arg7[%swap3A_127], %swap3A_130 {strides = array<i32>} : memref<128xf32, #tpu.memory_space<vmem>>, vector<16xf32>,
    %swap3A_131 = arith.constant 16 : index
    %swap3A_132 = tpu.vector_load %arg8[%swap3A_131] {strides = array<i32>} : memref<128xi32, #tpu.memory_space<vmem>>, vector<16xi32>,
    %swap3A_133 = vector.shape_cast %swap3A_132 : vector<16xi32> to vector<16xi32>
    %swap3A_134 = vector.shape_cast %scan3A_118#9 : vector<16xi32> to vector<16xi32>
    tpu.vector_store %arg8[%swap3A_131], %swap3A_134 {strides = array<i32>} : memref<128xi32, #tpu.memory_space<vmem>>, vector<16xi32>,
    %swap3A_135 = arith.constant 32 : index
    %swap3A_136 = tpu.vector_load %arg7[%swap3A_135] {strides = array<i32>} : memref<128xf32, #tpu.memory_space<vmem>>, vector<16xf32>,
    %swap3A_137 = vector.shape_cast %swap3A_136 : vector<16xf32> to vector<16xf32>
    %swap3A_138 = vector.shape_cast %scan3A_118#2 : vector<16xf32> to vector<16xf32>
    tpu.vector_store %arg7[%swap3A_135], %swap3A_138 {strides = array<i32>} : memref<128xf32, #tpu.memory_space<vmem>>, vector<16xf32>,
    %swap3A_139 = arith.constant 32 : index
    %swap3A_140 = tpu.vector_load %arg8[%swap3A_139] {strides = array<i32>} : memref<128xi32, #tpu.memory_space<vmem>>, vector<16xi32>,
    %swap3A_141 = vector.shape_cast %swap3A_140 : vector<16xi32> to vector<16xi32>
    %swap3A_142 = vector.shape_cast %scan3A_118#10 : vector<16xi32> to vector<16xi32>
    tpu.vector_store %arg8[%swap3A_139], %swap3A_142 {strides = array<i32>} : memref<128xi32, #tpu.memory_space<vmem>>, vector<16xi32>,
    %swap3A_143 = arith.constant 48 : index
    %swap3A_144 = tpu.vector_load %arg7[%swap3A_143] {strides = array<i32>} : memref<128xf32, #tpu.memory_space<vmem>>, vector<16xf32>,
    %swap3A_145 = vector.shape_cast %swap3A_144 : vector<16xf32> to vector<16xf32>
    %swap3A_146 = vector.shape_cast %scan3A_118#3 : vector<16xf32> to vector<16xf32>
    tpu.vector_store %arg7[%swap3A_143], %swap3A_146 {strides = array<i32>} : memref<128xf32, #tpu.memory_space<vmem>>, vector<16xf32>,
    %swap3A_147 = arith.constant 48 : index
    %swap3A_148 = tpu.vector_load %arg8[%swap3A_147] {strides = array<i32>} : memref<128xi32, #tpu.memory_space<vmem>>, vector<16xi32>,
    %swap3A_149 = vector.shape_cast %swap3A_148 : vector<16xi32> to vector<16xi32>
    %swap3A_150 = vector.shape_cast %scan3A_118#11 : vector<16xi32> to vector<16xi32>
    tpu.vector_store %arg8[%swap3A_147], %swap3A_150 {strides = array<i32>} : memref<128xi32, #tpu.memory_space<vmem>>, vector<16xi32>,
    %swap3A_151 = arith.constant 64 : index
    %swap3A_152 = tpu.vector_load %arg7[%swap3A_151] {strides = array<i32>} : memref<128xf32, #tpu.memory_space<vmem>>, vector<16xf32>,
    %swap3A_153 = vector.shape_cast %swap3A_152 : vector<16xf32> to vector<16xf32>
    %swap3A_154 = vector.shape_cast %scan3A_118#4 : vector<16xf32> to vector<16xf32>
    tpu.vector_store %arg7[%swap3A_151], %swap3A_154 {strides = array<i32>} : memref<128xf32, #tpu.memory_space<vmem>>, vector<16xf32>,
    %swap3A_155 = arith.constant 64 : index
    %swap3A_156 = tpu.vector_load %arg8[%swap3A_155] {strides = array<i32>} : memref<128xi32, #tpu.memory_space<vmem>>, vector<16xi32>,
    %swap3A_157 = vector.shape_cast %swap3A_156 : vector<16xi32> to vector<16xi32>
    %swap3A_158 = vector.shape_cast %scan3A_118#12 : vector<16xi32> to vector<16xi32>
    tpu.vector_store %arg8[%swap3A_155], %swap3A_158 {strides = array<i32>} : memref<128xi32, #tpu.memory_space<vmem>>, vector<16xi32>,
    %swap3A_159 = arith.constant 80 : index
    %swap3A_160 = tpu.vector_load %arg7[%swap3A_159] {strides = array<i32>} : memref<128xf32, #tpu.memory_space<vmem>>, vector<16xf32>,
    %swap3A_161 = vector.shape_cast %swap3A_160 : vector<16xf32> to vector<16xf32>
    %swap3A_162 = vector.shape_cast %scan3A_118#5 : vector<16xf32> to vector<16xf32>
    tpu.vector_store %arg7[%swap3A_159], %swap3A_162 {strides = array<i32>} : memref<128xf32, #tpu.memory_space<vmem>>, vector<16xf32>,
    %swap3A_163 = arith.constant 80 : index
    %swap3A_164 = tpu.vector_load %arg8[%swap3A_163] {strides = array<i32>} : memref<128xi32, #tpu.memory_space<vmem>>, vector<16xi32>,
    %swap3A_165 = vector.shape_cast %swap3A_164 : vector<16xi32> to vector<16xi32>
    %swap3A_166 = vector.shape_cast %scan3A_118#13 : vector<16xi32> to vector<16xi32>
    tpu.vector_store %arg8[%swap3A_163], %swap3A_166 {strides = array<i32>} : memref<128xi32, #tpu.memory_space<vmem>>, vector<16xi32>,
    %swap3A_167 = arith.constant 96 : index
    %swap3A_168 = tpu.vector_load %arg7[%swap3A_167] {strides = array<i32>} : memref<128xf32, #tpu.memory_space<vmem>>, vector<16xf32>,
    %swap3A_169 = vector.shape_cast %swap3A_168 : vector<16xf32> to vector<16xf32>
    %swap3A_170 = vector.shape_cast %scan3A_118#6 : vector<16xf32> to vector<16xf32>
    tpu.vector_store %arg7[%swap3A_167], %swap3A_170 {strides = array<i32>} : memref<128xf32, #tpu.memory_space<vmem>>, vector<16xf32>,
    %swap3A_171 = arith.constant 96 : index
    %swap3A_172 = tpu.vector_load %arg8[%swap3A_171] {strides = array<i32>} : memref<128xi32, #tpu.memory_space<vmem>>, vector<16xi32>,
    %swap3A_173 = vector.shape_cast %swap3A_172 : vector<16xi32> to vector<16xi32>
    %swap3A_174 = vector.shape_cast %scan3A_118#14 : vector<16xi32> to vector<16xi32>
    tpu.vector_store %arg8[%swap3A_171], %swap3A_174 {strides = array<i32>} : memref<128xi32, #tpu.memory_space<vmem>>, vector<16xi32>,
    %swap3A_175 = arith.constant 112 : index
    %swap3A_176 = tpu.vector_load %arg7[%swap3A_175] {strides = array<i32>} : memref<128xf32, #tpu.memory_space<vmem>>, vector<16xf32>,
    %swap3A_177 = vector.shape_cast %swap3A_176 : vector<16xf32> to vector<16xf32>
    %swap3A_178 = vector.shape_cast %scan3A_118#7 : vector<16xf32> to vector<16xf32>
    tpu.vector_store %arg7[%swap3A_175], %swap3A_178 {strides = array<i32>} : memref<128xf32, #tpu.memory_space<vmem>>, vector<16xf32>,
    %swap3A_179 = arith.constant 112 : index
    %swap3A_180 = tpu.vector_load %arg8[%swap3A_179] {strides = array<i32>} : memref<128xi32, #tpu.memory_space<vmem>>, vector<16xi32>,
    %swap3A_181 = vector.shape_cast %swap3A_180 : vector<16xi32> to vector<16xi32>
    %swap3A_182 = vector.shape_cast %scan3A_118#15 : vector<16xi32> to vector<16xi32>
    tpu.vector_store %arg8[%swap3A_179], %swap3A_182 {strides = array<i32>} : memref<128xi32, #tpu.memory_space<vmem>>, vector<16xi32>,
    %mul3A_183 = arith.constant 16 : i32
    %mul3A_184 = arith.muli %arg1, %mul3A_183 : i32
    %multiple_of3A_185 = tpu.assume_multiple %mul3A_184, 16 : i32
    %add3A_186 = arith.constant 0 : i32
    %add3A_187 = arith.addi %add3A_186, %multiple_of3A_185 : i32
    "tpu.region"() ({
      %run_scoped3A = tpu.sem_alloc : memref<!tpu.dma_semaphore, #tpu.memory_space<semaphore_mem>>
      %dma_start3A_220 = arith.constant 0 : i32
      %dma_start3A_221 = tpu.memref_slice %arg7[%dma_start3A_220] : memref<128xf32, #tpu.memory_space<vmem>> -> memref<16xf32, #tpu.memory_space<vmem>>
      %dma_start3A_222 = tpu.memref_slice %arg11[%add3A_187] : memref<2048xf32, #tpu.memory_space<vmem_shared>> -> memref<16xf32, #tpu.memory_space<vmem_shared>>
      %dma_start3A_223 = tpu.memref_slice %arg11[%add3A_187] : memref<2048xf32, #tpu.memory_space<vmem_shared>> -> memref<16xf32, #tpu.memory_space<vmem_shared>>
      %dma_start3A_224 = arith.constant 0 : i32
      %dma_start3A_225 = tpu.memref_slice %arg7[%dma_start3A_224] : memref<128xf32, #tpu.memory_space<vmem>> -> memref<16xf32, #tpu.memory_space<vmem>>
      tpu.enqueue_dma source(%dma_start3A_225 : memref<16xf32, #tpu.memory_space<vmem>>) target(%dma_start3A_223 : memref<16xf32, #tpu.memory_space<vmem_shared>>) target_semaphore(%run_scoped3A : memref<!tpu.dma_semaphore, #tpu.memory_space<semaphore_mem>>)
      %dma_wait3A_226 = arith.constant 0 : i32
      %dma_wait3A_227 = tpu.memref_slice %arg7[%dma_wait3A_226] : memref<128xf32, #tpu.memory_space<vmem>> -> memref<16xf32, #tpu.memory_space<vmem>>
      %dma_wait3A_228 = tpu.memref_slice %arg11[%add3A_187] : memref<2048xf32, #tpu.memory_space<vmem_shared>> -> memref<16xf32, #tpu.memory_space<vmem_shared>>
      %dma_wait3A_229 = tpu.memref_slice %arg11[%add3A_187] : memref<2048xf32, #tpu.memory_space<vmem_shared>> -> memref<16xf32, #tpu.memory_space<vmem_shared>>
      %dma_wait3A_230 = arith.constant 0 : i32
      %dma_wait3A_231 = tpu.memref_slice %arg7[%dma_wait3A_230] : memref<128xf32, #tpu.memory_space<vmem>> -> memref<16xf32, #tpu.memory_space<vmem>>
      tpu.wait_dma2 semaphore(%run_scoped3A : memref<!tpu.dma_semaphore, #tpu.memory_space<semaphore_mem>>) src(%dma_wait3A_231 : memref<16xf32, #tpu.memory_space<vmem>>) dst(%dma_wait3A_229 : memref<16xf32, #tpu.memory_space<vmem_shared>>)
      tpu.yield
    }) : () -> ()
    %add3A_188 = arith.constant 0 : i32
    %add3A_189 = arith.addi %add3A_188, %multiple_of3A_185 : i32
    "tpu.region"() ({
      %run_scoped3A = tpu.sem_alloc : memref<!tpu.dma_semaphore, #tpu.memory_space<semaphore_mem>>
      %dma_start3A_220 = arith.constant 0 : i32
      %dma_start3A_221 = tpu.memref_slice %arg8[%dma_start3A_220] : memref<128xi32, #tpu.memory_space<vmem>> -> memref<16xi32, #tpu.memory_space<vmem>>
      %dma_start3A_222 = tpu.memref_slice %arg12[%add3A_189] : memref<2048xi32, #tpu.memory_space<vmem_shared>> -> memref<16xi32, #tpu.memory_space<vmem_shared>>
      %dma_start3A_223 = tpu.memref_slice %arg12[%add3A_189] : memref<2048xi32, #tpu.memory_space<vmem_shared>> -> memref<16xi32, #tpu.memory_space<vmem_shared>>
      %dma_start3A_224 = arith.constant 0 : i32
      %dma_start3A_225 = tpu.memref_slice %arg8[%dma_start3A_224] : memref<128xi32, #tpu.memory_space<vmem>> -> memref<16xi32, #tpu.memory_space<vmem>>
      tpu.enqueue_dma source(%dma_start3A_225 : memref<16xi32, #tpu.memory_space<vmem>>) target(%dma_start3A_223 : memref<16xi32, #tpu.memory_space<vmem_shared>>) target_semaphore(%run_scoped3A : memref<!tpu.dma_semaphore, #tpu.memory_space<semaphore_mem>>)
      %dma_wait3A_226 = arith.constant 0 : i32
      %dma_wait3A_227 = tpu.memref_slice %arg8[%dma_wait3A_226] : memref<128xi32, #tpu.memory_space<vmem>> -> memref<16xi32, #tpu.memory_space<vmem>>
      %dma_wait3A_228 = tpu.memref_slice %arg12[%add3A_189] : memref<2048xi32, #tpu.memory_space<vmem_shared>> -> memref<16xi32, #tpu.memory_space<vmem_shared>>
      %dma_wait3A_229 = tpu.memref_slice %arg12[%add3A_189] : memref<2048xi32, #tpu.memory_space<vmem_shared>> -> memref<16xi32, #tpu.memory_space<vmem_shared>>
      %dma_wait3A_230 = arith.constant 0 : i32
      %dma_wait3A_231 = tpu.memref_slice %arg8[%dma_wait3A_230] : memref<128xi32, #tpu.memory_space<vmem>> -> memref<16xi32, #tpu.memory_space<vmem>>
      tpu.wait_dma2 semaphore(%run_scoped3A : memref<!tpu.dma_semaphore, #tpu.memory_space<semaphore_mem>>) src(%dma_wait3A_231 : memref<16xi32, #tpu.memory_space<vmem>>) dst(%dma_wait3A_229 : memref<16xi32, #tpu.memory_space<vmem_shared>>)
      tpu.yield
    }) : () -> ()
    %add3A_190 = arith.constant 256 : i32
    %add3A_191 = arith.addi %add3A_190, %multiple_of3A_185 : i32
    "tpu.region"() ({
      %run_scoped3A = tpu.sem_alloc : memref<!tpu.dma_semaphore, #tpu.memory_space<semaphore_mem>>
      %dma_start3A_220 = arith.constant 16 : i32
      %dma_start3A_221 = tpu.memref_slice %arg7[%dma_start3A_220] : memref<128xf32, #tpu.memory_space<vmem>> -> memref<16xf32, #tpu.memory_space<vmem>>
      %dma_start3A_222 = tpu.memref_slice %arg11[%add3A_191] : memref<2048xf32, #tpu.memory_space<vmem_shared>> -> memref<16xf32, #tpu.memory_space<vmem_shared>>
      %dma_start3A_223 = tpu.memref_slice %arg11[%add3A_191] : memref<2048xf32, #tpu.memory_space<vmem_shared>> -> memref<16xf32, #tpu.memory_space<vmem_shared>>
      %dma_start3A_224 = arith.constant 16 : i32
      %dma_start3A_225 = tpu.memref_slice %arg7[%dma_start3A_224] : memref<128xf32, #tpu.memory_space<vmem>> -> memref<16xf32, #tpu.memory_space<vmem>>
      tpu.enqueue_dma source(%dma_start3A_225 : memref<16xf32, #tpu.memory_space<vmem>>) target(%dma_start3A_223 : memref<16xf32, #tpu.memory_space<vmem_shared>>) target_semaphore(%run_scoped3A : memref<!tpu.dma_semaphore, #tpu.memory_space<semaphore_mem>>)
      %dma_wait3A_226 = arith.constant 16 : i32
      %dma_wait3A_227 = tpu.memref_slice %arg7[%dma_wait3A_226] : memref<128xf32, #tpu.memory_space<vmem>> -> memref<16xf32, #tpu.memory_space<vmem>>
      %dma_wait3A_228 = tpu.memref_slice %arg11[%add3A_191] : memref<2048xf32, #tpu.memory_space<vmem_shared>> -> memref<16xf32, #tpu.memory_space<vmem_shared>>
      %dma_wait3A_229 = tpu.memref_slice %arg11[%add3A_191] : memref<2048xf32, #tpu.memory_space<vmem_shared>> -> memref<16xf32, #tpu.memory_space<vmem_shared>>
      %dma_wait3A_230 = arith.constant 16 : i32
      %dma_wait3A_231 = tpu.memref_slice %arg7[%dma_wait3A_230] : memref<128xf32, #tpu.memory_space<vmem>> -> memref<16xf32, #tpu.memory_space<vmem>>
      tpu.wait_dma2 semaphore(%run_scoped3A : memref<!tpu.dma_semaphore, #tpu.memory_space<semaphore_mem>>) src(%dma_wait3A_231 : memref<16xf32, #tpu.memory_space<vmem>>) dst(%dma_wait3A_229 : memref<16xf32, #tpu.memory_space<vmem_shared>>)
      tpu.yield
    }) : () -> ()
    %add3A_192 = arith.constant 256 : i32
    %add3A_193 = arith.addi %add3A_192, %multiple_of3A_185 : i32
    "tpu.region"() ({
      %run_scoped3A = tpu.sem_alloc : memref<!tpu.dma_semaphore, #tpu.memory_space<semaphore_mem>>
      %dma_start3A_220 = arith.constant 16 : i32
      %dma_start3A_221 = tpu.memref_slice %arg8[%dma_start3A_220] : memref<128xi32, #tpu.memory_space<vmem>> -> memref<16xi32, #tpu.memory_space<vmem>>
      %dma_start3A_222 = tpu.memref_slice %arg12[%add3A_193] : memref<2048xi32, #tpu.memory_space<vmem_shared>> -> memref<16xi32, #tpu.memory_space<vmem_shared>>
      %dma_start3A_223 = tpu.memref_slice %arg12[%add3A_193] : memref<2048xi32, #tpu.memory_space<vmem_shared>> -> memref<16xi32, #tpu.memory_space<vmem_shared>>
      %dma_start3A_224 = arith.constant 16 : i32
      %dma_start3A_225 = tpu.memref_slice %arg8[%dma_start3A_224] : memref<128xi32, #tpu.memory_space<vmem>> -> memref<16xi32, #tpu.memory_space<vmem>>
      tpu.enqueue_dma source(%dma_start3A_225 : memref<16xi32, #tpu.memory_space<vmem>>) target(%dma_start3A_223 : memref<16xi32, #tpu.memory_space<vmem_shared>>) target_semaphore(%run_scoped3A : memref<!tpu.dma_semaphore, #tpu.memory_space<semaphore_mem>>)
      %dma_wait3A_226 = arith.constant 16 : i32
      %dma_wait3A_227 = tpu.memref_slice %arg8[%dma_wait3A_226] : memref<128xi32, #tpu.memory_space<vmem>> -> memref<16xi32, #tpu.memory_space<vmem>>
      %dma_wait3A_228 = tpu.memref_slice %arg12[%add3A_193] : memref<2048xi32, #tpu.memory_space<vmem_shared>> -> memref<16xi32, #tpu.memory_space<vmem_shared>>
      %dma_wait3A_229 = tpu.memref_slice %arg12[%add3A_193] : memref<2048xi32, #tpu.memory_space<vmem_shared>> -> memref<16xi32, #tpu.memory_space<vmem_shared>>
      %dma_wait3A_230 = arith.constant 16 : i32
      %dma_wait3A_231 = tpu.memref_slice %arg8[%dma_wait3A_230] : memref<128xi32, #tpu.memory_space<vmem>> -> memref<16xi32, #tpu.memory_space<vmem>>
      tpu.wait_dma2 semaphore(%run_scoped3A : memref<!tpu.dma_semaphore, #tpu.memory_space<semaphore_mem>>) src(%dma_wait3A_231 : memref<16xi32, #tpu.memory_space<vmem>>) dst(%dma_wait3A_229 : memref<16xi32, #tpu.memory_space<vmem_shared>>)
      tpu.yield
    }) : () -> ()
    %add3A_194 = arith.constant 512 : i32
    %add3A_195 = arith.addi %add3A_194, %multiple_of3A_185 : i32
    "tpu.region"() ({
      %run_scoped3A = tpu.sem_alloc : memref<!tpu.dma_semaphore, #tpu.memory_space<semaphore_mem>>
      %dma_start3A_220 = arith.constant 32 : i32
      %dma_start3A_221 = tpu.memref_slice %arg7[%dma_start3A_220] : memref<128xf32, #tpu.memory_space<vmem>> -> memref<16xf32, #tpu.memory_space<vmem>>
      %dma_start3A_222 = tpu.memref_slice %arg11[%add3A_195] : memref<2048xf32, #tpu.memory_space<vmem_shared>> -> memref<16xf32, #tpu.memory_space<vmem_shared>>
      %dma_start3A_223 = tpu.memref_slice %arg11[%add3A_195] : memref<2048xf32, #tpu.memory_space<vmem_shared>> -> memref<16xf32, #tpu.memory_space<vmem_shared>>
      %dma_start3A_224 = arith.constant 32 : i32
      %dma_start3A_225 = tpu.memref_slice %arg7[%dma_start3A_224] : memref<128xf32, #tpu.memory_space<vmem>> -> memref<16xf32, #tpu.memory_space<vmem>>
      tpu.enqueue_dma source(%dma_start3A_225 : memref<16xf32, #tpu.memory_space<vmem>>) target(%dma_start3A_223 : memref<16xf32, #tpu.memory_space<vmem_shared>>) target_semaphore(%run_scoped3A : memref<!tpu.dma_semaphore, #tpu.memory_space<semaphore_mem>>)
      %dma_wait3A_226 = arith.constant 32 : i32
      %dma_wait3A_227 = tpu.memref_slice %arg7[%dma_wait3A_226] : memref<128xf32, #tpu.memory_space<vmem>> -> memref<16xf32, #tpu.memory_space<vmem>>
      %dma_wait3A_228 = tpu.memref_slice %arg11[%add3A_195] : memref<2048xf32, #tpu.memory_space<vmem_shared>> -> memref<16xf32, #tpu.memory_space<vmem_shared>>
      %dma_wait3A_229 = tpu.memref_slice %arg11[%add3A_195] : memref<2048xf32, #tpu.memory_space<vmem_shared>> -> memref<16xf32, #tpu.memory_space<vmem_shared>>
      %dma_wait3A_230 = arith.constant 32 : i32
      %dma_wait3A_231 = tpu.memref_slice %arg7[%dma_wait3A_230] : memref<128xf32, #tpu.memory_space<vmem>> -> memref<16xf32, #tpu.memory_space<vmem>>
      tpu.wait_dma2 semaphore(%run_scoped3A : memref<!tpu.dma_semaphore, #tpu.memory_space<semaphore_mem>>) src(%dma_wait3A_231 : memref<16xf32, #tpu.memory_space<vmem>>) dst(%dma_wait3A_229 : memref<16xf32, #tpu.memory_space<vmem_shared>>)
      tpu.yield
    }) : () -> ()
    %add3A_196 = arith.constant 512 : i32
    %add3A_197 = arith.addi %add3A_196, %multiple_of3A_185 : i32
    "tpu.region"() ({
      %run_scoped3A = tpu.sem_alloc : memref<!tpu.dma_semaphore, #tpu.memory_space<semaphore_mem>>
      %dma_start3A_220 = arith.constant 32 : i32
      %dma_start3A_221 = tpu.memref_slice %arg8[%dma_start3A_220] : memref<128xi32, #tpu.memory_space<vmem>> -> memref<16xi32, #tpu.memory_space<vmem>>
      %dma_start3A_222 = tpu.memref_slice %arg12[%add3A_197] : memref<2048xi32, #tpu.memory_space<vmem_shared>> -> memref<16xi32, #tpu.memory_space<vmem_shared>>
      %dma_start3A_223 = tpu.memref_slice %arg12[%add3A_197] : memref<2048xi32, #tpu.memory_space<vmem_shared>> -> memref<16xi32, #tpu.memory_space<vmem_shared>>
      %dma_start3A_224 = arith.constant 32 : i32
      %dma_start3A_225 = tpu.memref_slice %arg8[%dma_start3A_224] : memref<128xi32, #tpu.memory_space<vmem>> -> memref<16xi32, #tpu.memory_space<vmem>>
      tpu.enqueue_dma source(%dma_start3A_225 : memref<16xi32, #tpu.memory_space<vmem>>) target(%dma_start3A_223 : memref<16xi32, #tpu.memory_space<vmem_shared>>) target_semaphore(%run_scoped3A : memref<!tpu.dma_semaphore, #tpu.memory_space<semaphore_mem>>)
      %dma_wait3A_226 = arith.constant 32 : i32
      %dma_wait3A_227 = tpu.memref_slice %arg8[%dma_wait3A_226] : memref<128xi32, #tpu.memory_space<vmem>> -> memref<16xi32, #tpu.memory_space<vmem>>
      %dma_wait3A_228 = tpu.memref_slice %arg12[%add3A_197] : memref<2048xi32, #tpu.memory_space<vmem_shared>> -> memref<16xi32, #tpu.memory_space<vmem_shared>>
      %dma_wait3A_229 = tpu.memref_slice %arg12[%add3A_197] : memref<2048xi32, #tpu.memory_space<vmem_shared>> -> memref<16xi32, #tpu.memory_space<vmem_shared>>
      %dma_wait3A_230 = arith.constant 32 : i32
      %dma_wait3A_231 = tpu.memref_slice %arg8[%dma_wait3A_230] : memref<128xi32, #tpu.memory_space<vmem>> -> memref<16xi32, #tpu.memory_space<vmem>>
      tpu.wait_dma2 semaphore(%run_scoped3A : memref<!tpu.dma_semaphore, #tpu.memory_space<semaphore_mem>>) src(%dma_wait3A_231 : memref<16xi32, #tpu.memory_space<vmem>>) dst(%dma_wait3A_229 : memref<16xi32, #tpu.memory_space<vmem_shared>>)
      tpu.yield
    }) : () -> ()
    %add3A_198 = arith.constant 768 : i32
    %add3A_199 = arith.addi %add3A_198, %multiple_of3A_185 : i32
    "tpu.region"() ({
      %run_scoped3A = tpu.sem_alloc : memref<!tpu.dma_semaphore, #tpu.memory_space<semaphore_mem>>
      %dma_start3A_220 = arith.constant 48 : i32
      %dma_start3A_221 = tpu.memref_slice %arg7[%dma_start3A_220] : memref<128xf32, #tpu.memory_space<vmem>> -> memref<16xf32, #tpu.memory_space<vmem>>
      %dma_start3A_222 = tpu.memref_slice %arg11[%add3A_199] : memref<2048xf32, #tpu.memory_space<vmem_shared>> -> memref<16xf32, #tpu.memory_space<vmem_shared>>
      %dma_start3A_223 = tpu.memref_slice %arg11[%add3A_199] : memref<2048xf32, #tpu.memory_space<vmem_shared>> -> memref<16xf32, #tpu.memory_space<vmem_shared>>
      %dma_start3A_224 = arith.constant 48 : i32
      %dma_start3A_225 = tpu.memref_slice %arg7[%dma_start3A_224] : memref<128xf32, #tpu.memory_space<vmem>> -> memref<16xf32, #tpu.memory_space<vmem>>
      tpu.enqueue_dma source(%dma_start3A_225 : memref<16xf32, #tpu.memory_space<vmem>>) target(%dma_start3A_223 : memref<16xf32, #tpu.memory_space<vmem_shared>>) target_semaphore(%run_scoped3A : memref<!tpu.dma_semaphore, #tpu.memory_space<semaphore_mem>>)
      %dma_wait3A_226 = arith.constant 48 : i32
      %dma_wait3A_227 = tpu.memref_slice %arg7[%dma_wait3A_226] : memref<128xf32, #tpu.memory_space<vmem>> -> memref<16xf32, #tpu.memory_space<vmem>>
      %dma_wait3A_228 = tpu.memref_slice %arg11[%add3A_199] : memref<2048xf32, #tpu.memory_space<vmem_shared>> -> memref<16xf32, #tpu.memory_space<vmem_shared>>
      %dma_wait3A_229 = tpu.memref_slice %arg11[%add3A_199] : memref<2048xf32, #tpu.memory_space<vmem_shared>> -> memref<16xf32, #tpu.memory_space<vmem_shared>>
      %dma_wait3A_230 = arith.constant 48 : i32
      %dma_wait3A_231 = tpu.memref_slice %arg7[%dma_wait3A_230] : memref<128xf32, #tpu.memory_space<vmem>> -> memref<16xf32, #tpu.memory_space<vmem>>
      tpu.wait_dma2 semaphore(%run_scoped3A : memref<!tpu.dma_semaphore, #tpu.memory_space<semaphore_mem>>) src(%dma_wait3A_231 : memref<16xf32, #tpu.memory_space<vmem>>) dst(%dma_wait3A_229 : memref<16xf32, #tpu.memory_space<vmem_shared>>)
      tpu.yield
    }) : () -> ()
    %add3A_200 = arith.constant 768 : i32
    %add3A_201 = arith.addi %add3A_200, %multiple_of3A_185 : i32
    "tpu.region"() ({
      %run_scoped3A = tpu.sem_alloc : memref<!tpu.dma_semaphore, #tpu.memory_space<semaphore_mem>>
      %dma_start3A_220 = arith.constant 48 : i32
      %dma_start3A_221 = tpu.memref_slice %arg8[%dma_start3A_220] : memref<128xi32, #tpu.memory_space<vmem>> -> memref<16xi32, #tpu.memory_space<vmem>>
      %dma_start3A_222 = tpu.memref_slice %arg12[%add3A_201] : memref<2048xi32, #tpu.memory_space<vmem_shared>> -> memref<16xi32, #tpu.memory_space<vmem_shared>>
      %dma_start3A_223 = tpu.memref_slice %arg12[%add3A_201] : memref<2048xi32, #tpu.memory_space<vmem_shared>> -> memref<16xi32, #tpu.memory_space<vmem_shared>>
      %dma_start3A_224 = arith.constant 48 : i32
      %dma_start3A_225 = tpu.memref_slice %arg8[%dma_start3A_224] : memref<128xi32, #tpu.memory_space<vmem>> -> memref<16xi32, #tpu.memory_space<vmem>>
      tpu.enqueue_dma source(%dma_start3A_225 : memref<16xi32, #tpu.memory_space<vmem>>) target(%dma_start3A_223 : memref<16xi32, #tpu.memory_space<vmem_shared>>) target_semaphore(%run_scoped3A : memref<!tpu.dma_semaphore, #tpu.memory_space<semaphore_mem>>)
      %dma_wait3A_226 = arith.constant 48 : i32
      %dma_wait3A_227 = tpu.memref_slice %arg8[%dma_wait3A_226] : memref<128xi32, #tpu.memory_space<vmem>> -> memref<16xi32, #tpu.memory_space<vmem>>
      %dma_wait3A_228 = tpu.memref_slice %arg12[%add3A_201] : memref<2048xi32, #tpu.memory_space<vmem_shared>> -> memref<16xi32, #tpu.memory_space<vmem_shared>>
      %dma_wait3A_229 = tpu.memref_slice %arg12[%add3A_201] : memref<2048xi32, #tpu.memory_space<vmem_shared>> -> memref<16xi32, #tpu.memory_space<vmem_shared>>
      %dma_wait3A_230 = arith.constant 48 : i32
      %dma_wait3A_231 = tpu.memref_slice %arg8[%dma_wait3A_230] : memref<128xi32, #tpu.memory_space<vmem>> -> memref<16xi32, #tpu.memory_space<vmem>>
      tpu.wait_dma2 semaphore(%run_scoped3A : memref<!tpu.dma_semaphore, #tpu.memory_space<semaphore_mem>>) src(%dma_wait3A_231 : memref<16xi32, #tpu.memory_space<vmem>>) dst(%dma_wait3A_229 : memref<16xi32, #tpu.memory_space<vmem_shared>>)
      tpu.yield
    }) : () -> ()
    %add3A_202 = arith.constant 1024 : i32
    %add3A_203 = arith.addi %add3A_202, %multiple_of3A_185 : i32
    "tpu.region"() ({
      %run_scoped3A = tpu.sem_alloc : memref<!tpu.dma_semaphore, #tpu.memory_space<semaphore_mem>>
      %dma_start3A_220 = arith.constant 64 : i32
      %dma_start3A_221 = tpu.memref_slice %arg7[%dma_start3A_220] : memref<128xf32, #tpu.memory_space<vmem>> -> memref<16xf32, #tpu.memory_space<vmem>>
      %dma_start3A_222 = tpu.memref_slice %arg11[%add3A_203] : memref<2048xf32, #tpu.memory_space<vmem_shared>> -> memref<16xf32, #tpu.memory_space<vmem_shared>>
      %dma_start3A_223 = tpu.memref_slice %arg11[%add3A_203] : memref<2048xf32, #tpu.memory_space<vmem_shared>> -> memref<16xf32, #tpu.memory_space<vmem_shared>>
      %dma_start3A_224 = arith.constant 64 : i32
      %dma_start3A_225 = tpu.memref_slice %arg7[%dma_start3A_224] : memref<128xf32, #tpu.memory_space<vmem>> -> memref<16xf32, #tpu.memory_space<vmem>>
      tpu.enqueue_dma source(%dma_start3A_225 : memref<16xf32, #tpu.memory_space<vmem>>) target(%dma_start3A_223 : memref<16xf32, #tpu.memory_space<vmem_shared>>) target_semaphore(%run_scoped3A : memref<!tpu.dma_semaphore, #tpu.memory_space<semaphore_mem>>)
      %dma_wait3A_226 = arith.constant 64 : i32
      %dma_wait3A_227 = tpu.memref_slice %arg7[%dma_wait3A_226] : memref<128xf32, #tpu.memory_space<vmem>> -> memref<16xf32, #tpu.memory_space<vmem>>
      %dma_wait3A_228 = tpu.memref_slice %arg11[%add3A_203] : memref<2048xf32, #tpu.memory_space<vmem_shared>> -> memref<16xf32, #tpu.memory_space<vmem_shared>>
      %dma_wait3A_229 = tpu.memref_slice %arg11[%add3A_203] : memref<2048xf32, #tpu.memory_space<vmem_shared>> -> memref<16xf32, #tpu.memory_space<vmem_shared>>
      %dma_wait3A_230 = arith.constant 64 : i32
      %dma_wait3A_231 = tpu.memref_slice %arg7[%dma_wait3A_230] : memref<128xf32, #tpu.memory_space<vmem>> -> memref<16xf32, #tpu.memory_space<vmem>>
      tpu.wait_dma2 semaphore(%run_scoped3A : memref<!tpu.dma_semaphore, #tpu.memory_space<semaphore_mem>>) src(%dma_wait3A_231 : memref<16xf32, #tpu.memory_space<vmem>>) dst(%dma_wait3A_229 : memref<16xf32, #tpu.memory_space<vmem_shared>>)
      tpu.yield
    }) : () -> ()
    %add3A_204 = arith.constant 1024 : i32
    %add3A_205 = arith.addi %add3A_204, %multiple_of3A_185 : i32
    "tpu.region"() ({
      %run_scoped3A = tpu.sem_alloc : memref<!tpu.dma_semaphore, #tpu.memory_space<semaphore_mem>>
      %dma_start3A_220 = arith.constant 64 : i32
      %dma_start3A_221 = tpu.memref_slice %arg8[%dma_start3A_220] : memref<128xi32, #tpu.memory_space<vmem>> -> memref<16xi32, #tpu.memory_space<vmem>>
      %dma_start3A_222 = tpu.memref_slice %arg12[%add3A_205] : memref<2048xi32, #tpu.memory_space<vmem_shared>> -> memref<16xi32, #tpu.memory_space<vmem_shared>>
      %dma_start3A_223 = tpu.memref_slice %arg12[%add3A_205] : memref<2048xi32, #tpu.memory_space<vmem_shared>> -> memref<16xi32, #tpu.memory_space<vmem_shared>>
      %dma_start3A_224 = arith.constant 64 : i32
      %dma_start3A_225 = tpu.memref_slice %arg8[%dma_start3A_224] : memref<128xi32, #tpu.memory_space<vmem>> -> memref<16xi32, #tpu.memory_space<vmem>>
      tpu.enqueue_dma source(%dma_start3A_225 : memref<16xi32, #tpu.memory_space<vmem>>) target(%dma_start3A_223 : memref<16xi32, #tpu.memory_space<vmem_shared>>) target_semaphore(%run_scoped3A : memref<!tpu.dma_semaphore, #tpu.memory_space<semaphore_mem>>)
      %dma_wait3A_226 = arith.constant 64 : i32
      %dma_wait3A_227 = tpu.memref_slice %arg8[%dma_wait3A_226] : memref<128xi32, #tpu.memory_space<vmem>> -> memref<16xi32, #tpu.memory_space<vmem>>
      %dma_wait3A_228 = tpu.memref_slice %arg12[%add3A_205] : memref<2048xi32, #tpu.memory_space<vmem_shared>> -> memref<16xi32, #tpu.memory_space<vmem_shared>>
      %dma_wait3A_229 = tpu.memref_slice %arg12[%add3A_205] : memref<2048xi32, #tpu.memory_space<vmem_shared>> -> memref<16xi32, #tpu.memory_space<vmem_shared>>
      %dma_wait3A_230 = arith.constant 64 : i32
      %dma_wait3A_231 = tpu.memref_slice %arg8[%dma_wait3A_230] : memref<128xi32, #tpu.memory_space<vmem>> -> memref<16xi32, #tpu.memory_space<vmem>>
      tpu.wait_dma2 semaphore(%run_scoped3A : memref<!tpu.dma_semaphore, #tpu.memory_space<semaphore_mem>>) src(%dma_wait3A_231 : memref<16xi32, #tpu.memory_space<vmem>>) dst(%dma_wait3A_229 : memref<16xi32, #tpu.memory_space<vmem_shared>>)
      tpu.yield
    }) : () -> ()
    %add3A_206 = arith.constant 1280 : i32
    %add3A_207 = arith.addi %add3A_206, %multiple_of3A_185 : i32
    "tpu.region"() ({
      %run_scoped3A = tpu.sem_alloc : memref<!tpu.dma_semaphore, #tpu.memory_space<semaphore_mem>>
      %dma_start3A_220 = arith.constant 80 : i32
      %dma_start3A_221 = tpu.memref_slice %arg7[%dma_start3A_220] : memref<128xf32, #tpu.memory_space<vmem>> -> memref<16xf32, #tpu.memory_space<vmem>>
      %dma_start3A_222 = tpu.memref_slice %arg11[%add3A_207] : memref<2048xf32, #tpu.memory_space<vmem_shared>> -> memref<16xf32, #tpu.memory_space<vmem_shared>>
      %dma_start3A_223 = tpu.memref_slice %arg11[%add3A_207] : memref<2048xf32, #tpu.memory_space<vmem_shared>> -> memref<16xf32, #tpu.memory_space<vmem_shared>>
      %dma_start3A_224 = arith.constant 80 : i32
      %dma_start3A_225 = tpu.memref_slice %arg7[%dma_start3A_224] : memref<128xf32, #tpu.memory_space<vmem>> -> memref<16xf32, #tpu.memory_space<vmem>>
      tpu.enqueue_dma source(%dma_start3A_225 : memref<16xf32, #tpu.memory_space<vmem>>) target(%dma_start3A_223 : memref<16xf32, #tpu.memory_space<vmem_shared>>) target_semaphore(%run_scoped3A : memref<!tpu.dma_semaphore, #tpu.memory_space<semaphore_mem>>)
      %dma_wait3A_226 = arith.constant 80 : i32
      %dma_wait3A_227 = tpu.memref_slice %arg7[%dma_wait3A_226] : memref<128xf32, #tpu.memory_space<vmem>> -> memref<16xf32, #tpu.memory_space<vmem>>
      %dma_wait3A_228 = tpu.memref_slice %arg11[%add3A_207] : memref<2048xf32, #tpu.memory_space<vmem_shared>> -> memref<16xf32, #tpu.memory_space<vmem_shared>>
      %dma_wait3A_229 = tpu.memref_slice %arg11[%add3A_207] : memref<2048xf32, #tpu.memory_space<vmem_shared>> -> memref<16xf32, #tpu.memory_space<vmem_shared>>
      %dma_wait3A_230 = arith.constant 80 : i32
      %dma_wait3A_231 = tpu.memref_slice %arg7[%dma_wait3A_230] : memref<128xf32, #tpu.memory_space<vmem>> -> memref<16xf32, #tpu.memory_space<vmem>>
      tpu.wait_dma2 semaphore(%run_scoped3A : memref<!tpu.dma_semaphore, #tpu.memory_space<semaphore_mem>>) src(%dma_wait3A_231 : memref<16xf32, #tpu.memory_space<vmem>>) dst(%dma_wait3A_229 : memref<16xf32, #tpu.memory_space<vmem_shared>>)
      tpu.yield
    }) : () -> ()
    %add3A_208 = arith.constant 1280 : i32
    %add3A_209 = arith.addi %add3A_208, %multiple_of3A_185 : i32
    "tpu.region"() ({
      %run_scoped3A = tpu.sem_alloc : memref<!tpu.dma_semaphore, #tpu.memory_space<semaphore_mem>>
      %dma_start3A_220 = arith.constant 80 : i32
      %dma_start3A_221 = tpu.memref_slice %arg8[%dma_start3A_220] : memref<128xi32, #tpu.memory_space<vmem>> -> memref<16xi32, #tpu.memory_space<vmem>>
      %dma_start3A_222 = tpu.memref_slice %arg12[%add3A_209] : memref<2048xi32, #tpu.memory_space<vmem_shared>> -> memref<16xi32, #tpu.memory_space<vmem_shared>>
      %dma_start3A_223 = tpu.memref_slice %arg12[%add3A_209] : memref<2048xi32, #tpu.memory_space<vmem_shared>> -> memref<16xi32, #tpu.memory_space<vmem_shared>>
      %dma_start3A_224 = arith.constant 80 : i32
      %dma_start3A_225 = tpu.memref_slice %arg8[%dma_start3A_224] : memref<128xi32, #tpu.memory_space<vmem>> -> memref<16xi32, #tpu.memory_space<vmem>>
      tpu.enqueue_dma source(%dma_start3A_225 : memref<16xi32, #tpu.memory_space<vmem>>) target(%dma_start3A_223 : memref<16xi32, #tpu.memory_space<vmem_shared>>) target_semaphore(%run_scoped3A : memref<!tpu.dma_semaphore, #tpu.memory_space<semaphore_mem>>)
      %dma_wait3A_226 = arith.constant 80 : i32
      %dma_wait3A_227 = tpu.memref_slice %arg8[%dma_wait3A_226] : memref<128xi32, #tpu.memory_space<vmem>> -> memref<16xi32, #tpu.memory_space<vmem>>
      %dma_wait3A_228 = tpu.memref_slice %arg12[%add3A_209] : memref<2048xi32, #tpu.memory_space<vmem_shared>> -> memref<16xi32, #tpu.memory_space<vmem_shared>>
      %dma_wait3A_229 = tpu.memref_slice %arg12[%add3A_209] : memref<2048xi32, #tpu.memory_space<vmem_shared>> -> memref<16xi32, #tpu.memory_space<vmem_shared>>
      %dma_wait3A_230 = arith.constant 80 : i32
      %dma_wait3A_231 = tpu.memref_slice %arg8[%dma_wait3A_230] : memref<128xi32, #tpu.memory_space<vmem>> -> memref<16xi32, #tpu.memory_space<vmem>>
      tpu.wait_dma2 semaphore(%run_scoped3A : memref<!tpu.dma_semaphore, #tpu.memory_space<semaphore_mem>>) src(%dma_wait3A_231 : memref<16xi32, #tpu.memory_space<vmem>>) dst(%dma_wait3A_229 : memref<16xi32, #tpu.memory_space<vmem_shared>>)
      tpu.yield
    }) : () -> ()
    %add3A_210 = arith.constant 1536 : i32
    %add3A_211 = arith.addi %add3A_210, %multiple_of3A_185 : i32
    "tpu.region"() ({
      %run_scoped3A = tpu.sem_alloc : memref<!tpu.dma_semaphore, #tpu.memory_space<semaphore_mem>>
      %dma_start3A_220 = arith.constant 96 : i32
      %dma_start3A_221 = tpu.memref_slice %arg7[%dma_start3A_220] : memref<128xf32, #tpu.memory_space<vmem>> -> memref<16xf32, #tpu.memory_space<vmem>>
      %dma_start3A_222 = tpu.memref_slice %arg11[%add3A_211] : memref<2048xf32, #tpu.memory_space<vmem_shared>> -> memref<16xf32, #tpu.memory_space<vmem_shared>>
      %dma_start3A_223 = tpu.memref_slice %arg11[%add3A_211] : memref<2048xf32, #tpu.memory_space<vmem_shared>> -> memref<16xf32, #tpu.memory_space<vmem_shared>>
      %dma_start3A_224 = arith.constant 96 : i32
      %dma_start3A_225 = tpu.memref_slice %arg7[%dma_start3A_224] : memref<128xf32, #tpu.memory_space<vmem>> -> memref<16xf32, #tpu.memory_space<vmem>>
      tpu.enqueue_dma source(%dma_start3A_225 : memref<16xf32, #tpu.memory_space<vmem>>) target(%dma_start3A_223 : memref<16xf32, #tpu.memory_space<vmem_shared>>) target_semaphore(%run_scoped3A : memref<!tpu.dma_semaphore, #tpu.memory_space<semaphore_mem>>)
      %dma_wait3A_226 = arith.constant 96 : i32
      %dma_wait3A_227 = tpu.memref_slice %arg7[%dma_wait3A_226] : memref<128xf32, #tpu.memory_space<vmem>> -> memref<16xf32, #tpu.memory_space<vmem>>
      %dma_wait3A_228 = tpu.memref_slice %arg11[%add3A_211] : memref<2048xf32, #tpu.memory_space<vmem_shared>> -> memref<16xf32, #tpu.memory_space<vmem_shared>>
      %dma_wait3A_229 = tpu.memref_slice %arg11[%add3A_211] : memref<2048xf32, #tpu.memory_space<vmem_shared>> -> memref<16xf32, #tpu.memory_space<vmem_shared>>
      %dma_wait3A_230 = arith.constant 96 : i32
      %dma_wait3A_231 = tpu.memref_slice %arg7[%dma_wait3A_230] : memref<128xf32, #tpu.memory_space<vmem>> -> memref<16xf32, #tpu.memory_space<vmem>>
      tpu.wait_dma2 semaphore(%run_scoped3A : memref<!tpu.dma_semaphore, #tpu.memory_space<semaphore_mem>>) src(%dma_wait3A_231 : memref<16xf32, #tpu.memory_space<vmem>>) dst(%dma_wait3A_229 : memref<16xf32, #tpu.memory_space<vmem_shared>>)
      tpu.yield
    }) : () -> ()
    %add3A_212 = arith.constant 1536 : i32
    %add3A_213 = arith.addi %add3A_212, %multiple_of3A_185 : i32
    "tpu.region"() ({
      %run_scoped3A = tpu.sem_alloc : memref<!tpu.dma_semaphore, #tpu.memory_space<semaphore_mem>>
      %dma_start3A_220 = arith.constant 96 : i32
      %dma_start3A_221 = tpu.memref_slice %arg8[%dma_start3A_220] : memref<128xi32, #tpu.memory_space<vmem>> -> memref<16xi32, #tpu.memory_space<vmem>>
      %dma_start3A_222 = tpu.memref_slice %arg12[%add3A_213] : memref<2048xi32, #tpu.memory_space<vmem_shared>> -> memref<16xi32, #tpu.memory_space<vmem_shared>>
      %dma_start3A_223 = tpu.memref_slice %arg12[%add3A_213] : memref<2048xi32, #tpu.memory_space<vmem_shared>> -> memref<16xi32, #tpu.memory_space<vmem_shared>>
      %dma_start3A_224 = arith.constant 96 : i32
      %dma_start3A_225 = tpu.memref_slice %arg8[%dma_start3A_224] : memref<128xi32, #tpu.memory_space<vmem>> -> memref<16xi32, #tpu.memory_space<vmem>>
      tpu.enqueue_dma source(%dma_start3A_225 : memref<16xi32, #tpu.memory_space<vmem>>) target(%dma_start3A_223 : memref<16xi32, #tpu.memory_space<vmem_shared>>) target_semaphore(%run_scoped3A : memref<!tpu.dma_semaphore, #tpu.memory_space<semaphore_mem>>)
      %dma_wait3A_226 = arith.constant 96 : i32
      %dma_wait3A_227 = tpu.memref_slice %arg8[%dma_wait3A_226] : memref<128xi32, #tpu.memory_space<vmem>> -> memref<16xi32, #tpu.memory_space<vmem>>
      %dma_wait3A_228 = tpu.memref_slice %arg12[%add3A_213] : memref<2048xi32, #tpu.memory_space<vmem_shared>> -> memref<16xi32, #tpu.memory_space<vmem_shared>>
      %dma_wait3A_229 = tpu.memref_slice %arg12[%add3A_213] : memref<2048xi32, #tpu.memory_space<vmem_shared>> -> memref<16xi32, #tpu.memory_space<vmem_shared>>
      %dma_wait3A_230 = arith.constant 96 : i32
      %dma_wait3A_231 = tpu.memref_slice %arg8[%dma_wait3A_230] : memref<128xi32, #tpu.memory_space<vmem>> -> memref<16xi32, #tpu.memory_space<vmem>>
      tpu.wait_dma2 semaphore(%run_scoped3A : memref<!tpu.dma_semaphore, #tpu.memory_space<semaphore_mem>>) src(%dma_wait3A_231 : memref<16xi32, #tpu.memory_space<vmem>>) dst(%dma_wait3A_229 : memref<16xi32, #tpu.memory_space<vmem_shared>>)
      tpu.yield
    }) : () -> ()
    %add3A_214 = arith.constant 1792 : i32
    %add3A_215 = arith.addi %add3A_214, %multiple_of3A_185 : i32
    "tpu.region"() ({
      %run_scoped3A = tpu.sem_alloc : memref<!tpu.dma_semaphore, #tpu.memory_space<semaphore_mem>>
      %dma_start3A_220 = arith.constant 112 : i32
      %dma_start3A_221 = tpu.memref_slice %arg7[%dma_start3A_220] : memref<128xf32, #tpu.memory_space<vmem>> -> memref<16xf32, #tpu.memory_space<vmem>>
      %dma_start3A_222 = tpu.memref_slice %arg11[%add3A_215] : memref<2048xf32, #tpu.memory_space<vmem_shared>> -> memref<16xf32, #tpu.memory_space<vmem_shared>>
      %dma_start3A_223 = tpu.memref_slice %arg11[%add3A_215] : memref<2048xf32, #tpu.memory_space<vmem_shared>> -> memref<16xf32, #tpu.memory_space<vmem_shared>>
      %dma_start3A_224 = arith.constant 112 : i32
      %dma_start3A_225 = tpu.memref_slice %arg7[%dma_start3A_224] : memref<128xf32, #tpu.memory_space<vmem>> -> memref<16xf32, #tpu.memory_space<vmem>>
      tpu.enqueue_dma source(%dma_start3A_225 : memref<16xf32, #tpu.memory_space<vmem>>) target(%dma_start3A_223 : memref<16xf32, #tpu.memory_space<vmem_shared>>) target_semaphore(%run_scoped3A : memref<!tpu.dma_semaphore, #tpu.memory_space<semaphore_mem>>)
      %dma_wait3A_226 = arith.constant 112 : i32
      %dma_wait3A_227 = tpu.memref_slice %arg7[%dma_wait3A_226] : memref<128xf32, #tpu.memory_space<vmem>> -> memref<16xf32, #tpu.memory_space<vmem>>
      %dma_wait3A_228 = tpu.memref_slice %arg11[%add3A_215] : memref<2048xf32, #tpu.memory_space<vmem_shared>> -> memref<16xf32, #tpu.memory_space<vmem_shared>>
      %dma_wait3A_229 = tpu.memref_slice %arg11[%add3A_215] : memref<2048xf32, #tpu.memory_space<vmem_shared>> -> memref<16xf32, #tpu.memory_space<vmem_shared>>
      %dma_wait3A_230 = arith.constant 112 : i32
      %dma_wait3A_231 = tpu.memref_slice %arg7[%dma_wait3A_230] : memref<128xf32, #tpu.memory_space<vmem>> -> memref<16xf32, #tpu.memory_space<vmem>>
      tpu.wait_dma2 semaphore(%run_scoped3A : memref<!tpu.dma_semaphore, #tpu.memory_space<semaphore_mem>>) src(%dma_wait3A_231 : memref<16xf32, #tpu.memory_space<vmem>>) dst(%dma_wait3A_229 : memref<16xf32, #tpu.memory_space<vmem_shared>>)
      tpu.yield
    }) : () -> ()
    %add3A_216 = arith.constant 1792 : i32
    %add3A_217 = arith.addi %add3A_216, %multiple_of3A_185 : i32
    "tpu.region"() ({
      %run_scoped3A = tpu.sem_alloc : memref<!tpu.dma_semaphore, #tpu.memory_space<semaphore_mem>>
      %dma_start3A_220 = arith.constant 112 : i32
      %dma_start3A_221 = tpu.memref_slice %arg8[%dma_start3A_220] : memref<128xi32, #tpu.memory_space<vmem>> -> memref<16xi32, #tpu.memory_space<vmem>>
      %dma_start3A_222 = tpu.memref_slice %arg12[%add3A_217] : memref<2048xi32, #tpu.memory_space<vmem_shared>> -> memref<16xi32, #tpu.memory_space<vmem_shared>>
      %dma_start3A_223 = tpu.memref_slice %arg12[%add3A_217] : memref<2048xi32, #tpu.memory_space<vmem_shared>> -> memref<16xi32, #tpu.memory_space<vmem_shared>>
      %dma_start3A_224 = arith.constant 112 : i32
      %dma_start3A_225 = tpu.memref_slice %arg8[%dma_start3A_224] : memref<128xi32, #tpu.memory_space<vmem>> -> memref<16xi32, #tpu.memory_space<vmem>>
      tpu.enqueue_dma source(%dma_start3A_225 : memref<16xi32, #tpu.memory_space<vmem>>) target(%dma_start3A_223 : memref<16xi32, #tpu.memory_space<vmem_shared>>) target_semaphore(%run_scoped3A : memref<!tpu.dma_semaphore, #tpu.memory_space<semaphore_mem>>)
      %dma_wait3A_226 = arith.constant 112 : i32
      %dma_wait3A_227 = tpu.memref_slice %arg8[%dma_wait3A_226] : memref<128xi32, #tpu.memory_space<vmem>> -> memref<16xi32, #tpu.memory_space<vmem>>
      %dma_wait3A_228 = tpu.memref_slice %arg12[%add3A_217] : memref<2048xi32, #tpu.memory_space<vmem_shared>> -> memref<16xi32, #tpu.memory_space<vmem_shared>>
      %dma_wait3A_229 = tpu.memref_slice %arg12[%add3A_217] : memref<2048xi32, #tpu.memory_space<vmem_shared>> -> memref<16xi32, #tpu.memory_space<vmem_shared>>
      %dma_wait3A_230 = arith.constant 112 : i32
      %dma_wait3A_231 = tpu.memref_slice %arg8[%dma_wait3A_230] : memref<128xi32, #tpu.memory_space<vmem>> -> memref<16xi32, #tpu.memory_space<vmem>>
      tpu.wait_dma2 semaphore(%run_scoped3A : memref<!tpu.dma_semaphore, #tpu.memory_space<semaphore_mem>>) src(%dma_wait3A_231 : memref<16xi32, #tpu.memory_space<vmem>>) dst(%dma_wait3A_229 : memref<16xi32, #tpu.memory_space<vmem_shared>>)
      tpu.yield
    }) : () -> ()
    %barrier3A = arith.constant 0 : index
    tpu.barrier barrier_id(%barrier3A)
    %lt3A = arith.constant 8 : i32
    %lt3A_218 = arith.cmpi slt, %arg1, %lt3A : i32
    %convert_element_type3A = arith.extui %lt3A_218 : i1 to i32
    %cond3A = arith.constant 0 : i32
    %cond3A_219 = arith.cmpi ne, %convert_element_type3A, %cond3A : i32
    scf.if %cond3A_219 {
      %mul3A_220 = arith.constant 256 : i32
      %mul3A_221 = arith.muli %arg1, %mul3A_220 : i32
      %multiple_of3A_222 = tpu.assume_multiple %mul3A_221, 16 : i32
      "tpu.region"() ({
        %run_scoped3A = tpu.sem_alloc : memref<!tpu.dma_semaphore, #tpu.memory_space<semaphore_mem>>
        %dma_start3A_432 = tpu.memref_slice %arg11[%multiple_of3A_222] : memref<2048xf32, #tpu.memory_space<vmem_shared>> -> memref<256xf32, #tpu.memory_space<vmem_shared>>
        %dma_start3A_433 = tpu.memref_slice %arg11[%multiple_of3A_222] : memref<2048xf32, #tpu.memory_space<vmem_shared>> -> memref<256xf32, #tpu.memory_space<vmem_shared>>
        tpu.enqueue_dma source(%dma_start3A_433 : memref<256xf32, #tpu.memory_space<vmem_shared>>) target(%arg9 : memref<256xf32, #tpu.memory_space<vmem>>) target_semaphore(%run_scoped3A : memref<!tpu.dma_semaphore, #tpu.memory_space<semaphore_mem>>)
        %dma_wait3A_434 = tpu.memref_slice %arg11[%multiple_of3A_222] : memref<2048xf32, #tpu.memory_space<vmem_shared>> -> memref<256xf32, #tpu.memory_space<vmem_shared>>
        %dma_wait3A_435 = tpu.memref_slice %arg11[%multiple_of3A_222] : memref<2048xf32, #tpu.memory_space<vmem_shared>> -> memref<256xf32, #tpu.memory_space<vmem_shared>>
        tpu.wait_dma2 semaphore(%run_scoped3A : memref<!tpu.dma_semaphore, #tpu.memory_space<semaphore_mem>>) src(%dma_wait3A_435 : memref<256xf32, #tpu.memory_space<vmem_shared>>) dst(%arg9 : memref<256xf32, #tpu.memory_space<vmem>>)
        tpu.yield
      }) : () -> ()
      "tpu.region"() ({
        %run_scoped3A = tpu.sem_alloc : memref<!tpu.dma_semaphore, #tpu.memory_space<semaphore_mem>>
        %dma_start3A_432 = tpu.memref_slice %arg12[%multiple_of3A_222] : memref<2048xi32, #tpu.memory_space<vmem_shared>> -> memref<256xi32, #tpu.memory_space<vmem_shared>>
        %dma_start3A_433 = tpu.memref_slice %arg12[%multiple_of3A_222] : memref<2048xi32, #tpu.memory_space<vmem_shared>> -> memref<256xi32, #tpu.memory_space<vmem_shared>>
        tpu.enqueue_dma source(%dma_start3A_433 : memref<256xi32, #tpu.memory_space<vmem_shared>>) target(%arg10 : memref<256xi32, #tpu.memory_space<vmem>>) target_semaphore(%run_scoped3A : memref<!tpu.dma_semaphore, #tpu.memory_space<semaphore_mem>>)
        %dma_wait3A_434 = tpu.memref_slice %arg12[%multiple_of3A_222] : memref<2048xi32, #tpu.memory_space<vmem_shared>> -> memref<256xi32, #tpu.memory_space<vmem_shared>>
        %dma_wait3A_435 = tpu.memref_slice %arg12[%multiple_of3A_222] : memref<2048xi32, #tpu.memory_space<vmem_shared>> -> memref<256xi32, #tpu.memory_space<vmem_shared>>
        tpu.wait_dma2 semaphore(%run_scoped3A : memref<!tpu.dma_semaphore, #tpu.memory_space<semaphore_mem>>) src(%dma_wait3A_435 : memref<256xi32, #tpu.memory_space<vmem_shared>>) dst(%arg10 : memref<256xi32, #tpu.memory_space<vmem>>)
        tpu.yield
      }) : () -> ()
      %get3A = arith.constant 0 : index
      %get3A_223 = tpu.vector_load %arg9[%get3A] {strides = array<i32>} : memref<256xf32, #tpu.memory_space<vmem>>, vector<16xf32>,
      %get3A_224 = vector.shape_cast %get3A_223 : vector<16xf32> to vector<16xf32>
      %get3A_225 = arith.constant 0 : index
      %get3A_226 = tpu.vector_load %arg10[%get3A_225] {strides = array<i32>} : memref<256xi32, #tpu.memory_space<vmem>>, vector<16xi32>,
      %get3A_227 = vector.shape_cast %get3A_226 : vector<16xi32> to vector<16xi32>
      %get3A_228 = arith.constant 16 : index
      %get3A_229 = tpu.vector_load %arg9[%get3A_228] {strides = array<i32>} : memref<256xf32, #tpu.memory_space<vmem>>, vector<16xf32>,
      %get3A_230 = vector.shape_cast %get3A_229 : vector<16xf32> to vector<16xf32>
      %get3A_231 = arith.constant 16 : index
      %get3A_232 = tpu.vector_load %arg10[%get3A_231] {strides = array<i32>} : memref<256xi32, #tpu.memory_space<vmem>>, vector<16xi32>,
      %get3A_233 = vector.shape_cast %get3A_232 : vector<16xi32> to vector<16xi32>
      %gt3A = arith.cmpf ogt, %get3A_230, %get3A_224 : vector<16xf32>
      %eq3A = arith.cmpf oeq, %get3A_230, %get3A_224 : vector<16xf32>
      %lt3A_234 = arith.cmpi slt, %get3A_233, %get3A_227 : vector<16xi32>
      %and3A = arith.andi %eq3A, %lt3A_234 : vector<16xi1>
      %or3A = arith.ori %gt3A, %and3A : vector<16xi1>
      %select_n3A = arith.select %or3A, %get3A_230, %get3A_224 : vector<16xi1>, vector<16xf32>
      %select_n3A_235 = arith.select %or3A, %get3A_233, %get3A_227 : vector<16xi1>, vector<16xi32>
      %get3A_236 = arith.constant 32 : index
      %get3A_237 = tpu.vector_load %arg9[%get3A_236] {strides = array<i32>} : memref<256xf32, #tpu.memory_space<vmem>>, vector<16xf32>,
      %get3A_238 = vector.shape_cast %get3A_237 : vector<16xf32> to vector<16xf32>
      %get3A_239 = arith.constant 32 : index
      %get3A_240 = tpu.vector_load %arg10[%get3A_239] {strides = array<i32>} : memref<256xi32, #tpu.memory_space<vmem>>, vector<16xi32>,
      %get3A_241 = vector.shape_cast %get3A_240 : vector<16xi32> to vector<16xi32>
      %gt3A_242 = arith.cmpf ogt, %get3A_238, %select_n3A : vector<16xf32>
      %eq3A_243 = arith.cmpf oeq, %get3A_238, %select_n3A : vector<16xf32>
      %lt3A_244 = arith.cmpi slt, %get3A_241, %select_n3A_235 : vector<16xi32>
      %and3A_245 = arith.andi %eq3A_243, %lt3A_244 : vector<16xi1>
      %or3A_246 = arith.ori %gt3A_242, %and3A_245 : vector<16xi1>
      %select_n3A_247 = arith.select %or3A_246, %get3A_238, %select_n3A : vector<16xi1>, vector<16xf32>
      %select_n3A_248 = arith.select %or3A_246, %get3A_241, %select_n3A_235 : vector<16xi1>, vector<16xi32>
      %get3A_249 = arith.constant 48 : index
      %get3A_250 = tpu.vector_load %arg9[%get3A_249] {strides = array<i32>} : memref<256xf32, #tpu.memory_space<vmem>>, vector<16xf32>,
      %get3A_251 = vector.shape_cast %get3A_250 : vector<16xf32> to vector<16xf32>
      %get3A_252 = arith.constant 48 : index
      %get3A_253 = tpu.vector_load %arg10[%get3A_252] {strides = array<i32>} : memref<256xi32, #tpu.memory_space<vmem>>, vector<16xi32>,
      %get3A_254 = vector.shape_cast %get3A_253 : vector<16xi32> to vector<16xi32>
      %gt3A_255 = arith.cmpf ogt, %get3A_251, %select_n3A_247 : vector<16xf32>
      %eq3A_256 = arith.cmpf oeq, %get3A_251, %select_n3A_247 : vector<16xf32>
      %lt3A_257 = arith.cmpi slt, %get3A_254, %select_n3A_248 : vector<16xi32>
      %and3A_258 = arith.andi %eq3A_256, %lt3A_257 : vector<16xi1>
      %or3A_259 = arith.ori %gt3A_255, %and3A_258 : vector<16xi1>
      %select_n3A_260 = arith.select %or3A_259, %get3A_251, %select_n3A_247 : vector<16xi1>, vector<16xf32>
      %select_n3A_261 = arith.select %or3A_259, %get3A_254, %select_n3A_248 : vector<16xi1>, vector<16xi32>
      %get3A_262 = arith.constant 64 : index
      %get3A_263 = tpu.vector_load %arg9[%get3A_262] {strides = array<i32>} : memref<256xf32, #tpu.memory_space<vmem>>, vector<16xf32>,
      %get3A_264 = vector.shape_cast %get3A_263 : vector<16xf32> to vector<16xf32>
      %get3A_265 = arith.constant 64 : index
      %get3A_266 = tpu.vector_load %arg10[%get3A_265] {strides = array<i32>} : memref<256xi32, #tpu.memory_space<vmem>>, vector<16xi32>,
      %get3A_267 = vector.shape_cast %get3A_266 : vector<16xi32> to vector<16xi32>
      %gt3A_268 = arith.cmpf ogt, %get3A_264, %select_n3A_260 : vector<16xf32>
      %eq3A_269 = arith.cmpf oeq, %get3A_264, %select_n3A_260 : vector<16xf32>
      %lt3A_270 = arith.cmpi slt, %get3A_267, %select_n3A_261 : vector<16xi32>
      %and3A_271 = arith.andi %eq3A_269, %lt3A_270 : vector<16xi1>
      %or3A_272 = arith.ori %gt3A_268, %and3A_271 : vector<16xi1>
      %select_n3A_273 = arith.select %or3A_272, %get3A_264, %select_n3A_260 : vector<16xi1>, vector<16xf32>
      %select_n3A_274 = arith.select %or3A_272, %get3A_267, %select_n3A_261 : vector<16xi1>, vector<16xi32>
      %get3A_275 = arith.constant 80 : index
      %get3A_276 = tpu.vector_load %arg9[%get3A_275] {strides = array<i32>} : memref<256xf32, #tpu.memory_space<vmem>>, vector<16xf32>,
      %get3A_277 = vector.shape_cast %get3A_276 : vector<16xf32> to vector<16xf32>
      %get3A_278 = arith.constant 80 : index
      %get3A_279 = tpu.vector_load %arg10[%get3A_278] {strides = array<i32>} : memref<256xi32, #tpu.memory_space<vmem>>, vector<16xi32>,
      %get3A_280 = vector.shape_cast %get3A_279 : vector<16xi32> to vector<16xi32>
      %gt3A_281 = arith.cmpf ogt, %get3A_277, %select_n3A_273 : vector<16xf32>
      %eq3A_282 = arith.cmpf oeq, %get3A_277, %select_n3A_273 : vector<16xf32>
      %lt3A_283 = arith.cmpi slt, %get3A_280, %select_n3A_274 : vector<16xi32>
      %and3A_284 = arith.andi %eq3A_282, %lt3A_283 : vector<16xi1>
      %or3A_285 = arith.ori %gt3A_281, %and3A_284 : vector<16xi1>
      %select_n3A_286 = arith.select %or3A_285, %get3A_277, %select_n3A_273 : vector<16xi1>, vector<16xf32>
      %select_n3A_287 = arith.select %or3A_285, %get3A_280, %select_n3A_274 : vector<16xi1>, vector<16xi32>
      %get3A_288 = arith.constant 96 : index
      %get3A_289 = tpu.vector_load %arg9[%get3A_288] {strides = array<i32>} : memref<256xf32, #tpu.memory_space<vmem>>, vector<16xf32>,
      %get3A_290 = vector.shape_cast %get3A_289 : vector<16xf32> to vector<16xf32>
      %get3A_291 = arith.constant 96 : index
      %get3A_292 = tpu.vector_load %arg10[%get3A_291] {strides = array<i32>} : memref<256xi32, #tpu.memory_space<vmem>>, vector<16xi32>,
      %get3A_293 = vector.shape_cast %get3A_292 : vector<16xi32> to vector<16xi32>
      %gt3A_294 = arith.cmpf ogt, %get3A_290, %select_n3A_286 : vector<16xf32>
      %eq3A_295 = arith.cmpf oeq, %get3A_290, %select_n3A_286 : vector<16xf32>
      %lt3A_296 = arith.cmpi slt, %get3A_293, %select_n3A_287 : vector<16xi32>
      %and3A_297 = arith.andi %eq3A_295, %lt3A_296 : vector<16xi1>
      %or3A_298 = arith.ori %gt3A_294, %and3A_297 : vector<16xi1>
      %select_n3A_299 = arith.select %or3A_298, %get3A_290, %select_n3A_286 : vector<16xi1>, vector<16xf32>
      %select_n3A_300 = arith.select %or3A_298, %get3A_293, %select_n3A_287 : vector<16xi1>, vector<16xi32>
      %get3A_301 = arith.constant 112 : index
      %get3A_302 = tpu.vector_load %arg9[%get3A_301] {strides = array<i32>} : memref<256xf32, #tpu.memory_space<vmem>>, vector<16xf32>,
      %get3A_303 = vector.shape_cast %get3A_302 : vector<16xf32> to vector<16xf32>
      %get3A_304 = arith.constant 112 : index
      %get3A_305 = tpu.vector_load %arg10[%get3A_304] {strides = array<i32>} : memref<256xi32, #tpu.memory_space<vmem>>, vector<16xi32>,
      %get3A_306 = vector.shape_cast %get3A_305 : vector<16xi32> to vector<16xi32>
      %gt3A_307 = arith.cmpf ogt, %get3A_303, %select_n3A_299 : vector<16xf32>
      %eq3A_308 = arith.cmpf oeq, %get3A_303, %select_n3A_299 : vector<16xf32>
      %lt3A_309 = arith.cmpi slt, %get3A_306, %select_n3A_300 : vector<16xi32>
      %and3A_310 = arith.andi %eq3A_308, %lt3A_309 : vector<16xi1>
      %or3A_311 = arith.ori %gt3A_307, %and3A_310 : vector<16xi1>
      %select_n3A_312 = arith.select %or3A_311, %get3A_303, %select_n3A_299 : vector<16xi1>, vector<16xf32>
      %select_n3A_313 = arith.select %or3A_311, %get3A_306, %select_n3A_300 : vector<16xi1>, vector<16xi32>
      %get3A_314 = arith.constant 128 : index
      %get3A_315 = tpu.vector_load %arg9[%get3A_314] {strides = array<i32>} : memref<256xf32, #tpu.memory_space<vmem>>, vector<16xf32>,
      %get3A_316 = vector.shape_cast %get3A_315 : vector<16xf32> to vector<16xf32>
      %get3A_317 = arith.constant 128 : index
      %get3A_318 = tpu.vector_load %arg10[%get3A_317] {strides = array<i32>} : memref<256xi32, #tpu.memory_space<vmem>>, vector<16xi32>,
      %get3A_319 = vector.shape_cast %get3A_318 : vector<16xi32> to vector<16xi32>
      %gt3A_320 = arith.cmpf ogt, %get3A_316, %select_n3A_312 : vector<16xf32>
      %eq3A_321 = arith.cmpf oeq, %get3A_316, %select_n3A_312 : vector<16xf32>
      %lt3A_322 = arith.cmpi slt, %get3A_319, %select_n3A_313 : vector<16xi32>
      %and3A_323 = arith.andi %eq3A_321, %lt3A_322 : vector<16xi1>
      %or3A_324 = arith.ori %gt3A_320, %and3A_323 : vector<16xi1>
      %select_n3A_325 = arith.select %or3A_324, %get3A_316, %select_n3A_312 : vector<16xi1>, vector<16xf32>
      %select_n3A_326 = arith.select %or3A_324, %get3A_319, %select_n3A_313 : vector<16xi1>, vector<16xi32>
      %get3A_327 = arith.constant 144 : index
      %get3A_328 = tpu.vector_load %arg9[%get3A_327] {strides = array<i32>} : memref<256xf32, #tpu.memory_space<vmem>>, vector<16xf32>,
      %get3A_329 = vector.shape_cast %get3A_328 : vector<16xf32> to vector<16xf32>
      %get3A_330 = arith.constant 144 : index
      %get3A_331 = tpu.vector_load %arg10[%get3A_330] {strides = array<i32>} : memref<256xi32, #tpu.memory_space<vmem>>, vector<16xi32>,
      %get3A_332 = vector.shape_cast %get3A_331 : vector<16xi32> to vector<16xi32>
      %gt3A_333 = arith.cmpf ogt, %get3A_329, %select_n3A_325 : vector<16xf32>
      %eq3A_334 = arith.cmpf oeq, %get3A_329, %select_n3A_325 : vector<16xf32>
      %lt3A_335 = arith.cmpi slt, %get3A_332, %select_n3A_326 : vector<16xi32>
      %and3A_336 = arith.andi %eq3A_334, %lt3A_335 : vector<16xi1>
      %or3A_337 = arith.ori %gt3A_333, %and3A_336 : vector<16xi1>
      %select_n3A_338 = arith.select %or3A_337, %get3A_329, %select_n3A_325 : vector<16xi1>, vector<16xf32>
      %select_n3A_339 = arith.select %or3A_337, %get3A_332, %select_n3A_326 : vector<16xi1>, vector<16xi32>
      %get3A_340 = arith.constant 160 : index
      %get3A_341 = tpu.vector_load %arg9[%get3A_340] {strides = array<i32>} : memref<256xf32, #tpu.memory_space<vmem>>, vector<16xf32>,
      %get3A_342 = vector.shape_cast %get3A_341 : vector<16xf32> to vector<16xf32>
      %get3A_343 = arith.constant 160 : index
      %get3A_344 = tpu.vector_load %arg10[%get3A_343] {strides = array<i32>} : memref<256xi32, #tpu.memory_space<vmem>>, vector<16xi32>,
      %get3A_345 = vector.shape_cast %get3A_344 : vector<16xi32> to vector<16xi32>
      %gt3A_346 = arith.cmpf ogt, %get3A_342, %select_n3A_338 : vector<16xf32>
      %eq3A_347 = arith.cmpf oeq, %get3A_342, %select_n3A_338 : vector<16xf32>
      %lt3A_348 = arith.cmpi slt, %get3A_345, %select_n3A_339 : vector<16xi32>
      %and3A_349 = arith.andi %eq3A_347, %lt3A_348 : vector<16xi1>
      %or3A_350 = arith.ori %gt3A_346, %and3A_349 : vector<16xi1>
      %select_n3A_351 = arith.select %or3A_350, %get3A_342, %select_n3A_338 : vector<16xi1>, vector<16xf32>
      %select_n3A_352 = arith.select %or3A_350, %get3A_345, %select_n3A_339 : vector<16xi1>, vector<16xi32>
      %get3A_353 = arith.constant 176 : index
      %get3A_354 = tpu.vector_load %arg9[%get3A_353] {strides = array<i32>} : memref<256xf32, #tpu.memory_space<vmem>>, vector<16xf32>,
      %get3A_355 = vector.shape_cast %get3A_354 : vector<16xf32> to vector<16xf32>
      %get3A_356 = arith.constant 176 : index
      %get3A_357 = tpu.vector_load %arg10[%get3A_356] {strides = array<i32>} : memref<256xi32, #tpu.memory_space<vmem>>, vector<16xi32>,
      %get3A_358 = vector.shape_cast %get3A_357 : vector<16xi32> to vector<16xi32>
      %gt3A_359 = arith.cmpf ogt, %get3A_355, %select_n3A_351 : vector<16xf32>
      %eq3A_360 = arith.cmpf oeq, %get3A_355, %select_n3A_351 : vector<16xf32>
      %lt3A_361 = arith.cmpi slt, %get3A_358, %select_n3A_352 : vector<16xi32>
      %and3A_362 = arith.andi %eq3A_360, %lt3A_361 : vector<16xi1>
      %or3A_363 = arith.ori %gt3A_359, %and3A_362 : vector<16xi1>
      %select_n3A_364 = arith.select %or3A_363, %get3A_355, %select_n3A_351 : vector<16xi1>, vector<16xf32>
      %select_n3A_365 = arith.select %or3A_363, %get3A_358, %select_n3A_352 : vector<16xi1>, vector<16xi32>
      %get3A_366 = arith.constant 192 : index
      %get3A_367 = tpu.vector_load %arg9[%get3A_366] {strides = array<i32>} : memref<256xf32, #tpu.memory_space<vmem>>, vector<16xf32>,
      %get3A_368 = vector.shape_cast %get3A_367 : vector<16xf32> to vector<16xf32>
      %get3A_369 = arith.constant 192 : index
      %get3A_370 = tpu.vector_load %arg10[%get3A_369] {strides = array<i32>} : memref<256xi32, #tpu.memory_space<vmem>>, vector<16xi32>,
      %get3A_371 = vector.shape_cast %get3A_370 : vector<16xi32> to vector<16xi32>
      %gt3A_372 = arith.cmpf ogt, %get3A_368, %select_n3A_364 : vector<16xf32>
      %eq3A_373 = arith.cmpf oeq, %get3A_368, %select_n3A_364 : vector<16xf32>
      %lt3A_374 = arith.cmpi slt, %get3A_371, %select_n3A_365 : vector<16xi32>
      %and3A_375 = arith.andi %eq3A_373, %lt3A_374 : vector<16xi1>
      %or3A_376 = arith.ori %gt3A_372, %and3A_375 : vector<16xi1>
      %select_n3A_377 = arith.select %or3A_376, %get3A_368, %select_n3A_364 : vector<16xi1>, vector<16xf32>
      %select_n3A_378 = arith.select %or3A_376, %get3A_371, %select_n3A_365 : vector<16xi1>, vector<16xi32>
      %get3A_379 = arith.constant 208 : index
      %get3A_380 = tpu.vector_load %arg9[%get3A_379] {strides = array<i32>} : memref<256xf32, #tpu.memory_space<vmem>>, vector<16xf32>,
      %get3A_381 = vector.shape_cast %get3A_380 : vector<16xf32> to vector<16xf32>
      %get3A_382 = arith.constant 208 : index
      %get3A_383 = tpu.vector_load %arg10[%get3A_382] {strides = array<i32>} : memref<256xi32, #tpu.memory_space<vmem>>, vector<16xi32>,
      %get3A_384 = vector.shape_cast %get3A_383 : vector<16xi32> to vector<16xi32>
      %gt3A_385 = arith.cmpf ogt, %get3A_381, %select_n3A_377 : vector<16xf32>
      %eq3A_386 = arith.cmpf oeq, %get3A_381, %select_n3A_377 : vector<16xf32>
      %lt3A_387 = arith.cmpi slt, %get3A_384, %select_n3A_378 : vector<16xi32>
      %and3A_388 = arith.andi %eq3A_386, %lt3A_387 : vector<16xi1>
      %or3A_389 = arith.ori %gt3A_385, %and3A_388 : vector<16xi1>
      %select_n3A_390 = arith.select %or3A_389, %get3A_381, %select_n3A_377 : vector<16xi1>, vector<16xf32>
      %select_n3A_391 = arith.select %or3A_389, %get3A_384, %select_n3A_378 : vector<16xi1>, vector<16xi32>
      %get3A_392 = arith.constant 224 : index
      %get3A_393 = tpu.vector_load %arg9[%get3A_392] {strides = array<i32>} : memref<256xf32, #tpu.memory_space<vmem>>, vector<16xf32>,
      %get3A_394 = vector.shape_cast %get3A_393 : vector<16xf32> to vector<16xf32>
      %get3A_395 = arith.constant 224 : index
      %get3A_396 = tpu.vector_load %arg10[%get3A_395] {strides = array<i32>} : memref<256xi32, #tpu.memory_space<vmem>>, vector<16xi32>,
      %get3A_397 = vector.shape_cast %get3A_396 : vector<16xi32> to vector<16xi32>
      %gt3A_398 = arith.cmpf ogt, %get3A_394, %select_n3A_390 : vector<16xf32>
      %eq3A_399 = arith.cmpf oeq, %get3A_394, %select_n3A_390 : vector<16xf32>
      %lt3A_400 = arith.cmpi slt, %get3A_397, %select_n3A_391 : vector<16xi32>
      %and3A_401 = arith.andi %eq3A_399, %lt3A_400 : vector<16xi1>
      %or3A_402 = arith.ori %gt3A_398, %and3A_401 : vector<16xi1>
      %select_n3A_403 = arith.select %or3A_402, %get3A_394, %select_n3A_390 : vector<16xi1>, vector<16xf32>
      %select_n3A_404 = arith.select %or3A_402, %get3A_397, %select_n3A_391 : vector<16xi1>, vector<16xi32>
      %get3A_405 = arith.constant 240 : index
      %get3A_406 = tpu.vector_load %arg9[%get3A_405] {strides = array<i32>} : memref<256xf32, #tpu.memory_space<vmem>>, vector<16xf32>,
      %get3A_407 = vector.shape_cast %get3A_406 : vector<16xf32> to vector<16xf32>
      %get3A_408 = arith.constant 240 : index
      %get3A_409 = tpu.vector_load %arg10[%get3A_408] {strides = array<i32>} : memref<256xi32, #tpu.memory_space<vmem>>, vector<16xi32>,
      %get3A_410 = vector.shape_cast %get3A_409 : vector<16xi32> to vector<16xi32>
      %gt3A_411 = arith.cmpf ogt, %get3A_407, %select_n3A_403 : vector<16xf32>
      %eq3A_412 = arith.cmpf oeq, %get3A_407, %select_n3A_403 : vector<16xf32>
      %lt3A_413 = arith.cmpi slt, %get3A_410, %select_n3A_404 : vector<16xi32>
      %and3A_414 = arith.andi %eq3A_412, %lt3A_413 : vector<16xi1>
      %or3A_415 = arith.ori %gt3A_411, %and3A_414 : vector<16xi1>
      %select_n3A_416 = arith.select %or3A_415, %get3A_407, %select_n3A_403 : vector<16xi1>, vector<16xf32>
      %select_n3A_417 = arith.select %or3A_415, %get3A_410, %select_n3A_404 : vector<16xi1>, vector<16xi32>
      %swap3A_418 = arith.constant 0 : index
      %swap3A_419 = tpu.vector_load %arg7[%swap3A_418] {strides = array<i32>} : memref<128xf32, #tpu.memory_space<vmem>>, vector<16xf32>,
      %swap3A_420 = vector.shape_cast %swap3A_419 : vector<16xf32> to vector<16xf32>
      %swap3A_421 = vector.shape_cast %select_n3A_416 : vector<16xf32> to vector<16xf32>
      tpu.vector_store %arg7[%swap3A_418], %swap3A_421 {strides = array<i32>} : memref<128xf32, #tpu.memory_space<vmem>>, vector<16xf32>,
      %swap3A_422 = arith.constant 0 : index
      %swap3A_423 = tpu.vector_load %arg8[%swap3A_422] {strides = array<i32>} : memref<128xi32, #tpu.memory_space<vmem>>, vector<16xi32>,
      %swap3A_424 = vector.shape_cast %swap3A_423 : vector<16xi32> to vector<16xi32>
      %swap3A_425 = vector.shape_cast %select_n3A_417 : vector<16xi32> to vector<16xi32>
      tpu.vector_store %arg8[%swap3A_422], %swap3A_425 {strides = array<i32>} : memref<128xi32, #tpu.memory_space<vmem>>, vector<16xi32>,
      %mul3A_426 = arith.constant 128 : i32
      %mul3A_427 = arith.muli %arg0, %mul3A_426 : i32
      %mul3A_428 = arith.constant 16 : i32
      %mul3A_429 = arith.muli %arg1, %mul3A_428 : i32
      %add3A_430 = arith.addi %mul3A_427, %mul3A_429 : i32
      %multiple_of3A_431 = tpu.assume_multiple %add3A_430, 16 : i32
      "tpu.region"() ({
        %run_scoped3A = tpu.sem_alloc : memref<!tpu.dma_semaphore, #tpu.memory_space<semaphore_mem>>
        %dma_start3A_432 = arith.constant 0 : i32
        %dma_start3A_433 = tpu.memref_slice %arg7[%dma_start3A_432] : memref<128xf32, #tpu.memory_space<vmem>> -> memref<16xf32, #tpu.memory_space<vmem>>
        %dma_start3A_434 = tpu.memref_slice %arg3[%multiple_of3A_431] : memref<256xf32, #tpu.memory_space<hbm>> -> memref<16xf32, #tpu.memory_space<hbm>>
        %dma_start3A_435 = tpu.memref_slice %arg3[%multiple_of3A_431] : memref<256xf32, #tpu.memory_space<hbm>> -> memref<16xf32, #tpu.memory_space<hbm>>
        %dma_start3A_436 = arith.constant 0 : i32
        %dma_start3A_437 = tpu.memref_slice %arg7[%dma_start3A_436] : memref<128xf32, #tpu.memory_space<vmem>> -> memref<16xf32, #tpu.memory_space<vmem>>
        tpu.enqueue_dma source(%dma_start3A_437 : memref<16xf32, #tpu.memory_space<vmem>>) target(%dma_start3A_435 : memref<16xf32, #tpu.memory_space<hbm>>) target_semaphore(%run_scoped3A : memref<!tpu.dma_semaphore, #tpu.memory_space<semaphore_mem>>)
        %dma_wait3A_438 = arith.constant 0 : i32
        %dma_wait3A_439 = tpu.memref_slice %arg7[%dma_wait3A_438] : memref<128xf32, #tpu.memory_space<vmem>> -> memref<16xf32, #tpu.memory_space<vmem>>
        %dma_wait3A_440 = tpu.memref_slice %arg3[%multiple_of3A_431] : memref<256xf32, #tpu.memory_space<hbm>> -> memref<16xf32, #tpu.memory_space<hbm>>
        %dma_wait3A_441 = tpu.memref_slice %arg3[%multiple_of3A_431] : memref<256xf32, #tpu.memory_space<hbm>> -> memref<16xf32, #tpu.memory_space<hbm>>
        %dma_wait3A_442 = arith.constant 0 : i32
        %dma_wait3A_443 = tpu.memref_slice %arg7[%dma_wait3A_442] : memref<128xf32, #tpu.memory_space<vmem>> -> memref<16xf32, #tpu.memory_space<vmem>>
        tpu.wait_dma2 semaphore(%run_scoped3A : memref<!tpu.dma_semaphore, #tpu.memory_space<semaphore_mem>>) src(%dma_wait3A_443 : memref<16xf32, #tpu.memory_space<vmem>>) dst(%dma_wait3A_441 : memref<16xf32, #tpu.memory_space<hbm>>)
        tpu.yield
      }) : () -> ()
      "tpu.region"() ({
        %run_scoped3A = tpu.sem_alloc : memref<!tpu.dma_semaphore, #tpu.memory_space<semaphore_mem>>
        %dma_start3A_432 = arith.constant 0 : i32
        %dma_start3A_433 = tpu.memref_slice %arg8[%dma_start3A_432] : memref<128xi32, #tpu.memory_space<vmem>> -> memref<16xi32, #tpu.memory_space<vmem>>
        %dma_start3A_434 = tpu.memref_slice %arg4[%multiple_of3A_431] : memref<256xi32, #tpu.memory_space<hbm>> -> memref<16xi32, #tpu.memory_space<hbm>>
        %dma_start3A_435 = tpu.memref_slice %arg4[%multiple_of3A_431] : memref<256xi32, #tpu.memory_space<hbm>> -> memref<16xi32, #tpu.memory_space<hbm>>
        %dma_start3A_436 = arith.constant 0 : i32
        %dma_start3A_437 = tpu.memref_slice %arg8[%dma_start3A_436] : memref<128xi32, #tpu.memory_space<vmem>> -> memref<16xi32, #tpu.memory_space<vmem>>
        tpu.enqueue_dma source(%dma_start3A_437 : memref<16xi32, #tpu.memory_space<vmem>>) target(%dma_start3A_435 : memref<16xi32, #tpu.memory_space<hbm>>) target_semaphore(%run_scoped3A : memref<!tpu.dma_semaphore, #tpu.memory_space<semaphore_mem>>)
        %dma_wait3A_438 = arith.constant 0 : i32
        %dma_wait3A_439 = tpu.memref_slice %arg8[%dma_wait3A_438] : memref<128xi32, #tpu.memory_space<vmem>> -> memref<16xi32, #tpu.memory_space<vmem>>
        %dma_wait3A_440 = tpu.memref_slice %arg4[%multiple_of3A_431] : memref<256xi32, #tpu.memory_space<hbm>> -> memref<16xi32, #tpu.memory_space<hbm>>
        %dma_wait3A_441 = tpu.memref_slice %arg4[%multiple_of3A_431] : memref<256xi32, #tpu.memory_space<hbm>> -> memref<16xi32, #tpu.memory_space<hbm>>
        %dma_wait3A_442 = arith.constant 0 : i32
        %dma_wait3A_443 = tpu.memref_slice %arg8[%dma_wait3A_442] : memref<128xi32, #tpu.memory_space<vmem>> -> memref<16xi32, #tpu.memory_space<vmem>>
        tpu.wait_dma2 semaphore(%run_scoped3A : memref<!tpu.dma_semaphore, #tpu.memory_space<semaphore_mem>>) src(%dma_wait3A_443 : memref<16xi32, #tpu.memory_space<vmem>>) dst(%dma_wait3A_441 : memref<16xi32, #tpu.memory_space<hbm>>)
        tpu.yield
      }) : () -> ()
    } else {
    }
    return
  }
}

module attributes {stable_mosaic.version = 14 : i64} {
  func.func @_tc_body(%arg0: i32, %arg1: memref<4000x128xf32, #tpu.memory_space<vmem>>, %arg2: memref<1x1x128xf32, #tpu.memory_space<vmem>>, %arg3: memref<1x1x128xi32, #tpu.memory_space<vmem>>) attributes {dimension_semantics = [#tpu.dimension_semantics<arbitrary>], iteration_bounds = array<i64: 17>, scalar_prefetch = 0 : i64, scratch_operands = 0 : i64, tpu.core_type = #tpu.core_type<tc>, window_params = [{transform_indices = @transform_0, window_bounds = array<i64: 4000, 128>}, {pipeline_mode = #tpu.pipeline_mode<synchronous>, transform_indices = @transform_1, window_bounds = array<i64: 1, 1, 128>}, {pipeline_mode = #tpu.pipeline_mode<synchronous>, transform_indices = @transform_2, window_bounds = array<i64: 1, 1, 128>}]} {
    %add3A = arith.constant 8 : i32
    %add3A_0 = arith.addi %arg0, %add3A : i32
    %mul3A = arith.constant 4000 : i32
    %mul3A_1 = arith.muli %add3A_0, %mul3A : i32
    %get3A = arith.constant 0 : index
    %get3A_2 = arith.constant 0 : index
    %get3A_3 = vector.load %arg1[%get3A, %get3A_2] : memref<4000x128xf32, #tpu.memory_space<vmem>>, vector<8x128xf32>
    %broadcast_in_dim3A = arith.constant 0 : i32
    %broadcast_in_dim3A_4 = vector.broadcast %broadcast_in_dim3A : i32 to vector<8x128xi32>
    %get3A_5 = arith.constant 8 : index
    %get3A_6 = arith.constant 0 : index
    %get3A_7 = vector.load %arg1[%get3A_5, %get3A_6] : memref<4000x128xf32, #tpu.memory_space<vmem>>, vector<8x128xf32>
    %broadcast_in_dim3A_8 = arith.constant 1 : i32
    %broadcast_in_dim3A_9 = vector.broadcast %broadcast_in_dim3A_8 : i32 to vector<8x128xi32>
    %get3A_10 = arith.constant 16 : index
    %get3A_11 = arith.constant 0 : index
    %get3A_12 = vector.load %arg1[%get3A_10, %get3A_11] : memref<4000x128xf32, #tpu.memory_space<vmem>>, vector<8x128xf32>
    %broadcast_in_dim3A_13 = arith.constant 2 : i32
    %broadcast_in_dim3A_14 = vector.broadcast %broadcast_in_dim3A_13 : i32 to vector<8x128xi32>
    %get3A_15 = arith.constant 24 : index
    %get3A_16 = arith.constant 0 : index
    %get3A_17 = vector.load %arg1[%get3A_15, %get3A_16] : memref<4000x128xf32, #tpu.memory_space<vmem>>, vector<8x128xf32>
    %broadcast_in_dim3A_18 = arith.constant 3 : i32
    %broadcast_in_dim3A_19 = vector.broadcast %broadcast_in_dim3A_18 : i32 to vector<8x128xi32>
    %get3A_20 = arith.constant 32 : index
    %get3A_21 = arith.constant 0 : index
    %get3A_22 = vector.load %arg1[%get3A_20, %get3A_21] : memref<4000x128xf32, #tpu.memory_space<vmem>>, vector<8x128xf32>
    %broadcast_in_dim3A_23 = arith.constant 4 : i32
    %broadcast_in_dim3A_24 = vector.broadcast %broadcast_in_dim3A_23 : i32 to vector<8x128xi32>
    %get3A_25 = arith.constant 40 : index
    %get3A_26 = arith.constant 0 : index
    %get3A_27 = vector.load %arg1[%get3A_25, %get3A_26] : memref<4000x128xf32, #tpu.memory_space<vmem>>, vector<8x128xf32>
    %broadcast_in_dim3A_28 = arith.constant 5 : i32
    %broadcast_in_dim3A_29 = vector.broadcast %broadcast_in_dim3A_28 : i32 to vector<8x128xi32>
    %get3A_30 = arith.constant 48 : index
    %get3A_31 = arith.constant 0 : index
    %get3A_32 = vector.load %arg1[%get3A_30, %get3A_31] : memref<4000x128xf32, #tpu.memory_space<vmem>>, vector<8x128xf32>
    %broadcast_in_dim3A_33 = arith.constant 6 : i32
    %broadcast_in_dim3A_34 = vector.broadcast %broadcast_in_dim3A_33 : i32 to vector<8x128xi32>
    %get3A_35 = arith.constant 56 : index
    %get3A_36 = arith.constant 0 : index
    %get3A_37 = vector.load %arg1[%get3A_35, %get3A_36] : memref<4000x128xf32, #tpu.memory_space<vmem>>, vector<8x128xf32>
    %broadcast_in_dim3A_38 = arith.constant 7 : i32
    %broadcast_in_dim3A_39 = vector.broadcast %broadcast_in_dim3A_38 : i32 to vector<8x128xi32>
    %get3A_40 = arith.constant 64 : index
    %get3A_41 = arith.constant 0 : index
    %get3A_42 = vector.load %arg1[%get3A_40, %get3A_41] : memref<4000x128xf32, #tpu.memory_space<vmem>>, vector<8x128xf32>
    %broadcast_in_dim3A_43 = arith.constant 8 : i32
    %broadcast_in_dim3A_44 = vector.broadcast %broadcast_in_dim3A_43 : i32 to vector<8x128xi32>
    %get3A_45 = arith.constant 72 : index
    %get3A_46 = arith.constant 0 : index
    %get3A_47 = vector.load %arg1[%get3A_45, %get3A_46] : memref<4000x128xf32, #tpu.memory_space<vmem>>, vector<8x128xf32>
    %broadcast_in_dim3A_48 = arith.constant 9 : i32
    %broadcast_in_dim3A_49 = vector.broadcast %broadcast_in_dim3A_48 : i32 to vector<8x128xi32>
    %get3A_50 = arith.constant 80 : index
    %get3A_51 = arith.constant 0 : index
    %get3A_52 = vector.load %arg1[%get3A_50, %get3A_51] : memref<4000x128xf32, #tpu.memory_space<vmem>>, vector<8x128xf32>
    %gt3A = arith.cmpf ogt, %get3A_52, %get3A_3 : vector<8x128xf32>
    %select_n3A = arith.select %gt3A, %get3A_52, %get3A_3 : vector<8x128xi1>, vector<8x128xf32>
    %jit3A = arith.constant 10 : i32
    %broadcast_in_dim3A_53 = vector.broadcast %jit3A : i32 to vector<8x128xi32>
    %select_n3A_54 = arith.select %gt3A, %broadcast_in_dim3A_53, %broadcast_in_dim3A_4 : vector<8x128xi1>, vector<8x128xi32>
    %get3A_55 = arith.constant 88 : index
    %get3A_56 = arith.constant 0 : index
    %get3A_57 = vector.load %arg1[%get3A_55, %get3A_56] : memref<4000x128xf32, #tpu.memory_space<vmem>>, vector<8x128xf32>
    %gt3A_58 = arith.cmpf ogt, %get3A_57, %get3A_7 : vector<8x128xf32>
    %select_n3A_59 = arith.select %gt3A_58, %get3A_57, %get3A_7 : vector<8x128xi1>, vector<8x128xf32>
    %jit3A_60 = arith.constant 11 : i32
    %broadcast_in_dim3A_61 = vector.broadcast %jit3A_60 : i32 to vector<8x128xi32>
    %select_n3A_62 = arith.select %gt3A_58, %broadcast_in_dim3A_61, %broadcast_in_dim3A_9 : vector<8x128xi1>, vector<8x128xi32>
    %get3A_63 = arith.constant 96 : index
    %get3A_64 = arith.constant 0 : index
    %get3A_65 = vector.load %arg1[%get3A_63, %get3A_64] : memref<4000x128xf32, #tpu.memory_space<vmem>>, vector<8x128xf32>
    %gt3A_66 = arith.cmpf ogt, %get3A_65, %get3A_12 : vector<8x128xf32>
    %select_n3A_67 = arith.select %gt3A_66, %get3A_65, %get3A_12 : vector<8x128xi1>, vector<8x128xf32>
    %jit3A_68 = arith.constant 12 : i32
    %broadcast_in_dim3A_69 = vector.broadcast %jit3A_68 : i32 to vector<8x128xi32>
    %select_n3A_70 = arith.select %gt3A_66, %broadcast_in_dim3A_69, %broadcast_in_dim3A_14 : vector<8x128xi1>, vector<8x128xi32>
    %get3A_71 = arith.constant 104 : index
    %get3A_72 = arith.constant 0 : index
    %get3A_73 = vector.load %arg1[%get3A_71, %get3A_72] : memref<4000x128xf32, #tpu.memory_space<vmem>>, vector<8x128xf32>
    %gt3A_74 = arith.cmpf ogt, %get3A_73, %get3A_17 : vector<8x128xf32>
    %select_n3A_75 = arith.select %gt3A_74, %get3A_73, %get3A_17 : vector<8x128xi1>, vector<8x128xf32>
    %jit3A_76 = arith.constant 13 : i32
    %broadcast_in_dim3A_77 = vector.broadcast %jit3A_76 : i32 to vector<8x128xi32>
    %select_n3A_78 = arith.select %gt3A_74, %broadcast_in_dim3A_77, %broadcast_in_dim3A_19 : vector<8x128xi1>, vector<8x128xi32>
    %get3A_79 = arith.constant 112 : index
    %get3A_80 = arith.constant 0 : index
    %get3A_81 = vector.load %arg1[%get3A_79, %get3A_80] : memref<4000x128xf32, #tpu.memory_space<vmem>>, vector<8x128xf32>
    %gt3A_82 = arith.cmpf ogt, %get3A_81, %get3A_22 : vector<8x128xf32>
    %select_n3A_83 = arith.select %gt3A_82, %get3A_81, %get3A_22 : vector<8x128xi1>, vector<8x128xf32>
    %jit3A_84 = arith.constant 14 : i32
    %broadcast_in_dim3A_85 = vector.broadcast %jit3A_84 : i32 to vector<8x128xi32>
    %select_n3A_86 = arith.select %gt3A_82, %broadcast_in_dim3A_85, %broadcast_in_dim3A_24 : vector<8x128xi1>, vector<8x128xi32>
    %get3A_87 = arith.constant 120 : index
    %get3A_88 = arith.constant 0 : index
    %get3A_89 = vector.load %arg1[%get3A_87, %get3A_88] : memref<4000x128xf32, #tpu.memory_space<vmem>>, vector<8x128xf32>
    %gt3A_90 = arith.cmpf ogt, %get3A_89, %get3A_27 : vector<8x128xf32>
    %select_n3A_91 = arith.select %gt3A_90, %get3A_89, %get3A_27 : vector<8x128xi1>, vector<8x128xf32>
    %jit3A_92 = arith.constant 15 : i32
    %broadcast_in_dim3A_93 = vector.broadcast %jit3A_92 : i32 to vector<8x128xi32>
    %select_n3A_94 = arith.select %gt3A_90, %broadcast_in_dim3A_93, %broadcast_in_dim3A_29 : vector<8x128xi1>, vector<8x128xi32>
    %get3A_95 = arith.constant 128 : index
    %get3A_96 = arith.constant 0 : index
    %get3A_97 = vector.load %arg1[%get3A_95, %get3A_96] : memref<4000x128xf32, #tpu.memory_space<vmem>>, vector<8x128xf32>
    %gt3A_98 = arith.cmpf ogt, %get3A_97, %get3A_32 : vector<8x128xf32>
    %select_n3A_99 = arith.select %gt3A_98, %get3A_97, %get3A_32 : vector<8x128xi1>, vector<8x128xf32>
    %jit3A_100 = arith.constant 16 : i32
    %broadcast_in_dim3A_101 = vector.broadcast %jit3A_100 : i32 to vector<8x128xi32>
    %select_n3A_102 = arith.select %gt3A_98, %broadcast_in_dim3A_101, %broadcast_in_dim3A_34 : vector<8x128xi1>, vector<8x128xi32>
    %get3A_103 = arith.constant 136 : index
    %get3A_104 = arith.constant 0 : index
    %get3A_105 = vector.load %arg1[%get3A_103, %get3A_104] : memref<4000x128xf32, #tpu.memory_space<vmem>>, vector<8x128xf32>
    %gt3A_106 = arith.cmpf ogt, %get3A_105, %get3A_37 : vector<8x128xf32>
    %select_n3A_107 = arith.select %gt3A_106, %get3A_105, %get3A_37 : vector<8x128xi1>, vector<8x128xf32>
    %jit3A_108 = arith.constant 17 : i32
    %broadcast_in_dim3A_109 = vector.broadcast %jit3A_108 : i32 to vector<8x128xi32>
    %select_n3A_110 = arith.select %gt3A_106, %broadcast_in_dim3A_109, %broadcast_in_dim3A_39 : vector<8x128xi1>, vector<8x128xi32>
    %get3A_111 = arith.constant 144 : index
    %get3A_112 = arith.constant 0 : index
    %get3A_113 = vector.load %arg1[%get3A_111, %get3A_112] : memref<4000x128xf32, #tpu.memory_space<vmem>>, vector<8x128xf32>
    %gt3A_114 = arith.cmpf ogt, %get3A_113, %get3A_42 : vector<8x128xf32>
    %select_n3A_115 = arith.select %gt3A_114, %get3A_113, %get3A_42 : vector<8x128xi1>, vector<8x128xf32>
    %jit3A_116 = arith.constant 18 : i32
    %broadcast_in_dim3A_117 = vector.broadcast %jit3A_116 : i32 to vector<8x128xi32>
    %select_n3A_118 = arith.select %gt3A_114, %broadcast_in_dim3A_117, %broadcast_in_dim3A_44 : vector<8x128xi1>, vector<8x128xi32>
    %get3A_119 = arith.constant 152 : index
    %get3A_120 = arith.constant 0 : index
    %get3A_121 = vector.load %arg1[%get3A_119, %get3A_120] : memref<4000x128xf32, #tpu.memory_space<vmem>>, vector<8x128xf32>
    %gt3A_122 = arith.cmpf ogt, %get3A_121, %get3A_47 : vector<8x128xf32>
    %select_n3A_123 = arith.select %gt3A_122, %get3A_121, %get3A_47 : vector<8x128xi1>, vector<8x128xf32>
    %jit3A_124 = arith.constant 19 : i32
    %broadcast_in_dim3A_125 = vector.broadcast %jit3A_124 : i32 to vector<8x128xi32>
    %select_n3A_126 = arith.select %gt3A_122, %broadcast_in_dim3A_125, %broadcast_in_dim3A_49 : vector<8x128xi1>, vector<8x128xi32>
    %get3A_127 = arith.constant 160 : index
    %get3A_128 = arith.constant 0 : index
    %get3A_129 = vector.load %arg1[%get3A_127, %get3A_128] : memref<4000x128xf32, #tpu.memory_space<vmem>>, vector<8x128xf32>
    %gt3A_130 = arith.cmpf ogt, %get3A_129, %select_n3A : vector<8x128xf32>
    %select_n3A_131 = arith.select %gt3A_130, %get3A_129, %select_n3A : vector<8x128xi1>, vector<8x128xf32>
    %jit3A_132 = arith.constant 20 : i32
    %broadcast_in_dim3A_133 = vector.broadcast %jit3A_132 : i32 to vector<8x128xi32>
    %select_n3A_134 = arith.select %gt3A_130, %broadcast_in_dim3A_133, %select_n3A_54 : vector<8x128xi1>, vector<8x128xi32>
    %get3A_135 = arith.constant 168 : index
    %get3A_136 = arith.constant 0 : index
    %get3A_137 = vector.load %arg1[%get3A_135, %get3A_136] : memref<4000x128xf32, #tpu.memory_space<vmem>>, vector<8x128xf32>
    %gt3A_138 = arith.cmpf ogt, %get3A_137, %select_n3A_59 : vector<8x128xf32>
    %select_n3A_139 = arith.select %gt3A_138, %get3A_137, %select_n3A_59 : vector<8x128xi1>, vector<8x128xf32>
    %jit3A_140 = arith.constant 21 : i32
    %broadcast_in_dim3A_141 = vector.broadcast %jit3A_140 : i32 to vector<8x128xi32>
    %select_n3A_142 = arith.select %gt3A_138, %broadcast_in_dim3A_141, %select_n3A_62 : vector<8x128xi1>, vector<8x128xi32>
    %get3A_143 = arith.constant 176 : index
    %get3A_144 = arith.constant 0 : index
    %get3A_145 = vector.load %arg1[%get3A_143, %get3A_144] : memref<4000x128xf32, #tpu.memory_space<vmem>>, vector<8x128xf32>
    %gt3A_146 = arith.cmpf ogt, %get3A_145, %select_n3A_67 : vector<8x128xf32>
    %select_n3A_147 = arith.select %gt3A_146, %get3A_145, %select_n3A_67 : vector<8x128xi1>, vector<8x128xf32>
    %jit3A_148 = arith.constant 22 : i32
    %broadcast_in_dim3A_149 = vector.broadcast %jit3A_148 : i32 to vector<8x128xi32>
    %select_n3A_150 = arith.select %gt3A_146, %broadcast_in_dim3A_149, %select_n3A_70 : vector<8x128xi1>, vector<8x128xi32>
    %get3A_151 = arith.constant 184 : index
    %get3A_152 = arith.constant 0 : index
    %get3A_153 = vector.load %arg1[%get3A_151, %get3A_152] : memref<4000x128xf32, #tpu.memory_space<vmem>>, vector<8x128xf32>
    %gt3A_154 = arith.cmpf ogt, %get3A_153, %select_n3A_75 : vector<8x128xf32>
    %select_n3A_155 = arith.select %gt3A_154, %get3A_153, %select_n3A_75 : vector<8x128xi1>, vector<8x128xf32>
    %jit3A_156 = arith.constant 23 : i32
    %broadcast_in_dim3A_157 = vector.broadcast %jit3A_156 : i32 to vector<8x128xi32>
    %select_n3A_158 = arith.select %gt3A_154, %broadcast_in_dim3A_157, %select_n3A_78 : vector<8x128xi1>, vector<8x128xi32>
    %get3A_159 = arith.constant 192 : index
    %get3A_160 = arith.constant 0 : index
    %get3A_161 = vector.load %arg1[%get3A_159, %get3A_160] : memref<4000x128xf32, #tpu.memory_space<vmem>>, vector<8x128xf32>
    %gt3A_162 = arith.cmpf ogt, %get3A_161, %select_n3A_83 : vector<8x128xf32>
    %select_n3A_163 = arith.select %gt3A_162, %get3A_161, %select_n3A_83 : vector<8x128xi1>, vector<8x128xf32>
    %jit3A_164 = arith.constant 24 : i32
    %broadcast_in_dim3A_165 = vector.broadcast %jit3A_164 : i32 to vector<8x128xi32>
    %select_n3A_166 = arith.select %gt3A_162, %broadcast_in_dim3A_165, %select_n3A_86 : vector<8x128xi1>, vector<8x128xi32>
    %get3A_167 = arith.constant 200 : index
    %get3A_168 = arith.constant 0 : index
    %get3A_169 = vector.load %arg1[%get3A_167, %get3A_168] : memref<4000x128xf32, #tpu.memory_space<vmem>>, vector<8x128xf32>
    %gt3A_170 = arith.cmpf ogt, %get3A_169, %select_n3A_91 : vector<8x128xf32>
    %select_n3A_171 = arith.select %gt3A_170, %get3A_169, %select_n3A_91 : vector<8x128xi1>, vector<8x128xf32>
    %jit3A_172 = arith.constant 25 : i32
    %broadcast_in_dim3A_173 = vector.broadcast %jit3A_172 : i32 to vector<8x128xi32>
    %select_n3A_174 = arith.select %gt3A_170, %broadcast_in_dim3A_173, %select_n3A_94 : vector<8x128xi1>, vector<8x128xi32>
    %get3A_175 = arith.constant 208 : index
    %get3A_176 = arith.constant 0 : index
    %get3A_177 = vector.load %arg1[%get3A_175, %get3A_176] : memref<4000x128xf32, #tpu.memory_space<vmem>>, vector<8x128xf32>
    %gt3A_178 = arith.cmpf ogt, %get3A_177, %select_n3A_99 : vector<8x128xf32>
    %select_n3A_179 = arith.select %gt3A_178, %get3A_177, %select_n3A_99 : vector<8x128xi1>, vector<8x128xf32>
    %jit3A_180 = arith.constant 26 : i32
    %broadcast_in_dim3A_181 = vector.broadcast %jit3A_180 : i32 to vector<8x128xi32>
    %select_n3A_182 = arith.select %gt3A_178, %broadcast_in_dim3A_181, %select_n3A_102 : vector<8x128xi1>, vector<8x128xi32>
    %get3A_183 = arith.constant 216 : index
    %get3A_184 = arith.constant 0 : index
    %get3A_185 = vector.load %arg1[%get3A_183, %get3A_184] : memref<4000x128xf32, #tpu.memory_space<vmem>>, vector<8x128xf32>
    %gt3A_186 = arith.cmpf ogt, %get3A_185, %select_n3A_107 : vector<8x128xf32>
    %select_n3A_187 = arith.select %gt3A_186, %get3A_185, %select_n3A_107 : vector<8x128xi1>, vector<8x128xf32>
    %jit3A_188 = arith.constant 27 : i32
    %broadcast_in_dim3A_189 = vector.broadcast %jit3A_188 : i32 to vector<8x128xi32>
    %select_n3A_190 = arith.select %gt3A_186, %broadcast_in_dim3A_189, %select_n3A_110 : vector<8x128xi1>, vector<8x128xi32>
    %get3A_191 = arith.constant 224 : index
    %get3A_192 = arith.constant 0 : index
    %get3A_193 = vector.load %arg1[%get3A_191, %get3A_192] : memref<4000x128xf32, #tpu.memory_space<vmem>>, vector<8x128xf32>
    %gt3A_194 = arith.cmpf ogt, %get3A_193, %select_n3A_115 : vector<8x128xf32>
    %select_n3A_195 = arith.select %gt3A_194, %get3A_193, %select_n3A_115 : vector<8x128xi1>, vector<8x128xf32>
    %jit3A_196 = arith.constant 28 : i32
    %broadcast_in_dim3A_197 = vector.broadcast %jit3A_196 : i32 to vector<8x128xi32>
    %select_n3A_198 = arith.select %gt3A_194, %broadcast_in_dim3A_197, %select_n3A_118 : vector<8x128xi1>, vector<8x128xi32>
    %get3A_199 = arith.constant 232 : index
    %get3A_200 = arith.constant 0 : index
    %get3A_201 = vector.load %arg1[%get3A_199, %get3A_200] : memref<4000x128xf32, #tpu.memory_space<vmem>>, vector<8x128xf32>
    %gt3A_202 = arith.cmpf ogt, %get3A_201, %select_n3A_123 : vector<8x128xf32>
    %select_n3A_203 = arith.select %gt3A_202, %get3A_201, %select_n3A_123 : vector<8x128xi1>, vector<8x128xf32>
    %jit3A_204 = arith.constant 29 : i32
    %broadcast_in_dim3A_205 = vector.broadcast %jit3A_204 : i32 to vector<8x128xi32>
    %select_n3A_206 = arith.select %gt3A_202, %broadcast_in_dim3A_205, %select_n3A_126 : vector<8x128xi1>, vector<8x128xi32>
    %get3A_207 = arith.constant 240 : index
    %get3A_208 = arith.constant 0 : index
    %get3A_209 = vector.load %arg1[%get3A_207, %get3A_208] : memref<4000x128xf32, #tpu.memory_space<vmem>>, vector<8x128xf32>
    %gt3A_210 = arith.cmpf ogt, %get3A_209, %select_n3A_131 : vector<8x128xf32>
    %select_n3A_211 = arith.select %gt3A_210, %get3A_209, %select_n3A_131 : vector<8x128xi1>, vector<8x128xf32>
    %jit3A_212 = arith.constant 30 : i32
    %broadcast_in_dim3A_213 = vector.broadcast %jit3A_212 : i32 to vector<8x128xi32>
    %select_n3A_214 = arith.select %gt3A_210, %broadcast_in_dim3A_213, %select_n3A_134 : vector<8x128xi1>, vector<8x128xi32>
    %get3A_215 = arith.constant 248 : index
    %get3A_216 = arith.constant 0 : index
    %get3A_217 = vector.load %arg1[%get3A_215, %get3A_216] : memref<4000x128xf32, #tpu.memory_space<vmem>>, vector<8x128xf32>
    %gt3A_218 = arith.cmpf ogt, %get3A_217, %select_n3A_139 : vector<8x128xf32>
    %select_n3A_219 = arith.select %gt3A_218, %get3A_217, %select_n3A_139 : vector<8x128xi1>, vector<8x128xf32>
    %jit3A_220 = arith.constant 31 : i32
    %broadcast_in_dim3A_221 = vector.broadcast %jit3A_220 : i32 to vector<8x128xi32>
    %select_n3A_222 = arith.select %gt3A_218, %broadcast_in_dim3A_221, %select_n3A_142 : vector<8x128xi1>, vector<8x128xi32>
    %get3A_223 = arith.constant 256 : index
    %get3A_224 = arith.constant 0 : index
    %get3A_225 = vector.load %arg1[%get3A_223, %get3A_224] : memref<4000x128xf32, #tpu.memory_space<vmem>>, vector<8x128xf32>
    %gt3A_226 = arith.cmpf ogt, %get3A_225, %select_n3A_147 : vector<8x128xf32>
    %select_n3A_227 = arith.select %gt3A_226, %get3A_225, %select_n3A_147 : vector<8x128xi1>, vector<8x128xf32>
    %jit3A_228 = arith.constant 32 : i32
    %broadcast_in_dim3A_229 = vector.broadcast %jit3A_228 : i32 to vector<8x128xi32>
    %select_n3A_230 = arith.select %gt3A_226, %broadcast_in_dim3A_229, %select_n3A_150 : vector<8x128xi1>, vector<8x128xi32>
    %get3A_231 = arith.constant 264 : index
    %get3A_232 = arith.constant 0 : index
    %get3A_233 = vector.load %arg1[%get3A_231, %get3A_232] : memref<4000x128xf32, #tpu.memory_space<vmem>>, vector<8x128xf32>
    %gt3A_234 = arith.cmpf ogt, %get3A_233, %select_n3A_155 : vector<8x128xf32>
    %select_n3A_235 = arith.select %gt3A_234, %get3A_233, %select_n3A_155 : vector<8x128xi1>, vector<8x128xf32>
    %jit3A_236 = arith.constant 33 : i32
    %broadcast_in_dim3A_237 = vector.broadcast %jit3A_236 : i32 to vector<8x128xi32>
    %select_n3A_238 = arith.select %gt3A_234, %broadcast_in_dim3A_237, %select_n3A_158 : vector<8x128xi1>, vector<8x128xi32>
    %get3A_239 = arith.constant 272 : index
    %get3A_240 = arith.constant 0 : index
    %get3A_241 = vector.load %arg1[%get3A_239, %get3A_240] : memref<4000x128xf32, #tpu.memory_space<vmem>>, vector<8x128xf32>
    %gt3A_242 = arith.cmpf ogt, %get3A_241, %select_n3A_163 : vector<8x128xf32>
    %select_n3A_243 = arith.select %gt3A_242, %get3A_241, %select_n3A_163 : vector<8x128xi1>, vector<8x128xf32>
    %jit3A_244 = arith.constant 34 : i32
    %broadcast_in_dim3A_245 = vector.broadcast %jit3A_244 : i32 to vector<8x128xi32>
    %select_n3A_246 = arith.select %gt3A_242, %broadcast_in_dim3A_245, %select_n3A_166 : vector<8x128xi1>, vector<8x128xi32>
    %get3A_247 = arith.constant 280 : index
    %get3A_248 = arith.constant 0 : index
    %get3A_249 = vector.load %arg1[%get3A_247, %get3A_248] : memref<4000x128xf32, #tpu.memory_space<vmem>>, vector<8x128xf32>
    %gt3A_250 = arith.cmpf ogt, %get3A_249, %select_n3A_171 : vector<8x128xf32>
    %select_n3A_251 = arith.select %gt3A_250, %get3A_249, %select_n3A_171 : vector<8x128xi1>, vector<8x128xf32>
    %jit3A_252 = arith.constant 35 : i32
    %broadcast_in_dim3A_253 = vector.broadcast %jit3A_252 : i32 to vector<8x128xi32>
    %select_n3A_254 = arith.select %gt3A_250, %broadcast_in_dim3A_253, %select_n3A_174 : vector<8x128xi1>, vector<8x128xi32>
    %get3A_255 = arith.constant 288 : index
    %get3A_256 = arith.constant 0 : index
    %get3A_257 = vector.load %arg1[%get3A_255, %get3A_256] : memref<4000x128xf32, #tpu.memory_space<vmem>>, vector<8x128xf32>
    %gt3A_258 = arith.cmpf ogt, %get3A_257, %select_n3A_179 : vector<8x128xf32>
    %select_n3A_259 = arith.select %gt3A_258, %get3A_257, %select_n3A_179 : vector<8x128xi1>, vector<8x128xf32>
    %jit3A_260 = arith.constant 36 : i32
    %broadcast_in_dim3A_261 = vector.broadcast %jit3A_260 : i32 to vector<8x128xi32>
    %select_n3A_262 = arith.select %gt3A_258, %broadcast_in_dim3A_261, %select_n3A_182 : vector<8x128xi1>, vector<8x128xi32>
    %get3A_263 = arith.constant 296 : index
    %get3A_264 = arith.constant 0 : index
    %get3A_265 = vector.load %arg1[%get3A_263, %get3A_264] : memref<4000x128xf32, #tpu.memory_space<vmem>>, vector<8x128xf32>
    %gt3A_266 = arith.cmpf ogt, %get3A_265, %select_n3A_187 : vector<8x128xf32>
    %select_n3A_267 = arith.select %gt3A_266, %get3A_265, %select_n3A_187 : vector<8x128xi1>, vector<8x128xf32>
    %jit3A_268 = arith.constant 37 : i32
    %broadcast_in_dim3A_269 = vector.broadcast %jit3A_268 : i32 to vector<8x128xi32>
    %select_n3A_270 = arith.select %gt3A_266, %broadcast_in_dim3A_269, %select_n3A_190 : vector<8x128xi1>, vector<8x128xi32>
    %get3A_271 = arith.constant 304 : index
    %get3A_272 = arith.constant 0 : index
    %get3A_273 = vector.load %arg1[%get3A_271, %get3A_272] : memref<4000x128xf32, #tpu.memory_space<vmem>>, vector<8x128xf32>
    %gt3A_274 = arith.cmpf ogt, %get3A_273, %select_n3A_195 : vector<8x128xf32>
    %select_n3A_275 = arith.select %gt3A_274, %get3A_273, %select_n3A_195 : vector<8x128xi1>, vector<8x128xf32>
    %jit3A_276 = arith.constant 38 : i32
    %broadcast_in_dim3A_277 = vector.broadcast %jit3A_276 : i32 to vector<8x128xi32>
    %select_n3A_278 = arith.select %gt3A_274, %broadcast_in_dim3A_277, %select_n3A_198 : vector<8x128xi1>, vector<8x128xi32>
    %get3A_279 = arith.constant 312 : index
    %get3A_280 = arith.constant 0 : index
    %get3A_281 = vector.load %arg1[%get3A_279, %get3A_280] : memref<4000x128xf32, #tpu.memory_space<vmem>>, vector<8x128xf32>
    %gt3A_282 = arith.cmpf ogt, %get3A_281, %select_n3A_203 : vector<8x128xf32>
    %select_n3A_283 = arith.select %gt3A_282, %get3A_281, %select_n3A_203 : vector<8x128xi1>, vector<8x128xf32>
    %jit3A_284 = arith.constant 39 : i32
    %broadcast_in_dim3A_285 = vector.broadcast %jit3A_284 : i32 to vector<8x128xi32>
    %select_n3A_286 = arith.select %gt3A_282, %broadcast_in_dim3A_285, %select_n3A_206 : vector<8x128xi1>, vector<8x128xi32>
    %get3A_287 = arith.constant 320 : index
    %get3A_288 = arith.constant 0 : index
    %get3A_289 = vector.load %arg1[%get3A_287, %get3A_288] : memref<4000x128xf32, #tpu.memory_space<vmem>>, vector<8x128xf32>
    %gt3A_290 = arith.cmpf ogt, %get3A_289, %select_n3A_211 : vector<8x128xf32>
    %select_n3A_291 = arith.select %gt3A_290, %get3A_289, %select_n3A_211 : vector<8x128xi1>, vector<8x128xf32>
    %jit3A_292 = arith.constant 40 : i32
    %broadcast_in_dim3A_293 = vector.broadcast %jit3A_292 : i32 to vector<8x128xi32>
    %select_n3A_294 = arith.select %gt3A_290, %broadcast_in_dim3A_293, %select_n3A_214 : vector<8x128xi1>, vector<8x128xi32>
    %get3A_295 = arith.constant 328 : index
    %get3A_296 = arith.constant 0 : index
    %get3A_297 = vector.load %arg1[%get3A_295, %get3A_296] : memref<4000x128xf32, #tpu.memory_space<vmem>>, vector<8x128xf32>
    %gt3A_298 = arith.cmpf ogt, %get3A_297, %select_n3A_219 : vector<8x128xf32>
    %select_n3A_299 = arith.select %gt3A_298, %get3A_297, %select_n3A_219 : vector<8x128xi1>, vector<8x128xf32>
    %jit3A_300 = arith.constant 41 : i32
    %broadcast_in_dim3A_301 = vector.broadcast %jit3A_300 : i32 to vector<8x128xi32>
    %select_n3A_302 = arith.select %gt3A_298, %broadcast_in_dim3A_301, %select_n3A_222 : vector<8x128xi1>, vector<8x128xi32>
    %get3A_303 = arith.constant 336 : index
    %get3A_304 = arith.constant 0 : index
    %get3A_305 = vector.load %arg1[%get3A_303, %get3A_304] : memref<4000x128xf32, #tpu.memory_space<vmem>>, vector<8x128xf32>
    %gt3A_306 = arith.cmpf ogt, %get3A_305, %select_n3A_227 : vector<8x128xf32>
    %select_n3A_307 = arith.select %gt3A_306, %get3A_305, %select_n3A_227 : vector<8x128xi1>, vector<8x128xf32>
    %jit3A_308 = arith.constant 42 : i32
    %broadcast_in_dim3A_309 = vector.broadcast %jit3A_308 : i32 to vector<8x128xi32>
    %select_n3A_310 = arith.select %gt3A_306, %broadcast_in_dim3A_309, %select_n3A_230 : vector<8x128xi1>, vector<8x128xi32>
    %get3A_311 = arith.constant 344 : index
    %get3A_312 = arith.constant 0 : index
    %get3A_313 = vector.load %arg1[%get3A_311, %get3A_312] : memref<4000x128xf32, #tpu.memory_space<vmem>>, vector<8x128xf32>
    %gt3A_314 = arith.cmpf ogt, %get3A_313, %select_n3A_235 : vector<8x128xf32>
    %select_n3A_315 = arith.select %gt3A_314, %get3A_313, %select_n3A_235 : vector<8x128xi1>, vector<8x128xf32>
    %jit3A_316 = arith.constant 43 : i32
    %broadcast_in_dim3A_317 = vector.broadcast %jit3A_316 : i32 to vector<8x128xi32>
    %select_n3A_318 = arith.select %gt3A_314, %broadcast_in_dim3A_317, %select_n3A_238 : vector<8x128xi1>, vector<8x128xi32>
    %get3A_319 = arith.constant 352 : index
    %get3A_320 = arith.constant 0 : index
    %get3A_321 = vector.load %arg1[%get3A_319, %get3A_320] : memref<4000x128xf32, #tpu.memory_space<vmem>>, vector<8x128xf32>
    %gt3A_322 = arith.cmpf ogt, %get3A_321, %select_n3A_243 : vector<8x128xf32>
    %select_n3A_323 = arith.select %gt3A_322, %get3A_321, %select_n3A_243 : vector<8x128xi1>, vector<8x128xf32>
    %jit3A_324 = arith.constant 44 : i32
    %broadcast_in_dim3A_325 = vector.broadcast %jit3A_324 : i32 to vector<8x128xi32>
    %select_n3A_326 = arith.select %gt3A_322, %broadcast_in_dim3A_325, %select_n3A_246 : vector<8x128xi1>, vector<8x128xi32>
    %get3A_327 = arith.constant 360 : index
    %get3A_328 = arith.constant 0 : index
    %get3A_329 = vector.load %arg1[%get3A_327, %get3A_328] : memref<4000x128xf32, #tpu.memory_space<vmem>>, vector<8x128xf32>
    %gt3A_330 = arith.cmpf ogt, %get3A_329, %select_n3A_251 : vector<8x128xf32>
    %select_n3A_331 = arith.select %gt3A_330, %get3A_329, %select_n3A_251 : vector<8x128xi1>, vector<8x128xf32>
    %jit3A_332 = arith.constant 45 : i32
    %broadcast_in_dim3A_333 = vector.broadcast %jit3A_332 : i32 to vector<8x128xi32>
    %select_n3A_334 = arith.select %gt3A_330, %broadcast_in_dim3A_333, %select_n3A_254 : vector<8x128xi1>, vector<8x128xi32>
    %get3A_335 = arith.constant 368 : index
    %get3A_336 = arith.constant 0 : index
    %get3A_337 = vector.load %arg1[%get3A_335, %get3A_336] : memref<4000x128xf32, #tpu.memory_space<vmem>>, vector<8x128xf32>
    %gt3A_338 = arith.cmpf ogt, %get3A_337, %select_n3A_259 : vector<8x128xf32>
    %select_n3A_339 = arith.select %gt3A_338, %get3A_337, %select_n3A_259 : vector<8x128xi1>, vector<8x128xf32>
    %jit3A_340 = arith.constant 46 : i32
    %broadcast_in_dim3A_341 = vector.broadcast %jit3A_340 : i32 to vector<8x128xi32>
    %select_n3A_342 = arith.select %gt3A_338, %broadcast_in_dim3A_341, %select_n3A_262 : vector<8x128xi1>, vector<8x128xi32>
    %get3A_343 = arith.constant 376 : index
    %get3A_344 = arith.constant 0 : index
    %get3A_345 = vector.load %arg1[%get3A_343, %get3A_344] : memref<4000x128xf32, #tpu.memory_space<vmem>>, vector<8x128xf32>
    %gt3A_346 = arith.cmpf ogt, %get3A_345, %select_n3A_267 : vector<8x128xf32>
    %select_n3A_347 = arith.select %gt3A_346, %get3A_345, %select_n3A_267 : vector<8x128xi1>, vector<8x128xf32>
    %jit3A_348 = arith.constant 47 : i32
    %broadcast_in_dim3A_349 = vector.broadcast %jit3A_348 : i32 to vector<8x128xi32>
    %select_n3A_350 = arith.select %gt3A_346, %broadcast_in_dim3A_349, %select_n3A_270 : vector<8x128xi1>, vector<8x128xi32>
    %get3A_351 = arith.constant 384 : index
    %get3A_352 = arith.constant 0 : index
    %get3A_353 = vector.load %arg1[%get3A_351, %get3A_352] : memref<4000x128xf32, #tpu.memory_space<vmem>>, vector<8x128xf32>
    %gt3A_354 = arith.cmpf ogt, %get3A_353, %select_n3A_275 : vector<8x128xf32>
    %select_n3A_355 = arith.select %gt3A_354, %get3A_353, %select_n3A_275 : vector<8x128xi1>, vector<8x128xf32>
    %jit3A_356 = arith.constant 48 : i32
    %broadcast_in_dim3A_357 = vector.broadcast %jit3A_356 : i32 to vector<8x128xi32>
    %select_n3A_358 = arith.select %gt3A_354, %broadcast_in_dim3A_357, %select_n3A_278 : vector<8x128xi1>, vector<8x128xi32>
    %get3A_359 = arith.constant 392 : index
    %get3A_360 = arith.constant 0 : index
    %get3A_361 = vector.load %arg1[%get3A_359, %get3A_360] : memref<4000x128xf32, #tpu.memory_space<vmem>>, vector<8x128xf32>
    %gt3A_362 = arith.cmpf ogt, %get3A_361, %select_n3A_283 : vector<8x128xf32>
    %select_n3A_363 = arith.select %gt3A_362, %get3A_361, %select_n3A_283 : vector<8x128xi1>, vector<8x128xf32>
    %jit3A_364 = arith.constant 49 : i32
    %broadcast_in_dim3A_365 = vector.broadcast %jit3A_364 : i32 to vector<8x128xi32>
    %select_n3A_366 = arith.select %gt3A_362, %broadcast_in_dim3A_365, %select_n3A_286 : vector<8x128xi1>, vector<8x128xi32>
    %get3A_367 = arith.constant 400 : index
    %get3A_368 = arith.constant 0 : index
    %get3A_369 = vector.load %arg1[%get3A_367, %get3A_368] : memref<4000x128xf32, #tpu.memory_space<vmem>>, vector<8x128xf32>
    %gt3A_370 = arith.cmpf ogt, %get3A_369, %select_n3A_291 : vector<8x128xf32>
    %select_n3A_371 = arith.select %gt3A_370, %get3A_369, %select_n3A_291 : vector<8x128xi1>, vector<8x128xf32>
    %jit3A_372 = arith.constant 50 : i32
    %broadcast_in_dim3A_373 = vector.broadcast %jit3A_372 : i32 to vector<8x128xi32>
    %select_n3A_374 = arith.select %gt3A_370, %broadcast_in_dim3A_373, %select_n3A_294 : vector<8x128xi1>, vector<8x128xi32>
    %get3A_375 = arith.constant 408 : index
    %get3A_376 = arith.constant 0 : index
    %get3A_377 = vector.load %arg1[%get3A_375, %get3A_376] : memref<4000x128xf32, #tpu.memory_space<vmem>>, vector<8x128xf32>
    %gt3A_378 = arith.cmpf ogt, %get3A_377, %select_n3A_299 : vector<8x128xf32>
    %select_n3A_379 = arith.select %gt3A_378, %get3A_377, %select_n3A_299 : vector<8x128xi1>, vector<8x128xf32>
    %jit3A_380 = arith.constant 51 : i32
    %broadcast_in_dim3A_381 = vector.broadcast %jit3A_380 : i32 to vector<8x128xi32>
    %select_n3A_382 = arith.select %gt3A_378, %broadcast_in_dim3A_381, %select_n3A_302 : vector<8x128xi1>, vector<8x128xi32>
    %get3A_383 = arith.constant 416 : index
    %get3A_384 = arith.constant 0 : index
    %get3A_385 = vector.load %arg1[%get3A_383, %get3A_384] : memref<4000x128xf32, #tpu.memory_space<vmem>>, vector<8x128xf32>
    %gt3A_386 = arith.cmpf ogt, %get3A_385, %select_n3A_307 : vector<8x128xf32>
    %select_n3A_387 = arith.select %gt3A_386, %get3A_385, %select_n3A_307 : vector<8x128xi1>, vector<8x128xf32>
    %jit3A_388 = arith.constant 52 : i32
    %broadcast_in_dim3A_389 = vector.broadcast %jit3A_388 : i32 to vector<8x128xi32>
    %select_n3A_390 = arith.select %gt3A_386, %broadcast_in_dim3A_389, %select_n3A_310 : vector<8x128xi1>, vector<8x128xi32>
    %get3A_391 = arith.constant 424 : index
    %get3A_392 = arith.constant 0 : index
    %get3A_393 = vector.load %arg1[%get3A_391, %get3A_392] : memref<4000x128xf32, #tpu.memory_space<vmem>>, vector<8x128xf32>
    %gt3A_394 = arith.cmpf ogt, %get3A_393, %select_n3A_315 : vector<8x128xf32>
    %select_n3A_395 = arith.select %gt3A_394, %get3A_393, %select_n3A_315 : vector<8x128xi1>, vector<8x128xf32>
    %jit3A_396 = arith.constant 53 : i32
    %broadcast_in_dim3A_397 = vector.broadcast %jit3A_396 : i32 to vector<8x128xi32>
    %select_n3A_398 = arith.select %gt3A_394, %broadcast_in_dim3A_397, %select_n3A_318 : vector<8x128xi1>, vector<8x128xi32>
    %get3A_399 = arith.constant 432 : index
    %get3A_400 = arith.constant 0 : index
    %get3A_401 = vector.load %arg1[%get3A_399, %get3A_400] : memref<4000x128xf32, #tpu.memory_space<vmem>>, vector<8x128xf32>
    %gt3A_402 = arith.cmpf ogt, %get3A_401, %select_n3A_323 : vector<8x128xf32>
    %select_n3A_403 = arith.select %gt3A_402, %get3A_401, %select_n3A_323 : vector<8x128xi1>, vector<8x128xf32>
    %jit3A_404 = arith.constant 54 : i32
    %broadcast_in_dim3A_405 = vector.broadcast %jit3A_404 : i32 to vector<8x128xi32>
    %select_n3A_406 = arith.select %gt3A_402, %broadcast_in_dim3A_405, %select_n3A_326 : vector<8x128xi1>, vector<8x128xi32>
    %get3A_407 = arith.constant 440 : index
    %get3A_408 = arith.constant 0 : index
    %get3A_409 = vector.load %arg1[%get3A_407, %get3A_408] : memref<4000x128xf32, #tpu.memory_space<vmem>>, vector<8x128xf32>
    %gt3A_410 = arith.cmpf ogt, %get3A_409, %select_n3A_331 : vector<8x128xf32>
    %select_n3A_411 = arith.select %gt3A_410, %get3A_409, %select_n3A_331 : vector<8x128xi1>, vector<8x128xf32>
    %jit3A_412 = arith.constant 55 : i32
    %broadcast_in_dim3A_413 = vector.broadcast %jit3A_412 : i32 to vector<8x128xi32>
    %select_n3A_414 = arith.select %gt3A_410, %broadcast_in_dim3A_413, %select_n3A_334 : vector<8x128xi1>, vector<8x128xi32>
    %get3A_415 = arith.constant 448 : index
    %get3A_416 = arith.constant 0 : index
    %get3A_417 = vector.load %arg1[%get3A_415, %get3A_416] : memref<4000x128xf32, #tpu.memory_space<vmem>>, vector<8x128xf32>
    %gt3A_418 = arith.cmpf ogt, %get3A_417, %select_n3A_339 : vector<8x128xf32>
    %select_n3A_419 = arith.select %gt3A_418, %get3A_417, %select_n3A_339 : vector<8x128xi1>, vector<8x128xf32>
    %jit3A_420 = arith.constant 56 : i32
    %broadcast_in_dim3A_421 = vector.broadcast %jit3A_420 : i32 to vector<8x128xi32>
    %select_n3A_422 = arith.select %gt3A_418, %broadcast_in_dim3A_421, %select_n3A_342 : vector<8x128xi1>, vector<8x128xi32>
    %get3A_423 = arith.constant 456 : index
    %get3A_424 = arith.constant 0 : index
    %get3A_425 = vector.load %arg1[%get3A_423, %get3A_424] : memref<4000x128xf32, #tpu.memory_space<vmem>>, vector<8x128xf32>
    %gt3A_426 = arith.cmpf ogt, %get3A_425, %select_n3A_347 : vector<8x128xf32>
    %select_n3A_427 = arith.select %gt3A_426, %get3A_425, %select_n3A_347 : vector<8x128xi1>, vector<8x128xf32>
    %jit3A_428 = arith.constant 57 : i32
    %broadcast_in_dim3A_429 = vector.broadcast %jit3A_428 : i32 to vector<8x128xi32>
    %select_n3A_430 = arith.select %gt3A_426, %broadcast_in_dim3A_429, %select_n3A_350 : vector<8x128xi1>, vector<8x128xi32>
    %get3A_431 = arith.constant 464 : index
    %get3A_432 = arith.constant 0 : index
    %get3A_433 = vector.load %arg1[%get3A_431, %get3A_432] : memref<4000x128xf32, #tpu.memory_space<vmem>>, vector<8x128xf32>
    %gt3A_434 = arith.cmpf ogt, %get3A_433, %select_n3A_355 : vector<8x128xf32>
    %select_n3A_435 = arith.select %gt3A_434, %get3A_433, %select_n3A_355 : vector<8x128xi1>, vector<8x128xf32>
    %jit3A_436 = arith.constant 58 : i32
    %broadcast_in_dim3A_437 = vector.broadcast %jit3A_436 : i32 to vector<8x128xi32>
    %select_n3A_438 = arith.select %gt3A_434, %broadcast_in_dim3A_437, %select_n3A_358 : vector<8x128xi1>, vector<8x128xi32>
    %get3A_439 = arith.constant 472 : index
    %get3A_440 = arith.constant 0 : index
    %get3A_441 = vector.load %arg1[%get3A_439, %get3A_440] : memref<4000x128xf32, #tpu.memory_space<vmem>>, vector<8x128xf32>
    %gt3A_442 = arith.cmpf ogt, %get3A_441, %select_n3A_363 : vector<8x128xf32>
    %select_n3A_443 = arith.select %gt3A_442, %get3A_441, %select_n3A_363 : vector<8x128xi1>, vector<8x128xf32>
    %jit3A_444 = arith.constant 59 : i32
    %broadcast_in_dim3A_445 = vector.broadcast %jit3A_444 : i32 to vector<8x128xi32>
    %select_n3A_446 = arith.select %gt3A_442, %broadcast_in_dim3A_445, %select_n3A_366 : vector<8x128xi1>, vector<8x128xi32>
    %get3A_447 = arith.constant 480 : index
    %get3A_448 = arith.constant 0 : index
    %get3A_449 = vector.load %arg1[%get3A_447, %get3A_448] : memref<4000x128xf32, #tpu.memory_space<vmem>>, vector<8x128xf32>
    %gt3A_450 = arith.cmpf ogt, %get3A_449, %select_n3A_371 : vector<8x128xf32>
    %select_n3A_451 = arith.select %gt3A_450, %get3A_449, %select_n3A_371 : vector<8x128xi1>, vector<8x128xf32>
    %jit3A_452 = arith.constant 60 : i32
    %broadcast_in_dim3A_453 = vector.broadcast %jit3A_452 : i32 to vector<8x128xi32>
    %select_n3A_454 = arith.select %gt3A_450, %broadcast_in_dim3A_453, %select_n3A_374 : vector<8x128xi1>, vector<8x128xi32>
    %get3A_455 = arith.constant 488 : index
    %get3A_456 = arith.constant 0 : index
    %get3A_457 = vector.load %arg1[%get3A_455, %get3A_456] : memref<4000x128xf32, #tpu.memory_space<vmem>>, vector<8x128xf32>
    %gt3A_458 = arith.cmpf ogt, %get3A_457, %select_n3A_379 : vector<8x128xf32>
    %select_n3A_459 = arith.select %gt3A_458, %get3A_457, %select_n3A_379 : vector<8x128xi1>, vector<8x128xf32>
    %jit3A_460 = arith.constant 61 : i32
    %broadcast_in_dim3A_461 = vector.broadcast %jit3A_460 : i32 to vector<8x128xi32>
    %select_n3A_462 = arith.select %gt3A_458, %broadcast_in_dim3A_461, %select_n3A_382 : vector<8x128xi1>, vector<8x128xi32>
    %get3A_463 = arith.constant 496 : index
    %get3A_464 = arith.constant 0 : index
    %get3A_465 = vector.load %arg1[%get3A_463, %get3A_464] : memref<4000x128xf32, #tpu.memory_space<vmem>>, vector<8x128xf32>
    %gt3A_466 = arith.cmpf ogt, %get3A_465, %select_n3A_387 : vector<8x128xf32>
    %select_n3A_467 = arith.select %gt3A_466, %get3A_465, %select_n3A_387 : vector<8x128xi1>, vector<8x128xf32>
    %jit3A_468 = arith.constant 62 : i32
    %broadcast_in_dim3A_469 = vector.broadcast %jit3A_468 : i32 to vector<8x128xi32>
    %select_n3A_470 = arith.select %gt3A_466, %broadcast_in_dim3A_469, %select_n3A_390 : vector<8x128xi1>, vector<8x128xi32>
    %get3A_471 = arith.constant 504 : index
    %get3A_472 = arith.constant 0 : index
    %get3A_473 = vector.load %arg1[%get3A_471, %get3A_472] : memref<4000x128xf32, #tpu.memory_space<vmem>>, vector<8x128xf32>
    %gt3A_474 = arith.cmpf ogt, %get3A_473, %select_n3A_395 : vector<8x128xf32>
    %select_n3A_475 = arith.select %gt3A_474, %get3A_473, %select_n3A_395 : vector<8x128xi1>, vector<8x128xf32>
    %jit3A_476 = arith.constant 63 : i32
    %broadcast_in_dim3A_477 = vector.broadcast %jit3A_476 : i32 to vector<8x128xi32>
    %select_n3A_478 = arith.select %gt3A_474, %broadcast_in_dim3A_477, %select_n3A_398 : vector<8x128xi1>, vector<8x128xi32>
    %get3A_479 = arith.constant 512 : index
    %get3A_480 = arith.constant 0 : index
    %get3A_481 = vector.load %arg1[%get3A_479, %get3A_480] : memref<4000x128xf32, #tpu.memory_space<vmem>>, vector<8x128xf32>
    %gt3A_482 = arith.cmpf ogt, %get3A_481, %select_n3A_403 : vector<8x128xf32>
    %select_n3A_483 = arith.select %gt3A_482, %get3A_481, %select_n3A_403 : vector<8x128xi1>, vector<8x128xf32>
    %jit3A_484 = arith.constant 64 : i32
    %broadcast_in_dim3A_485 = vector.broadcast %jit3A_484 : i32 to vector<8x128xi32>
    %select_n3A_486 = arith.select %gt3A_482, %broadcast_in_dim3A_485, %select_n3A_406 : vector<8x128xi1>, vector<8x128xi32>
    %get3A_487 = arith.constant 520 : index
    %get3A_488 = arith.constant 0 : index
    %get3A_489 = vector.load %arg1[%get3A_487, %get3A_488] : memref<4000x128xf32, #tpu.memory_space<vmem>>, vector<8x128xf32>
    %gt3A_490 = arith.cmpf ogt, %get3A_489, %select_n3A_411 : vector<8x128xf32>
    %select_n3A_491 = arith.select %gt3A_490, %get3A_489, %select_n3A_411 : vector<8x128xi1>, vector<8x128xf32>
    %jit3A_492 = arith.constant 65 : i32
    %broadcast_in_dim3A_493 = vector.broadcast %jit3A_492 : i32 to vector<8x128xi32>
    %select_n3A_494 = arith.select %gt3A_490, %broadcast_in_dim3A_493, %select_n3A_414 : vector<8x128xi1>, vector<8x128xi32>
    %get3A_495 = arith.constant 528 : index
    %get3A_496 = arith.constant 0 : index
    %get3A_497 = vector.load %arg1[%get3A_495, %get3A_496] : memref<4000x128xf32, #tpu.memory_space<vmem>>, vector<8x128xf32>
    %gt3A_498 = arith.cmpf ogt, %get3A_497, %select_n3A_419 : vector<8x128xf32>
    %select_n3A_499 = arith.select %gt3A_498, %get3A_497, %select_n3A_419 : vector<8x128xi1>, vector<8x128xf32>
    %jit3A_500 = arith.constant 66 : i32
    %broadcast_in_dim3A_501 = vector.broadcast %jit3A_500 : i32 to vector<8x128xi32>
    %select_n3A_502 = arith.select %gt3A_498, %broadcast_in_dim3A_501, %select_n3A_422 : vector<8x128xi1>, vector<8x128xi32>
    %get3A_503 = arith.constant 536 : index
    %get3A_504 = arith.constant 0 : index
    %get3A_505 = vector.load %arg1[%get3A_503, %get3A_504] : memref<4000x128xf32, #tpu.memory_space<vmem>>, vector<8x128xf32>
    %gt3A_506 = arith.cmpf ogt, %get3A_505, %select_n3A_427 : vector<8x128xf32>
    %select_n3A_507 = arith.select %gt3A_506, %get3A_505, %select_n3A_427 : vector<8x128xi1>, vector<8x128xf32>
    %jit3A_508 = arith.constant 67 : i32
    %broadcast_in_dim3A_509 = vector.broadcast %jit3A_508 : i32 to vector<8x128xi32>
    %select_n3A_510 = arith.select %gt3A_506, %broadcast_in_dim3A_509, %select_n3A_430 : vector<8x128xi1>, vector<8x128xi32>
    %get3A_511 = arith.constant 544 : index
    %get3A_512 = arith.constant 0 : index
    %get3A_513 = vector.load %arg1[%get3A_511, %get3A_512] : memref<4000x128xf32, #tpu.memory_space<vmem>>, vector<8x128xf32>
    %gt3A_514 = arith.cmpf ogt, %get3A_513, %select_n3A_435 : vector<8x128xf32>
    %select_n3A_515 = arith.select %gt3A_514, %get3A_513, %select_n3A_435 : vector<8x128xi1>, vector<8x128xf32>
    %jit3A_516 = arith.constant 68 : i32
    %broadcast_in_dim3A_517 = vector.broadcast %jit3A_516 : i32 to vector<8x128xi32>
    %select_n3A_518 = arith.select %gt3A_514, %broadcast_in_dim3A_517, %select_n3A_438 : vector<8x128xi1>, vector<8x128xi32>
    %get3A_519 = arith.constant 552 : index
    %get3A_520 = arith.constant 0 : index
    %get3A_521 = vector.load %arg1[%get3A_519, %get3A_520] : memref<4000x128xf32, #tpu.memory_space<vmem>>, vector<8x128xf32>
    %gt3A_522 = arith.cmpf ogt, %get3A_521, %select_n3A_443 : vector<8x128xf32>
    %select_n3A_523 = arith.select %gt3A_522, %get3A_521, %select_n3A_443 : vector<8x128xi1>, vector<8x128xf32>
    %jit3A_524 = arith.constant 69 : i32
    %broadcast_in_dim3A_525 = vector.broadcast %jit3A_524 : i32 to vector<8x128xi32>
    %select_n3A_526 = arith.select %gt3A_522, %broadcast_in_dim3A_525, %select_n3A_446 : vector<8x128xi1>, vector<8x128xi32>
    %get3A_527 = arith.constant 560 : index
    %get3A_528 = arith.constant 0 : index
    %get3A_529 = vector.load %arg1[%get3A_527, %get3A_528] : memref<4000x128xf32, #tpu.memory_space<vmem>>, vector<8x128xf32>
    %gt3A_530 = arith.cmpf ogt, %get3A_529, %select_n3A_451 : vector<8x128xf32>
    %select_n3A_531 = arith.select %gt3A_530, %get3A_529, %select_n3A_451 : vector<8x128xi1>, vector<8x128xf32>
    %jit3A_532 = arith.constant 70 : i32
    %broadcast_in_dim3A_533 = vector.broadcast %jit3A_532 : i32 to vector<8x128xi32>
    %select_n3A_534 = arith.select %gt3A_530, %broadcast_in_dim3A_533, %select_n3A_454 : vector<8x128xi1>, vector<8x128xi32>
    %get3A_535 = arith.constant 568 : index
    %get3A_536 = arith.constant 0 : index
    %get3A_537 = vector.load %arg1[%get3A_535, %get3A_536] : memref<4000x128xf32, #tpu.memory_space<vmem>>, vector<8x128xf32>
    %gt3A_538 = arith.cmpf ogt, %get3A_537, %select_n3A_459 : vector<8x128xf32>
    %select_n3A_539 = arith.select %gt3A_538, %get3A_537, %select_n3A_459 : vector<8x128xi1>, vector<8x128xf32>
    %jit3A_540 = arith.constant 71 : i32
    %broadcast_in_dim3A_541 = vector.broadcast %jit3A_540 : i32 to vector<8x128xi32>
    %select_n3A_542 = arith.select %gt3A_538, %broadcast_in_dim3A_541, %select_n3A_462 : vector<8x128xi1>, vector<8x128xi32>
    %get3A_543 = arith.constant 576 : index
    %get3A_544 = arith.constant 0 : index
    %get3A_545 = vector.load %arg1[%get3A_543, %get3A_544] : memref<4000x128xf32, #tpu.memory_space<vmem>>, vector<8x128xf32>
    %gt3A_546 = arith.cmpf ogt, %get3A_545, %select_n3A_467 : vector<8x128xf32>
    %select_n3A_547 = arith.select %gt3A_546, %get3A_545, %select_n3A_467 : vector<8x128xi1>, vector<8x128xf32>
    %jit3A_548 = arith.constant 72 : i32
    %broadcast_in_dim3A_549 = vector.broadcast %jit3A_548 : i32 to vector<8x128xi32>
    %select_n3A_550 = arith.select %gt3A_546, %broadcast_in_dim3A_549, %select_n3A_470 : vector<8x128xi1>, vector<8x128xi32>
    %get3A_551 = arith.constant 584 : index
    %get3A_552 = arith.constant 0 : index
    %get3A_553 = vector.load %arg1[%get3A_551, %get3A_552] : memref<4000x128xf32, #tpu.memory_space<vmem>>, vector<8x128xf32>
    %gt3A_554 = arith.cmpf ogt, %get3A_553, %select_n3A_475 : vector<8x128xf32>
    %select_n3A_555 = arith.select %gt3A_554, %get3A_553, %select_n3A_475 : vector<8x128xi1>, vector<8x128xf32>
    %jit3A_556 = arith.constant 73 : i32
    %broadcast_in_dim3A_557 = vector.broadcast %jit3A_556 : i32 to vector<8x128xi32>
    %select_n3A_558 = arith.select %gt3A_554, %broadcast_in_dim3A_557, %select_n3A_478 : vector<8x128xi1>, vector<8x128xi32>
    %get3A_559 = arith.constant 592 : index
    %get3A_560 = arith.constant 0 : index
    %get3A_561 = vector.load %arg1[%get3A_559, %get3A_560] : memref<4000x128xf32, #tpu.memory_space<vmem>>, vector<8x128xf32>
    %gt3A_562 = arith.cmpf ogt, %get3A_561, %select_n3A_483 : vector<8x128xf32>
    %select_n3A_563 = arith.select %gt3A_562, %get3A_561, %select_n3A_483 : vector<8x128xi1>, vector<8x128xf32>
    %jit3A_564 = arith.constant 74 : i32
    %broadcast_in_dim3A_565 = vector.broadcast %jit3A_564 : i32 to vector<8x128xi32>
    %select_n3A_566 = arith.select %gt3A_562, %broadcast_in_dim3A_565, %select_n3A_486 : vector<8x128xi1>, vector<8x128xi32>
    %get3A_567 = arith.constant 600 : index
    %get3A_568 = arith.constant 0 : index
    %get3A_569 = vector.load %arg1[%get3A_567, %get3A_568] : memref<4000x128xf32, #tpu.memory_space<vmem>>, vector<8x128xf32>
    %gt3A_570 = arith.cmpf ogt, %get3A_569, %select_n3A_491 : vector<8x128xf32>
    %select_n3A_571 = arith.select %gt3A_570, %get3A_569, %select_n3A_491 : vector<8x128xi1>, vector<8x128xf32>
    %jit3A_572 = arith.constant 75 : i32
    %broadcast_in_dim3A_573 = vector.broadcast %jit3A_572 : i32 to vector<8x128xi32>
    %select_n3A_574 = arith.select %gt3A_570, %broadcast_in_dim3A_573, %select_n3A_494 : vector<8x128xi1>, vector<8x128xi32>
    %get3A_575 = arith.constant 608 : index
    %get3A_576 = arith.constant 0 : index
    %get3A_577 = vector.load %arg1[%get3A_575, %get3A_576] : memref<4000x128xf32, #tpu.memory_space<vmem>>, vector<8x128xf32>
    %gt3A_578 = arith.cmpf ogt, %get3A_577, %select_n3A_499 : vector<8x128xf32>
    %select_n3A_579 = arith.select %gt3A_578, %get3A_577, %select_n3A_499 : vector<8x128xi1>, vector<8x128xf32>
    %jit3A_580 = arith.constant 76 : i32
    %broadcast_in_dim3A_581 = vector.broadcast %jit3A_580 : i32 to vector<8x128xi32>
    %select_n3A_582 = arith.select %gt3A_578, %broadcast_in_dim3A_581, %select_n3A_502 : vector<8x128xi1>, vector<8x128xi32>
    %get3A_583 = arith.constant 616 : index
    %get3A_584 = arith.constant 0 : index
    %get3A_585 = vector.load %arg1[%get3A_583, %get3A_584] : memref<4000x128xf32, #tpu.memory_space<vmem>>, vector<8x128xf32>
    %gt3A_586 = arith.cmpf ogt, %get3A_585, %select_n3A_507 : vector<8x128xf32>
    %select_n3A_587 = arith.select %gt3A_586, %get3A_585, %select_n3A_507 : vector<8x128xi1>, vector<8x128xf32>
    %jit3A_588 = arith.constant 77 : i32
    %broadcast_in_dim3A_589 = vector.broadcast %jit3A_588 : i32 to vector<8x128xi32>
    %select_n3A_590 = arith.select %gt3A_586, %broadcast_in_dim3A_589, %select_n3A_510 : vector<8x128xi1>, vector<8x128xi32>
    %get3A_591 = arith.constant 624 : index
    %get3A_592 = arith.constant 0 : index
    %get3A_593 = vector.load %arg1[%get3A_591, %get3A_592] : memref<4000x128xf32, #tpu.memory_space<vmem>>, vector<8x128xf32>
    %gt3A_594 = arith.cmpf ogt, %get3A_593, %select_n3A_515 : vector<8x128xf32>
    %select_n3A_595 = arith.select %gt3A_594, %get3A_593, %select_n3A_515 : vector<8x128xi1>, vector<8x128xf32>
    %jit3A_596 = arith.constant 78 : i32
    %broadcast_in_dim3A_597 = vector.broadcast %jit3A_596 : i32 to vector<8x128xi32>
    %select_n3A_598 = arith.select %gt3A_594, %broadcast_in_dim3A_597, %select_n3A_518 : vector<8x128xi1>, vector<8x128xi32>
    %get3A_599 = arith.constant 632 : index
    %get3A_600 = arith.constant 0 : index
    %get3A_601 = vector.load %arg1[%get3A_599, %get3A_600] : memref<4000x128xf32, #tpu.memory_space<vmem>>, vector<8x128xf32>
    %gt3A_602 = arith.cmpf ogt, %get3A_601, %select_n3A_523 : vector<8x128xf32>
    %select_n3A_603 = arith.select %gt3A_602, %get3A_601, %select_n3A_523 : vector<8x128xi1>, vector<8x128xf32>
    %jit3A_604 = arith.constant 79 : i32
    %broadcast_in_dim3A_605 = vector.broadcast %jit3A_604 : i32 to vector<8x128xi32>
    %select_n3A_606 = arith.select %gt3A_602, %broadcast_in_dim3A_605, %select_n3A_526 : vector<8x128xi1>, vector<8x128xi32>
    %get3A_607 = arith.constant 640 : index
    %get3A_608 = arith.constant 0 : index
    %get3A_609 = vector.load %arg1[%get3A_607, %get3A_608] : memref<4000x128xf32, #tpu.memory_space<vmem>>, vector<8x128xf32>
    %gt3A_610 = arith.cmpf ogt, %get3A_609, %select_n3A_531 : vector<8x128xf32>
    %select_n3A_611 = arith.select %gt3A_610, %get3A_609, %select_n3A_531 : vector<8x128xi1>, vector<8x128xf32>
    %jit3A_612 = arith.constant 80 : i32
    %broadcast_in_dim3A_613 = vector.broadcast %jit3A_612 : i32 to vector<8x128xi32>
    %select_n3A_614 = arith.select %gt3A_610, %broadcast_in_dim3A_613, %select_n3A_534 : vector<8x128xi1>, vector<8x128xi32>
    %get3A_615 = arith.constant 648 : index
    %get3A_616 = arith.constant 0 : index
    %get3A_617 = vector.load %arg1[%get3A_615, %get3A_616] : memref<4000x128xf32, #tpu.memory_space<vmem>>, vector<8x128xf32>
    %gt3A_618 = arith.cmpf ogt, %get3A_617, %select_n3A_539 : vector<8x128xf32>
    %select_n3A_619 = arith.select %gt3A_618, %get3A_617, %select_n3A_539 : vector<8x128xi1>, vector<8x128xf32>
    %jit3A_620 = arith.constant 81 : i32
    %broadcast_in_dim3A_621 = vector.broadcast %jit3A_620 : i32 to vector<8x128xi32>
    %select_n3A_622 = arith.select %gt3A_618, %broadcast_in_dim3A_621, %select_n3A_542 : vector<8x128xi1>, vector<8x128xi32>
    %get3A_623 = arith.constant 656 : index
    %get3A_624 = arith.constant 0 : index
    %get3A_625 = vector.load %arg1[%get3A_623, %get3A_624] : memref<4000x128xf32, #tpu.memory_space<vmem>>, vector<8x128xf32>
    %gt3A_626 = arith.cmpf ogt, %get3A_625, %select_n3A_547 : vector<8x128xf32>
    %select_n3A_627 = arith.select %gt3A_626, %get3A_625, %select_n3A_547 : vector<8x128xi1>, vector<8x128xf32>
    %jit3A_628 = arith.constant 82 : i32
    %broadcast_in_dim3A_629 = vector.broadcast %jit3A_628 : i32 to vector<8x128xi32>
    %select_n3A_630 = arith.select %gt3A_626, %broadcast_in_dim3A_629, %select_n3A_550 : vector<8x128xi1>, vector<8x128xi32>
    %get3A_631 = arith.constant 664 : index
    %get3A_632 = arith.constant 0 : index
    %get3A_633 = vector.load %arg1[%get3A_631, %get3A_632] : memref<4000x128xf32, #tpu.memory_space<vmem>>, vector<8x128xf32>
    %gt3A_634 = arith.cmpf ogt, %get3A_633, %select_n3A_555 : vector<8x128xf32>
    %select_n3A_635 = arith.select %gt3A_634, %get3A_633, %select_n3A_555 : vector<8x128xi1>, vector<8x128xf32>
    %jit3A_636 = arith.constant 83 : i32
    %broadcast_in_dim3A_637 = vector.broadcast %jit3A_636 : i32 to vector<8x128xi32>
    %select_n3A_638 = arith.select %gt3A_634, %broadcast_in_dim3A_637, %select_n3A_558 : vector<8x128xi1>, vector<8x128xi32>
    %get3A_639 = arith.constant 672 : index
    %get3A_640 = arith.constant 0 : index
    %get3A_641 = vector.load %arg1[%get3A_639, %get3A_640] : memref<4000x128xf32, #tpu.memory_space<vmem>>, vector<8x128xf32>
    %gt3A_642 = arith.cmpf ogt, %get3A_641, %select_n3A_563 : vector<8x128xf32>
    %select_n3A_643 = arith.select %gt3A_642, %get3A_641, %select_n3A_563 : vector<8x128xi1>, vector<8x128xf32>
    %jit3A_644 = arith.constant 84 : i32
    %broadcast_in_dim3A_645 = vector.broadcast %jit3A_644 : i32 to vector<8x128xi32>
    %select_n3A_646 = arith.select %gt3A_642, %broadcast_in_dim3A_645, %select_n3A_566 : vector<8x128xi1>, vector<8x128xi32>
    %get3A_647 = arith.constant 680 : index
    %get3A_648 = arith.constant 0 : index
    %get3A_649 = vector.load %arg1[%get3A_647, %get3A_648] : memref<4000x128xf32, #tpu.memory_space<vmem>>, vector<8x128xf32>
    %gt3A_650 = arith.cmpf ogt, %get3A_649, %select_n3A_571 : vector<8x128xf32>
    %select_n3A_651 = arith.select %gt3A_650, %get3A_649, %select_n3A_571 : vector<8x128xi1>, vector<8x128xf32>
    %jit3A_652 = arith.constant 85 : i32
    %broadcast_in_dim3A_653 = vector.broadcast %jit3A_652 : i32 to vector<8x128xi32>
    %select_n3A_654 = arith.select %gt3A_650, %broadcast_in_dim3A_653, %select_n3A_574 : vector<8x128xi1>, vector<8x128xi32>
    %get3A_655 = arith.constant 688 : index
    %get3A_656 = arith.constant 0 : index
    %get3A_657 = vector.load %arg1[%get3A_655, %get3A_656] : memref<4000x128xf32, #tpu.memory_space<vmem>>, vector<8x128xf32>
    %gt3A_658 = arith.cmpf ogt, %get3A_657, %select_n3A_579 : vector<8x128xf32>
    %select_n3A_659 = arith.select %gt3A_658, %get3A_657, %select_n3A_579 : vector<8x128xi1>, vector<8x128xf32>
    %jit3A_660 = arith.constant 86 : i32
    %broadcast_in_dim3A_661 = vector.broadcast %jit3A_660 : i32 to vector<8x128xi32>
    %select_n3A_662 = arith.select %gt3A_658, %broadcast_in_dim3A_661, %select_n3A_582 : vector<8x128xi1>, vector<8x128xi32>
    %get3A_663 = arith.constant 696 : index
    %get3A_664 = arith.constant 0 : index
    %get3A_665 = vector.load %arg1[%get3A_663, %get3A_664] : memref<4000x128xf32, #tpu.memory_space<vmem>>, vector<8x128xf32>
    %gt3A_666 = arith.cmpf ogt, %get3A_665, %select_n3A_587 : vector<8x128xf32>
    %select_n3A_667 = arith.select %gt3A_666, %get3A_665, %select_n3A_587 : vector<8x128xi1>, vector<8x128xf32>
    %jit3A_668 = arith.constant 87 : i32
    %broadcast_in_dim3A_669 = vector.broadcast %jit3A_668 : i32 to vector<8x128xi32>
    %select_n3A_670 = arith.select %gt3A_666, %broadcast_in_dim3A_669, %select_n3A_590 : vector<8x128xi1>, vector<8x128xi32>
    %get3A_671 = arith.constant 704 : index
    %get3A_672 = arith.constant 0 : index
    %get3A_673 = vector.load %arg1[%get3A_671, %get3A_672] : memref<4000x128xf32, #tpu.memory_space<vmem>>, vector<8x128xf32>
    %gt3A_674 = arith.cmpf ogt, %get3A_673, %select_n3A_595 : vector<8x128xf32>
    %select_n3A_675 = arith.select %gt3A_674, %get3A_673, %select_n3A_595 : vector<8x128xi1>, vector<8x128xf32>
    %jit3A_676 = arith.constant 88 : i32
    %broadcast_in_dim3A_677 = vector.broadcast %jit3A_676 : i32 to vector<8x128xi32>
    %select_n3A_678 = arith.select %gt3A_674, %broadcast_in_dim3A_677, %select_n3A_598 : vector<8x128xi1>, vector<8x128xi32>
    %get3A_679 = arith.constant 712 : index
    %get3A_680 = arith.constant 0 : index
    %get3A_681 = vector.load %arg1[%get3A_679, %get3A_680] : memref<4000x128xf32, #tpu.memory_space<vmem>>, vector<8x128xf32>
    %gt3A_682 = arith.cmpf ogt, %get3A_681, %select_n3A_603 : vector<8x128xf32>
    %select_n3A_683 = arith.select %gt3A_682, %get3A_681, %select_n3A_603 : vector<8x128xi1>, vector<8x128xf32>
    %jit3A_684 = arith.constant 89 : i32
    %broadcast_in_dim3A_685 = vector.broadcast %jit3A_684 : i32 to vector<8x128xi32>
    %select_n3A_686 = arith.select %gt3A_682, %broadcast_in_dim3A_685, %select_n3A_606 : vector<8x128xi1>, vector<8x128xi32>
    %get3A_687 = arith.constant 720 : index
    %get3A_688 = arith.constant 0 : index
    %get3A_689 = vector.load %arg1[%get3A_687, %get3A_688] : memref<4000x128xf32, #tpu.memory_space<vmem>>, vector<8x128xf32>
    %gt3A_690 = arith.cmpf ogt, %get3A_689, %select_n3A_611 : vector<8x128xf32>
    %select_n3A_691 = arith.select %gt3A_690, %get3A_689, %select_n3A_611 : vector<8x128xi1>, vector<8x128xf32>
    %jit3A_692 = arith.constant 90 : i32
    %broadcast_in_dim3A_693 = vector.broadcast %jit3A_692 : i32 to vector<8x128xi32>
    %select_n3A_694 = arith.select %gt3A_690, %broadcast_in_dim3A_693, %select_n3A_614 : vector<8x128xi1>, vector<8x128xi32>
    %get3A_695 = arith.constant 728 : index
    %get3A_696 = arith.constant 0 : index
    %get3A_697 = vector.load %arg1[%get3A_695, %get3A_696] : memref<4000x128xf32, #tpu.memory_space<vmem>>, vector<8x128xf32>
    %gt3A_698 = arith.cmpf ogt, %get3A_697, %select_n3A_619 : vector<8x128xf32>
    %select_n3A_699 = arith.select %gt3A_698, %get3A_697, %select_n3A_619 : vector<8x128xi1>, vector<8x128xf32>
    %jit3A_700 = arith.constant 91 : i32
    %broadcast_in_dim3A_701 = vector.broadcast %jit3A_700 : i32 to vector<8x128xi32>
    %select_n3A_702 = arith.select %gt3A_698, %broadcast_in_dim3A_701, %select_n3A_622 : vector<8x128xi1>, vector<8x128xi32>
    %get3A_703 = arith.constant 736 : index
    %get3A_704 = arith.constant 0 : index
    %get3A_705 = vector.load %arg1[%get3A_703, %get3A_704] : memref<4000x128xf32, #tpu.memory_space<vmem>>, vector<8x128xf32>
    %gt3A_706 = arith.cmpf ogt, %get3A_705, %select_n3A_627 : vector<8x128xf32>
    %select_n3A_707 = arith.select %gt3A_706, %get3A_705, %select_n3A_627 : vector<8x128xi1>, vector<8x128xf32>
    %jit3A_708 = arith.constant 92 : i32
    %broadcast_in_dim3A_709 = vector.broadcast %jit3A_708 : i32 to vector<8x128xi32>
    %select_n3A_710 = arith.select %gt3A_706, %broadcast_in_dim3A_709, %select_n3A_630 : vector<8x128xi1>, vector<8x128xi32>
    %get3A_711 = arith.constant 744 : index
    %get3A_712 = arith.constant 0 : index
    %get3A_713 = vector.load %arg1[%get3A_711, %get3A_712] : memref<4000x128xf32, #tpu.memory_space<vmem>>, vector<8x128xf32>
    %gt3A_714 = arith.cmpf ogt, %get3A_713, %select_n3A_635 : vector<8x128xf32>
    %select_n3A_715 = arith.select %gt3A_714, %get3A_713, %select_n3A_635 : vector<8x128xi1>, vector<8x128xf32>
    %jit3A_716 = arith.constant 93 : i32
    %broadcast_in_dim3A_717 = vector.broadcast %jit3A_716 : i32 to vector<8x128xi32>
    %select_n3A_718 = arith.select %gt3A_714, %broadcast_in_dim3A_717, %select_n3A_638 : vector<8x128xi1>, vector<8x128xi32>
    %get3A_719 = arith.constant 752 : index
    %get3A_720 = arith.constant 0 : index
    %get3A_721 = vector.load %arg1[%get3A_719, %get3A_720] : memref<4000x128xf32, #tpu.memory_space<vmem>>, vector<8x128xf32>
    %gt3A_722 = arith.cmpf ogt, %get3A_721, %select_n3A_643 : vector<8x128xf32>
    %select_n3A_723 = arith.select %gt3A_722, %get3A_721, %select_n3A_643 : vector<8x128xi1>, vector<8x128xf32>
    %jit3A_724 = arith.constant 94 : i32
    %broadcast_in_dim3A_725 = vector.broadcast %jit3A_724 : i32 to vector<8x128xi32>
    %select_n3A_726 = arith.select %gt3A_722, %broadcast_in_dim3A_725, %select_n3A_646 : vector<8x128xi1>, vector<8x128xi32>
    %get3A_727 = arith.constant 760 : index
    %get3A_728 = arith.constant 0 : index
    %get3A_729 = vector.load %arg1[%get3A_727, %get3A_728] : memref<4000x128xf32, #tpu.memory_space<vmem>>, vector<8x128xf32>
    %gt3A_730 = arith.cmpf ogt, %get3A_729, %select_n3A_651 : vector<8x128xf32>
    %select_n3A_731 = arith.select %gt3A_730, %get3A_729, %select_n3A_651 : vector<8x128xi1>, vector<8x128xf32>
    %jit3A_732 = arith.constant 95 : i32
    %broadcast_in_dim3A_733 = vector.broadcast %jit3A_732 : i32 to vector<8x128xi32>
    %select_n3A_734 = arith.select %gt3A_730, %broadcast_in_dim3A_733, %select_n3A_654 : vector<8x128xi1>, vector<8x128xi32>
    %get3A_735 = arith.constant 768 : index
    %get3A_736 = arith.constant 0 : index
    %get3A_737 = vector.load %arg1[%get3A_735, %get3A_736] : memref<4000x128xf32, #tpu.memory_space<vmem>>, vector<8x128xf32>
    %gt3A_738 = arith.cmpf ogt, %get3A_737, %select_n3A_659 : vector<8x128xf32>
    %select_n3A_739 = arith.select %gt3A_738, %get3A_737, %select_n3A_659 : vector<8x128xi1>, vector<8x128xf32>
    %jit3A_740 = arith.constant 96 : i32
    %broadcast_in_dim3A_741 = vector.broadcast %jit3A_740 : i32 to vector<8x128xi32>
    %select_n3A_742 = arith.select %gt3A_738, %broadcast_in_dim3A_741, %select_n3A_662 : vector<8x128xi1>, vector<8x128xi32>
    %get3A_743 = arith.constant 776 : index
    %get3A_744 = arith.constant 0 : index
    %get3A_745 = vector.load %arg1[%get3A_743, %get3A_744] : memref<4000x128xf32, #tpu.memory_space<vmem>>, vector<8x128xf32>
    %gt3A_746 = arith.cmpf ogt, %get3A_745, %select_n3A_667 : vector<8x128xf32>
    %select_n3A_747 = arith.select %gt3A_746, %get3A_745, %select_n3A_667 : vector<8x128xi1>, vector<8x128xf32>
    %jit3A_748 = arith.constant 97 : i32
    %broadcast_in_dim3A_749 = vector.broadcast %jit3A_748 : i32 to vector<8x128xi32>
    %select_n3A_750 = arith.select %gt3A_746, %broadcast_in_dim3A_749, %select_n3A_670 : vector<8x128xi1>, vector<8x128xi32>
    %get3A_751 = arith.constant 784 : index
    %get3A_752 = arith.constant 0 : index
    %get3A_753 = vector.load %arg1[%get3A_751, %get3A_752] : memref<4000x128xf32, #tpu.memory_space<vmem>>, vector<8x128xf32>
    %gt3A_754 = arith.cmpf ogt, %get3A_753, %select_n3A_675 : vector<8x128xf32>
    %select_n3A_755 = arith.select %gt3A_754, %get3A_753, %select_n3A_675 : vector<8x128xi1>, vector<8x128xf32>
    %jit3A_756 = arith.constant 98 : i32
    %broadcast_in_dim3A_757 = vector.broadcast %jit3A_756 : i32 to vector<8x128xi32>
    %select_n3A_758 = arith.select %gt3A_754, %broadcast_in_dim3A_757, %select_n3A_678 : vector<8x128xi1>, vector<8x128xi32>
    %get3A_759 = arith.constant 792 : index
    %get3A_760 = arith.constant 0 : index
    %get3A_761 = vector.load %arg1[%get3A_759, %get3A_760] : memref<4000x128xf32, #tpu.memory_space<vmem>>, vector<8x128xf32>
    %gt3A_762 = arith.cmpf ogt, %get3A_761, %select_n3A_683 : vector<8x128xf32>
    %select_n3A_763 = arith.select %gt3A_762, %get3A_761, %select_n3A_683 : vector<8x128xi1>, vector<8x128xf32>
    %jit3A_764 = arith.constant 99 : i32
    %broadcast_in_dim3A_765 = vector.broadcast %jit3A_764 : i32 to vector<8x128xi32>
    %select_n3A_766 = arith.select %gt3A_762, %broadcast_in_dim3A_765, %select_n3A_686 : vector<8x128xi1>, vector<8x128xi32>
    %get3A_767 = arith.constant 800 : index
    %get3A_768 = arith.constant 0 : index
    %get3A_769 = vector.load %arg1[%get3A_767, %get3A_768] : memref<4000x128xf32, #tpu.memory_space<vmem>>, vector<8x128xf32>
    %gt3A_770 = arith.cmpf ogt, %get3A_769, %select_n3A_691 : vector<8x128xf32>
    %select_n3A_771 = arith.select %gt3A_770, %get3A_769, %select_n3A_691 : vector<8x128xi1>, vector<8x128xf32>
    %jit3A_772 = arith.constant 100 : i32
    %broadcast_in_dim3A_773 = vector.broadcast %jit3A_772 : i32 to vector<8x128xi32>
    %select_n3A_774 = arith.select %gt3A_770, %broadcast_in_dim3A_773, %select_n3A_694 : vector<8x128xi1>, vector<8x128xi32>
    %get3A_775 = arith.constant 808 : index
    %get3A_776 = arith.constant 0 : index
    %get3A_777 = vector.load %arg1[%get3A_775, %get3A_776] : memref<4000x128xf32, #tpu.memory_space<vmem>>, vector<8x128xf32>
    %gt3A_778 = arith.cmpf ogt, %get3A_777, %select_n3A_699 : vector<8x128xf32>
    %select_n3A_779 = arith.select %gt3A_778, %get3A_777, %select_n3A_699 : vector<8x128xi1>, vector<8x128xf32>
    %jit3A_780 = arith.constant 101 : i32
    %broadcast_in_dim3A_781 = vector.broadcast %jit3A_780 : i32 to vector<8x128xi32>
    %select_n3A_782 = arith.select %gt3A_778, %broadcast_in_dim3A_781, %select_n3A_702 : vector<8x128xi1>, vector<8x128xi32>
    %get3A_783 = arith.constant 816 : index
    %get3A_784 = arith.constant 0 : index
    %get3A_785 = vector.load %arg1[%get3A_783, %get3A_784] : memref<4000x128xf32, #tpu.memory_space<vmem>>, vector<8x128xf32>
    %gt3A_786 = arith.cmpf ogt, %get3A_785, %select_n3A_707 : vector<8x128xf32>
    %select_n3A_787 = arith.select %gt3A_786, %get3A_785, %select_n3A_707 : vector<8x128xi1>, vector<8x128xf32>
    %jit3A_788 = arith.constant 102 : i32
    %broadcast_in_dim3A_789 = vector.broadcast %jit3A_788 : i32 to vector<8x128xi32>
    %select_n3A_790 = arith.select %gt3A_786, %broadcast_in_dim3A_789, %select_n3A_710 : vector<8x128xi1>, vector<8x128xi32>
    %get3A_791 = arith.constant 824 : index
    %get3A_792 = arith.constant 0 : index
    %get3A_793 = vector.load %arg1[%get3A_791, %get3A_792] : memref<4000x128xf32, #tpu.memory_space<vmem>>, vector<8x128xf32>
    %gt3A_794 = arith.cmpf ogt, %get3A_793, %select_n3A_715 : vector<8x128xf32>
    %select_n3A_795 = arith.select %gt3A_794, %get3A_793, %select_n3A_715 : vector<8x128xi1>, vector<8x128xf32>
    %jit3A_796 = arith.constant 103 : i32
    %broadcast_in_dim3A_797 = vector.broadcast %jit3A_796 : i32 to vector<8x128xi32>
    %select_n3A_798 = arith.select %gt3A_794, %broadcast_in_dim3A_797, %select_n3A_718 : vector<8x128xi1>, vector<8x128xi32>
    %get3A_799 = arith.constant 832 : index
    %get3A_800 = arith.constant 0 : index
    %get3A_801 = vector.load %arg1[%get3A_799, %get3A_800] : memref<4000x128xf32, #tpu.memory_space<vmem>>, vector<8x128xf32>
    %gt3A_802 = arith.cmpf ogt, %get3A_801, %select_n3A_723 : vector<8x128xf32>
    %select_n3A_803 = arith.select %gt3A_802, %get3A_801, %select_n3A_723 : vector<8x128xi1>, vector<8x128xf32>
    %jit3A_804 = arith.constant 104 : i32
    %broadcast_in_dim3A_805 = vector.broadcast %jit3A_804 : i32 to vector<8x128xi32>
    %select_n3A_806 = arith.select %gt3A_802, %broadcast_in_dim3A_805, %select_n3A_726 : vector<8x128xi1>, vector<8x128xi32>
    %get3A_807 = arith.constant 840 : index
    %get3A_808 = arith.constant 0 : index
    %get3A_809 = vector.load %arg1[%get3A_807, %get3A_808] : memref<4000x128xf32, #tpu.memory_space<vmem>>, vector<8x128xf32>
    %gt3A_810 = arith.cmpf ogt, %get3A_809, %select_n3A_731 : vector<8x128xf32>
    %select_n3A_811 = arith.select %gt3A_810, %get3A_809, %select_n3A_731 : vector<8x128xi1>, vector<8x128xf32>
    %jit3A_812 = arith.constant 105 : i32
    %broadcast_in_dim3A_813 = vector.broadcast %jit3A_812 : i32 to vector<8x128xi32>
    %select_n3A_814 = arith.select %gt3A_810, %broadcast_in_dim3A_813, %select_n3A_734 : vector<8x128xi1>, vector<8x128xi32>
    %get3A_815 = arith.constant 848 : index
    %get3A_816 = arith.constant 0 : index
    %get3A_817 = vector.load %arg1[%get3A_815, %get3A_816] : memref<4000x128xf32, #tpu.memory_space<vmem>>, vector<8x128xf32>
    %gt3A_818 = arith.cmpf ogt, %get3A_817, %select_n3A_739 : vector<8x128xf32>
    %select_n3A_819 = arith.select %gt3A_818, %get3A_817, %select_n3A_739 : vector<8x128xi1>, vector<8x128xf32>
    %jit3A_820 = arith.constant 106 : i32
    %broadcast_in_dim3A_821 = vector.broadcast %jit3A_820 : i32 to vector<8x128xi32>
    %select_n3A_822 = arith.select %gt3A_818, %broadcast_in_dim3A_821, %select_n3A_742 : vector<8x128xi1>, vector<8x128xi32>
    %get3A_823 = arith.constant 856 : index
    %get3A_824 = arith.constant 0 : index
    %get3A_825 = vector.load %arg1[%get3A_823, %get3A_824] : memref<4000x128xf32, #tpu.memory_space<vmem>>, vector<8x128xf32>
    %gt3A_826 = arith.cmpf ogt, %get3A_825, %select_n3A_747 : vector<8x128xf32>
    %select_n3A_827 = arith.select %gt3A_826, %get3A_825, %select_n3A_747 : vector<8x128xi1>, vector<8x128xf32>
    %jit3A_828 = arith.constant 107 : i32
    %broadcast_in_dim3A_829 = vector.broadcast %jit3A_828 : i32 to vector<8x128xi32>
    %select_n3A_830 = arith.select %gt3A_826, %broadcast_in_dim3A_829, %select_n3A_750 : vector<8x128xi1>, vector<8x128xi32>
    %get3A_831 = arith.constant 864 : index
    %get3A_832 = arith.constant 0 : index
    %get3A_833 = vector.load %arg1[%get3A_831, %get3A_832] : memref<4000x128xf32, #tpu.memory_space<vmem>>, vector<8x128xf32>
    %gt3A_834 = arith.cmpf ogt, %get3A_833, %select_n3A_755 : vector<8x128xf32>
    %select_n3A_835 = arith.select %gt3A_834, %get3A_833, %select_n3A_755 : vector<8x128xi1>, vector<8x128xf32>
    %jit3A_836 = arith.constant 108 : i32
    %broadcast_in_dim3A_837 = vector.broadcast %jit3A_836 : i32 to vector<8x128xi32>
    %select_n3A_838 = arith.select %gt3A_834, %broadcast_in_dim3A_837, %select_n3A_758 : vector<8x128xi1>, vector<8x128xi32>
    %get3A_839 = arith.constant 872 : index
    %get3A_840 = arith.constant 0 : index
    %get3A_841 = vector.load %arg1[%get3A_839, %get3A_840] : memref<4000x128xf32, #tpu.memory_space<vmem>>, vector<8x128xf32>
    %gt3A_842 = arith.cmpf ogt, %get3A_841, %select_n3A_763 : vector<8x128xf32>
    %select_n3A_843 = arith.select %gt3A_842, %get3A_841, %select_n3A_763 : vector<8x128xi1>, vector<8x128xf32>
    %jit3A_844 = arith.constant 109 : i32
    %broadcast_in_dim3A_845 = vector.broadcast %jit3A_844 : i32 to vector<8x128xi32>
    %select_n3A_846 = arith.select %gt3A_842, %broadcast_in_dim3A_845, %select_n3A_766 : vector<8x128xi1>, vector<8x128xi32>
    %get3A_847 = arith.constant 880 : index
    %get3A_848 = arith.constant 0 : index
    %get3A_849 = vector.load %arg1[%get3A_847, %get3A_848] : memref<4000x128xf32, #tpu.memory_space<vmem>>, vector<8x128xf32>
    %gt3A_850 = arith.cmpf ogt, %get3A_849, %select_n3A_771 : vector<8x128xf32>
    %select_n3A_851 = arith.select %gt3A_850, %get3A_849, %select_n3A_771 : vector<8x128xi1>, vector<8x128xf32>
    %jit3A_852 = arith.constant 110 : i32
    %broadcast_in_dim3A_853 = vector.broadcast %jit3A_852 : i32 to vector<8x128xi32>
    %select_n3A_854 = arith.select %gt3A_850, %broadcast_in_dim3A_853, %select_n3A_774 : vector<8x128xi1>, vector<8x128xi32>
    %get3A_855 = arith.constant 888 : index
    %get3A_856 = arith.constant 0 : index
    %get3A_857 = vector.load %arg1[%get3A_855, %get3A_856] : memref<4000x128xf32, #tpu.memory_space<vmem>>, vector<8x128xf32>
    %gt3A_858 = arith.cmpf ogt, %get3A_857, %select_n3A_779 : vector<8x128xf32>
    %select_n3A_859 = arith.select %gt3A_858, %get3A_857, %select_n3A_779 : vector<8x128xi1>, vector<8x128xf32>
    %jit3A_860 = arith.constant 111 : i32
    %broadcast_in_dim3A_861 = vector.broadcast %jit3A_860 : i32 to vector<8x128xi32>
    %select_n3A_862 = arith.select %gt3A_858, %broadcast_in_dim3A_861, %select_n3A_782 : vector<8x128xi1>, vector<8x128xi32>
    %get3A_863 = arith.constant 896 : index
    %get3A_864 = arith.constant 0 : index
    %get3A_865 = vector.load %arg1[%get3A_863, %get3A_864] : memref<4000x128xf32, #tpu.memory_space<vmem>>, vector<8x128xf32>
    %gt3A_866 = arith.cmpf ogt, %get3A_865, %select_n3A_787 : vector<8x128xf32>
    %select_n3A_867 = arith.select %gt3A_866, %get3A_865, %select_n3A_787 : vector<8x128xi1>, vector<8x128xf32>
    %jit3A_868 = arith.constant 112 : i32
    %broadcast_in_dim3A_869 = vector.broadcast %jit3A_868 : i32 to vector<8x128xi32>
    %select_n3A_870 = arith.select %gt3A_866, %broadcast_in_dim3A_869, %select_n3A_790 : vector<8x128xi1>, vector<8x128xi32>
    %get3A_871 = arith.constant 904 : index
    %get3A_872 = arith.constant 0 : index
    %get3A_873 = vector.load %arg1[%get3A_871, %get3A_872] : memref<4000x128xf32, #tpu.memory_space<vmem>>, vector<8x128xf32>
    %gt3A_874 = arith.cmpf ogt, %get3A_873, %select_n3A_795 : vector<8x128xf32>
    %select_n3A_875 = arith.select %gt3A_874, %get3A_873, %select_n3A_795 : vector<8x128xi1>, vector<8x128xf32>
    %jit3A_876 = arith.constant 113 : i32
    %broadcast_in_dim3A_877 = vector.broadcast %jit3A_876 : i32 to vector<8x128xi32>
    %select_n3A_878 = arith.select %gt3A_874, %broadcast_in_dim3A_877, %select_n3A_798 : vector<8x128xi1>, vector<8x128xi32>
    %get3A_879 = arith.constant 912 : index
    %get3A_880 = arith.constant 0 : index
    %get3A_881 = vector.load %arg1[%get3A_879, %get3A_880] : memref<4000x128xf32, #tpu.memory_space<vmem>>, vector<8x128xf32>
    %gt3A_882 = arith.cmpf ogt, %get3A_881, %select_n3A_803 : vector<8x128xf32>
    %select_n3A_883 = arith.select %gt3A_882, %get3A_881, %select_n3A_803 : vector<8x128xi1>, vector<8x128xf32>
    %jit3A_884 = arith.constant 114 : i32
    %broadcast_in_dim3A_885 = vector.broadcast %jit3A_884 : i32 to vector<8x128xi32>
    %select_n3A_886 = arith.select %gt3A_882, %broadcast_in_dim3A_885, %select_n3A_806 : vector<8x128xi1>, vector<8x128xi32>
    %get3A_887 = arith.constant 920 : index
    %get3A_888 = arith.constant 0 : index
    %get3A_889 = vector.load %arg1[%get3A_887, %get3A_888] : memref<4000x128xf32, #tpu.memory_space<vmem>>, vector<8x128xf32>
    %gt3A_890 = arith.cmpf ogt, %get3A_889, %select_n3A_811 : vector<8x128xf32>
    %select_n3A_891 = arith.select %gt3A_890, %get3A_889, %select_n3A_811 : vector<8x128xi1>, vector<8x128xf32>
    %jit3A_892 = arith.constant 115 : i32
    %broadcast_in_dim3A_893 = vector.broadcast %jit3A_892 : i32 to vector<8x128xi32>
    %select_n3A_894 = arith.select %gt3A_890, %broadcast_in_dim3A_893, %select_n3A_814 : vector<8x128xi1>, vector<8x128xi32>
    %get3A_895 = arith.constant 928 : index
    %get3A_896 = arith.constant 0 : index
    %get3A_897 = vector.load %arg1[%get3A_895, %get3A_896] : memref<4000x128xf32, #tpu.memory_space<vmem>>, vector<8x128xf32>
    %gt3A_898 = arith.cmpf ogt, %get3A_897, %select_n3A_819 : vector<8x128xf32>
    %select_n3A_899 = arith.select %gt3A_898, %get3A_897, %select_n3A_819 : vector<8x128xi1>, vector<8x128xf32>
    %jit3A_900 = arith.constant 116 : i32
    %broadcast_in_dim3A_901 = vector.broadcast %jit3A_900 : i32 to vector<8x128xi32>
    %select_n3A_902 = arith.select %gt3A_898, %broadcast_in_dim3A_901, %select_n3A_822 : vector<8x128xi1>, vector<8x128xi32>
    %get3A_903 = arith.constant 936 : index
    %get3A_904 = arith.constant 0 : index
    %get3A_905 = vector.load %arg1[%get3A_903, %get3A_904] : memref<4000x128xf32, #tpu.memory_space<vmem>>, vector<8x128xf32>
    %gt3A_906 = arith.cmpf ogt, %get3A_905, %select_n3A_827 : vector<8x128xf32>
    %select_n3A_907 = arith.select %gt3A_906, %get3A_905, %select_n3A_827 : vector<8x128xi1>, vector<8x128xf32>
    %jit3A_908 = arith.constant 117 : i32
    %broadcast_in_dim3A_909 = vector.broadcast %jit3A_908 : i32 to vector<8x128xi32>
    %select_n3A_910 = arith.select %gt3A_906, %broadcast_in_dim3A_909, %select_n3A_830 : vector<8x128xi1>, vector<8x128xi32>
    %get3A_911 = arith.constant 944 : index
    %get3A_912 = arith.constant 0 : index
    %get3A_913 = vector.load %arg1[%get3A_911, %get3A_912] : memref<4000x128xf32, #tpu.memory_space<vmem>>, vector<8x128xf32>
    %gt3A_914 = arith.cmpf ogt, %get3A_913, %select_n3A_835 : vector<8x128xf32>
    %select_n3A_915 = arith.select %gt3A_914, %get3A_913, %select_n3A_835 : vector<8x128xi1>, vector<8x128xf32>
    %jit3A_916 = arith.constant 118 : i32
    %broadcast_in_dim3A_917 = vector.broadcast %jit3A_916 : i32 to vector<8x128xi32>
    %select_n3A_918 = arith.select %gt3A_914, %broadcast_in_dim3A_917, %select_n3A_838 : vector<8x128xi1>, vector<8x128xi32>
    %get3A_919 = arith.constant 952 : index
    %get3A_920 = arith.constant 0 : index
    %get3A_921 = vector.load %arg1[%get3A_919, %get3A_920] : memref<4000x128xf32, #tpu.memory_space<vmem>>, vector<8x128xf32>
    %gt3A_922 = arith.cmpf ogt, %get3A_921, %select_n3A_843 : vector<8x128xf32>
    %select_n3A_923 = arith.select %gt3A_922, %get3A_921, %select_n3A_843 : vector<8x128xi1>, vector<8x128xf32>
    %jit3A_924 = arith.constant 119 : i32
    %broadcast_in_dim3A_925 = vector.broadcast %jit3A_924 : i32 to vector<8x128xi32>
    %select_n3A_926 = arith.select %gt3A_922, %broadcast_in_dim3A_925, %select_n3A_846 : vector<8x128xi1>, vector<8x128xi32>
    %get3A_927 = arith.constant 960 : index
    %get3A_928 = arith.constant 0 : index
    %get3A_929 = vector.load %arg1[%get3A_927, %get3A_928] : memref<4000x128xf32, #tpu.memory_space<vmem>>, vector<8x128xf32>
    %gt3A_930 = arith.cmpf ogt, %get3A_929, %select_n3A_851 : vector<8x128xf32>
    %select_n3A_931 = arith.select %gt3A_930, %get3A_929, %select_n3A_851 : vector<8x128xi1>, vector<8x128xf32>
    %jit3A_932 = arith.constant 120 : i32
    %broadcast_in_dim3A_933 = vector.broadcast %jit3A_932 : i32 to vector<8x128xi32>
    %select_n3A_934 = arith.select %gt3A_930, %broadcast_in_dim3A_933, %select_n3A_854 : vector<8x128xi1>, vector<8x128xi32>
    %get3A_935 = arith.constant 968 : index
    %get3A_936 = arith.constant 0 : index
    %get3A_937 = vector.load %arg1[%get3A_935, %get3A_936] : memref<4000x128xf32, #tpu.memory_space<vmem>>, vector<8x128xf32>
    %gt3A_938 = arith.cmpf ogt, %get3A_937, %select_n3A_859 : vector<8x128xf32>
    %select_n3A_939 = arith.select %gt3A_938, %get3A_937, %select_n3A_859 : vector<8x128xi1>, vector<8x128xf32>
    %jit3A_940 = arith.constant 121 : i32
    %broadcast_in_dim3A_941 = vector.broadcast %jit3A_940 : i32 to vector<8x128xi32>
    %select_n3A_942 = arith.select %gt3A_938, %broadcast_in_dim3A_941, %select_n3A_862 : vector<8x128xi1>, vector<8x128xi32>
    %get3A_943 = arith.constant 976 : index
    %get3A_944 = arith.constant 0 : index
    %get3A_945 = vector.load %arg1[%get3A_943, %get3A_944] : memref<4000x128xf32, #tpu.memory_space<vmem>>, vector<8x128xf32>
    %gt3A_946 = arith.cmpf ogt, %get3A_945, %select_n3A_867 : vector<8x128xf32>
    %select_n3A_947 = arith.select %gt3A_946, %get3A_945, %select_n3A_867 : vector<8x128xi1>, vector<8x128xf32>
    %jit3A_948 = arith.constant 122 : i32
    %broadcast_in_dim3A_949 = vector.broadcast %jit3A_948 : i32 to vector<8x128xi32>
    %select_n3A_950 = arith.select %gt3A_946, %broadcast_in_dim3A_949, %select_n3A_870 : vector<8x128xi1>, vector<8x128xi32>
    %get3A_951 = arith.constant 984 : index
    %get3A_952 = arith.constant 0 : index
    %get3A_953 = vector.load %arg1[%get3A_951, %get3A_952] : memref<4000x128xf32, #tpu.memory_space<vmem>>, vector<8x128xf32>
    %gt3A_954 = arith.cmpf ogt, %get3A_953, %select_n3A_875 : vector<8x128xf32>
    %select_n3A_955 = arith.select %gt3A_954, %get3A_953, %select_n3A_875 : vector<8x128xi1>, vector<8x128xf32>
    %jit3A_956 = arith.constant 123 : i32
    %broadcast_in_dim3A_957 = vector.broadcast %jit3A_956 : i32 to vector<8x128xi32>
    %select_n3A_958 = arith.select %gt3A_954, %broadcast_in_dim3A_957, %select_n3A_878 : vector<8x128xi1>, vector<8x128xi32>
    %get3A_959 = arith.constant 992 : index
    %get3A_960 = arith.constant 0 : index
    %get3A_961 = vector.load %arg1[%get3A_959, %get3A_960] : memref<4000x128xf32, #tpu.memory_space<vmem>>, vector<8x128xf32>
    %gt3A_962 = arith.cmpf ogt, %get3A_961, %select_n3A_883 : vector<8x128xf32>
    %select_n3A_963 = arith.select %gt3A_962, %get3A_961, %select_n3A_883 : vector<8x128xi1>, vector<8x128xf32>
    %jit3A_964 = arith.constant 124 : i32
    %broadcast_in_dim3A_965 = vector.broadcast %jit3A_964 : i32 to vector<8x128xi32>
    %select_n3A_966 = arith.select %gt3A_962, %broadcast_in_dim3A_965, %select_n3A_886 : vector<8x128xi1>, vector<8x128xi32>
    %get3A_967 = arith.constant 1000 : index
    %get3A_968 = arith.constant 0 : index
    %get3A_969 = vector.load %arg1[%get3A_967, %get3A_968] : memref<4000x128xf32, #tpu.memory_space<vmem>>, vector<8x128xf32>
    %gt3A_970 = arith.cmpf ogt, %get3A_969, %select_n3A_891 : vector<8x128xf32>
    %select_n3A_971 = arith.select %gt3A_970, %get3A_969, %select_n3A_891 : vector<8x128xi1>, vector<8x128xf32>
    %jit3A_972 = arith.constant 125 : i32
    %broadcast_in_dim3A_973 = vector.broadcast %jit3A_972 : i32 to vector<8x128xi32>
    %select_n3A_974 = arith.select %gt3A_970, %broadcast_in_dim3A_973, %select_n3A_894 : vector<8x128xi1>, vector<8x128xi32>
    %get3A_975 = arith.constant 1008 : index
    %get3A_976 = arith.constant 0 : index
    %get3A_977 = vector.load %arg1[%get3A_975, %get3A_976] : memref<4000x128xf32, #tpu.memory_space<vmem>>, vector<8x128xf32>
    %gt3A_978 = arith.cmpf ogt, %get3A_977, %select_n3A_899 : vector<8x128xf32>
    %select_n3A_979 = arith.select %gt3A_978, %get3A_977, %select_n3A_899 : vector<8x128xi1>, vector<8x128xf32>
    %jit3A_980 = arith.constant 126 : i32
    %broadcast_in_dim3A_981 = vector.broadcast %jit3A_980 : i32 to vector<8x128xi32>
    %select_n3A_982 = arith.select %gt3A_978, %broadcast_in_dim3A_981, %select_n3A_902 : vector<8x128xi1>, vector<8x128xi32>
    %get3A_983 = arith.constant 1016 : index
    %get3A_984 = arith.constant 0 : index
    %get3A_985 = vector.load %arg1[%get3A_983, %get3A_984] : memref<4000x128xf32, #tpu.memory_space<vmem>>, vector<8x128xf32>
    %gt3A_986 = arith.cmpf ogt, %get3A_985, %select_n3A_907 : vector<8x128xf32>
    %select_n3A_987 = arith.select %gt3A_986, %get3A_985, %select_n3A_907 : vector<8x128xi1>, vector<8x128xf32>
    %jit3A_988 = arith.constant 127 : i32
    %broadcast_in_dim3A_989 = vector.broadcast %jit3A_988 : i32 to vector<8x128xi32>
    %select_n3A_990 = arith.select %gt3A_986, %broadcast_in_dim3A_989, %select_n3A_910 : vector<8x128xi1>, vector<8x128xi32>
    %get3A_991 = arith.constant 1024 : index
    %get3A_992 = arith.constant 0 : index
    %get3A_993 = vector.load %arg1[%get3A_991, %get3A_992] : memref<4000x128xf32, #tpu.memory_space<vmem>>, vector<8x128xf32>
    %gt3A_994 = arith.cmpf ogt, %get3A_993, %select_n3A_915 : vector<8x128xf32>
    %select_n3A_995 = arith.select %gt3A_994, %get3A_993, %select_n3A_915 : vector<8x128xi1>, vector<8x128xf32>
    %jit3A_996 = arith.constant 128 : i32
    %broadcast_in_dim3A_997 = vector.broadcast %jit3A_996 : i32 to vector<8x128xi32>
    %select_n3A_998 = arith.select %gt3A_994, %broadcast_in_dim3A_997, %select_n3A_918 : vector<8x128xi1>, vector<8x128xi32>
    %get3A_999 = arith.constant 1032 : index
    %get3A_1000 = arith.constant 0 : index
    %get3A_1001 = vector.load %arg1[%get3A_999, %get3A_1000] : memref<4000x128xf32, #tpu.memory_space<vmem>>, vector<8x128xf32>
    %gt3A_1002 = arith.cmpf ogt, %get3A_1001, %select_n3A_923 : vector<8x128xf32>
    %select_n3A_1003 = arith.select %gt3A_1002, %get3A_1001, %select_n3A_923 : vector<8x128xi1>, vector<8x128xf32>
    %jit3A_1004 = arith.constant 129 : i32
    %broadcast_in_dim3A_1005 = vector.broadcast %jit3A_1004 : i32 to vector<8x128xi32>
    %select_n3A_1006 = arith.select %gt3A_1002, %broadcast_in_dim3A_1005, %select_n3A_926 : vector<8x128xi1>, vector<8x128xi32>
    %get3A_1007 = arith.constant 1040 : index
    %get3A_1008 = arith.constant 0 : index
    %get3A_1009 = vector.load %arg1[%get3A_1007, %get3A_1008] : memref<4000x128xf32, #tpu.memory_space<vmem>>, vector<8x128xf32>
    %gt3A_1010 = arith.cmpf ogt, %get3A_1009, %select_n3A_931 : vector<8x128xf32>
    %select_n3A_1011 = arith.select %gt3A_1010, %get3A_1009, %select_n3A_931 : vector<8x128xi1>, vector<8x128xf32>
    %jit3A_1012 = arith.constant 130 : i32
    %broadcast_in_dim3A_1013 = vector.broadcast %jit3A_1012 : i32 to vector<8x128xi32>
    %select_n3A_1014 = arith.select %gt3A_1010, %broadcast_in_dim3A_1013, %select_n3A_934 : vector<8x128xi1>, vector<8x128xi32>
    %get3A_1015 = arith.constant 1048 : index
    %get3A_1016 = arith.constant 0 : index
    %get3A_1017 = vector.load %arg1[%get3A_1015, %get3A_1016] : memref<4000x128xf32, #tpu.memory_space<vmem>>, vector<8x128xf32>
    %gt3A_1018 = arith.cmpf ogt, %get3A_1017, %select_n3A_939 : vector<8x128xf32>
    %select_n3A_1019 = arith.select %gt3A_1018, %get3A_1017, %select_n3A_939 : vector<8x128xi1>, vector<8x128xf32>
    %jit3A_1020 = arith.constant 131 : i32
    %broadcast_in_dim3A_1021 = vector.broadcast %jit3A_1020 : i32 to vector<8x128xi32>
    %select_n3A_1022 = arith.select %gt3A_1018, %broadcast_in_dim3A_1021, %select_n3A_942 : vector<8x128xi1>, vector<8x128xi32>
    %get3A_1023 = arith.constant 1056 : index
    %get3A_1024 = arith.constant 0 : index
    %get3A_1025 = vector.load %arg1[%get3A_1023, %get3A_1024] : memref<4000x128xf32, #tpu.memory_space<vmem>>, vector<8x128xf32>
    %gt3A_1026 = arith.cmpf ogt, %get3A_1025, %select_n3A_947 : vector<8x128xf32>
    %select_n3A_1027 = arith.select %gt3A_1026, %get3A_1025, %select_n3A_947 : vector<8x128xi1>, vector<8x128xf32>
    %jit3A_1028 = arith.constant 132 : i32
    %broadcast_in_dim3A_1029 = vector.broadcast %jit3A_1028 : i32 to vector<8x128xi32>
    %select_n3A_1030 = arith.select %gt3A_1026, %broadcast_in_dim3A_1029, %select_n3A_950 : vector<8x128xi1>, vector<8x128xi32>
    %get3A_1031 = arith.constant 1064 : index
    %get3A_1032 = arith.constant 0 : index
    %get3A_1033 = vector.load %arg1[%get3A_1031, %get3A_1032] : memref<4000x128xf32, #tpu.memory_space<vmem>>, vector<8x128xf32>
    %gt3A_1034 = arith.cmpf ogt, %get3A_1033, %select_n3A_955 : vector<8x128xf32>
    %select_n3A_1035 = arith.select %gt3A_1034, %get3A_1033, %select_n3A_955 : vector<8x128xi1>, vector<8x128xf32>
    %jit3A_1036 = arith.constant 133 : i32
    %broadcast_in_dim3A_1037 = vector.broadcast %jit3A_1036 : i32 to vector<8x128xi32>
    %select_n3A_1038 = arith.select %gt3A_1034, %broadcast_in_dim3A_1037, %select_n3A_958 : vector<8x128xi1>, vector<8x128xi32>
    %get3A_1039 = arith.constant 1072 : index
    %get3A_1040 = arith.constant 0 : index
    %get3A_1041 = vector.load %arg1[%get3A_1039, %get3A_1040] : memref<4000x128xf32, #tpu.memory_space<vmem>>, vector<8x128xf32>
    %gt3A_1042 = arith.cmpf ogt, %get3A_1041, %select_n3A_963 : vector<8x128xf32>
    %select_n3A_1043 = arith.select %gt3A_1042, %get3A_1041, %select_n3A_963 : vector<8x128xi1>, vector<8x128xf32>
    %jit3A_1044 = arith.constant 134 : i32
    %broadcast_in_dim3A_1045 = vector.broadcast %jit3A_1044 : i32 to vector<8x128xi32>
    %select_n3A_1046 = arith.select %gt3A_1042, %broadcast_in_dim3A_1045, %select_n3A_966 : vector<8x128xi1>, vector<8x128xi32>
    %get3A_1047 = arith.constant 1080 : index
    %get3A_1048 = arith.constant 0 : index
    %get3A_1049 = vector.load %arg1[%get3A_1047, %get3A_1048] : memref<4000x128xf32, #tpu.memory_space<vmem>>, vector<8x128xf32>
    %gt3A_1050 = arith.cmpf ogt, %get3A_1049, %select_n3A_971 : vector<8x128xf32>
    %select_n3A_1051 = arith.select %gt3A_1050, %get3A_1049, %select_n3A_971 : vector<8x128xi1>, vector<8x128xf32>
    %jit3A_1052 = arith.constant 135 : i32
    %broadcast_in_dim3A_1053 = vector.broadcast %jit3A_1052 : i32 to vector<8x128xi32>
    %select_n3A_1054 = arith.select %gt3A_1050, %broadcast_in_dim3A_1053, %select_n3A_974 : vector<8x128xi1>, vector<8x128xi32>
    %get3A_1055 = arith.constant 1088 : index
    %get3A_1056 = arith.constant 0 : index
    %get3A_1057 = vector.load %arg1[%get3A_1055, %get3A_1056] : memref<4000x128xf32, #tpu.memory_space<vmem>>, vector<8x128xf32>
    %gt3A_1058 = arith.cmpf ogt, %get3A_1057, %select_n3A_979 : vector<8x128xf32>
    %select_n3A_1059 = arith.select %gt3A_1058, %get3A_1057, %select_n3A_979 : vector<8x128xi1>, vector<8x128xf32>
    %jit3A_1060 = arith.constant 136 : i32
    %broadcast_in_dim3A_1061 = vector.broadcast %jit3A_1060 : i32 to vector<8x128xi32>
    %select_n3A_1062 = arith.select %gt3A_1058, %broadcast_in_dim3A_1061, %select_n3A_982 : vector<8x128xi1>, vector<8x128xi32>
    %get3A_1063 = arith.constant 1096 : index
    %get3A_1064 = arith.constant 0 : index
    %get3A_1065 = vector.load %arg1[%get3A_1063, %get3A_1064] : memref<4000x128xf32, #tpu.memory_space<vmem>>, vector<8x128xf32>
    %gt3A_1066 = arith.cmpf ogt, %get3A_1065, %select_n3A_987 : vector<8x128xf32>
    %select_n3A_1067 = arith.select %gt3A_1066, %get3A_1065, %select_n3A_987 : vector<8x128xi1>, vector<8x128xf32>
    %jit3A_1068 = arith.constant 137 : i32
    %broadcast_in_dim3A_1069 = vector.broadcast %jit3A_1068 : i32 to vector<8x128xi32>
    %select_n3A_1070 = arith.select %gt3A_1066, %broadcast_in_dim3A_1069, %select_n3A_990 : vector<8x128xi1>, vector<8x128xi32>
    %get3A_1071 = arith.constant 1104 : index
    %get3A_1072 = arith.constant 0 : index
    %get3A_1073 = vector.load %arg1[%get3A_1071, %get3A_1072] : memref<4000x128xf32, #tpu.memory_space<vmem>>, vector<8x128xf32>
    %gt3A_1074 = arith.cmpf ogt, %get3A_1073, %select_n3A_995 : vector<8x128xf32>
    %select_n3A_1075 = arith.select %gt3A_1074, %get3A_1073, %select_n3A_995 : vector<8x128xi1>, vector<8x128xf32>
    %jit3A_1076 = arith.constant 138 : i32
    %broadcast_in_dim3A_1077 = vector.broadcast %jit3A_1076 : i32 to vector<8x128xi32>
    %select_n3A_1078 = arith.select %gt3A_1074, %broadcast_in_dim3A_1077, %select_n3A_998 : vector<8x128xi1>, vector<8x128xi32>
    %get3A_1079 = arith.constant 1112 : index
    %get3A_1080 = arith.constant 0 : index
    %get3A_1081 = vector.load %arg1[%get3A_1079, %get3A_1080] : memref<4000x128xf32, #tpu.memory_space<vmem>>, vector<8x128xf32>
    %gt3A_1082 = arith.cmpf ogt, %get3A_1081, %select_n3A_1003 : vector<8x128xf32>
    %select_n3A_1083 = arith.select %gt3A_1082, %get3A_1081, %select_n3A_1003 : vector<8x128xi1>, vector<8x128xf32>
    %jit3A_1084 = arith.constant 139 : i32
    %broadcast_in_dim3A_1085 = vector.broadcast %jit3A_1084 : i32 to vector<8x128xi32>
    %select_n3A_1086 = arith.select %gt3A_1082, %broadcast_in_dim3A_1085, %select_n3A_1006 : vector<8x128xi1>, vector<8x128xi32>
    %get3A_1087 = arith.constant 1120 : index
    %get3A_1088 = arith.constant 0 : index
    %get3A_1089 = vector.load %arg1[%get3A_1087, %get3A_1088] : memref<4000x128xf32, #tpu.memory_space<vmem>>, vector<8x128xf32>
    %gt3A_1090 = arith.cmpf ogt, %get3A_1089, %select_n3A_1011 : vector<8x128xf32>
    %select_n3A_1091 = arith.select %gt3A_1090, %get3A_1089, %select_n3A_1011 : vector<8x128xi1>, vector<8x128xf32>
    %jit3A_1092 = arith.constant 140 : i32
    %broadcast_in_dim3A_1093 = vector.broadcast %jit3A_1092 : i32 to vector<8x128xi32>
    %select_n3A_1094 = arith.select %gt3A_1090, %broadcast_in_dim3A_1093, %select_n3A_1014 : vector<8x128xi1>, vector<8x128xi32>
    %get3A_1095 = arith.constant 1128 : index
    %get3A_1096 = arith.constant 0 : index
    %get3A_1097 = vector.load %arg1[%get3A_1095, %get3A_1096] : memref<4000x128xf32, #tpu.memory_space<vmem>>, vector<8x128xf32>
    %gt3A_1098 = arith.cmpf ogt, %get3A_1097, %select_n3A_1019 : vector<8x128xf32>
    %select_n3A_1099 = arith.select %gt3A_1098, %get3A_1097, %select_n3A_1019 : vector<8x128xi1>, vector<8x128xf32>
    %jit3A_1100 = arith.constant 141 : i32
    %broadcast_in_dim3A_1101 = vector.broadcast %jit3A_1100 : i32 to vector<8x128xi32>
    %select_n3A_1102 = arith.select %gt3A_1098, %broadcast_in_dim3A_1101, %select_n3A_1022 : vector<8x128xi1>, vector<8x128xi32>
    %get3A_1103 = arith.constant 1136 : index
    %get3A_1104 = arith.constant 0 : index
    %get3A_1105 = vector.load %arg1[%get3A_1103, %get3A_1104] : memref<4000x128xf32, #tpu.memory_space<vmem>>, vector<8x128xf32>
    %gt3A_1106 = arith.cmpf ogt, %get3A_1105, %select_n3A_1027 : vector<8x128xf32>
    %select_n3A_1107 = arith.select %gt3A_1106, %get3A_1105, %select_n3A_1027 : vector<8x128xi1>, vector<8x128xf32>
    %jit3A_1108 = arith.constant 142 : i32
    %broadcast_in_dim3A_1109 = vector.broadcast %jit3A_1108 : i32 to vector<8x128xi32>
    %select_n3A_1110 = arith.select %gt3A_1106, %broadcast_in_dim3A_1109, %select_n3A_1030 : vector<8x128xi1>, vector<8x128xi32>
    %get3A_1111 = arith.constant 1144 : index
    %get3A_1112 = arith.constant 0 : index
    %get3A_1113 = vector.load %arg1[%get3A_1111, %get3A_1112] : memref<4000x128xf32, #tpu.memory_space<vmem>>, vector<8x128xf32>
    %gt3A_1114 = arith.cmpf ogt, %get3A_1113, %select_n3A_1035 : vector<8x128xf32>
    %select_n3A_1115 = arith.select %gt3A_1114, %get3A_1113, %select_n3A_1035 : vector<8x128xi1>, vector<8x128xf32>
    %jit3A_1116 = arith.constant 143 : i32
    %broadcast_in_dim3A_1117 = vector.broadcast %jit3A_1116 : i32 to vector<8x128xi32>
    %select_n3A_1118 = arith.select %gt3A_1114, %broadcast_in_dim3A_1117, %select_n3A_1038 : vector<8x128xi1>, vector<8x128xi32>
    %get3A_1119 = arith.constant 1152 : index
    %get3A_1120 = arith.constant 0 : index
    %get3A_1121 = vector.load %arg1[%get3A_1119, %get3A_1120] : memref<4000x128xf32, #tpu.memory_space<vmem>>, vector<8x128xf32>
    %gt3A_1122 = arith.cmpf ogt, %get3A_1121, %select_n3A_1043 : vector<8x128xf32>
    %select_n3A_1123 = arith.select %gt3A_1122, %get3A_1121, %select_n3A_1043 : vector<8x128xi1>, vector<8x128xf32>
    %jit3A_1124 = arith.constant 144 : i32
    %broadcast_in_dim3A_1125 = vector.broadcast %jit3A_1124 : i32 to vector<8x128xi32>
    %select_n3A_1126 = arith.select %gt3A_1122, %broadcast_in_dim3A_1125, %select_n3A_1046 : vector<8x128xi1>, vector<8x128xi32>
    %get3A_1127 = arith.constant 1160 : index
    %get3A_1128 = arith.constant 0 : index
    %get3A_1129 = vector.load %arg1[%get3A_1127, %get3A_1128] : memref<4000x128xf32, #tpu.memory_space<vmem>>, vector<8x128xf32>
    %gt3A_1130 = arith.cmpf ogt, %get3A_1129, %select_n3A_1051 : vector<8x128xf32>
    %select_n3A_1131 = arith.select %gt3A_1130, %get3A_1129, %select_n3A_1051 : vector<8x128xi1>, vector<8x128xf32>
    %jit3A_1132 = arith.constant 145 : i32
    %broadcast_in_dim3A_1133 = vector.broadcast %jit3A_1132 : i32 to vector<8x128xi32>
    %select_n3A_1134 = arith.select %gt3A_1130, %broadcast_in_dim3A_1133, %select_n3A_1054 : vector<8x128xi1>, vector<8x128xi32>
    %get3A_1135 = arith.constant 1168 : index
    %get3A_1136 = arith.constant 0 : index
    %get3A_1137 = vector.load %arg1[%get3A_1135, %get3A_1136] : memref<4000x128xf32, #tpu.memory_space<vmem>>, vector<8x128xf32>
    %gt3A_1138 = arith.cmpf ogt, %get3A_1137, %select_n3A_1059 : vector<8x128xf32>
    %select_n3A_1139 = arith.select %gt3A_1138, %get3A_1137, %select_n3A_1059 : vector<8x128xi1>, vector<8x128xf32>
    %jit3A_1140 = arith.constant 146 : i32
    %broadcast_in_dim3A_1141 = vector.broadcast %jit3A_1140 : i32 to vector<8x128xi32>
    %select_n3A_1142 = arith.select %gt3A_1138, %broadcast_in_dim3A_1141, %select_n3A_1062 : vector<8x128xi1>, vector<8x128xi32>
    %get3A_1143 = arith.constant 1176 : index
    %get3A_1144 = arith.constant 0 : index
    %get3A_1145 = vector.load %arg1[%get3A_1143, %get3A_1144] : memref<4000x128xf32, #tpu.memory_space<vmem>>, vector<8x128xf32>
    %gt3A_1146 = arith.cmpf ogt, %get3A_1145, %select_n3A_1067 : vector<8x128xf32>
    %select_n3A_1147 = arith.select %gt3A_1146, %get3A_1145, %select_n3A_1067 : vector<8x128xi1>, vector<8x128xf32>
    %jit3A_1148 = arith.constant 147 : i32
    %broadcast_in_dim3A_1149 = vector.broadcast %jit3A_1148 : i32 to vector<8x128xi32>
    %select_n3A_1150 = arith.select %gt3A_1146, %broadcast_in_dim3A_1149, %select_n3A_1070 : vector<8x128xi1>, vector<8x128xi32>
    %get3A_1151 = arith.constant 1184 : index
    %get3A_1152 = arith.constant 0 : index
    %get3A_1153 = vector.load %arg1[%get3A_1151, %get3A_1152] : memref<4000x128xf32, #tpu.memory_space<vmem>>, vector<8x128xf32>
    %gt3A_1154 = arith.cmpf ogt, %get3A_1153, %select_n3A_1075 : vector<8x128xf32>
    %select_n3A_1155 = arith.select %gt3A_1154, %get3A_1153, %select_n3A_1075 : vector<8x128xi1>, vector<8x128xf32>
    %jit3A_1156 = arith.constant 148 : i32
    %broadcast_in_dim3A_1157 = vector.broadcast %jit3A_1156 : i32 to vector<8x128xi32>
    %select_n3A_1158 = arith.select %gt3A_1154, %broadcast_in_dim3A_1157, %select_n3A_1078 : vector<8x128xi1>, vector<8x128xi32>
    %get3A_1159 = arith.constant 1192 : index
    %get3A_1160 = arith.constant 0 : index
    %get3A_1161 = vector.load %arg1[%get3A_1159, %get3A_1160] : memref<4000x128xf32, #tpu.memory_space<vmem>>, vector<8x128xf32>
    %gt3A_1162 = arith.cmpf ogt, %get3A_1161, %select_n3A_1083 : vector<8x128xf32>
    %select_n3A_1163 = arith.select %gt3A_1162, %get3A_1161, %select_n3A_1083 : vector<8x128xi1>, vector<8x128xf32>
    %jit3A_1164 = arith.constant 149 : i32
    %broadcast_in_dim3A_1165 = vector.broadcast %jit3A_1164 : i32 to vector<8x128xi32>
    %select_n3A_1166 = arith.select %gt3A_1162, %broadcast_in_dim3A_1165, %select_n3A_1086 : vector<8x128xi1>, vector<8x128xi32>
    %get3A_1167 = arith.constant 1200 : index
    %get3A_1168 = arith.constant 0 : index
    %get3A_1169 = vector.load %arg1[%get3A_1167, %get3A_1168] : memref<4000x128xf32, #tpu.memory_space<vmem>>, vector<8x128xf32>
    %gt3A_1170 = arith.cmpf ogt, %get3A_1169, %select_n3A_1091 : vector<8x128xf32>
    %select_n3A_1171 = arith.select %gt3A_1170, %get3A_1169, %select_n3A_1091 : vector<8x128xi1>, vector<8x128xf32>
    %jit3A_1172 = arith.constant 150 : i32
    %broadcast_in_dim3A_1173 = vector.broadcast %jit3A_1172 : i32 to vector<8x128xi32>
    %select_n3A_1174 = arith.select %gt3A_1170, %broadcast_in_dim3A_1173, %select_n3A_1094 : vector<8x128xi1>, vector<8x128xi32>
    %get3A_1175 = arith.constant 1208 : index
    %get3A_1176 = arith.constant 0 : index
    %get3A_1177 = vector.load %arg1[%get3A_1175, %get3A_1176] : memref<4000x128xf32, #tpu.memory_space<vmem>>, vector<8x128xf32>
    %gt3A_1178 = arith.cmpf ogt, %get3A_1177, %select_n3A_1099 : vector<8x128xf32>
    %select_n3A_1179 = arith.select %gt3A_1178, %get3A_1177, %select_n3A_1099 : vector<8x128xi1>, vector<8x128xf32>
    %jit3A_1180 = arith.constant 151 : i32
    %broadcast_in_dim3A_1181 = vector.broadcast %jit3A_1180 : i32 to vector<8x128xi32>
    %select_n3A_1182 = arith.select %gt3A_1178, %broadcast_in_dim3A_1181, %select_n3A_1102 : vector<8x128xi1>, vector<8x128xi32>
    %get3A_1183 = arith.constant 1216 : index
    %get3A_1184 = arith.constant 0 : index
    %get3A_1185 = vector.load %arg1[%get3A_1183, %get3A_1184] : memref<4000x128xf32, #tpu.memory_space<vmem>>, vector<8x128xf32>
    %gt3A_1186 = arith.cmpf ogt, %get3A_1185, %select_n3A_1107 : vector<8x128xf32>
    %select_n3A_1187 = arith.select %gt3A_1186, %get3A_1185, %select_n3A_1107 : vector<8x128xi1>, vector<8x128xf32>
    %jit3A_1188 = arith.constant 152 : i32
    %broadcast_in_dim3A_1189 = vector.broadcast %jit3A_1188 : i32 to vector<8x128xi32>
    %select_n3A_1190 = arith.select %gt3A_1186, %broadcast_in_dim3A_1189, %select_n3A_1110 : vector<8x128xi1>, vector<8x128xi32>
    %get3A_1191 = arith.constant 1224 : index
    %get3A_1192 = arith.constant 0 : index
    %get3A_1193 = vector.load %arg1[%get3A_1191, %get3A_1192] : memref<4000x128xf32, #tpu.memory_space<vmem>>, vector<8x128xf32>
    %gt3A_1194 = arith.cmpf ogt, %get3A_1193, %select_n3A_1115 : vector<8x128xf32>
    %select_n3A_1195 = arith.select %gt3A_1194, %get3A_1193, %select_n3A_1115 : vector<8x128xi1>, vector<8x128xf32>
    %jit3A_1196 = arith.constant 153 : i32
    %broadcast_in_dim3A_1197 = vector.broadcast %jit3A_1196 : i32 to vector<8x128xi32>
    %select_n3A_1198 = arith.select %gt3A_1194, %broadcast_in_dim3A_1197, %select_n3A_1118 : vector<8x128xi1>, vector<8x128xi32>
    %get3A_1199 = arith.constant 1232 : index
    %get3A_1200 = arith.constant 0 : index
    %get3A_1201 = vector.load %arg1[%get3A_1199, %get3A_1200] : memref<4000x128xf32, #tpu.memory_space<vmem>>, vector<8x128xf32>
    %gt3A_1202 = arith.cmpf ogt, %get3A_1201, %select_n3A_1123 : vector<8x128xf32>
    %select_n3A_1203 = arith.select %gt3A_1202, %get3A_1201, %select_n3A_1123 : vector<8x128xi1>, vector<8x128xf32>
    %jit3A_1204 = arith.constant 154 : i32
    %broadcast_in_dim3A_1205 = vector.broadcast %jit3A_1204 : i32 to vector<8x128xi32>
    %select_n3A_1206 = arith.select %gt3A_1202, %broadcast_in_dim3A_1205, %select_n3A_1126 : vector<8x128xi1>, vector<8x128xi32>
    %get3A_1207 = arith.constant 1240 : index
    %get3A_1208 = arith.constant 0 : index
    %get3A_1209 = vector.load %arg1[%get3A_1207, %get3A_1208] : memref<4000x128xf32, #tpu.memory_space<vmem>>, vector<8x128xf32>
    %gt3A_1210 = arith.cmpf ogt, %get3A_1209, %select_n3A_1131 : vector<8x128xf32>
    %select_n3A_1211 = arith.select %gt3A_1210, %get3A_1209, %select_n3A_1131 : vector<8x128xi1>, vector<8x128xf32>
    %jit3A_1212 = arith.constant 155 : i32
    %broadcast_in_dim3A_1213 = vector.broadcast %jit3A_1212 : i32 to vector<8x128xi32>
    %select_n3A_1214 = arith.select %gt3A_1210, %broadcast_in_dim3A_1213, %select_n3A_1134 : vector<8x128xi1>, vector<8x128xi32>
    %get3A_1215 = arith.constant 1248 : index
    %get3A_1216 = arith.constant 0 : index
    %get3A_1217 = vector.load %arg1[%get3A_1215, %get3A_1216] : memref<4000x128xf32, #tpu.memory_space<vmem>>, vector<8x128xf32>
    %gt3A_1218 = arith.cmpf ogt, %get3A_1217, %select_n3A_1139 : vector<8x128xf32>
    %select_n3A_1219 = arith.select %gt3A_1218, %get3A_1217, %select_n3A_1139 : vector<8x128xi1>, vector<8x128xf32>
    %jit3A_1220 = arith.constant 156 : i32
    %broadcast_in_dim3A_1221 = vector.broadcast %jit3A_1220 : i32 to vector<8x128xi32>
    %select_n3A_1222 = arith.select %gt3A_1218, %broadcast_in_dim3A_1221, %select_n3A_1142 : vector<8x128xi1>, vector<8x128xi32>
    %get3A_1223 = arith.constant 1256 : index
    %get3A_1224 = arith.constant 0 : index
    %get3A_1225 = vector.load %arg1[%get3A_1223, %get3A_1224] : memref<4000x128xf32, #tpu.memory_space<vmem>>, vector<8x128xf32>
    %gt3A_1226 = arith.cmpf ogt, %get3A_1225, %select_n3A_1147 : vector<8x128xf32>
    %select_n3A_1227 = arith.select %gt3A_1226, %get3A_1225, %select_n3A_1147 : vector<8x128xi1>, vector<8x128xf32>
    %jit3A_1228 = arith.constant 157 : i32
    %broadcast_in_dim3A_1229 = vector.broadcast %jit3A_1228 : i32 to vector<8x128xi32>
    %select_n3A_1230 = arith.select %gt3A_1226, %broadcast_in_dim3A_1229, %select_n3A_1150 : vector<8x128xi1>, vector<8x128xi32>
    %get3A_1231 = arith.constant 1264 : index
    %get3A_1232 = arith.constant 0 : index
    %get3A_1233 = vector.load %arg1[%get3A_1231, %get3A_1232] : memref<4000x128xf32, #tpu.memory_space<vmem>>, vector<8x128xf32>
    %gt3A_1234 = arith.cmpf ogt, %get3A_1233, %select_n3A_1155 : vector<8x128xf32>
    %select_n3A_1235 = arith.select %gt3A_1234, %get3A_1233, %select_n3A_1155 : vector<8x128xi1>, vector<8x128xf32>
    %jit3A_1236 = arith.constant 158 : i32
    %broadcast_in_dim3A_1237 = vector.broadcast %jit3A_1236 : i32 to vector<8x128xi32>
    %select_n3A_1238 = arith.select %gt3A_1234, %broadcast_in_dim3A_1237, %select_n3A_1158 : vector<8x128xi1>, vector<8x128xi32>
    %get3A_1239 = arith.constant 1272 : index
    %get3A_1240 = arith.constant 0 : index
    %get3A_1241 = vector.load %arg1[%get3A_1239, %get3A_1240] : memref<4000x128xf32, #tpu.memory_space<vmem>>, vector<8x128xf32>
    %gt3A_1242 = arith.cmpf ogt, %get3A_1241, %select_n3A_1163 : vector<8x128xf32>
    %select_n3A_1243 = arith.select %gt3A_1242, %get3A_1241, %select_n3A_1163 : vector<8x128xi1>, vector<8x128xf32>
    %jit3A_1244 = arith.constant 159 : i32
    %broadcast_in_dim3A_1245 = vector.broadcast %jit3A_1244 : i32 to vector<8x128xi32>
    %select_n3A_1246 = arith.select %gt3A_1242, %broadcast_in_dim3A_1245, %select_n3A_1166 : vector<8x128xi1>, vector<8x128xi32>
    %get3A_1247 = arith.constant 1280 : index
    %get3A_1248 = arith.constant 0 : index
    %get3A_1249 = vector.load %arg1[%get3A_1247, %get3A_1248] : memref<4000x128xf32, #tpu.memory_space<vmem>>, vector<8x128xf32>
    %gt3A_1250 = arith.cmpf ogt, %get3A_1249, %select_n3A_1171 : vector<8x128xf32>
    %select_n3A_1251 = arith.select %gt3A_1250, %get3A_1249, %select_n3A_1171 : vector<8x128xi1>, vector<8x128xf32>
    %jit3A_1252 = arith.constant 160 : i32
    %broadcast_in_dim3A_1253 = vector.broadcast %jit3A_1252 : i32 to vector<8x128xi32>
    %select_n3A_1254 = arith.select %gt3A_1250, %broadcast_in_dim3A_1253, %select_n3A_1174 : vector<8x128xi1>, vector<8x128xi32>
    %get3A_1255 = arith.constant 1288 : index
    %get3A_1256 = arith.constant 0 : index
    %get3A_1257 = vector.load %arg1[%get3A_1255, %get3A_1256] : memref<4000x128xf32, #tpu.memory_space<vmem>>, vector<8x128xf32>
    %gt3A_1258 = arith.cmpf ogt, %get3A_1257, %select_n3A_1179 : vector<8x128xf32>
    %select_n3A_1259 = arith.select %gt3A_1258, %get3A_1257, %select_n3A_1179 : vector<8x128xi1>, vector<8x128xf32>
    %jit3A_1260 = arith.constant 161 : i32
    %broadcast_in_dim3A_1261 = vector.broadcast %jit3A_1260 : i32 to vector<8x128xi32>
    %select_n3A_1262 = arith.select %gt3A_1258, %broadcast_in_dim3A_1261, %select_n3A_1182 : vector<8x128xi1>, vector<8x128xi32>
    %get3A_1263 = arith.constant 1296 : index
    %get3A_1264 = arith.constant 0 : index
    %get3A_1265 = vector.load %arg1[%get3A_1263, %get3A_1264] : memref<4000x128xf32, #tpu.memory_space<vmem>>, vector<8x128xf32>
    %gt3A_1266 = arith.cmpf ogt, %get3A_1265, %select_n3A_1187 : vector<8x128xf32>
    %select_n3A_1267 = arith.select %gt3A_1266, %get3A_1265, %select_n3A_1187 : vector<8x128xi1>, vector<8x128xf32>
    %jit3A_1268 = arith.constant 162 : i32
    %broadcast_in_dim3A_1269 = vector.broadcast %jit3A_1268 : i32 to vector<8x128xi32>
    %select_n3A_1270 = arith.select %gt3A_1266, %broadcast_in_dim3A_1269, %select_n3A_1190 : vector<8x128xi1>, vector<8x128xi32>
    %get3A_1271 = arith.constant 1304 : index
    %get3A_1272 = arith.constant 0 : index
    %get3A_1273 = vector.load %arg1[%get3A_1271, %get3A_1272] : memref<4000x128xf32, #tpu.memory_space<vmem>>, vector<8x128xf32>
    %gt3A_1274 = arith.cmpf ogt, %get3A_1273, %select_n3A_1195 : vector<8x128xf32>
    %select_n3A_1275 = arith.select %gt3A_1274, %get3A_1273, %select_n3A_1195 : vector<8x128xi1>, vector<8x128xf32>
    %jit3A_1276 = arith.constant 163 : i32
    %broadcast_in_dim3A_1277 = vector.broadcast %jit3A_1276 : i32 to vector<8x128xi32>
    %select_n3A_1278 = arith.select %gt3A_1274, %broadcast_in_dim3A_1277, %select_n3A_1198 : vector<8x128xi1>, vector<8x128xi32>
    %get3A_1279 = arith.constant 1312 : index
    %get3A_1280 = arith.constant 0 : index
    %get3A_1281 = vector.load %arg1[%get3A_1279, %get3A_1280] : memref<4000x128xf32, #tpu.memory_space<vmem>>, vector<8x128xf32>
    %gt3A_1282 = arith.cmpf ogt, %get3A_1281, %select_n3A_1203 : vector<8x128xf32>
    %select_n3A_1283 = arith.select %gt3A_1282, %get3A_1281, %select_n3A_1203 : vector<8x128xi1>, vector<8x128xf32>
    %jit3A_1284 = arith.constant 164 : i32
    %broadcast_in_dim3A_1285 = vector.broadcast %jit3A_1284 : i32 to vector<8x128xi32>
    %select_n3A_1286 = arith.select %gt3A_1282, %broadcast_in_dim3A_1285, %select_n3A_1206 : vector<8x128xi1>, vector<8x128xi32>
    %get3A_1287 = arith.constant 1320 : index
    %get3A_1288 = arith.constant 0 : index
    %get3A_1289 = vector.load %arg1[%get3A_1287, %get3A_1288] : memref<4000x128xf32, #tpu.memory_space<vmem>>, vector<8x128xf32>
    %gt3A_1290 = arith.cmpf ogt, %get3A_1289, %select_n3A_1211 : vector<8x128xf32>
    %select_n3A_1291 = arith.select %gt3A_1290, %get3A_1289, %select_n3A_1211 : vector<8x128xi1>, vector<8x128xf32>
    %jit3A_1292 = arith.constant 165 : i32
    %broadcast_in_dim3A_1293 = vector.broadcast %jit3A_1292 : i32 to vector<8x128xi32>
    %select_n3A_1294 = arith.select %gt3A_1290, %broadcast_in_dim3A_1293, %select_n3A_1214 : vector<8x128xi1>, vector<8x128xi32>
    %get3A_1295 = arith.constant 1328 : index
    %get3A_1296 = arith.constant 0 : index
    %get3A_1297 = vector.load %arg1[%get3A_1295, %get3A_1296] : memref<4000x128xf32, #tpu.memory_space<vmem>>, vector<8x128xf32>
    %gt3A_1298 = arith.cmpf ogt, %get3A_1297, %select_n3A_1219 : vector<8x128xf32>
    %select_n3A_1299 = arith.select %gt3A_1298, %get3A_1297, %select_n3A_1219 : vector<8x128xi1>, vector<8x128xf32>
    %jit3A_1300 = arith.constant 166 : i32
    %broadcast_in_dim3A_1301 = vector.broadcast %jit3A_1300 : i32 to vector<8x128xi32>
    %select_n3A_1302 = arith.select %gt3A_1298, %broadcast_in_dim3A_1301, %select_n3A_1222 : vector<8x128xi1>, vector<8x128xi32>
    %get3A_1303 = arith.constant 1336 : index
    %get3A_1304 = arith.constant 0 : index
    %get3A_1305 = vector.load %arg1[%get3A_1303, %get3A_1304] : memref<4000x128xf32, #tpu.memory_space<vmem>>, vector<8x128xf32>
    %gt3A_1306 = arith.cmpf ogt, %get3A_1305, %select_n3A_1227 : vector<8x128xf32>
    %select_n3A_1307 = arith.select %gt3A_1306, %get3A_1305, %select_n3A_1227 : vector<8x128xi1>, vector<8x128xf32>
    %jit3A_1308 = arith.constant 167 : i32
    %broadcast_in_dim3A_1309 = vector.broadcast %jit3A_1308 : i32 to vector<8x128xi32>
    %select_n3A_1310 = arith.select %gt3A_1306, %broadcast_in_dim3A_1309, %select_n3A_1230 : vector<8x128xi1>, vector<8x128xi32>
    %get3A_1311 = arith.constant 1344 : index
    %get3A_1312 = arith.constant 0 : index
    %get3A_1313 = vector.load %arg1[%get3A_1311, %get3A_1312] : memref<4000x128xf32, #tpu.memory_space<vmem>>, vector<8x128xf32>
    %gt3A_1314 = arith.cmpf ogt, %get3A_1313, %select_n3A_1235 : vector<8x128xf32>
    %select_n3A_1315 = arith.select %gt3A_1314, %get3A_1313, %select_n3A_1235 : vector<8x128xi1>, vector<8x128xf32>
    %jit3A_1316 = arith.constant 168 : i32
    %broadcast_in_dim3A_1317 = vector.broadcast %jit3A_1316 : i32 to vector<8x128xi32>
    %select_n3A_1318 = arith.select %gt3A_1314, %broadcast_in_dim3A_1317, %select_n3A_1238 : vector<8x128xi1>, vector<8x128xi32>
    %get3A_1319 = arith.constant 1352 : index
    %get3A_1320 = arith.constant 0 : index
    %get3A_1321 = vector.load %arg1[%get3A_1319, %get3A_1320] : memref<4000x128xf32, #tpu.memory_space<vmem>>, vector<8x128xf32>
    %gt3A_1322 = arith.cmpf ogt, %get3A_1321, %select_n3A_1243 : vector<8x128xf32>
    %select_n3A_1323 = arith.select %gt3A_1322, %get3A_1321, %select_n3A_1243 : vector<8x128xi1>, vector<8x128xf32>
    %jit3A_1324 = arith.constant 169 : i32
    %broadcast_in_dim3A_1325 = vector.broadcast %jit3A_1324 : i32 to vector<8x128xi32>
    %select_n3A_1326 = arith.select %gt3A_1322, %broadcast_in_dim3A_1325, %select_n3A_1246 : vector<8x128xi1>, vector<8x128xi32>
    %get3A_1327 = arith.constant 1360 : index
    %get3A_1328 = arith.constant 0 : index
    %get3A_1329 = vector.load %arg1[%get3A_1327, %get3A_1328] : memref<4000x128xf32, #tpu.memory_space<vmem>>, vector<8x128xf32>
    %gt3A_1330 = arith.cmpf ogt, %get3A_1329, %select_n3A_1251 : vector<8x128xf32>
    %select_n3A_1331 = arith.select %gt3A_1330, %get3A_1329, %select_n3A_1251 : vector<8x128xi1>, vector<8x128xf32>
    %jit3A_1332 = arith.constant 170 : i32
    %broadcast_in_dim3A_1333 = vector.broadcast %jit3A_1332 : i32 to vector<8x128xi32>
    %select_n3A_1334 = arith.select %gt3A_1330, %broadcast_in_dim3A_1333, %select_n3A_1254 : vector<8x128xi1>, vector<8x128xi32>
    %get3A_1335 = arith.constant 1368 : index
    %get3A_1336 = arith.constant 0 : index
    %get3A_1337 = vector.load %arg1[%get3A_1335, %get3A_1336] : memref<4000x128xf32, #tpu.memory_space<vmem>>, vector<8x128xf32>
    %gt3A_1338 = arith.cmpf ogt, %get3A_1337, %select_n3A_1259 : vector<8x128xf32>
    %select_n3A_1339 = arith.select %gt3A_1338, %get3A_1337, %select_n3A_1259 : vector<8x128xi1>, vector<8x128xf32>
    %jit3A_1340 = arith.constant 171 : i32
    %broadcast_in_dim3A_1341 = vector.broadcast %jit3A_1340 : i32 to vector<8x128xi32>
    %select_n3A_1342 = arith.select %gt3A_1338, %broadcast_in_dim3A_1341, %select_n3A_1262 : vector<8x128xi1>, vector<8x128xi32>
    %get3A_1343 = arith.constant 1376 : index
    %get3A_1344 = arith.constant 0 : index
    %get3A_1345 = vector.load %arg1[%get3A_1343, %get3A_1344] : memref<4000x128xf32, #tpu.memory_space<vmem>>, vector<8x128xf32>
    %gt3A_1346 = arith.cmpf ogt, %get3A_1345, %select_n3A_1267 : vector<8x128xf32>
    %select_n3A_1347 = arith.select %gt3A_1346, %get3A_1345, %select_n3A_1267 : vector<8x128xi1>, vector<8x128xf32>
    %jit3A_1348 = arith.constant 172 : i32
    %broadcast_in_dim3A_1349 = vector.broadcast %jit3A_1348 : i32 to vector<8x128xi32>
    %select_n3A_1350 = arith.select %gt3A_1346, %broadcast_in_dim3A_1349, %select_n3A_1270 : vector<8x128xi1>, vector<8x128xi32>
    %get3A_1351 = arith.constant 1384 : index
    %get3A_1352 = arith.constant 0 : index
    %get3A_1353 = vector.load %arg1[%get3A_1351, %get3A_1352] : memref<4000x128xf32, #tpu.memory_space<vmem>>, vector<8x128xf32>
    %gt3A_1354 = arith.cmpf ogt, %get3A_1353, %select_n3A_1275 : vector<8x128xf32>
    %select_n3A_1355 = arith.select %gt3A_1354, %get3A_1353, %select_n3A_1275 : vector<8x128xi1>, vector<8x128xf32>
    %jit3A_1356 = arith.constant 173 : i32
    %broadcast_in_dim3A_1357 = vector.broadcast %jit3A_1356 : i32 to vector<8x128xi32>
    %select_n3A_1358 = arith.select %gt3A_1354, %broadcast_in_dim3A_1357, %select_n3A_1278 : vector<8x128xi1>, vector<8x128xi32>
    %get3A_1359 = arith.constant 1392 : index
    %get3A_1360 = arith.constant 0 : index
    %get3A_1361 = vector.load %arg1[%get3A_1359, %get3A_1360] : memref<4000x128xf32, #tpu.memory_space<vmem>>, vector<8x128xf32>
    %gt3A_1362 = arith.cmpf ogt, %get3A_1361, %select_n3A_1283 : vector<8x128xf32>
    %select_n3A_1363 = arith.select %gt3A_1362, %get3A_1361, %select_n3A_1283 : vector<8x128xi1>, vector<8x128xf32>
    %jit3A_1364 = arith.constant 174 : i32
    %broadcast_in_dim3A_1365 = vector.broadcast %jit3A_1364 : i32 to vector<8x128xi32>
    %select_n3A_1366 = arith.select %gt3A_1362, %broadcast_in_dim3A_1365, %select_n3A_1286 : vector<8x128xi1>, vector<8x128xi32>
    %get3A_1367 = arith.constant 1400 : index
    %get3A_1368 = arith.constant 0 : index
    %get3A_1369 = vector.load %arg1[%get3A_1367, %get3A_1368] : memref<4000x128xf32, #tpu.memory_space<vmem>>, vector<8x128xf32>
    %gt3A_1370 = arith.cmpf ogt, %get3A_1369, %select_n3A_1291 : vector<8x128xf32>
    %select_n3A_1371 = arith.select %gt3A_1370, %get3A_1369, %select_n3A_1291 : vector<8x128xi1>, vector<8x128xf32>
    %jit3A_1372 = arith.constant 175 : i32
    %broadcast_in_dim3A_1373 = vector.broadcast %jit3A_1372 : i32 to vector<8x128xi32>
    %select_n3A_1374 = arith.select %gt3A_1370, %broadcast_in_dim3A_1373, %select_n3A_1294 : vector<8x128xi1>, vector<8x128xi32>
    %get3A_1375 = arith.constant 1408 : index
    %get3A_1376 = arith.constant 0 : index
    %get3A_1377 = vector.load %arg1[%get3A_1375, %get3A_1376] : memref<4000x128xf32, #tpu.memory_space<vmem>>, vector<8x128xf32>
    %gt3A_1378 = arith.cmpf ogt, %get3A_1377, %select_n3A_1299 : vector<8x128xf32>
    %select_n3A_1379 = arith.select %gt3A_1378, %get3A_1377, %select_n3A_1299 : vector<8x128xi1>, vector<8x128xf32>
    %jit3A_1380 = arith.constant 176 : i32
    %broadcast_in_dim3A_1381 = vector.broadcast %jit3A_1380 : i32 to vector<8x128xi32>
    %select_n3A_1382 = arith.select %gt3A_1378, %broadcast_in_dim3A_1381, %select_n3A_1302 : vector<8x128xi1>, vector<8x128xi32>
    %get3A_1383 = arith.constant 1416 : index
    %get3A_1384 = arith.constant 0 : index
    %get3A_1385 = vector.load %arg1[%get3A_1383, %get3A_1384] : memref<4000x128xf32, #tpu.memory_space<vmem>>, vector<8x128xf32>
    %gt3A_1386 = arith.cmpf ogt, %get3A_1385, %select_n3A_1307 : vector<8x128xf32>
    %select_n3A_1387 = arith.select %gt3A_1386, %get3A_1385, %select_n3A_1307 : vector<8x128xi1>, vector<8x128xf32>
    %jit3A_1388 = arith.constant 177 : i32
    %broadcast_in_dim3A_1389 = vector.broadcast %jit3A_1388 : i32 to vector<8x128xi32>
    %select_n3A_1390 = arith.select %gt3A_1386, %broadcast_in_dim3A_1389, %select_n3A_1310 : vector<8x128xi1>, vector<8x128xi32>
    %get3A_1391 = arith.constant 1424 : index
    %get3A_1392 = arith.constant 0 : index
    %get3A_1393 = vector.load %arg1[%get3A_1391, %get3A_1392] : memref<4000x128xf32, #tpu.memory_space<vmem>>, vector<8x128xf32>
    %gt3A_1394 = arith.cmpf ogt, %get3A_1393, %select_n3A_1315 : vector<8x128xf32>
    %select_n3A_1395 = arith.select %gt3A_1394, %get3A_1393, %select_n3A_1315 : vector<8x128xi1>, vector<8x128xf32>
    %jit3A_1396 = arith.constant 178 : i32
    %broadcast_in_dim3A_1397 = vector.broadcast %jit3A_1396 : i32 to vector<8x128xi32>
    %select_n3A_1398 = arith.select %gt3A_1394, %broadcast_in_dim3A_1397, %select_n3A_1318 : vector<8x128xi1>, vector<8x128xi32>
    %get3A_1399 = arith.constant 1432 : index
    %get3A_1400 = arith.constant 0 : index
    %get3A_1401 = vector.load %arg1[%get3A_1399, %get3A_1400] : memref<4000x128xf32, #tpu.memory_space<vmem>>, vector<8x128xf32>
    %gt3A_1402 = arith.cmpf ogt, %get3A_1401, %select_n3A_1323 : vector<8x128xf32>
    %select_n3A_1403 = arith.select %gt3A_1402, %get3A_1401, %select_n3A_1323 : vector<8x128xi1>, vector<8x128xf32>
    %jit3A_1404 = arith.constant 179 : i32
    %broadcast_in_dim3A_1405 = vector.broadcast %jit3A_1404 : i32 to vector<8x128xi32>
    %select_n3A_1406 = arith.select %gt3A_1402, %broadcast_in_dim3A_1405, %select_n3A_1326 : vector<8x128xi1>, vector<8x128xi32>
    %get3A_1407 = arith.constant 1440 : index
    %get3A_1408 = arith.constant 0 : index
    %get3A_1409 = vector.load %arg1[%get3A_1407, %get3A_1408] : memref<4000x128xf32, #tpu.memory_space<vmem>>, vector<8x128xf32>
    %gt3A_1410 = arith.cmpf ogt, %get3A_1409, %select_n3A_1331 : vector<8x128xf32>
    %select_n3A_1411 = arith.select %gt3A_1410, %get3A_1409, %select_n3A_1331 : vector<8x128xi1>, vector<8x128xf32>
    %jit3A_1412 = arith.constant 180 : i32
    %broadcast_in_dim3A_1413 = vector.broadcast %jit3A_1412 : i32 to vector<8x128xi32>
    %select_n3A_1414 = arith.select %gt3A_1410, %broadcast_in_dim3A_1413, %select_n3A_1334 : vector<8x128xi1>, vector<8x128xi32>
    %get3A_1415 = arith.constant 1448 : index
    %get3A_1416 = arith.constant 0 : index
    %get3A_1417 = vector.load %arg1[%get3A_1415, %get3A_1416] : memref<4000x128xf32, #tpu.memory_space<vmem>>, vector<8x128xf32>
    %gt3A_1418 = arith.cmpf ogt, %get3A_1417, %select_n3A_1339 : vector<8x128xf32>
    %select_n3A_1419 = arith.select %gt3A_1418, %get3A_1417, %select_n3A_1339 : vector<8x128xi1>, vector<8x128xf32>
    %jit3A_1420 = arith.constant 181 : i32
    %broadcast_in_dim3A_1421 = vector.broadcast %jit3A_1420 : i32 to vector<8x128xi32>
    %select_n3A_1422 = arith.select %gt3A_1418, %broadcast_in_dim3A_1421, %select_n3A_1342 : vector<8x128xi1>, vector<8x128xi32>
    %get3A_1423 = arith.constant 1456 : index
    %get3A_1424 = arith.constant 0 : index
    %get3A_1425 = vector.load %arg1[%get3A_1423, %get3A_1424] : memref<4000x128xf32, #tpu.memory_space<vmem>>, vector<8x128xf32>
    %gt3A_1426 = arith.cmpf ogt, %get3A_1425, %select_n3A_1347 : vector<8x128xf32>
    %select_n3A_1427 = arith.select %gt3A_1426, %get3A_1425, %select_n3A_1347 : vector<8x128xi1>, vector<8x128xf32>
    %jit3A_1428 = arith.constant 182 : i32
    %broadcast_in_dim3A_1429 = vector.broadcast %jit3A_1428 : i32 to vector<8x128xi32>
    %select_n3A_1430 = arith.select %gt3A_1426, %broadcast_in_dim3A_1429, %select_n3A_1350 : vector<8x128xi1>, vector<8x128xi32>
    %get3A_1431 = arith.constant 1464 : index
    %get3A_1432 = arith.constant 0 : index
    %get3A_1433 = vector.load %arg1[%get3A_1431, %get3A_1432] : memref<4000x128xf32, #tpu.memory_space<vmem>>, vector<8x128xf32>
    %gt3A_1434 = arith.cmpf ogt, %get3A_1433, %select_n3A_1355 : vector<8x128xf32>
    %select_n3A_1435 = arith.select %gt3A_1434, %get3A_1433, %select_n3A_1355 : vector<8x128xi1>, vector<8x128xf32>
    %jit3A_1436 = arith.constant 183 : i32
    %broadcast_in_dim3A_1437 = vector.broadcast %jit3A_1436 : i32 to vector<8x128xi32>
    %select_n3A_1438 = arith.select %gt3A_1434, %broadcast_in_dim3A_1437, %select_n3A_1358 : vector<8x128xi1>, vector<8x128xi32>
    %get3A_1439 = arith.constant 1472 : index
    %get3A_1440 = arith.constant 0 : index
    %get3A_1441 = vector.load %arg1[%get3A_1439, %get3A_1440] : memref<4000x128xf32, #tpu.memory_space<vmem>>, vector<8x128xf32>
    %gt3A_1442 = arith.cmpf ogt, %get3A_1441, %select_n3A_1363 : vector<8x128xf32>
    %select_n3A_1443 = arith.select %gt3A_1442, %get3A_1441, %select_n3A_1363 : vector<8x128xi1>, vector<8x128xf32>
    %jit3A_1444 = arith.constant 184 : i32
    %broadcast_in_dim3A_1445 = vector.broadcast %jit3A_1444 : i32 to vector<8x128xi32>
    %select_n3A_1446 = arith.select %gt3A_1442, %broadcast_in_dim3A_1445, %select_n3A_1366 : vector<8x128xi1>, vector<8x128xi32>
    %get3A_1447 = arith.constant 1480 : index
    %get3A_1448 = arith.constant 0 : index
    %get3A_1449 = vector.load %arg1[%get3A_1447, %get3A_1448] : memref<4000x128xf32, #tpu.memory_space<vmem>>, vector<8x128xf32>
    %gt3A_1450 = arith.cmpf ogt, %get3A_1449, %select_n3A_1371 : vector<8x128xf32>
    %select_n3A_1451 = arith.select %gt3A_1450, %get3A_1449, %select_n3A_1371 : vector<8x128xi1>, vector<8x128xf32>
    %jit3A_1452 = arith.constant 185 : i32
    %broadcast_in_dim3A_1453 = vector.broadcast %jit3A_1452 : i32 to vector<8x128xi32>
    %select_n3A_1454 = arith.select %gt3A_1450, %broadcast_in_dim3A_1453, %select_n3A_1374 : vector<8x128xi1>, vector<8x128xi32>
    %get3A_1455 = arith.constant 1488 : index
    %get3A_1456 = arith.constant 0 : index
    %get3A_1457 = vector.load %arg1[%get3A_1455, %get3A_1456] : memref<4000x128xf32, #tpu.memory_space<vmem>>, vector<8x128xf32>
    %gt3A_1458 = arith.cmpf ogt, %get3A_1457, %select_n3A_1379 : vector<8x128xf32>
    %select_n3A_1459 = arith.select %gt3A_1458, %get3A_1457, %select_n3A_1379 : vector<8x128xi1>, vector<8x128xf32>
    %jit3A_1460 = arith.constant 186 : i32
    %broadcast_in_dim3A_1461 = vector.broadcast %jit3A_1460 : i32 to vector<8x128xi32>
    %select_n3A_1462 = arith.select %gt3A_1458, %broadcast_in_dim3A_1461, %select_n3A_1382 : vector<8x128xi1>, vector<8x128xi32>
    %get3A_1463 = arith.constant 1496 : index
    %get3A_1464 = arith.constant 0 : index
    %get3A_1465 = vector.load %arg1[%get3A_1463, %get3A_1464] : memref<4000x128xf32, #tpu.memory_space<vmem>>, vector<8x128xf32>
    %gt3A_1466 = arith.cmpf ogt, %get3A_1465, %select_n3A_1387 : vector<8x128xf32>
    %select_n3A_1467 = arith.select %gt3A_1466, %get3A_1465, %select_n3A_1387 : vector<8x128xi1>, vector<8x128xf32>
    %jit3A_1468 = arith.constant 187 : i32
    %broadcast_in_dim3A_1469 = vector.broadcast %jit3A_1468 : i32 to vector<8x128xi32>
    %select_n3A_1470 = arith.select %gt3A_1466, %broadcast_in_dim3A_1469, %select_n3A_1390 : vector<8x128xi1>, vector<8x128xi32>
    %get3A_1471 = arith.constant 1504 : index
    %get3A_1472 = arith.constant 0 : index
    %get3A_1473 = vector.load %arg1[%get3A_1471, %get3A_1472] : memref<4000x128xf32, #tpu.memory_space<vmem>>, vector<8x128xf32>
    %gt3A_1474 = arith.cmpf ogt, %get3A_1473, %select_n3A_1395 : vector<8x128xf32>
    %select_n3A_1475 = arith.select %gt3A_1474, %get3A_1473, %select_n3A_1395 : vector<8x128xi1>, vector<8x128xf32>
    %jit3A_1476 = arith.constant 188 : i32
    %broadcast_in_dim3A_1477 = vector.broadcast %jit3A_1476 : i32 to vector<8x128xi32>
    %select_n3A_1478 = arith.select %gt3A_1474, %broadcast_in_dim3A_1477, %select_n3A_1398 : vector<8x128xi1>, vector<8x128xi32>
    %get3A_1479 = arith.constant 1512 : index
    %get3A_1480 = arith.constant 0 : index
    %get3A_1481 = vector.load %arg1[%get3A_1479, %get3A_1480] : memref<4000x128xf32, #tpu.memory_space<vmem>>, vector<8x128xf32>
    %gt3A_1482 = arith.cmpf ogt, %get3A_1481, %select_n3A_1403 : vector<8x128xf32>
    %select_n3A_1483 = arith.select %gt3A_1482, %get3A_1481, %select_n3A_1403 : vector<8x128xi1>, vector<8x128xf32>
    %jit3A_1484 = arith.constant 189 : i32
    %broadcast_in_dim3A_1485 = vector.broadcast %jit3A_1484 : i32 to vector<8x128xi32>
    %select_n3A_1486 = arith.select %gt3A_1482, %broadcast_in_dim3A_1485, %select_n3A_1406 : vector<8x128xi1>, vector<8x128xi32>
    %get3A_1487 = arith.constant 1520 : index
    %get3A_1488 = arith.constant 0 : index
    %get3A_1489 = vector.load %arg1[%get3A_1487, %get3A_1488] : memref<4000x128xf32, #tpu.memory_space<vmem>>, vector<8x128xf32>
    %gt3A_1490 = arith.cmpf ogt, %get3A_1489, %select_n3A_1411 : vector<8x128xf32>
    %select_n3A_1491 = arith.select %gt3A_1490, %get3A_1489, %select_n3A_1411 : vector<8x128xi1>, vector<8x128xf32>
    %jit3A_1492 = arith.constant 190 : i32
    %broadcast_in_dim3A_1493 = vector.broadcast %jit3A_1492 : i32 to vector<8x128xi32>
    %select_n3A_1494 = arith.select %gt3A_1490, %broadcast_in_dim3A_1493, %select_n3A_1414 : vector<8x128xi1>, vector<8x128xi32>
    %get3A_1495 = arith.constant 1528 : index
    %get3A_1496 = arith.constant 0 : index
    %get3A_1497 = vector.load %arg1[%get3A_1495, %get3A_1496] : memref<4000x128xf32, #tpu.memory_space<vmem>>, vector<8x128xf32>
    %gt3A_1498 = arith.cmpf ogt, %get3A_1497, %select_n3A_1419 : vector<8x128xf32>
    %select_n3A_1499 = arith.select %gt3A_1498, %get3A_1497, %select_n3A_1419 : vector<8x128xi1>, vector<8x128xf32>
    %jit3A_1500 = arith.constant 191 : i32
    %broadcast_in_dim3A_1501 = vector.broadcast %jit3A_1500 : i32 to vector<8x128xi32>
    %select_n3A_1502 = arith.select %gt3A_1498, %broadcast_in_dim3A_1501, %select_n3A_1422 : vector<8x128xi1>, vector<8x128xi32>
    %get3A_1503 = arith.constant 1536 : index
    %get3A_1504 = arith.constant 0 : index
    %get3A_1505 = vector.load %arg1[%get3A_1503, %get3A_1504] : memref<4000x128xf32, #tpu.memory_space<vmem>>, vector<8x128xf32>
    %gt3A_1506 = arith.cmpf ogt, %get3A_1505, %select_n3A_1427 : vector<8x128xf32>
    %select_n3A_1507 = arith.select %gt3A_1506, %get3A_1505, %select_n3A_1427 : vector<8x128xi1>, vector<8x128xf32>
    %jit3A_1508 = arith.constant 192 : i32
    %broadcast_in_dim3A_1509 = vector.broadcast %jit3A_1508 : i32 to vector<8x128xi32>
    %select_n3A_1510 = arith.select %gt3A_1506, %broadcast_in_dim3A_1509, %select_n3A_1430 : vector<8x128xi1>, vector<8x128xi32>
    %get3A_1511 = arith.constant 1544 : index
    %get3A_1512 = arith.constant 0 : index
    %get3A_1513 = vector.load %arg1[%get3A_1511, %get3A_1512] : memref<4000x128xf32, #tpu.memory_space<vmem>>, vector<8x128xf32>
    %gt3A_1514 = arith.cmpf ogt, %get3A_1513, %select_n3A_1435 : vector<8x128xf32>
    %select_n3A_1515 = arith.select %gt3A_1514, %get3A_1513, %select_n3A_1435 : vector<8x128xi1>, vector<8x128xf32>
    %jit3A_1516 = arith.constant 193 : i32
    %broadcast_in_dim3A_1517 = vector.broadcast %jit3A_1516 : i32 to vector<8x128xi32>
    %select_n3A_1518 = arith.select %gt3A_1514, %broadcast_in_dim3A_1517, %select_n3A_1438 : vector<8x128xi1>, vector<8x128xi32>
    %get3A_1519 = arith.constant 1552 : index
    %get3A_1520 = arith.constant 0 : index
    %get3A_1521 = vector.load %arg1[%get3A_1519, %get3A_1520] : memref<4000x128xf32, #tpu.memory_space<vmem>>, vector<8x128xf32>
    %gt3A_1522 = arith.cmpf ogt, %get3A_1521, %select_n3A_1443 : vector<8x128xf32>
    %select_n3A_1523 = arith.select %gt3A_1522, %get3A_1521, %select_n3A_1443 : vector<8x128xi1>, vector<8x128xf32>
    %jit3A_1524 = arith.constant 194 : i32
    %broadcast_in_dim3A_1525 = vector.broadcast %jit3A_1524 : i32 to vector<8x128xi32>
    %select_n3A_1526 = arith.select %gt3A_1522, %broadcast_in_dim3A_1525, %select_n3A_1446 : vector<8x128xi1>, vector<8x128xi32>
    %get3A_1527 = arith.constant 1560 : index
    %get3A_1528 = arith.constant 0 : index
    %get3A_1529 = vector.load %arg1[%get3A_1527, %get3A_1528] : memref<4000x128xf32, #tpu.memory_space<vmem>>, vector<8x128xf32>
    %gt3A_1530 = arith.cmpf ogt, %get3A_1529, %select_n3A_1451 : vector<8x128xf32>
    %select_n3A_1531 = arith.select %gt3A_1530, %get3A_1529, %select_n3A_1451 : vector<8x128xi1>, vector<8x128xf32>
    %jit3A_1532 = arith.constant 195 : i32
    %broadcast_in_dim3A_1533 = vector.broadcast %jit3A_1532 : i32 to vector<8x128xi32>
    %select_n3A_1534 = arith.select %gt3A_1530, %broadcast_in_dim3A_1533, %select_n3A_1454 : vector<8x128xi1>, vector<8x128xi32>
    %get3A_1535 = arith.constant 1568 : index
    %get3A_1536 = arith.constant 0 : index
    %get3A_1537 = vector.load %arg1[%get3A_1535, %get3A_1536] : memref<4000x128xf32, #tpu.memory_space<vmem>>, vector<8x128xf32>
    %gt3A_1538 = arith.cmpf ogt, %get3A_1537, %select_n3A_1459 : vector<8x128xf32>
    %select_n3A_1539 = arith.select %gt3A_1538, %get3A_1537, %select_n3A_1459 : vector<8x128xi1>, vector<8x128xf32>
    %jit3A_1540 = arith.constant 196 : i32
    %broadcast_in_dim3A_1541 = vector.broadcast %jit3A_1540 : i32 to vector<8x128xi32>
    %select_n3A_1542 = arith.select %gt3A_1538, %broadcast_in_dim3A_1541, %select_n3A_1462 : vector<8x128xi1>, vector<8x128xi32>
    %get3A_1543 = arith.constant 1576 : index
    %get3A_1544 = arith.constant 0 : index
    %get3A_1545 = vector.load %arg1[%get3A_1543, %get3A_1544] : memref<4000x128xf32, #tpu.memory_space<vmem>>, vector<8x128xf32>
    %gt3A_1546 = arith.cmpf ogt, %get3A_1545, %select_n3A_1467 : vector<8x128xf32>
    %select_n3A_1547 = arith.select %gt3A_1546, %get3A_1545, %select_n3A_1467 : vector<8x128xi1>, vector<8x128xf32>
    %jit3A_1548 = arith.constant 197 : i32
    %broadcast_in_dim3A_1549 = vector.broadcast %jit3A_1548 : i32 to vector<8x128xi32>
    %select_n3A_1550 = arith.select %gt3A_1546, %broadcast_in_dim3A_1549, %select_n3A_1470 : vector<8x128xi1>, vector<8x128xi32>
    %get3A_1551 = arith.constant 1584 : index
    %get3A_1552 = arith.constant 0 : index
    %get3A_1553 = vector.load %arg1[%get3A_1551, %get3A_1552] : memref<4000x128xf32, #tpu.memory_space<vmem>>, vector<8x128xf32>
    %gt3A_1554 = arith.cmpf ogt, %get3A_1553, %select_n3A_1475 : vector<8x128xf32>
    %select_n3A_1555 = arith.select %gt3A_1554, %get3A_1553, %select_n3A_1475 : vector<8x128xi1>, vector<8x128xf32>
    %jit3A_1556 = arith.constant 198 : i32
    %broadcast_in_dim3A_1557 = vector.broadcast %jit3A_1556 : i32 to vector<8x128xi32>
    %select_n3A_1558 = arith.select %gt3A_1554, %broadcast_in_dim3A_1557, %select_n3A_1478 : vector<8x128xi1>, vector<8x128xi32>
    %get3A_1559 = arith.constant 1592 : index
    %get3A_1560 = arith.constant 0 : index
    %get3A_1561 = vector.load %arg1[%get3A_1559, %get3A_1560] : memref<4000x128xf32, #tpu.memory_space<vmem>>, vector<8x128xf32>
    %gt3A_1562 = arith.cmpf ogt, %get3A_1561, %select_n3A_1483 : vector<8x128xf32>
    %select_n3A_1563 = arith.select %gt3A_1562, %get3A_1561, %select_n3A_1483 : vector<8x128xi1>, vector<8x128xf32>
    %jit3A_1564 = arith.constant 199 : i32
    %broadcast_in_dim3A_1565 = vector.broadcast %jit3A_1564 : i32 to vector<8x128xi32>
    %select_n3A_1566 = arith.select %gt3A_1562, %broadcast_in_dim3A_1565, %select_n3A_1486 : vector<8x128xi1>, vector<8x128xi32>
    %get3A_1567 = arith.constant 1600 : index
    %get3A_1568 = arith.constant 0 : index
    %get3A_1569 = vector.load %arg1[%get3A_1567, %get3A_1568] : memref<4000x128xf32, #tpu.memory_space<vmem>>, vector<8x128xf32>
    %gt3A_1570 = arith.cmpf ogt, %get3A_1569, %select_n3A_1491 : vector<8x128xf32>
    %select_n3A_1571 = arith.select %gt3A_1570, %get3A_1569, %select_n3A_1491 : vector<8x128xi1>, vector<8x128xf32>
    %jit3A_1572 = arith.constant 200 : i32
    %broadcast_in_dim3A_1573 = vector.broadcast %jit3A_1572 : i32 to vector<8x128xi32>
    %select_n3A_1574 = arith.select %gt3A_1570, %broadcast_in_dim3A_1573, %select_n3A_1494 : vector<8x128xi1>, vector<8x128xi32>
    %get3A_1575 = arith.constant 1608 : index
    %get3A_1576 = arith.constant 0 : index
    %get3A_1577 = vector.load %arg1[%get3A_1575, %get3A_1576] : memref<4000x128xf32, #tpu.memory_space<vmem>>, vector<8x128xf32>
    %gt3A_1578 = arith.cmpf ogt, %get3A_1577, %select_n3A_1499 : vector<8x128xf32>
    %select_n3A_1579 = arith.select %gt3A_1578, %get3A_1577, %select_n3A_1499 : vector<8x128xi1>, vector<8x128xf32>
    %jit3A_1580 = arith.constant 201 : i32
    %broadcast_in_dim3A_1581 = vector.broadcast %jit3A_1580 : i32 to vector<8x128xi32>
    %select_n3A_1582 = arith.select %gt3A_1578, %broadcast_in_dim3A_1581, %select_n3A_1502 : vector<8x128xi1>, vector<8x128xi32>
    %get3A_1583 = arith.constant 1616 : index
    %get3A_1584 = arith.constant 0 : index
    %get3A_1585 = vector.load %arg1[%get3A_1583, %get3A_1584] : memref<4000x128xf32, #tpu.memory_space<vmem>>, vector<8x128xf32>
    %gt3A_1586 = arith.cmpf ogt, %get3A_1585, %select_n3A_1507 : vector<8x128xf32>
    %select_n3A_1587 = arith.select %gt3A_1586, %get3A_1585, %select_n3A_1507 : vector<8x128xi1>, vector<8x128xf32>
    %jit3A_1588 = arith.constant 202 : i32
    %broadcast_in_dim3A_1589 = vector.broadcast %jit3A_1588 : i32 to vector<8x128xi32>
    %select_n3A_1590 = arith.select %gt3A_1586, %broadcast_in_dim3A_1589, %select_n3A_1510 : vector<8x128xi1>, vector<8x128xi32>
    %get3A_1591 = arith.constant 1624 : index
    %get3A_1592 = arith.constant 0 : index
    %get3A_1593 = vector.load %arg1[%get3A_1591, %get3A_1592] : memref<4000x128xf32, #tpu.memory_space<vmem>>, vector<8x128xf32>
    %gt3A_1594 = arith.cmpf ogt, %get3A_1593, %select_n3A_1515 : vector<8x128xf32>
    %select_n3A_1595 = arith.select %gt3A_1594, %get3A_1593, %select_n3A_1515 : vector<8x128xi1>, vector<8x128xf32>
    %jit3A_1596 = arith.constant 203 : i32
    %broadcast_in_dim3A_1597 = vector.broadcast %jit3A_1596 : i32 to vector<8x128xi32>
    %select_n3A_1598 = arith.select %gt3A_1594, %broadcast_in_dim3A_1597, %select_n3A_1518 : vector<8x128xi1>, vector<8x128xi32>
    %get3A_1599 = arith.constant 1632 : index
    %get3A_1600 = arith.constant 0 : index
    %get3A_1601 = vector.load %arg1[%get3A_1599, %get3A_1600] : memref<4000x128xf32, #tpu.memory_space<vmem>>, vector<8x128xf32>
    %gt3A_1602 = arith.cmpf ogt, %get3A_1601, %select_n3A_1523 : vector<8x128xf32>
    %select_n3A_1603 = arith.select %gt3A_1602, %get3A_1601, %select_n3A_1523 : vector<8x128xi1>, vector<8x128xf32>
    %jit3A_1604 = arith.constant 204 : i32
    %broadcast_in_dim3A_1605 = vector.broadcast %jit3A_1604 : i32 to vector<8x128xi32>
    %select_n3A_1606 = arith.select %gt3A_1602, %broadcast_in_dim3A_1605, %select_n3A_1526 : vector<8x128xi1>, vector<8x128xi32>
    %get3A_1607 = arith.constant 1640 : index
    %get3A_1608 = arith.constant 0 : index
    %get3A_1609 = vector.load %arg1[%get3A_1607, %get3A_1608] : memref<4000x128xf32, #tpu.memory_space<vmem>>, vector<8x128xf32>
    %gt3A_1610 = arith.cmpf ogt, %get3A_1609, %select_n3A_1531 : vector<8x128xf32>
    %select_n3A_1611 = arith.select %gt3A_1610, %get3A_1609, %select_n3A_1531 : vector<8x128xi1>, vector<8x128xf32>
    %jit3A_1612 = arith.constant 205 : i32
    %broadcast_in_dim3A_1613 = vector.broadcast %jit3A_1612 : i32 to vector<8x128xi32>
    %select_n3A_1614 = arith.select %gt3A_1610, %broadcast_in_dim3A_1613, %select_n3A_1534 : vector<8x128xi1>, vector<8x128xi32>
    %get3A_1615 = arith.constant 1648 : index
    %get3A_1616 = arith.constant 0 : index
    %get3A_1617 = vector.load %arg1[%get3A_1615, %get3A_1616] : memref<4000x128xf32, #tpu.memory_space<vmem>>, vector<8x128xf32>
    %gt3A_1618 = arith.cmpf ogt, %get3A_1617, %select_n3A_1539 : vector<8x128xf32>
    %select_n3A_1619 = arith.select %gt3A_1618, %get3A_1617, %select_n3A_1539 : vector<8x128xi1>, vector<8x128xf32>
    %jit3A_1620 = arith.constant 206 : i32
    %broadcast_in_dim3A_1621 = vector.broadcast %jit3A_1620 : i32 to vector<8x128xi32>
    %select_n3A_1622 = arith.select %gt3A_1618, %broadcast_in_dim3A_1621, %select_n3A_1542 : vector<8x128xi1>, vector<8x128xi32>
    %get3A_1623 = arith.constant 1656 : index
    %get3A_1624 = arith.constant 0 : index
    %get3A_1625 = vector.load %arg1[%get3A_1623, %get3A_1624] : memref<4000x128xf32, #tpu.memory_space<vmem>>, vector<8x128xf32>
    %gt3A_1626 = arith.cmpf ogt, %get3A_1625, %select_n3A_1547 : vector<8x128xf32>
    %select_n3A_1627 = arith.select %gt3A_1626, %get3A_1625, %select_n3A_1547 : vector<8x128xi1>, vector<8x128xf32>
    %jit3A_1628 = arith.constant 207 : i32
    %broadcast_in_dim3A_1629 = vector.broadcast %jit3A_1628 : i32 to vector<8x128xi32>
    %select_n3A_1630 = arith.select %gt3A_1626, %broadcast_in_dim3A_1629, %select_n3A_1550 : vector<8x128xi1>, vector<8x128xi32>
    %get3A_1631 = arith.constant 1664 : index
    %get3A_1632 = arith.constant 0 : index
    %get3A_1633 = vector.load %arg1[%get3A_1631, %get3A_1632] : memref<4000x128xf32, #tpu.memory_space<vmem>>, vector<8x128xf32>
    %gt3A_1634 = arith.cmpf ogt, %get3A_1633, %select_n3A_1555 : vector<8x128xf32>
    %select_n3A_1635 = arith.select %gt3A_1634, %get3A_1633, %select_n3A_1555 : vector<8x128xi1>, vector<8x128xf32>
    %jit3A_1636 = arith.constant 208 : i32
    %broadcast_in_dim3A_1637 = vector.broadcast %jit3A_1636 : i32 to vector<8x128xi32>
    %select_n3A_1638 = arith.select %gt3A_1634, %broadcast_in_dim3A_1637, %select_n3A_1558 : vector<8x128xi1>, vector<8x128xi32>
    %get3A_1639 = arith.constant 1672 : index
    %get3A_1640 = arith.constant 0 : index
    %get3A_1641 = vector.load %arg1[%get3A_1639, %get3A_1640] : memref<4000x128xf32, #tpu.memory_space<vmem>>, vector<8x128xf32>
    %gt3A_1642 = arith.cmpf ogt, %get3A_1641, %select_n3A_1563 : vector<8x128xf32>
    %select_n3A_1643 = arith.select %gt3A_1642, %get3A_1641, %select_n3A_1563 : vector<8x128xi1>, vector<8x128xf32>
    %jit3A_1644 = arith.constant 209 : i32
    %broadcast_in_dim3A_1645 = vector.broadcast %jit3A_1644 : i32 to vector<8x128xi32>
    %select_n3A_1646 = arith.select %gt3A_1642, %broadcast_in_dim3A_1645, %select_n3A_1566 : vector<8x128xi1>, vector<8x128xi32>
    %get3A_1647 = arith.constant 1680 : index
    %get3A_1648 = arith.constant 0 : index
    %get3A_1649 = vector.load %arg1[%get3A_1647, %get3A_1648] : memref<4000x128xf32, #tpu.memory_space<vmem>>, vector<8x128xf32>
    %gt3A_1650 = arith.cmpf ogt, %get3A_1649, %select_n3A_1571 : vector<8x128xf32>
    %select_n3A_1651 = arith.select %gt3A_1650, %get3A_1649, %select_n3A_1571 : vector<8x128xi1>, vector<8x128xf32>
    %jit3A_1652 = arith.constant 210 : i32
    %broadcast_in_dim3A_1653 = vector.broadcast %jit3A_1652 : i32 to vector<8x128xi32>
    %select_n3A_1654 = arith.select %gt3A_1650, %broadcast_in_dim3A_1653, %select_n3A_1574 : vector<8x128xi1>, vector<8x128xi32>
    %get3A_1655 = arith.constant 1688 : index
    %get3A_1656 = arith.constant 0 : index
    %get3A_1657 = vector.load %arg1[%get3A_1655, %get3A_1656] : memref<4000x128xf32, #tpu.memory_space<vmem>>, vector<8x128xf32>
    %gt3A_1658 = arith.cmpf ogt, %get3A_1657, %select_n3A_1579 : vector<8x128xf32>
    %select_n3A_1659 = arith.select %gt3A_1658, %get3A_1657, %select_n3A_1579 : vector<8x128xi1>, vector<8x128xf32>
    %jit3A_1660 = arith.constant 211 : i32
    %broadcast_in_dim3A_1661 = vector.broadcast %jit3A_1660 : i32 to vector<8x128xi32>
    %select_n3A_1662 = arith.select %gt3A_1658, %broadcast_in_dim3A_1661, %select_n3A_1582 : vector<8x128xi1>, vector<8x128xi32>
    %get3A_1663 = arith.constant 1696 : index
    %get3A_1664 = arith.constant 0 : index
    %get3A_1665 = vector.load %arg1[%get3A_1663, %get3A_1664] : memref<4000x128xf32, #tpu.memory_space<vmem>>, vector<8x128xf32>
    %gt3A_1666 = arith.cmpf ogt, %get3A_1665, %select_n3A_1587 : vector<8x128xf32>
    %select_n3A_1667 = arith.select %gt3A_1666, %get3A_1665, %select_n3A_1587 : vector<8x128xi1>, vector<8x128xf32>
    %jit3A_1668 = arith.constant 212 : i32
    %broadcast_in_dim3A_1669 = vector.broadcast %jit3A_1668 : i32 to vector<8x128xi32>
    %select_n3A_1670 = arith.select %gt3A_1666, %broadcast_in_dim3A_1669, %select_n3A_1590 : vector<8x128xi1>, vector<8x128xi32>
    %get3A_1671 = arith.constant 1704 : index
    %get3A_1672 = arith.constant 0 : index
    %get3A_1673 = vector.load %arg1[%get3A_1671, %get3A_1672] : memref<4000x128xf32, #tpu.memory_space<vmem>>, vector<8x128xf32>
    %gt3A_1674 = arith.cmpf ogt, %get3A_1673, %select_n3A_1595 : vector<8x128xf32>
    %select_n3A_1675 = arith.select %gt3A_1674, %get3A_1673, %select_n3A_1595 : vector<8x128xi1>, vector<8x128xf32>
    %jit3A_1676 = arith.constant 213 : i32
    %broadcast_in_dim3A_1677 = vector.broadcast %jit3A_1676 : i32 to vector<8x128xi32>
    %select_n3A_1678 = arith.select %gt3A_1674, %broadcast_in_dim3A_1677, %select_n3A_1598 : vector<8x128xi1>, vector<8x128xi32>
    %get3A_1679 = arith.constant 1712 : index
    %get3A_1680 = arith.constant 0 : index
    %get3A_1681 = vector.load %arg1[%get3A_1679, %get3A_1680] : memref<4000x128xf32, #tpu.memory_space<vmem>>, vector<8x128xf32>
    %gt3A_1682 = arith.cmpf ogt, %get3A_1681, %select_n3A_1603 : vector<8x128xf32>
    %select_n3A_1683 = arith.select %gt3A_1682, %get3A_1681, %select_n3A_1603 : vector<8x128xi1>, vector<8x128xf32>
    %jit3A_1684 = arith.constant 214 : i32
    %broadcast_in_dim3A_1685 = vector.broadcast %jit3A_1684 : i32 to vector<8x128xi32>
    %select_n3A_1686 = arith.select %gt3A_1682, %broadcast_in_dim3A_1685, %select_n3A_1606 : vector<8x128xi1>, vector<8x128xi32>
    %get3A_1687 = arith.constant 1720 : index
    %get3A_1688 = arith.constant 0 : index
    %get3A_1689 = vector.load %arg1[%get3A_1687, %get3A_1688] : memref<4000x128xf32, #tpu.memory_space<vmem>>, vector<8x128xf32>
    %gt3A_1690 = arith.cmpf ogt, %get3A_1689, %select_n3A_1611 : vector<8x128xf32>
    %select_n3A_1691 = arith.select %gt3A_1690, %get3A_1689, %select_n3A_1611 : vector<8x128xi1>, vector<8x128xf32>
    %jit3A_1692 = arith.constant 215 : i32
    %broadcast_in_dim3A_1693 = vector.broadcast %jit3A_1692 : i32 to vector<8x128xi32>
    %select_n3A_1694 = arith.select %gt3A_1690, %broadcast_in_dim3A_1693, %select_n3A_1614 : vector<8x128xi1>, vector<8x128xi32>
    %get3A_1695 = arith.constant 1728 : index
    %get3A_1696 = arith.constant 0 : index
    %get3A_1697 = vector.load %arg1[%get3A_1695, %get3A_1696] : memref<4000x128xf32, #tpu.memory_space<vmem>>, vector<8x128xf32>
    %gt3A_1698 = arith.cmpf ogt, %get3A_1697, %select_n3A_1619 : vector<8x128xf32>
    %select_n3A_1699 = arith.select %gt3A_1698, %get3A_1697, %select_n3A_1619 : vector<8x128xi1>, vector<8x128xf32>
    %jit3A_1700 = arith.constant 216 : i32
    %broadcast_in_dim3A_1701 = vector.broadcast %jit3A_1700 : i32 to vector<8x128xi32>
    %select_n3A_1702 = arith.select %gt3A_1698, %broadcast_in_dim3A_1701, %select_n3A_1622 : vector<8x128xi1>, vector<8x128xi32>
    %get3A_1703 = arith.constant 1736 : index
    %get3A_1704 = arith.constant 0 : index
    %get3A_1705 = vector.load %arg1[%get3A_1703, %get3A_1704] : memref<4000x128xf32, #tpu.memory_space<vmem>>, vector<8x128xf32>
    %gt3A_1706 = arith.cmpf ogt, %get3A_1705, %select_n3A_1627 : vector<8x128xf32>
    %select_n3A_1707 = arith.select %gt3A_1706, %get3A_1705, %select_n3A_1627 : vector<8x128xi1>, vector<8x128xf32>
    %jit3A_1708 = arith.constant 217 : i32
    %broadcast_in_dim3A_1709 = vector.broadcast %jit3A_1708 : i32 to vector<8x128xi32>
    %select_n3A_1710 = arith.select %gt3A_1706, %broadcast_in_dim3A_1709, %select_n3A_1630 : vector<8x128xi1>, vector<8x128xi32>
    %get3A_1711 = arith.constant 1744 : index
    %get3A_1712 = arith.constant 0 : index
    %get3A_1713 = vector.load %arg1[%get3A_1711, %get3A_1712] : memref<4000x128xf32, #tpu.memory_space<vmem>>, vector<8x128xf32>
    %gt3A_1714 = arith.cmpf ogt, %get3A_1713, %select_n3A_1635 : vector<8x128xf32>
    %select_n3A_1715 = arith.select %gt3A_1714, %get3A_1713, %select_n3A_1635 : vector<8x128xi1>, vector<8x128xf32>
    %jit3A_1716 = arith.constant 218 : i32
    %broadcast_in_dim3A_1717 = vector.broadcast %jit3A_1716 : i32 to vector<8x128xi32>
    %select_n3A_1718 = arith.select %gt3A_1714, %broadcast_in_dim3A_1717, %select_n3A_1638 : vector<8x128xi1>, vector<8x128xi32>
    %get3A_1719 = arith.constant 1752 : index
    %get3A_1720 = arith.constant 0 : index
    %get3A_1721 = vector.load %arg1[%get3A_1719, %get3A_1720] : memref<4000x128xf32, #tpu.memory_space<vmem>>, vector<8x128xf32>
    %gt3A_1722 = arith.cmpf ogt, %get3A_1721, %select_n3A_1643 : vector<8x128xf32>
    %select_n3A_1723 = arith.select %gt3A_1722, %get3A_1721, %select_n3A_1643 : vector<8x128xi1>, vector<8x128xf32>
    %jit3A_1724 = arith.constant 219 : i32
    %broadcast_in_dim3A_1725 = vector.broadcast %jit3A_1724 : i32 to vector<8x128xi32>
    %select_n3A_1726 = arith.select %gt3A_1722, %broadcast_in_dim3A_1725, %select_n3A_1646 : vector<8x128xi1>, vector<8x128xi32>
    %get3A_1727 = arith.constant 1760 : index
    %get3A_1728 = arith.constant 0 : index
    %get3A_1729 = vector.load %arg1[%get3A_1727, %get3A_1728] : memref<4000x128xf32, #tpu.memory_space<vmem>>, vector<8x128xf32>
    %gt3A_1730 = arith.cmpf ogt, %get3A_1729, %select_n3A_1651 : vector<8x128xf32>
    %select_n3A_1731 = arith.select %gt3A_1730, %get3A_1729, %select_n3A_1651 : vector<8x128xi1>, vector<8x128xf32>
    %jit3A_1732 = arith.constant 220 : i32
    %broadcast_in_dim3A_1733 = vector.broadcast %jit3A_1732 : i32 to vector<8x128xi32>
    %select_n3A_1734 = arith.select %gt3A_1730, %broadcast_in_dim3A_1733, %select_n3A_1654 : vector<8x128xi1>, vector<8x128xi32>
    %get3A_1735 = arith.constant 1768 : index
    %get3A_1736 = arith.constant 0 : index
    %get3A_1737 = vector.load %arg1[%get3A_1735, %get3A_1736] : memref<4000x128xf32, #tpu.memory_space<vmem>>, vector<8x128xf32>
    %gt3A_1738 = arith.cmpf ogt, %get3A_1737, %select_n3A_1659 : vector<8x128xf32>
    %select_n3A_1739 = arith.select %gt3A_1738, %get3A_1737, %select_n3A_1659 : vector<8x128xi1>, vector<8x128xf32>
    %jit3A_1740 = arith.constant 221 : i32
    %broadcast_in_dim3A_1741 = vector.broadcast %jit3A_1740 : i32 to vector<8x128xi32>
    %select_n3A_1742 = arith.select %gt3A_1738, %broadcast_in_dim3A_1741, %select_n3A_1662 : vector<8x128xi1>, vector<8x128xi32>
    %get3A_1743 = arith.constant 1776 : index
    %get3A_1744 = arith.constant 0 : index
    %get3A_1745 = vector.load %arg1[%get3A_1743, %get3A_1744] : memref<4000x128xf32, #tpu.memory_space<vmem>>, vector<8x128xf32>
    %gt3A_1746 = arith.cmpf ogt, %get3A_1745, %select_n3A_1667 : vector<8x128xf32>
    %select_n3A_1747 = arith.select %gt3A_1746, %get3A_1745, %select_n3A_1667 : vector<8x128xi1>, vector<8x128xf32>
    %jit3A_1748 = arith.constant 222 : i32
    %broadcast_in_dim3A_1749 = vector.broadcast %jit3A_1748 : i32 to vector<8x128xi32>
    %select_n3A_1750 = arith.select %gt3A_1746, %broadcast_in_dim3A_1749, %select_n3A_1670 : vector<8x128xi1>, vector<8x128xi32>
    %get3A_1751 = arith.constant 1784 : index
    %get3A_1752 = arith.constant 0 : index
    %get3A_1753 = vector.load %arg1[%get3A_1751, %get3A_1752] : memref<4000x128xf32, #tpu.memory_space<vmem>>, vector<8x128xf32>
    %gt3A_1754 = arith.cmpf ogt, %get3A_1753, %select_n3A_1675 : vector<8x128xf32>
    %select_n3A_1755 = arith.select %gt3A_1754, %get3A_1753, %select_n3A_1675 : vector<8x128xi1>, vector<8x128xf32>
    %jit3A_1756 = arith.constant 223 : i32
    %broadcast_in_dim3A_1757 = vector.broadcast %jit3A_1756 : i32 to vector<8x128xi32>
    %select_n3A_1758 = arith.select %gt3A_1754, %broadcast_in_dim3A_1757, %select_n3A_1678 : vector<8x128xi1>, vector<8x128xi32>
    %get3A_1759 = arith.constant 1792 : index
    %get3A_1760 = arith.constant 0 : index
    %get3A_1761 = vector.load %arg1[%get3A_1759, %get3A_1760] : memref<4000x128xf32, #tpu.memory_space<vmem>>, vector<8x128xf32>
    %gt3A_1762 = arith.cmpf ogt, %get3A_1761, %select_n3A_1683 : vector<8x128xf32>
    %select_n3A_1763 = arith.select %gt3A_1762, %get3A_1761, %select_n3A_1683 : vector<8x128xi1>, vector<8x128xf32>
    %jit3A_1764 = arith.constant 224 : i32
    %broadcast_in_dim3A_1765 = vector.broadcast %jit3A_1764 : i32 to vector<8x128xi32>
    %select_n3A_1766 = arith.select %gt3A_1762, %broadcast_in_dim3A_1765, %select_n3A_1686 : vector<8x128xi1>, vector<8x128xi32>
    %get3A_1767 = arith.constant 1800 : index
    %get3A_1768 = arith.constant 0 : index
    %get3A_1769 = vector.load %arg1[%get3A_1767, %get3A_1768] : memref<4000x128xf32, #tpu.memory_space<vmem>>, vector<8x128xf32>
    %gt3A_1770 = arith.cmpf ogt, %get3A_1769, %select_n3A_1691 : vector<8x128xf32>
    %select_n3A_1771 = arith.select %gt3A_1770, %get3A_1769, %select_n3A_1691 : vector<8x128xi1>, vector<8x128xf32>
    %jit3A_1772 = arith.constant 225 : i32
    %broadcast_in_dim3A_1773 = vector.broadcast %jit3A_1772 : i32 to vector<8x128xi32>
    %select_n3A_1774 = arith.select %gt3A_1770, %broadcast_in_dim3A_1773, %select_n3A_1694 : vector<8x128xi1>, vector<8x128xi32>
    %get3A_1775 = arith.constant 1808 : index
    %get3A_1776 = arith.constant 0 : index
    %get3A_1777 = vector.load %arg1[%get3A_1775, %get3A_1776] : memref<4000x128xf32, #tpu.memory_space<vmem>>, vector<8x128xf32>
    %gt3A_1778 = arith.cmpf ogt, %get3A_1777, %select_n3A_1699 : vector<8x128xf32>
    %select_n3A_1779 = arith.select %gt3A_1778, %get3A_1777, %select_n3A_1699 : vector<8x128xi1>, vector<8x128xf32>
    %jit3A_1780 = arith.constant 226 : i32
    %broadcast_in_dim3A_1781 = vector.broadcast %jit3A_1780 : i32 to vector<8x128xi32>
    %select_n3A_1782 = arith.select %gt3A_1778, %broadcast_in_dim3A_1781, %select_n3A_1702 : vector<8x128xi1>, vector<8x128xi32>
    %get3A_1783 = arith.constant 1816 : index
    %get3A_1784 = arith.constant 0 : index
    %get3A_1785 = vector.load %arg1[%get3A_1783, %get3A_1784] : memref<4000x128xf32, #tpu.memory_space<vmem>>, vector<8x128xf32>
    %gt3A_1786 = arith.cmpf ogt, %get3A_1785, %select_n3A_1707 : vector<8x128xf32>
    %select_n3A_1787 = arith.select %gt3A_1786, %get3A_1785, %select_n3A_1707 : vector<8x128xi1>, vector<8x128xf32>
    %jit3A_1788 = arith.constant 227 : i32
    %broadcast_in_dim3A_1789 = vector.broadcast %jit3A_1788 : i32 to vector<8x128xi32>
    %select_n3A_1790 = arith.select %gt3A_1786, %broadcast_in_dim3A_1789, %select_n3A_1710 : vector<8x128xi1>, vector<8x128xi32>
    %get3A_1791 = arith.constant 1824 : index
    %get3A_1792 = arith.constant 0 : index
    %get3A_1793 = vector.load %arg1[%get3A_1791, %get3A_1792] : memref<4000x128xf32, #tpu.memory_space<vmem>>, vector<8x128xf32>
    %gt3A_1794 = arith.cmpf ogt, %get3A_1793, %select_n3A_1715 : vector<8x128xf32>
    %select_n3A_1795 = arith.select %gt3A_1794, %get3A_1793, %select_n3A_1715 : vector<8x128xi1>, vector<8x128xf32>
    %jit3A_1796 = arith.constant 228 : i32
    %broadcast_in_dim3A_1797 = vector.broadcast %jit3A_1796 : i32 to vector<8x128xi32>
    %select_n3A_1798 = arith.select %gt3A_1794, %broadcast_in_dim3A_1797, %select_n3A_1718 : vector<8x128xi1>, vector<8x128xi32>
    %get3A_1799 = arith.constant 1832 : index
    %get3A_1800 = arith.constant 0 : index
    %get3A_1801 = vector.load %arg1[%get3A_1799, %get3A_1800] : memref<4000x128xf32, #tpu.memory_space<vmem>>, vector<8x128xf32>
    %gt3A_1802 = arith.cmpf ogt, %get3A_1801, %select_n3A_1723 : vector<8x128xf32>
    %select_n3A_1803 = arith.select %gt3A_1802, %get3A_1801, %select_n3A_1723 : vector<8x128xi1>, vector<8x128xf32>
    %jit3A_1804 = arith.constant 229 : i32
    %broadcast_in_dim3A_1805 = vector.broadcast %jit3A_1804 : i32 to vector<8x128xi32>
    %select_n3A_1806 = arith.select %gt3A_1802, %broadcast_in_dim3A_1805, %select_n3A_1726 : vector<8x128xi1>, vector<8x128xi32>
    %get3A_1807 = arith.constant 1840 : index
    %get3A_1808 = arith.constant 0 : index
    %get3A_1809 = vector.load %arg1[%get3A_1807, %get3A_1808] : memref<4000x128xf32, #tpu.memory_space<vmem>>, vector<8x128xf32>
    %gt3A_1810 = arith.cmpf ogt, %get3A_1809, %select_n3A_1731 : vector<8x128xf32>
    %select_n3A_1811 = arith.select %gt3A_1810, %get3A_1809, %select_n3A_1731 : vector<8x128xi1>, vector<8x128xf32>
    %jit3A_1812 = arith.constant 230 : i32
    %broadcast_in_dim3A_1813 = vector.broadcast %jit3A_1812 : i32 to vector<8x128xi32>
    %select_n3A_1814 = arith.select %gt3A_1810, %broadcast_in_dim3A_1813, %select_n3A_1734 : vector<8x128xi1>, vector<8x128xi32>
    %get3A_1815 = arith.constant 1848 : index
    %get3A_1816 = arith.constant 0 : index
    %get3A_1817 = vector.load %arg1[%get3A_1815, %get3A_1816] : memref<4000x128xf32, #tpu.memory_space<vmem>>, vector<8x128xf32>
    %gt3A_1818 = arith.cmpf ogt, %get3A_1817, %select_n3A_1739 : vector<8x128xf32>
    %select_n3A_1819 = arith.select %gt3A_1818, %get3A_1817, %select_n3A_1739 : vector<8x128xi1>, vector<8x128xf32>
    %jit3A_1820 = arith.constant 231 : i32
    %broadcast_in_dim3A_1821 = vector.broadcast %jit3A_1820 : i32 to vector<8x128xi32>
    %select_n3A_1822 = arith.select %gt3A_1818, %broadcast_in_dim3A_1821, %select_n3A_1742 : vector<8x128xi1>, vector<8x128xi32>
    %get3A_1823 = arith.constant 1856 : index
    %get3A_1824 = arith.constant 0 : index
    %get3A_1825 = vector.load %arg1[%get3A_1823, %get3A_1824] : memref<4000x128xf32, #tpu.memory_space<vmem>>, vector<8x128xf32>
    %gt3A_1826 = arith.cmpf ogt, %get3A_1825, %select_n3A_1747 : vector<8x128xf32>
    %select_n3A_1827 = arith.select %gt3A_1826, %get3A_1825, %select_n3A_1747 : vector<8x128xi1>, vector<8x128xf32>
    %jit3A_1828 = arith.constant 232 : i32
    %broadcast_in_dim3A_1829 = vector.broadcast %jit3A_1828 : i32 to vector<8x128xi32>
    %select_n3A_1830 = arith.select %gt3A_1826, %broadcast_in_dim3A_1829, %select_n3A_1750 : vector<8x128xi1>, vector<8x128xi32>
    %get3A_1831 = arith.constant 1864 : index
    %get3A_1832 = arith.constant 0 : index
    %get3A_1833 = vector.load %arg1[%get3A_1831, %get3A_1832] : memref<4000x128xf32, #tpu.memory_space<vmem>>, vector<8x128xf32>
    %gt3A_1834 = arith.cmpf ogt, %get3A_1833, %select_n3A_1755 : vector<8x128xf32>
    %select_n3A_1835 = arith.select %gt3A_1834, %get3A_1833, %select_n3A_1755 : vector<8x128xi1>, vector<8x128xf32>
    %jit3A_1836 = arith.constant 233 : i32
    %broadcast_in_dim3A_1837 = vector.broadcast %jit3A_1836 : i32 to vector<8x128xi32>
    %select_n3A_1838 = arith.select %gt3A_1834, %broadcast_in_dim3A_1837, %select_n3A_1758 : vector<8x128xi1>, vector<8x128xi32>
    %get3A_1839 = arith.constant 1872 : index
    %get3A_1840 = arith.constant 0 : index
    %get3A_1841 = vector.load %arg1[%get3A_1839, %get3A_1840] : memref<4000x128xf32, #tpu.memory_space<vmem>>, vector<8x128xf32>
    %gt3A_1842 = arith.cmpf ogt, %get3A_1841, %select_n3A_1763 : vector<8x128xf32>
    %select_n3A_1843 = arith.select %gt3A_1842, %get3A_1841, %select_n3A_1763 : vector<8x128xi1>, vector<8x128xf32>
    %jit3A_1844 = arith.constant 234 : i32
    %broadcast_in_dim3A_1845 = vector.broadcast %jit3A_1844 : i32 to vector<8x128xi32>
    %select_n3A_1846 = arith.select %gt3A_1842, %broadcast_in_dim3A_1845, %select_n3A_1766 : vector<8x128xi1>, vector<8x128xi32>
    %get3A_1847 = arith.constant 1880 : index
    %get3A_1848 = arith.constant 0 : index
    %get3A_1849 = vector.load %arg1[%get3A_1847, %get3A_1848] : memref<4000x128xf32, #tpu.memory_space<vmem>>, vector<8x128xf32>
    %gt3A_1850 = arith.cmpf ogt, %get3A_1849, %select_n3A_1771 : vector<8x128xf32>
    %select_n3A_1851 = arith.select %gt3A_1850, %get3A_1849, %select_n3A_1771 : vector<8x128xi1>, vector<8x128xf32>
    %jit3A_1852 = arith.constant 235 : i32
    %broadcast_in_dim3A_1853 = vector.broadcast %jit3A_1852 : i32 to vector<8x128xi32>
    %select_n3A_1854 = arith.select %gt3A_1850, %broadcast_in_dim3A_1853, %select_n3A_1774 : vector<8x128xi1>, vector<8x128xi32>
    %get3A_1855 = arith.constant 1888 : index
    %get3A_1856 = arith.constant 0 : index
    %get3A_1857 = vector.load %arg1[%get3A_1855, %get3A_1856] : memref<4000x128xf32, #tpu.memory_space<vmem>>, vector<8x128xf32>
    %gt3A_1858 = arith.cmpf ogt, %get3A_1857, %select_n3A_1779 : vector<8x128xf32>
    %select_n3A_1859 = arith.select %gt3A_1858, %get3A_1857, %select_n3A_1779 : vector<8x128xi1>, vector<8x128xf32>
    %jit3A_1860 = arith.constant 236 : i32
    %broadcast_in_dim3A_1861 = vector.broadcast %jit3A_1860 : i32 to vector<8x128xi32>
    %select_n3A_1862 = arith.select %gt3A_1858, %broadcast_in_dim3A_1861, %select_n3A_1782 : vector<8x128xi1>, vector<8x128xi32>
    %get3A_1863 = arith.constant 1896 : index
    %get3A_1864 = arith.constant 0 : index
    %get3A_1865 = vector.load %arg1[%get3A_1863, %get3A_1864] : memref<4000x128xf32, #tpu.memory_space<vmem>>, vector<8x128xf32>
    %gt3A_1866 = arith.cmpf ogt, %get3A_1865, %select_n3A_1787 : vector<8x128xf32>
    %select_n3A_1867 = arith.select %gt3A_1866, %get3A_1865, %select_n3A_1787 : vector<8x128xi1>, vector<8x128xf32>
    %jit3A_1868 = arith.constant 237 : i32
    %broadcast_in_dim3A_1869 = vector.broadcast %jit3A_1868 : i32 to vector<8x128xi32>
    %select_n3A_1870 = arith.select %gt3A_1866, %broadcast_in_dim3A_1869, %select_n3A_1790 : vector<8x128xi1>, vector<8x128xi32>
    %get3A_1871 = arith.constant 1904 : index
    %get3A_1872 = arith.constant 0 : index
    %get3A_1873 = vector.load %arg1[%get3A_1871, %get3A_1872] : memref<4000x128xf32, #tpu.memory_space<vmem>>, vector<8x128xf32>
    %gt3A_1874 = arith.cmpf ogt, %get3A_1873, %select_n3A_1795 : vector<8x128xf32>
    %select_n3A_1875 = arith.select %gt3A_1874, %get3A_1873, %select_n3A_1795 : vector<8x128xi1>, vector<8x128xf32>
    %jit3A_1876 = arith.constant 238 : i32
    %broadcast_in_dim3A_1877 = vector.broadcast %jit3A_1876 : i32 to vector<8x128xi32>
    %select_n3A_1878 = arith.select %gt3A_1874, %broadcast_in_dim3A_1877, %select_n3A_1798 : vector<8x128xi1>, vector<8x128xi32>
    %get3A_1879 = arith.constant 1912 : index
    %get3A_1880 = arith.constant 0 : index
    %get3A_1881 = vector.load %arg1[%get3A_1879, %get3A_1880] : memref<4000x128xf32, #tpu.memory_space<vmem>>, vector<8x128xf32>
    %gt3A_1882 = arith.cmpf ogt, %get3A_1881, %select_n3A_1803 : vector<8x128xf32>
    %select_n3A_1883 = arith.select %gt3A_1882, %get3A_1881, %select_n3A_1803 : vector<8x128xi1>, vector<8x128xf32>
    %jit3A_1884 = arith.constant 239 : i32
    %broadcast_in_dim3A_1885 = vector.broadcast %jit3A_1884 : i32 to vector<8x128xi32>
    %select_n3A_1886 = arith.select %gt3A_1882, %broadcast_in_dim3A_1885, %select_n3A_1806 : vector<8x128xi1>, vector<8x128xi32>
    %get3A_1887 = arith.constant 1920 : index
    %get3A_1888 = arith.constant 0 : index
    %get3A_1889 = vector.load %arg1[%get3A_1887, %get3A_1888] : memref<4000x128xf32, #tpu.memory_space<vmem>>, vector<8x128xf32>
    %gt3A_1890 = arith.cmpf ogt, %get3A_1889, %select_n3A_1811 : vector<8x128xf32>
    %select_n3A_1891 = arith.select %gt3A_1890, %get3A_1889, %select_n3A_1811 : vector<8x128xi1>, vector<8x128xf32>
    %jit3A_1892 = arith.constant 240 : i32
    %broadcast_in_dim3A_1893 = vector.broadcast %jit3A_1892 : i32 to vector<8x128xi32>
    %select_n3A_1894 = arith.select %gt3A_1890, %broadcast_in_dim3A_1893, %select_n3A_1814 : vector<8x128xi1>, vector<8x128xi32>
    %get3A_1895 = arith.constant 1928 : index
    %get3A_1896 = arith.constant 0 : index
    %get3A_1897 = vector.load %arg1[%get3A_1895, %get3A_1896] : memref<4000x128xf32, #tpu.memory_space<vmem>>, vector<8x128xf32>
    %gt3A_1898 = arith.cmpf ogt, %get3A_1897, %select_n3A_1819 : vector<8x128xf32>
    %select_n3A_1899 = arith.select %gt3A_1898, %get3A_1897, %select_n3A_1819 : vector<8x128xi1>, vector<8x128xf32>
    %jit3A_1900 = arith.constant 241 : i32
    %broadcast_in_dim3A_1901 = vector.broadcast %jit3A_1900 : i32 to vector<8x128xi32>
    %select_n3A_1902 = arith.select %gt3A_1898, %broadcast_in_dim3A_1901, %select_n3A_1822 : vector<8x128xi1>, vector<8x128xi32>
    %get3A_1903 = arith.constant 1936 : index
    %get3A_1904 = arith.constant 0 : index
    %get3A_1905 = vector.load %arg1[%get3A_1903, %get3A_1904] : memref<4000x128xf32, #tpu.memory_space<vmem>>, vector<8x128xf32>
    %gt3A_1906 = arith.cmpf ogt, %get3A_1905, %select_n3A_1827 : vector<8x128xf32>
    %select_n3A_1907 = arith.select %gt3A_1906, %get3A_1905, %select_n3A_1827 : vector<8x128xi1>, vector<8x128xf32>
    %jit3A_1908 = arith.constant 242 : i32
    %broadcast_in_dim3A_1909 = vector.broadcast %jit3A_1908 : i32 to vector<8x128xi32>
    %select_n3A_1910 = arith.select %gt3A_1906, %broadcast_in_dim3A_1909, %select_n3A_1830 : vector<8x128xi1>, vector<8x128xi32>
    %get3A_1911 = arith.constant 1944 : index
    %get3A_1912 = arith.constant 0 : index
    %get3A_1913 = vector.load %arg1[%get3A_1911, %get3A_1912] : memref<4000x128xf32, #tpu.memory_space<vmem>>, vector<8x128xf32>
    %gt3A_1914 = arith.cmpf ogt, %get3A_1913, %select_n3A_1835 : vector<8x128xf32>
    %select_n3A_1915 = arith.select %gt3A_1914, %get3A_1913, %select_n3A_1835 : vector<8x128xi1>, vector<8x128xf32>
    %jit3A_1916 = arith.constant 243 : i32
    %broadcast_in_dim3A_1917 = vector.broadcast %jit3A_1916 : i32 to vector<8x128xi32>
    %select_n3A_1918 = arith.select %gt3A_1914, %broadcast_in_dim3A_1917, %select_n3A_1838 : vector<8x128xi1>, vector<8x128xi32>
    %get3A_1919 = arith.constant 1952 : index
    %get3A_1920 = arith.constant 0 : index
    %get3A_1921 = vector.load %arg1[%get3A_1919, %get3A_1920] : memref<4000x128xf32, #tpu.memory_space<vmem>>, vector<8x128xf32>
    %gt3A_1922 = arith.cmpf ogt, %get3A_1921, %select_n3A_1843 : vector<8x128xf32>
    %select_n3A_1923 = arith.select %gt3A_1922, %get3A_1921, %select_n3A_1843 : vector<8x128xi1>, vector<8x128xf32>
    %jit3A_1924 = arith.constant 244 : i32
    %broadcast_in_dim3A_1925 = vector.broadcast %jit3A_1924 : i32 to vector<8x128xi32>
    %select_n3A_1926 = arith.select %gt3A_1922, %broadcast_in_dim3A_1925, %select_n3A_1846 : vector<8x128xi1>, vector<8x128xi32>
    %get3A_1927 = arith.constant 1960 : index
    %get3A_1928 = arith.constant 0 : index
    %get3A_1929 = vector.load %arg1[%get3A_1927, %get3A_1928] : memref<4000x128xf32, #tpu.memory_space<vmem>>, vector<8x128xf32>
    %gt3A_1930 = arith.cmpf ogt, %get3A_1929, %select_n3A_1851 : vector<8x128xf32>
    %select_n3A_1931 = arith.select %gt3A_1930, %get3A_1929, %select_n3A_1851 : vector<8x128xi1>, vector<8x128xf32>
    %jit3A_1932 = arith.constant 245 : i32
    %broadcast_in_dim3A_1933 = vector.broadcast %jit3A_1932 : i32 to vector<8x128xi32>
    %select_n3A_1934 = arith.select %gt3A_1930, %broadcast_in_dim3A_1933, %select_n3A_1854 : vector<8x128xi1>, vector<8x128xi32>
    %get3A_1935 = arith.constant 1968 : index
    %get3A_1936 = arith.constant 0 : index
    %get3A_1937 = vector.load %arg1[%get3A_1935, %get3A_1936] : memref<4000x128xf32, #tpu.memory_space<vmem>>, vector<8x128xf32>
    %gt3A_1938 = arith.cmpf ogt, %get3A_1937, %select_n3A_1859 : vector<8x128xf32>
    %select_n3A_1939 = arith.select %gt3A_1938, %get3A_1937, %select_n3A_1859 : vector<8x128xi1>, vector<8x128xf32>
    %jit3A_1940 = arith.constant 246 : i32
    %broadcast_in_dim3A_1941 = vector.broadcast %jit3A_1940 : i32 to vector<8x128xi32>
    %select_n3A_1942 = arith.select %gt3A_1938, %broadcast_in_dim3A_1941, %select_n3A_1862 : vector<8x128xi1>, vector<8x128xi32>
    %get3A_1943 = arith.constant 1976 : index
    %get3A_1944 = arith.constant 0 : index
    %get3A_1945 = vector.load %arg1[%get3A_1943, %get3A_1944] : memref<4000x128xf32, #tpu.memory_space<vmem>>, vector<8x128xf32>
    %gt3A_1946 = arith.cmpf ogt, %get3A_1945, %select_n3A_1867 : vector<8x128xf32>
    %select_n3A_1947 = arith.select %gt3A_1946, %get3A_1945, %select_n3A_1867 : vector<8x128xi1>, vector<8x128xf32>
    %jit3A_1948 = arith.constant 247 : i32
    %broadcast_in_dim3A_1949 = vector.broadcast %jit3A_1948 : i32 to vector<8x128xi32>
    %select_n3A_1950 = arith.select %gt3A_1946, %broadcast_in_dim3A_1949, %select_n3A_1870 : vector<8x128xi1>, vector<8x128xi32>
    %get3A_1951 = arith.constant 1984 : index
    %get3A_1952 = arith.constant 0 : index
    %get3A_1953 = vector.load %arg1[%get3A_1951, %get3A_1952] : memref<4000x128xf32, #tpu.memory_space<vmem>>, vector<8x128xf32>
    %gt3A_1954 = arith.cmpf ogt, %get3A_1953, %select_n3A_1875 : vector<8x128xf32>
    %select_n3A_1955 = arith.select %gt3A_1954, %get3A_1953, %select_n3A_1875 : vector<8x128xi1>, vector<8x128xf32>
    %jit3A_1956 = arith.constant 248 : i32
    %broadcast_in_dim3A_1957 = vector.broadcast %jit3A_1956 : i32 to vector<8x128xi32>
    %select_n3A_1958 = arith.select %gt3A_1954, %broadcast_in_dim3A_1957, %select_n3A_1878 : vector<8x128xi1>, vector<8x128xi32>
    %get3A_1959 = arith.constant 1992 : index
    %get3A_1960 = arith.constant 0 : index
    %get3A_1961 = vector.load %arg1[%get3A_1959, %get3A_1960] : memref<4000x128xf32, #tpu.memory_space<vmem>>, vector<8x128xf32>
    %gt3A_1962 = arith.cmpf ogt, %get3A_1961, %select_n3A_1883 : vector<8x128xf32>
    %select_n3A_1963 = arith.select %gt3A_1962, %get3A_1961, %select_n3A_1883 : vector<8x128xi1>, vector<8x128xf32>
    %jit3A_1964 = arith.constant 249 : i32
    %broadcast_in_dim3A_1965 = vector.broadcast %jit3A_1964 : i32 to vector<8x128xi32>
    %select_n3A_1966 = arith.select %gt3A_1962, %broadcast_in_dim3A_1965, %select_n3A_1886 : vector<8x128xi1>, vector<8x128xi32>
    %get3A_1967 = arith.constant 2000 : index
    %get3A_1968 = arith.constant 0 : index
    %get3A_1969 = vector.load %arg1[%get3A_1967, %get3A_1968] : memref<4000x128xf32, #tpu.memory_space<vmem>>, vector<8x128xf32>
    %gt3A_1970 = arith.cmpf ogt, %get3A_1969, %select_n3A_1891 : vector<8x128xf32>
    %select_n3A_1971 = arith.select %gt3A_1970, %get3A_1969, %select_n3A_1891 : vector<8x128xi1>, vector<8x128xf32>
    %jit3A_1972 = arith.constant 250 : i32
    %broadcast_in_dim3A_1973 = vector.broadcast %jit3A_1972 : i32 to vector<8x128xi32>
    %select_n3A_1974 = arith.select %gt3A_1970, %broadcast_in_dim3A_1973, %select_n3A_1894 : vector<8x128xi1>, vector<8x128xi32>
    %get3A_1975 = arith.constant 2008 : index
    %get3A_1976 = arith.constant 0 : index
    %get3A_1977 = vector.load %arg1[%get3A_1975, %get3A_1976] : memref<4000x128xf32, #tpu.memory_space<vmem>>, vector<8x128xf32>
    %gt3A_1978 = arith.cmpf ogt, %get3A_1977, %select_n3A_1899 : vector<8x128xf32>
    %select_n3A_1979 = arith.select %gt3A_1978, %get3A_1977, %select_n3A_1899 : vector<8x128xi1>, vector<8x128xf32>
    %jit3A_1980 = arith.constant 251 : i32
    %broadcast_in_dim3A_1981 = vector.broadcast %jit3A_1980 : i32 to vector<8x128xi32>
    %select_n3A_1982 = arith.select %gt3A_1978, %broadcast_in_dim3A_1981, %select_n3A_1902 : vector<8x128xi1>, vector<8x128xi32>
    %get3A_1983 = arith.constant 2016 : index
    %get3A_1984 = arith.constant 0 : index
    %get3A_1985 = vector.load %arg1[%get3A_1983, %get3A_1984] : memref<4000x128xf32, #tpu.memory_space<vmem>>, vector<8x128xf32>
    %gt3A_1986 = arith.cmpf ogt, %get3A_1985, %select_n3A_1907 : vector<8x128xf32>
    %select_n3A_1987 = arith.select %gt3A_1986, %get3A_1985, %select_n3A_1907 : vector<8x128xi1>, vector<8x128xf32>
    %jit3A_1988 = arith.constant 252 : i32
    %broadcast_in_dim3A_1989 = vector.broadcast %jit3A_1988 : i32 to vector<8x128xi32>
    %select_n3A_1990 = arith.select %gt3A_1986, %broadcast_in_dim3A_1989, %select_n3A_1910 : vector<8x128xi1>, vector<8x128xi32>
    %get3A_1991 = arith.constant 2024 : index
    %get3A_1992 = arith.constant 0 : index
    %get3A_1993 = vector.load %arg1[%get3A_1991, %get3A_1992] : memref<4000x128xf32, #tpu.memory_space<vmem>>, vector<8x128xf32>
    %gt3A_1994 = arith.cmpf ogt, %get3A_1993, %select_n3A_1915 : vector<8x128xf32>
    %select_n3A_1995 = arith.select %gt3A_1994, %get3A_1993, %select_n3A_1915 : vector<8x128xi1>, vector<8x128xf32>
    %jit3A_1996 = arith.constant 253 : i32
    %broadcast_in_dim3A_1997 = vector.broadcast %jit3A_1996 : i32 to vector<8x128xi32>
    %select_n3A_1998 = arith.select %gt3A_1994, %broadcast_in_dim3A_1997, %select_n3A_1918 : vector<8x128xi1>, vector<8x128xi32>
    %get3A_1999 = arith.constant 2032 : index
    %get3A_2000 = arith.constant 0 : index
    %get3A_2001 = vector.load %arg1[%get3A_1999, %get3A_2000] : memref<4000x128xf32, #tpu.memory_space<vmem>>, vector<8x128xf32>
    %gt3A_2002 = arith.cmpf ogt, %get3A_2001, %select_n3A_1923 : vector<8x128xf32>
    %select_n3A_2003 = arith.select %gt3A_2002, %get3A_2001, %select_n3A_1923 : vector<8x128xi1>, vector<8x128xf32>
    %jit3A_2004 = arith.constant 254 : i32
    %broadcast_in_dim3A_2005 = vector.broadcast %jit3A_2004 : i32 to vector<8x128xi32>
    %select_n3A_2006 = arith.select %gt3A_2002, %broadcast_in_dim3A_2005, %select_n3A_1926 : vector<8x128xi1>, vector<8x128xi32>
    %get3A_2007 = arith.constant 2040 : index
    %get3A_2008 = arith.constant 0 : index
    %get3A_2009 = vector.load %arg1[%get3A_2007, %get3A_2008] : memref<4000x128xf32, #tpu.memory_space<vmem>>, vector<8x128xf32>
    %gt3A_2010 = arith.cmpf ogt, %get3A_2009, %select_n3A_1931 : vector<8x128xf32>
    %select_n3A_2011 = arith.select %gt3A_2010, %get3A_2009, %select_n3A_1931 : vector<8x128xi1>, vector<8x128xf32>
    %jit3A_2012 = arith.constant 255 : i32
    %broadcast_in_dim3A_2013 = vector.broadcast %jit3A_2012 : i32 to vector<8x128xi32>
    %select_n3A_2014 = arith.select %gt3A_2010, %broadcast_in_dim3A_2013, %select_n3A_1934 : vector<8x128xi1>, vector<8x128xi32>
    %get3A_2015 = arith.constant 2048 : index
    %get3A_2016 = arith.constant 0 : index
    %get3A_2017 = vector.load %arg1[%get3A_2015, %get3A_2016] : memref<4000x128xf32, #tpu.memory_space<vmem>>, vector<8x128xf32>
    %gt3A_2018 = arith.cmpf ogt, %get3A_2017, %select_n3A_1939 : vector<8x128xf32>
    %select_n3A_2019 = arith.select %gt3A_2018, %get3A_2017, %select_n3A_1939 : vector<8x128xi1>, vector<8x128xf32>
    %jit3A_2020 = arith.constant 256 : i32
    %broadcast_in_dim3A_2021 = vector.broadcast %jit3A_2020 : i32 to vector<8x128xi32>
    %select_n3A_2022 = arith.select %gt3A_2018, %broadcast_in_dim3A_2021, %select_n3A_1942 : vector<8x128xi1>, vector<8x128xi32>
    %get3A_2023 = arith.constant 2056 : index
    %get3A_2024 = arith.constant 0 : index
    %get3A_2025 = vector.load %arg1[%get3A_2023, %get3A_2024] : memref<4000x128xf32, #tpu.memory_space<vmem>>, vector<8x128xf32>
    %gt3A_2026 = arith.cmpf ogt, %get3A_2025, %select_n3A_1947 : vector<8x128xf32>
    %select_n3A_2027 = arith.select %gt3A_2026, %get3A_2025, %select_n3A_1947 : vector<8x128xi1>, vector<8x128xf32>
    %jit3A_2028 = arith.constant 257 : i32
    %broadcast_in_dim3A_2029 = vector.broadcast %jit3A_2028 : i32 to vector<8x128xi32>
    %select_n3A_2030 = arith.select %gt3A_2026, %broadcast_in_dim3A_2029, %select_n3A_1950 : vector<8x128xi1>, vector<8x128xi32>
    %get3A_2031 = arith.constant 2064 : index
    %get3A_2032 = arith.constant 0 : index
    %get3A_2033 = vector.load %arg1[%get3A_2031, %get3A_2032] : memref<4000x128xf32, #tpu.memory_space<vmem>>, vector<8x128xf32>
    %gt3A_2034 = arith.cmpf ogt, %get3A_2033, %select_n3A_1955 : vector<8x128xf32>
    %select_n3A_2035 = arith.select %gt3A_2034, %get3A_2033, %select_n3A_1955 : vector<8x128xi1>, vector<8x128xf32>
    %jit3A_2036 = arith.constant 258 : i32
    %broadcast_in_dim3A_2037 = vector.broadcast %jit3A_2036 : i32 to vector<8x128xi32>
    %select_n3A_2038 = arith.select %gt3A_2034, %broadcast_in_dim3A_2037, %select_n3A_1958 : vector<8x128xi1>, vector<8x128xi32>
    %get3A_2039 = arith.constant 2072 : index
    %get3A_2040 = arith.constant 0 : index
    %get3A_2041 = vector.load %arg1[%get3A_2039, %get3A_2040] : memref<4000x128xf32, #tpu.memory_space<vmem>>, vector<8x128xf32>
    %gt3A_2042 = arith.cmpf ogt, %get3A_2041, %select_n3A_1963 : vector<8x128xf32>
    %select_n3A_2043 = arith.select %gt3A_2042, %get3A_2041, %select_n3A_1963 : vector<8x128xi1>, vector<8x128xf32>
    %jit3A_2044 = arith.constant 259 : i32
    %broadcast_in_dim3A_2045 = vector.broadcast %jit3A_2044 : i32 to vector<8x128xi32>
    %select_n3A_2046 = arith.select %gt3A_2042, %broadcast_in_dim3A_2045, %select_n3A_1966 : vector<8x128xi1>, vector<8x128xi32>
    %get3A_2047 = arith.constant 2080 : index
    %get3A_2048 = arith.constant 0 : index
    %get3A_2049 = vector.load %arg1[%get3A_2047, %get3A_2048] : memref<4000x128xf32, #tpu.memory_space<vmem>>, vector<8x128xf32>
    %gt3A_2050 = arith.cmpf ogt, %get3A_2049, %select_n3A_1971 : vector<8x128xf32>
    %select_n3A_2051 = arith.select %gt3A_2050, %get3A_2049, %select_n3A_1971 : vector<8x128xi1>, vector<8x128xf32>
    %jit3A_2052 = arith.constant 260 : i32
    %broadcast_in_dim3A_2053 = vector.broadcast %jit3A_2052 : i32 to vector<8x128xi32>
    %select_n3A_2054 = arith.select %gt3A_2050, %broadcast_in_dim3A_2053, %select_n3A_1974 : vector<8x128xi1>, vector<8x128xi32>
    %get3A_2055 = arith.constant 2088 : index
    %get3A_2056 = arith.constant 0 : index
    %get3A_2057 = vector.load %arg1[%get3A_2055, %get3A_2056] : memref<4000x128xf32, #tpu.memory_space<vmem>>, vector<8x128xf32>
    %gt3A_2058 = arith.cmpf ogt, %get3A_2057, %select_n3A_1979 : vector<8x128xf32>
    %select_n3A_2059 = arith.select %gt3A_2058, %get3A_2057, %select_n3A_1979 : vector<8x128xi1>, vector<8x128xf32>
    %jit3A_2060 = arith.constant 261 : i32
    %broadcast_in_dim3A_2061 = vector.broadcast %jit3A_2060 : i32 to vector<8x128xi32>
    %select_n3A_2062 = arith.select %gt3A_2058, %broadcast_in_dim3A_2061, %select_n3A_1982 : vector<8x128xi1>, vector<8x128xi32>
    %get3A_2063 = arith.constant 2096 : index
    %get3A_2064 = arith.constant 0 : index
    %get3A_2065 = vector.load %arg1[%get3A_2063, %get3A_2064] : memref<4000x128xf32, #tpu.memory_space<vmem>>, vector<8x128xf32>
    %gt3A_2066 = arith.cmpf ogt, %get3A_2065, %select_n3A_1987 : vector<8x128xf32>
    %select_n3A_2067 = arith.select %gt3A_2066, %get3A_2065, %select_n3A_1987 : vector<8x128xi1>, vector<8x128xf32>
    %jit3A_2068 = arith.constant 262 : i32
    %broadcast_in_dim3A_2069 = vector.broadcast %jit3A_2068 : i32 to vector<8x128xi32>
    %select_n3A_2070 = arith.select %gt3A_2066, %broadcast_in_dim3A_2069, %select_n3A_1990 : vector<8x128xi1>, vector<8x128xi32>
    %get3A_2071 = arith.constant 2104 : index
    %get3A_2072 = arith.constant 0 : index
    %get3A_2073 = vector.load %arg1[%get3A_2071, %get3A_2072] : memref<4000x128xf32, #tpu.memory_space<vmem>>, vector<8x128xf32>
    %gt3A_2074 = arith.cmpf ogt, %get3A_2073, %select_n3A_1995 : vector<8x128xf32>
    %select_n3A_2075 = arith.select %gt3A_2074, %get3A_2073, %select_n3A_1995 : vector<8x128xi1>, vector<8x128xf32>
    %jit3A_2076 = arith.constant 263 : i32
    %broadcast_in_dim3A_2077 = vector.broadcast %jit3A_2076 : i32 to vector<8x128xi32>
    %select_n3A_2078 = arith.select %gt3A_2074, %broadcast_in_dim3A_2077, %select_n3A_1998 : vector<8x128xi1>, vector<8x128xi32>
    %get3A_2079 = arith.constant 2112 : index
    %get3A_2080 = arith.constant 0 : index
    %get3A_2081 = vector.load %arg1[%get3A_2079, %get3A_2080] : memref<4000x128xf32, #tpu.memory_space<vmem>>, vector<8x128xf32>
    %gt3A_2082 = arith.cmpf ogt, %get3A_2081, %select_n3A_2003 : vector<8x128xf32>
    %select_n3A_2083 = arith.select %gt3A_2082, %get3A_2081, %select_n3A_2003 : vector<8x128xi1>, vector<8x128xf32>
    %jit3A_2084 = arith.constant 264 : i32
    %broadcast_in_dim3A_2085 = vector.broadcast %jit3A_2084 : i32 to vector<8x128xi32>
    %select_n3A_2086 = arith.select %gt3A_2082, %broadcast_in_dim3A_2085, %select_n3A_2006 : vector<8x128xi1>, vector<8x128xi32>
    %get3A_2087 = arith.constant 2120 : index
    %get3A_2088 = arith.constant 0 : index
    %get3A_2089 = vector.load %arg1[%get3A_2087, %get3A_2088] : memref<4000x128xf32, #tpu.memory_space<vmem>>, vector<8x128xf32>
    %gt3A_2090 = arith.cmpf ogt, %get3A_2089, %select_n3A_2011 : vector<8x128xf32>
    %select_n3A_2091 = arith.select %gt3A_2090, %get3A_2089, %select_n3A_2011 : vector<8x128xi1>, vector<8x128xf32>
    %jit3A_2092 = arith.constant 265 : i32
    %broadcast_in_dim3A_2093 = vector.broadcast %jit3A_2092 : i32 to vector<8x128xi32>
    %select_n3A_2094 = arith.select %gt3A_2090, %broadcast_in_dim3A_2093, %select_n3A_2014 : vector<8x128xi1>, vector<8x128xi32>
    %get3A_2095 = arith.constant 2128 : index
    %get3A_2096 = arith.constant 0 : index
    %get3A_2097 = vector.load %arg1[%get3A_2095, %get3A_2096] : memref<4000x128xf32, #tpu.memory_space<vmem>>, vector<8x128xf32>
    %gt3A_2098 = arith.cmpf ogt, %get3A_2097, %select_n3A_2019 : vector<8x128xf32>
    %select_n3A_2099 = arith.select %gt3A_2098, %get3A_2097, %select_n3A_2019 : vector<8x128xi1>, vector<8x128xf32>
    %jit3A_2100 = arith.constant 266 : i32
    %broadcast_in_dim3A_2101 = vector.broadcast %jit3A_2100 : i32 to vector<8x128xi32>
    %select_n3A_2102 = arith.select %gt3A_2098, %broadcast_in_dim3A_2101, %select_n3A_2022 : vector<8x128xi1>, vector<8x128xi32>
    %get3A_2103 = arith.constant 2136 : index
    %get3A_2104 = arith.constant 0 : index
    %get3A_2105 = vector.load %arg1[%get3A_2103, %get3A_2104] : memref<4000x128xf32, #tpu.memory_space<vmem>>, vector<8x128xf32>
    %gt3A_2106 = arith.cmpf ogt, %get3A_2105, %select_n3A_2027 : vector<8x128xf32>
    %select_n3A_2107 = arith.select %gt3A_2106, %get3A_2105, %select_n3A_2027 : vector<8x128xi1>, vector<8x128xf32>
    %jit3A_2108 = arith.constant 267 : i32
    %broadcast_in_dim3A_2109 = vector.broadcast %jit3A_2108 : i32 to vector<8x128xi32>
    %select_n3A_2110 = arith.select %gt3A_2106, %broadcast_in_dim3A_2109, %select_n3A_2030 : vector<8x128xi1>, vector<8x128xi32>
    %get3A_2111 = arith.constant 2144 : index
    %get3A_2112 = arith.constant 0 : index
    %get3A_2113 = vector.load %arg1[%get3A_2111, %get3A_2112] : memref<4000x128xf32, #tpu.memory_space<vmem>>, vector<8x128xf32>
    %gt3A_2114 = arith.cmpf ogt, %get3A_2113, %select_n3A_2035 : vector<8x128xf32>
    %select_n3A_2115 = arith.select %gt3A_2114, %get3A_2113, %select_n3A_2035 : vector<8x128xi1>, vector<8x128xf32>
    %jit3A_2116 = arith.constant 268 : i32
    %broadcast_in_dim3A_2117 = vector.broadcast %jit3A_2116 : i32 to vector<8x128xi32>
    %select_n3A_2118 = arith.select %gt3A_2114, %broadcast_in_dim3A_2117, %select_n3A_2038 : vector<8x128xi1>, vector<8x128xi32>
    %get3A_2119 = arith.constant 2152 : index
    %get3A_2120 = arith.constant 0 : index
    %get3A_2121 = vector.load %arg1[%get3A_2119, %get3A_2120] : memref<4000x128xf32, #tpu.memory_space<vmem>>, vector<8x128xf32>
    %gt3A_2122 = arith.cmpf ogt, %get3A_2121, %select_n3A_2043 : vector<8x128xf32>
    %select_n3A_2123 = arith.select %gt3A_2122, %get3A_2121, %select_n3A_2043 : vector<8x128xi1>, vector<8x128xf32>
    %jit3A_2124 = arith.constant 269 : i32
    %broadcast_in_dim3A_2125 = vector.broadcast %jit3A_2124 : i32 to vector<8x128xi32>
    %select_n3A_2126 = arith.select %gt3A_2122, %broadcast_in_dim3A_2125, %select_n3A_2046 : vector<8x128xi1>, vector<8x128xi32>
    %get3A_2127 = arith.constant 2160 : index
    %get3A_2128 = arith.constant 0 : index
    %get3A_2129 = vector.load %arg1[%get3A_2127, %get3A_2128] : memref<4000x128xf32, #tpu.memory_space<vmem>>, vector<8x128xf32>
    %gt3A_2130 = arith.cmpf ogt, %get3A_2129, %select_n3A_2051 : vector<8x128xf32>
    %select_n3A_2131 = arith.select %gt3A_2130, %get3A_2129, %select_n3A_2051 : vector<8x128xi1>, vector<8x128xf32>
    %jit3A_2132 = arith.constant 270 : i32
    %broadcast_in_dim3A_2133 = vector.broadcast %jit3A_2132 : i32 to vector<8x128xi32>
    %select_n3A_2134 = arith.select %gt3A_2130, %broadcast_in_dim3A_2133, %select_n3A_2054 : vector<8x128xi1>, vector<8x128xi32>
    %get3A_2135 = arith.constant 2168 : index
    %get3A_2136 = arith.constant 0 : index
    %get3A_2137 = vector.load %arg1[%get3A_2135, %get3A_2136] : memref<4000x128xf32, #tpu.memory_space<vmem>>, vector<8x128xf32>
    %gt3A_2138 = arith.cmpf ogt, %get3A_2137, %select_n3A_2059 : vector<8x128xf32>
    %select_n3A_2139 = arith.select %gt3A_2138, %get3A_2137, %select_n3A_2059 : vector<8x128xi1>, vector<8x128xf32>
    %jit3A_2140 = arith.constant 271 : i32
    %broadcast_in_dim3A_2141 = vector.broadcast %jit3A_2140 : i32 to vector<8x128xi32>
    %select_n3A_2142 = arith.select %gt3A_2138, %broadcast_in_dim3A_2141, %select_n3A_2062 : vector<8x128xi1>, vector<8x128xi32>
    %get3A_2143 = arith.constant 2176 : index
    %get3A_2144 = arith.constant 0 : index
    %get3A_2145 = vector.load %arg1[%get3A_2143, %get3A_2144] : memref<4000x128xf32, #tpu.memory_space<vmem>>, vector<8x128xf32>
    %gt3A_2146 = arith.cmpf ogt, %get3A_2145, %select_n3A_2067 : vector<8x128xf32>
    %select_n3A_2147 = arith.select %gt3A_2146, %get3A_2145, %select_n3A_2067 : vector<8x128xi1>, vector<8x128xf32>
    %jit3A_2148 = arith.constant 272 : i32
    %broadcast_in_dim3A_2149 = vector.broadcast %jit3A_2148 : i32 to vector<8x128xi32>
    %select_n3A_2150 = arith.select %gt3A_2146, %broadcast_in_dim3A_2149, %select_n3A_2070 : vector<8x128xi1>, vector<8x128xi32>
    %get3A_2151 = arith.constant 2184 : index
    %get3A_2152 = arith.constant 0 : index
    %get3A_2153 = vector.load %arg1[%get3A_2151, %get3A_2152] : memref<4000x128xf32, #tpu.memory_space<vmem>>, vector<8x128xf32>
    %gt3A_2154 = arith.cmpf ogt, %get3A_2153, %select_n3A_2075 : vector<8x128xf32>
    %select_n3A_2155 = arith.select %gt3A_2154, %get3A_2153, %select_n3A_2075 : vector<8x128xi1>, vector<8x128xf32>
    %jit3A_2156 = arith.constant 273 : i32
    %broadcast_in_dim3A_2157 = vector.broadcast %jit3A_2156 : i32 to vector<8x128xi32>
    %select_n3A_2158 = arith.select %gt3A_2154, %broadcast_in_dim3A_2157, %select_n3A_2078 : vector<8x128xi1>, vector<8x128xi32>
    %get3A_2159 = arith.constant 2192 : index
    %get3A_2160 = arith.constant 0 : index
    %get3A_2161 = vector.load %arg1[%get3A_2159, %get3A_2160] : memref<4000x128xf32, #tpu.memory_space<vmem>>, vector<8x128xf32>
    %gt3A_2162 = arith.cmpf ogt, %get3A_2161, %select_n3A_2083 : vector<8x128xf32>
    %select_n3A_2163 = arith.select %gt3A_2162, %get3A_2161, %select_n3A_2083 : vector<8x128xi1>, vector<8x128xf32>
    %jit3A_2164 = arith.constant 274 : i32
    %broadcast_in_dim3A_2165 = vector.broadcast %jit3A_2164 : i32 to vector<8x128xi32>
    %select_n3A_2166 = arith.select %gt3A_2162, %broadcast_in_dim3A_2165, %select_n3A_2086 : vector<8x128xi1>, vector<8x128xi32>
    %get3A_2167 = arith.constant 2200 : index
    %get3A_2168 = arith.constant 0 : index
    %get3A_2169 = vector.load %arg1[%get3A_2167, %get3A_2168] : memref<4000x128xf32, #tpu.memory_space<vmem>>, vector<8x128xf32>
    %gt3A_2170 = arith.cmpf ogt, %get3A_2169, %select_n3A_2091 : vector<8x128xf32>
    %select_n3A_2171 = arith.select %gt3A_2170, %get3A_2169, %select_n3A_2091 : vector<8x128xi1>, vector<8x128xf32>
    %jit3A_2172 = arith.constant 275 : i32
    %broadcast_in_dim3A_2173 = vector.broadcast %jit3A_2172 : i32 to vector<8x128xi32>
    %select_n3A_2174 = arith.select %gt3A_2170, %broadcast_in_dim3A_2173, %select_n3A_2094 : vector<8x128xi1>, vector<8x128xi32>
    %get3A_2175 = arith.constant 2208 : index
    %get3A_2176 = arith.constant 0 : index
    %get3A_2177 = vector.load %arg1[%get3A_2175, %get3A_2176] : memref<4000x128xf32, #tpu.memory_space<vmem>>, vector<8x128xf32>
    %gt3A_2178 = arith.cmpf ogt, %get3A_2177, %select_n3A_2099 : vector<8x128xf32>
    %select_n3A_2179 = arith.select %gt3A_2178, %get3A_2177, %select_n3A_2099 : vector<8x128xi1>, vector<8x128xf32>
    %jit3A_2180 = arith.constant 276 : i32
    %broadcast_in_dim3A_2181 = vector.broadcast %jit3A_2180 : i32 to vector<8x128xi32>
    %select_n3A_2182 = arith.select %gt3A_2178, %broadcast_in_dim3A_2181, %select_n3A_2102 : vector<8x128xi1>, vector<8x128xi32>
    %get3A_2183 = arith.constant 2216 : index
    %get3A_2184 = arith.constant 0 : index
    %get3A_2185 = vector.load %arg1[%get3A_2183, %get3A_2184] : memref<4000x128xf32, #tpu.memory_space<vmem>>, vector<8x128xf32>
    %gt3A_2186 = arith.cmpf ogt, %get3A_2185, %select_n3A_2107 : vector<8x128xf32>
    %select_n3A_2187 = arith.select %gt3A_2186, %get3A_2185, %select_n3A_2107 : vector<8x128xi1>, vector<8x128xf32>
    %jit3A_2188 = arith.constant 277 : i32
    %broadcast_in_dim3A_2189 = vector.broadcast %jit3A_2188 : i32 to vector<8x128xi32>
    %select_n3A_2190 = arith.select %gt3A_2186, %broadcast_in_dim3A_2189, %select_n3A_2110 : vector<8x128xi1>, vector<8x128xi32>
    %get3A_2191 = arith.constant 2224 : index
    %get3A_2192 = arith.constant 0 : index
    %get3A_2193 = vector.load %arg1[%get3A_2191, %get3A_2192] : memref<4000x128xf32, #tpu.memory_space<vmem>>, vector<8x128xf32>
    %gt3A_2194 = arith.cmpf ogt, %get3A_2193, %select_n3A_2115 : vector<8x128xf32>
    %select_n3A_2195 = arith.select %gt3A_2194, %get3A_2193, %select_n3A_2115 : vector<8x128xi1>, vector<8x128xf32>
    %jit3A_2196 = arith.constant 278 : i32
    %broadcast_in_dim3A_2197 = vector.broadcast %jit3A_2196 : i32 to vector<8x128xi32>
    %select_n3A_2198 = arith.select %gt3A_2194, %broadcast_in_dim3A_2197, %select_n3A_2118 : vector<8x128xi1>, vector<8x128xi32>
    %get3A_2199 = arith.constant 2232 : index
    %get3A_2200 = arith.constant 0 : index
    %get3A_2201 = vector.load %arg1[%get3A_2199, %get3A_2200] : memref<4000x128xf32, #tpu.memory_space<vmem>>, vector<8x128xf32>
    %gt3A_2202 = arith.cmpf ogt, %get3A_2201, %select_n3A_2123 : vector<8x128xf32>
    %select_n3A_2203 = arith.select %gt3A_2202, %get3A_2201, %select_n3A_2123 : vector<8x128xi1>, vector<8x128xf32>
    %jit3A_2204 = arith.constant 279 : i32
    %broadcast_in_dim3A_2205 = vector.broadcast %jit3A_2204 : i32 to vector<8x128xi32>
    %select_n3A_2206 = arith.select %gt3A_2202, %broadcast_in_dim3A_2205, %select_n3A_2126 : vector<8x128xi1>, vector<8x128xi32>
    %get3A_2207 = arith.constant 2240 : index
    %get3A_2208 = arith.constant 0 : index
    %get3A_2209 = vector.load %arg1[%get3A_2207, %get3A_2208] : memref<4000x128xf32, #tpu.memory_space<vmem>>, vector<8x128xf32>
    %gt3A_2210 = arith.cmpf ogt, %get3A_2209, %select_n3A_2131 : vector<8x128xf32>
    %select_n3A_2211 = arith.select %gt3A_2210, %get3A_2209, %select_n3A_2131 : vector<8x128xi1>, vector<8x128xf32>
    %jit3A_2212 = arith.constant 280 : i32
    %broadcast_in_dim3A_2213 = vector.broadcast %jit3A_2212 : i32 to vector<8x128xi32>
    %select_n3A_2214 = arith.select %gt3A_2210, %broadcast_in_dim3A_2213, %select_n3A_2134 : vector<8x128xi1>, vector<8x128xi32>
    %get3A_2215 = arith.constant 2248 : index
    %get3A_2216 = arith.constant 0 : index
    %get3A_2217 = vector.load %arg1[%get3A_2215, %get3A_2216] : memref<4000x128xf32, #tpu.memory_space<vmem>>, vector<8x128xf32>
    %gt3A_2218 = arith.cmpf ogt, %get3A_2217, %select_n3A_2139 : vector<8x128xf32>
    %select_n3A_2219 = arith.select %gt3A_2218, %get3A_2217, %select_n3A_2139 : vector<8x128xi1>, vector<8x128xf32>
    %jit3A_2220 = arith.constant 281 : i32
    %broadcast_in_dim3A_2221 = vector.broadcast %jit3A_2220 : i32 to vector<8x128xi32>
    %select_n3A_2222 = arith.select %gt3A_2218, %broadcast_in_dim3A_2221, %select_n3A_2142 : vector<8x128xi1>, vector<8x128xi32>
    %get3A_2223 = arith.constant 2256 : index
    %get3A_2224 = arith.constant 0 : index
    %get3A_2225 = vector.load %arg1[%get3A_2223, %get3A_2224] : memref<4000x128xf32, #tpu.memory_space<vmem>>, vector<8x128xf32>
    %gt3A_2226 = arith.cmpf ogt, %get3A_2225, %select_n3A_2147 : vector<8x128xf32>
    %select_n3A_2227 = arith.select %gt3A_2226, %get3A_2225, %select_n3A_2147 : vector<8x128xi1>, vector<8x128xf32>
    %jit3A_2228 = arith.constant 282 : i32
    %broadcast_in_dim3A_2229 = vector.broadcast %jit3A_2228 : i32 to vector<8x128xi32>
    %select_n3A_2230 = arith.select %gt3A_2226, %broadcast_in_dim3A_2229, %select_n3A_2150 : vector<8x128xi1>, vector<8x128xi32>
    %get3A_2231 = arith.constant 2264 : index
    %get3A_2232 = arith.constant 0 : index
    %get3A_2233 = vector.load %arg1[%get3A_2231, %get3A_2232] : memref<4000x128xf32, #tpu.memory_space<vmem>>, vector<8x128xf32>
    %gt3A_2234 = arith.cmpf ogt, %get3A_2233, %select_n3A_2155 : vector<8x128xf32>
    %select_n3A_2235 = arith.select %gt3A_2234, %get3A_2233, %select_n3A_2155 : vector<8x128xi1>, vector<8x128xf32>
    %jit3A_2236 = arith.constant 283 : i32
    %broadcast_in_dim3A_2237 = vector.broadcast %jit3A_2236 : i32 to vector<8x128xi32>
    %select_n3A_2238 = arith.select %gt3A_2234, %broadcast_in_dim3A_2237, %select_n3A_2158 : vector<8x128xi1>, vector<8x128xi32>
    %get3A_2239 = arith.constant 2272 : index
    %get3A_2240 = arith.constant 0 : index
    %get3A_2241 = vector.load %arg1[%get3A_2239, %get3A_2240] : memref<4000x128xf32, #tpu.memory_space<vmem>>, vector<8x128xf32>
    %gt3A_2242 = arith.cmpf ogt, %get3A_2241, %select_n3A_2163 : vector<8x128xf32>
    %select_n3A_2243 = arith.select %gt3A_2242, %get3A_2241, %select_n3A_2163 : vector<8x128xi1>, vector<8x128xf32>
    %jit3A_2244 = arith.constant 284 : i32
    %broadcast_in_dim3A_2245 = vector.broadcast %jit3A_2244 : i32 to vector<8x128xi32>
    %select_n3A_2246 = arith.select %gt3A_2242, %broadcast_in_dim3A_2245, %select_n3A_2166 : vector<8x128xi1>, vector<8x128xi32>
    %get3A_2247 = arith.constant 2280 : index
    %get3A_2248 = arith.constant 0 : index
    %get3A_2249 = vector.load %arg1[%get3A_2247, %get3A_2248] : memref<4000x128xf32, #tpu.memory_space<vmem>>, vector<8x128xf32>
    %gt3A_2250 = arith.cmpf ogt, %get3A_2249, %select_n3A_2171 : vector<8x128xf32>
    %select_n3A_2251 = arith.select %gt3A_2250, %get3A_2249, %select_n3A_2171 : vector<8x128xi1>, vector<8x128xf32>
    %jit3A_2252 = arith.constant 285 : i32
    %broadcast_in_dim3A_2253 = vector.broadcast %jit3A_2252 : i32 to vector<8x128xi32>
    %select_n3A_2254 = arith.select %gt3A_2250, %broadcast_in_dim3A_2253, %select_n3A_2174 : vector<8x128xi1>, vector<8x128xi32>
    %get3A_2255 = arith.constant 2288 : index
    %get3A_2256 = arith.constant 0 : index
    %get3A_2257 = vector.load %arg1[%get3A_2255, %get3A_2256] : memref<4000x128xf32, #tpu.memory_space<vmem>>, vector<8x128xf32>
    %gt3A_2258 = arith.cmpf ogt, %get3A_2257, %select_n3A_2179 : vector<8x128xf32>
    %select_n3A_2259 = arith.select %gt3A_2258, %get3A_2257, %select_n3A_2179 : vector<8x128xi1>, vector<8x128xf32>
    %jit3A_2260 = arith.constant 286 : i32
    %broadcast_in_dim3A_2261 = vector.broadcast %jit3A_2260 : i32 to vector<8x128xi32>
    %select_n3A_2262 = arith.select %gt3A_2258, %broadcast_in_dim3A_2261, %select_n3A_2182 : vector<8x128xi1>, vector<8x128xi32>
    %get3A_2263 = arith.constant 2296 : index
    %get3A_2264 = arith.constant 0 : index
    %get3A_2265 = vector.load %arg1[%get3A_2263, %get3A_2264] : memref<4000x128xf32, #tpu.memory_space<vmem>>, vector<8x128xf32>
    %gt3A_2266 = arith.cmpf ogt, %get3A_2265, %select_n3A_2187 : vector<8x128xf32>
    %select_n3A_2267 = arith.select %gt3A_2266, %get3A_2265, %select_n3A_2187 : vector<8x128xi1>, vector<8x128xf32>
    %jit3A_2268 = arith.constant 287 : i32
    %broadcast_in_dim3A_2269 = vector.broadcast %jit3A_2268 : i32 to vector<8x128xi32>
    %select_n3A_2270 = arith.select %gt3A_2266, %broadcast_in_dim3A_2269, %select_n3A_2190 : vector<8x128xi1>, vector<8x128xi32>
    %get3A_2271 = arith.constant 2304 : index
    %get3A_2272 = arith.constant 0 : index
    %get3A_2273 = vector.load %arg1[%get3A_2271, %get3A_2272] : memref<4000x128xf32, #tpu.memory_space<vmem>>, vector<8x128xf32>
    %gt3A_2274 = arith.cmpf ogt, %get3A_2273, %select_n3A_2195 : vector<8x128xf32>
    %select_n3A_2275 = arith.select %gt3A_2274, %get3A_2273, %select_n3A_2195 : vector<8x128xi1>, vector<8x128xf32>
    %jit3A_2276 = arith.constant 288 : i32
    %broadcast_in_dim3A_2277 = vector.broadcast %jit3A_2276 : i32 to vector<8x128xi32>
    %select_n3A_2278 = arith.select %gt3A_2274, %broadcast_in_dim3A_2277, %select_n3A_2198 : vector<8x128xi1>, vector<8x128xi32>
    %get3A_2279 = arith.constant 2312 : index
    %get3A_2280 = arith.constant 0 : index
    %get3A_2281 = vector.load %arg1[%get3A_2279, %get3A_2280] : memref<4000x128xf32, #tpu.memory_space<vmem>>, vector<8x128xf32>
    %gt3A_2282 = arith.cmpf ogt, %get3A_2281, %select_n3A_2203 : vector<8x128xf32>
    %select_n3A_2283 = arith.select %gt3A_2282, %get3A_2281, %select_n3A_2203 : vector<8x128xi1>, vector<8x128xf32>
    %jit3A_2284 = arith.constant 289 : i32
    %broadcast_in_dim3A_2285 = vector.broadcast %jit3A_2284 : i32 to vector<8x128xi32>
    %select_n3A_2286 = arith.select %gt3A_2282, %broadcast_in_dim3A_2285, %select_n3A_2206 : vector<8x128xi1>, vector<8x128xi32>
    %get3A_2287 = arith.constant 2320 : index
    %get3A_2288 = arith.constant 0 : index
    %get3A_2289 = vector.load %arg1[%get3A_2287, %get3A_2288] : memref<4000x128xf32, #tpu.memory_space<vmem>>, vector<8x128xf32>
    %gt3A_2290 = arith.cmpf ogt, %get3A_2289, %select_n3A_2211 : vector<8x128xf32>
    %select_n3A_2291 = arith.select %gt3A_2290, %get3A_2289, %select_n3A_2211 : vector<8x128xi1>, vector<8x128xf32>
    %jit3A_2292 = arith.constant 290 : i32
    %broadcast_in_dim3A_2293 = vector.broadcast %jit3A_2292 : i32 to vector<8x128xi32>
    %select_n3A_2294 = arith.select %gt3A_2290, %broadcast_in_dim3A_2293, %select_n3A_2214 : vector<8x128xi1>, vector<8x128xi32>
    %get3A_2295 = arith.constant 2328 : index
    %get3A_2296 = arith.constant 0 : index
    %get3A_2297 = vector.load %arg1[%get3A_2295, %get3A_2296] : memref<4000x128xf32, #tpu.memory_space<vmem>>, vector<8x128xf32>
    %gt3A_2298 = arith.cmpf ogt, %get3A_2297, %select_n3A_2219 : vector<8x128xf32>
    %select_n3A_2299 = arith.select %gt3A_2298, %get3A_2297, %select_n3A_2219 : vector<8x128xi1>, vector<8x128xf32>
    %jit3A_2300 = arith.constant 291 : i32
    %broadcast_in_dim3A_2301 = vector.broadcast %jit3A_2300 : i32 to vector<8x128xi32>
    %select_n3A_2302 = arith.select %gt3A_2298, %broadcast_in_dim3A_2301, %select_n3A_2222 : vector<8x128xi1>, vector<8x128xi32>
    %get3A_2303 = arith.constant 2336 : index
    %get3A_2304 = arith.constant 0 : index
    %get3A_2305 = vector.load %arg1[%get3A_2303, %get3A_2304] : memref<4000x128xf32, #tpu.memory_space<vmem>>, vector<8x128xf32>
    %gt3A_2306 = arith.cmpf ogt, %get3A_2305, %select_n3A_2227 : vector<8x128xf32>
    %select_n3A_2307 = arith.select %gt3A_2306, %get3A_2305, %select_n3A_2227 : vector<8x128xi1>, vector<8x128xf32>
    %jit3A_2308 = arith.constant 292 : i32
    %broadcast_in_dim3A_2309 = vector.broadcast %jit3A_2308 : i32 to vector<8x128xi32>
    %select_n3A_2310 = arith.select %gt3A_2306, %broadcast_in_dim3A_2309, %select_n3A_2230 : vector<8x128xi1>, vector<8x128xi32>
    %get3A_2311 = arith.constant 2344 : index
    %get3A_2312 = arith.constant 0 : index
    %get3A_2313 = vector.load %arg1[%get3A_2311, %get3A_2312] : memref<4000x128xf32, #tpu.memory_space<vmem>>, vector<8x128xf32>
    %gt3A_2314 = arith.cmpf ogt, %get3A_2313, %select_n3A_2235 : vector<8x128xf32>
    %select_n3A_2315 = arith.select %gt3A_2314, %get3A_2313, %select_n3A_2235 : vector<8x128xi1>, vector<8x128xf32>
    %jit3A_2316 = arith.constant 293 : i32
    %broadcast_in_dim3A_2317 = vector.broadcast %jit3A_2316 : i32 to vector<8x128xi32>
    %select_n3A_2318 = arith.select %gt3A_2314, %broadcast_in_dim3A_2317, %select_n3A_2238 : vector<8x128xi1>, vector<8x128xi32>
    %get3A_2319 = arith.constant 2352 : index
    %get3A_2320 = arith.constant 0 : index
    %get3A_2321 = vector.load %arg1[%get3A_2319, %get3A_2320] : memref<4000x128xf32, #tpu.memory_space<vmem>>, vector<8x128xf32>
    %gt3A_2322 = arith.cmpf ogt, %get3A_2321, %select_n3A_2243 : vector<8x128xf32>
    %select_n3A_2323 = arith.select %gt3A_2322, %get3A_2321, %select_n3A_2243 : vector<8x128xi1>, vector<8x128xf32>
    %jit3A_2324 = arith.constant 294 : i32
    %broadcast_in_dim3A_2325 = vector.broadcast %jit3A_2324 : i32 to vector<8x128xi32>
    %select_n3A_2326 = arith.select %gt3A_2322, %broadcast_in_dim3A_2325, %select_n3A_2246 : vector<8x128xi1>, vector<8x128xi32>
    %get3A_2327 = arith.constant 2360 : index
    %get3A_2328 = arith.constant 0 : index
    %get3A_2329 = vector.load %arg1[%get3A_2327, %get3A_2328] : memref<4000x128xf32, #tpu.memory_space<vmem>>, vector<8x128xf32>
    %gt3A_2330 = arith.cmpf ogt, %get3A_2329, %select_n3A_2251 : vector<8x128xf32>
    %select_n3A_2331 = arith.select %gt3A_2330, %get3A_2329, %select_n3A_2251 : vector<8x128xi1>, vector<8x128xf32>
    %jit3A_2332 = arith.constant 295 : i32
    %broadcast_in_dim3A_2333 = vector.broadcast %jit3A_2332 : i32 to vector<8x128xi32>
    %select_n3A_2334 = arith.select %gt3A_2330, %broadcast_in_dim3A_2333, %select_n3A_2254 : vector<8x128xi1>, vector<8x128xi32>
    %get3A_2335 = arith.constant 2368 : index
    %get3A_2336 = arith.constant 0 : index
    %get3A_2337 = vector.load %arg1[%get3A_2335, %get3A_2336] : memref<4000x128xf32, #tpu.memory_space<vmem>>, vector<8x128xf32>
    %gt3A_2338 = arith.cmpf ogt, %get3A_2337, %select_n3A_2259 : vector<8x128xf32>
    %select_n3A_2339 = arith.select %gt3A_2338, %get3A_2337, %select_n3A_2259 : vector<8x128xi1>, vector<8x128xf32>
    %jit3A_2340 = arith.constant 296 : i32
    %broadcast_in_dim3A_2341 = vector.broadcast %jit3A_2340 : i32 to vector<8x128xi32>
    %select_n3A_2342 = arith.select %gt3A_2338, %broadcast_in_dim3A_2341, %select_n3A_2262 : vector<8x128xi1>, vector<8x128xi32>
    %get3A_2343 = arith.constant 2376 : index
    %get3A_2344 = arith.constant 0 : index
    %get3A_2345 = vector.load %arg1[%get3A_2343, %get3A_2344] : memref<4000x128xf32, #tpu.memory_space<vmem>>, vector<8x128xf32>
    %gt3A_2346 = arith.cmpf ogt, %get3A_2345, %select_n3A_2267 : vector<8x128xf32>
    %select_n3A_2347 = arith.select %gt3A_2346, %get3A_2345, %select_n3A_2267 : vector<8x128xi1>, vector<8x128xf32>
    %jit3A_2348 = arith.constant 297 : i32
    %broadcast_in_dim3A_2349 = vector.broadcast %jit3A_2348 : i32 to vector<8x128xi32>
    %select_n3A_2350 = arith.select %gt3A_2346, %broadcast_in_dim3A_2349, %select_n3A_2270 : vector<8x128xi1>, vector<8x128xi32>
    %get3A_2351 = arith.constant 2384 : index
    %get3A_2352 = arith.constant 0 : index
    %get3A_2353 = vector.load %arg1[%get3A_2351, %get3A_2352] : memref<4000x128xf32, #tpu.memory_space<vmem>>, vector<8x128xf32>
    %gt3A_2354 = arith.cmpf ogt, %get3A_2353, %select_n3A_2275 : vector<8x128xf32>
    %select_n3A_2355 = arith.select %gt3A_2354, %get3A_2353, %select_n3A_2275 : vector<8x128xi1>, vector<8x128xf32>
    %jit3A_2356 = arith.constant 298 : i32
    %broadcast_in_dim3A_2357 = vector.broadcast %jit3A_2356 : i32 to vector<8x128xi32>
    %select_n3A_2358 = arith.select %gt3A_2354, %broadcast_in_dim3A_2357, %select_n3A_2278 : vector<8x128xi1>, vector<8x128xi32>
    %get3A_2359 = arith.constant 2392 : index
    %get3A_2360 = arith.constant 0 : index
    %get3A_2361 = vector.load %arg1[%get3A_2359, %get3A_2360] : memref<4000x128xf32, #tpu.memory_space<vmem>>, vector<8x128xf32>
    %gt3A_2362 = arith.cmpf ogt, %get3A_2361, %select_n3A_2283 : vector<8x128xf32>
    %select_n3A_2363 = arith.select %gt3A_2362, %get3A_2361, %select_n3A_2283 : vector<8x128xi1>, vector<8x128xf32>
    %jit3A_2364 = arith.constant 299 : i32
    %broadcast_in_dim3A_2365 = vector.broadcast %jit3A_2364 : i32 to vector<8x128xi32>
    %select_n3A_2366 = arith.select %gt3A_2362, %broadcast_in_dim3A_2365, %select_n3A_2286 : vector<8x128xi1>, vector<8x128xi32>
    %get3A_2367 = arith.constant 2400 : index
    %get3A_2368 = arith.constant 0 : index
    %get3A_2369 = vector.load %arg1[%get3A_2367, %get3A_2368] : memref<4000x128xf32, #tpu.memory_space<vmem>>, vector<8x128xf32>
    %gt3A_2370 = arith.cmpf ogt, %get3A_2369, %select_n3A_2291 : vector<8x128xf32>
    %select_n3A_2371 = arith.select %gt3A_2370, %get3A_2369, %select_n3A_2291 : vector<8x128xi1>, vector<8x128xf32>
    %jit3A_2372 = arith.constant 300 : i32
    %broadcast_in_dim3A_2373 = vector.broadcast %jit3A_2372 : i32 to vector<8x128xi32>
    %select_n3A_2374 = arith.select %gt3A_2370, %broadcast_in_dim3A_2373, %select_n3A_2294 : vector<8x128xi1>, vector<8x128xi32>
    %get3A_2375 = arith.constant 2408 : index
    %get3A_2376 = arith.constant 0 : index
    %get3A_2377 = vector.load %arg1[%get3A_2375, %get3A_2376] : memref<4000x128xf32, #tpu.memory_space<vmem>>, vector<8x128xf32>
    %gt3A_2378 = arith.cmpf ogt, %get3A_2377, %select_n3A_2299 : vector<8x128xf32>
    %select_n3A_2379 = arith.select %gt3A_2378, %get3A_2377, %select_n3A_2299 : vector<8x128xi1>, vector<8x128xf32>
    %jit3A_2380 = arith.constant 301 : i32
    %broadcast_in_dim3A_2381 = vector.broadcast %jit3A_2380 : i32 to vector<8x128xi32>
    %select_n3A_2382 = arith.select %gt3A_2378, %broadcast_in_dim3A_2381, %select_n3A_2302 : vector<8x128xi1>, vector<8x128xi32>
    %get3A_2383 = arith.constant 2416 : index
    %get3A_2384 = arith.constant 0 : index
    %get3A_2385 = vector.load %arg1[%get3A_2383, %get3A_2384] : memref<4000x128xf32, #tpu.memory_space<vmem>>, vector<8x128xf32>
    %gt3A_2386 = arith.cmpf ogt, %get3A_2385, %select_n3A_2307 : vector<8x128xf32>
    %select_n3A_2387 = arith.select %gt3A_2386, %get3A_2385, %select_n3A_2307 : vector<8x128xi1>, vector<8x128xf32>
    %jit3A_2388 = arith.constant 302 : i32
    %broadcast_in_dim3A_2389 = vector.broadcast %jit3A_2388 : i32 to vector<8x128xi32>
    %select_n3A_2390 = arith.select %gt3A_2386, %broadcast_in_dim3A_2389, %select_n3A_2310 : vector<8x128xi1>, vector<8x128xi32>
    %get3A_2391 = arith.constant 2424 : index
    %get3A_2392 = arith.constant 0 : index
    %get3A_2393 = vector.load %arg1[%get3A_2391, %get3A_2392] : memref<4000x128xf32, #tpu.memory_space<vmem>>, vector<8x128xf32>
    %gt3A_2394 = arith.cmpf ogt, %get3A_2393, %select_n3A_2315 : vector<8x128xf32>
    %select_n3A_2395 = arith.select %gt3A_2394, %get3A_2393, %select_n3A_2315 : vector<8x128xi1>, vector<8x128xf32>
    %jit3A_2396 = arith.constant 303 : i32
    %broadcast_in_dim3A_2397 = vector.broadcast %jit3A_2396 : i32 to vector<8x128xi32>
    %select_n3A_2398 = arith.select %gt3A_2394, %broadcast_in_dim3A_2397, %select_n3A_2318 : vector<8x128xi1>, vector<8x128xi32>
    %get3A_2399 = arith.constant 2432 : index
    %get3A_2400 = arith.constant 0 : index
    %get3A_2401 = vector.load %arg1[%get3A_2399, %get3A_2400] : memref<4000x128xf32, #tpu.memory_space<vmem>>, vector<8x128xf32>
    %gt3A_2402 = arith.cmpf ogt, %get3A_2401, %select_n3A_2323 : vector<8x128xf32>
    %select_n3A_2403 = arith.select %gt3A_2402, %get3A_2401, %select_n3A_2323 : vector<8x128xi1>, vector<8x128xf32>
    %jit3A_2404 = arith.constant 304 : i32
    %broadcast_in_dim3A_2405 = vector.broadcast %jit3A_2404 : i32 to vector<8x128xi32>
    %select_n3A_2406 = arith.select %gt3A_2402, %broadcast_in_dim3A_2405, %select_n3A_2326 : vector<8x128xi1>, vector<8x128xi32>
    %get3A_2407 = arith.constant 2440 : index
    %get3A_2408 = arith.constant 0 : index
    %get3A_2409 = vector.load %arg1[%get3A_2407, %get3A_2408] : memref<4000x128xf32, #tpu.memory_space<vmem>>, vector<8x128xf32>
    %gt3A_2410 = arith.cmpf ogt, %get3A_2409, %select_n3A_2331 : vector<8x128xf32>
    %select_n3A_2411 = arith.select %gt3A_2410, %get3A_2409, %select_n3A_2331 : vector<8x128xi1>, vector<8x128xf32>
    %jit3A_2412 = arith.constant 305 : i32
    %broadcast_in_dim3A_2413 = vector.broadcast %jit3A_2412 : i32 to vector<8x128xi32>
    %select_n3A_2414 = arith.select %gt3A_2410, %broadcast_in_dim3A_2413, %select_n3A_2334 : vector<8x128xi1>, vector<8x128xi32>
    %get3A_2415 = arith.constant 2448 : index
    %get3A_2416 = arith.constant 0 : index
    %get3A_2417 = vector.load %arg1[%get3A_2415, %get3A_2416] : memref<4000x128xf32, #tpu.memory_space<vmem>>, vector<8x128xf32>
    %gt3A_2418 = arith.cmpf ogt, %get3A_2417, %select_n3A_2339 : vector<8x128xf32>
    %select_n3A_2419 = arith.select %gt3A_2418, %get3A_2417, %select_n3A_2339 : vector<8x128xi1>, vector<8x128xf32>
    %jit3A_2420 = arith.constant 306 : i32
    %broadcast_in_dim3A_2421 = vector.broadcast %jit3A_2420 : i32 to vector<8x128xi32>
    %select_n3A_2422 = arith.select %gt3A_2418, %broadcast_in_dim3A_2421, %select_n3A_2342 : vector<8x128xi1>, vector<8x128xi32>
    %get3A_2423 = arith.constant 2456 : index
    %get3A_2424 = arith.constant 0 : index
    %get3A_2425 = vector.load %arg1[%get3A_2423, %get3A_2424] : memref<4000x128xf32, #tpu.memory_space<vmem>>, vector<8x128xf32>
    %gt3A_2426 = arith.cmpf ogt, %get3A_2425, %select_n3A_2347 : vector<8x128xf32>
    %select_n3A_2427 = arith.select %gt3A_2426, %get3A_2425, %select_n3A_2347 : vector<8x128xi1>, vector<8x128xf32>
    %jit3A_2428 = arith.constant 307 : i32
    %broadcast_in_dim3A_2429 = vector.broadcast %jit3A_2428 : i32 to vector<8x128xi32>
    %select_n3A_2430 = arith.select %gt3A_2426, %broadcast_in_dim3A_2429, %select_n3A_2350 : vector<8x128xi1>, vector<8x128xi32>
    %get3A_2431 = arith.constant 2464 : index
    %get3A_2432 = arith.constant 0 : index
    %get3A_2433 = vector.load %arg1[%get3A_2431, %get3A_2432] : memref<4000x128xf32, #tpu.memory_space<vmem>>, vector<8x128xf32>
    %gt3A_2434 = arith.cmpf ogt, %get3A_2433, %select_n3A_2355 : vector<8x128xf32>
    %select_n3A_2435 = arith.select %gt3A_2434, %get3A_2433, %select_n3A_2355 : vector<8x128xi1>, vector<8x128xf32>
    %jit3A_2436 = arith.constant 308 : i32
    %broadcast_in_dim3A_2437 = vector.broadcast %jit3A_2436 : i32 to vector<8x128xi32>
    %select_n3A_2438 = arith.select %gt3A_2434, %broadcast_in_dim3A_2437, %select_n3A_2358 : vector<8x128xi1>, vector<8x128xi32>
    %get3A_2439 = arith.constant 2472 : index
    %get3A_2440 = arith.constant 0 : index
    %get3A_2441 = vector.load %arg1[%get3A_2439, %get3A_2440] : memref<4000x128xf32, #tpu.memory_space<vmem>>, vector<8x128xf32>
    %gt3A_2442 = arith.cmpf ogt, %get3A_2441, %select_n3A_2363 : vector<8x128xf32>
    %select_n3A_2443 = arith.select %gt3A_2442, %get3A_2441, %select_n3A_2363 : vector<8x128xi1>, vector<8x128xf32>
    %jit3A_2444 = arith.constant 309 : i32
    %broadcast_in_dim3A_2445 = vector.broadcast %jit3A_2444 : i32 to vector<8x128xi32>
    %select_n3A_2446 = arith.select %gt3A_2442, %broadcast_in_dim3A_2445, %select_n3A_2366 : vector<8x128xi1>, vector<8x128xi32>
    %get3A_2447 = arith.constant 2480 : index
    %get3A_2448 = arith.constant 0 : index
    %get3A_2449 = vector.load %arg1[%get3A_2447, %get3A_2448] : memref<4000x128xf32, #tpu.memory_space<vmem>>, vector<8x128xf32>
    %gt3A_2450 = arith.cmpf ogt, %get3A_2449, %select_n3A_2371 : vector<8x128xf32>
    %select_n3A_2451 = arith.select %gt3A_2450, %get3A_2449, %select_n3A_2371 : vector<8x128xi1>, vector<8x128xf32>
    %jit3A_2452 = arith.constant 310 : i32
    %broadcast_in_dim3A_2453 = vector.broadcast %jit3A_2452 : i32 to vector<8x128xi32>
    %select_n3A_2454 = arith.select %gt3A_2450, %broadcast_in_dim3A_2453, %select_n3A_2374 : vector<8x128xi1>, vector<8x128xi32>
    %get3A_2455 = arith.constant 2488 : index
    %get3A_2456 = arith.constant 0 : index
    %get3A_2457 = vector.load %arg1[%get3A_2455, %get3A_2456] : memref<4000x128xf32, #tpu.memory_space<vmem>>, vector<8x128xf32>
    %gt3A_2458 = arith.cmpf ogt, %get3A_2457, %select_n3A_2379 : vector<8x128xf32>
    %select_n3A_2459 = arith.select %gt3A_2458, %get3A_2457, %select_n3A_2379 : vector<8x128xi1>, vector<8x128xf32>
    %jit3A_2460 = arith.constant 311 : i32
    %broadcast_in_dim3A_2461 = vector.broadcast %jit3A_2460 : i32 to vector<8x128xi32>
    %select_n3A_2462 = arith.select %gt3A_2458, %broadcast_in_dim3A_2461, %select_n3A_2382 : vector<8x128xi1>, vector<8x128xi32>
    %get3A_2463 = arith.constant 2496 : index
    %get3A_2464 = arith.constant 0 : index
    %get3A_2465 = vector.load %arg1[%get3A_2463, %get3A_2464] : memref<4000x128xf32, #tpu.memory_space<vmem>>, vector<8x128xf32>
    %gt3A_2466 = arith.cmpf ogt, %get3A_2465, %select_n3A_2387 : vector<8x128xf32>
    %select_n3A_2467 = arith.select %gt3A_2466, %get3A_2465, %select_n3A_2387 : vector<8x128xi1>, vector<8x128xf32>
    %jit3A_2468 = arith.constant 312 : i32
    %broadcast_in_dim3A_2469 = vector.broadcast %jit3A_2468 : i32 to vector<8x128xi32>
    %select_n3A_2470 = arith.select %gt3A_2466, %broadcast_in_dim3A_2469, %select_n3A_2390 : vector<8x128xi1>, vector<8x128xi32>
    %get3A_2471 = arith.constant 2504 : index
    %get3A_2472 = arith.constant 0 : index
    %get3A_2473 = vector.load %arg1[%get3A_2471, %get3A_2472] : memref<4000x128xf32, #tpu.memory_space<vmem>>, vector<8x128xf32>
    %gt3A_2474 = arith.cmpf ogt, %get3A_2473, %select_n3A_2395 : vector<8x128xf32>
    %select_n3A_2475 = arith.select %gt3A_2474, %get3A_2473, %select_n3A_2395 : vector<8x128xi1>, vector<8x128xf32>
    %jit3A_2476 = arith.constant 313 : i32
    %broadcast_in_dim3A_2477 = vector.broadcast %jit3A_2476 : i32 to vector<8x128xi32>
    %select_n3A_2478 = arith.select %gt3A_2474, %broadcast_in_dim3A_2477, %select_n3A_2398 : vector<8x128xi1>, vector<8x128xi32>
    %get3A_2479 = arith.constant 2512 : index
    %get3A_2480 = arith.constant 0 : index
    %get3A_2481 = vector.load %arg1[%get3A_2479, %get3A_2480] : memref<4000x128xf32, #tpu.memory_space<vmem>>, vector<8x128xf32>
    %gt3A_2482 = arith.cmpf ogt, %get3A_2481, %select_n3A_2403 : vector<8x128xf32>
    %select_n3A_2483 = arith.select %gt3A_2482, %get3A_2481, %select_n3A_2403 : vector<8x128xi1>, vector<8x128xf32>
    %jit3A_2484 = arith.constant 314 : i32
    %broadcast_in_dim3A_2485 = vector.broadcast %jit3A_2484 : i32 to vector<8x128xi32>
    %select_n3A_2486 = arith.select %gt3A_2482, %broadcast_in_dim3A_2485, %select_n3A_2406 : vector<8x128xi1>, vector<8x128xi32>
    %get3A_2487 = arith.constant 2520 : index
    %get3A_2488 = arith.constant 0 : index
    %get3A_2489 = vector.load %arg1[%get3A_2487, %get3A_2488] : memref<4000x128xf32, #tpu.memory_space<vmem>>, vector<8x128xf32>
    %gt3A_2490 = arith.cmpf ogt, %get3A_2489, %select_n3A_2411 : vector<8x128xf32>
    %select_n3A_2491 = arith.select %gt3A_2490, %get3A_2489, %select_n3A_2411 : vector<8x128xi1>, vector<8x128xf32>
    %jit3A_2492 = arith.constant 315 : i32
    %broadcast_in_dim3A_2493 = vector.broadcast %jit3A_2492 : i32 to vector<8x128xi32>
    %select_n3A_2494 = arith.select %gt3A_2490, %broadcast_in_dim3A_2493, %select_n3A_2414 : vector<8x128xi1>, vector<8x128xi32>
    %get3A_2495 = arith.constant 2528 : index
    %get3A_2496 = arith.constant 0 : index
    %get3A_2497 = vector.load %arg1[%get3A_2495, %get3A_2496] : memref<4000x128xf32, #tpu.memory_space<vmem>>, vector<8x128xf32>
    %gt3A_2498 = arith.cmpf ogt, %get3A_2497, %select_n3A_2419 : vector<8x128xf32>
    %select_n3A_2499 = arith.select %gt3A_2498, %get3A_2497, %select_n3A_2419 : vector<8x128xi1>, vector<8x128xf32>
    %jit3A_2500 = arith.constant 316 : i32
    %broadcast_in_dim3A_2501 = vector.broadcast %jit3A_2500 : i32 to vector<8x128xi32>
    %select_n3A_2502 = arith.select %gt3A_2498, %broadcast_in_dim3A_2501, %select_n3A_2422 : vector<8x128xi1>, vector<8x128xi32>
    %get3A_2503 = arith.constant 2536 : index
    %get3A_2504 = arith.constant 0 : index
    %get3A_2505 = vector.load %arg1[%get3A_2503, %get3A_2504] : memref<4000x128xf32, #tpu.memory_space<vmem>>, vector<8x128xf32>
    %gt3A_2506 = arith.cmpf ogt, %get3A_2505, %select_n3A_2427 : vector<8x128xf32>
    %select_n3A_2507 = arith.select %gt3A_2506, %get3A_2505, %select_n3A_2427 : vector<8x128xi1>, vector<8x128xf32>
    %jit3A_2508 = arith.constant 317 : i32
    %broadcast_in_dim3A_2509 = vector.broadcast %jit3A_2508 : i32 to vector<8x128xi32>
    %select_n3A_2510 = arith.select %gt3A_2506, %broadcast_in_dim3A_2509, %select_n3A_2430 : vector<8x128xi1>, vector<8x128xi32>
    %get3A_2511 = arith.constant 2544 : index
    %get3A_2512 = arith.constant 0 : index
    %get3A_2513 = vector.load %arg1[%get3A_2511, %get3A_2512] : memref<4000x128xf32, #tpu.memory_space<vmem>>, vector<8x128xf32>
    %gt3A_2514 = arith.cmpf ogt, %get3A_2513, %select_n3A_2435 : vector<8x128xf32>
    %select_n3A_2515 = arith.select %gt3A_2514, %get3A_2513, %select_n3A_2435 : vector<8x128xi1>, vector<8x128xf32>
    %jit3A_2516 = arith.constant 318 : i32
    %broadcast_in_dim3A_2517 = vector.broadcast %jit3A_2516 : i32 to vector<8x128xi32>
    %select_n3A_2518 = arith.select %gt3A_2514, %broadcast_in_dim3A_2517, %select_n3A_2438 : vector<8x128xi1>, vector<8x128xi32>
    %get3A_2519 = arith.constant 2552 : index
    %get3A_2520 = arith.constant 0 : index
    %get3A_2521 = vector.load %arg1[%get3A_2519, %get3A_2520] : memref<4000x128xf32, #tpu.memory_space<vmem>>, vector<8x128xf32>
    %gt3A_2522 = arith.cmpf ogt, %get3A_2521, %select_n3A_2443 : vector<8x128xf32>
    %select_n3A_2523 = arith.select %gt3A_2522, %get3A_2521, %select_n3A_2443 : vector<8x128xi1>, vector<8x128xf32>
    %jit3A_2524 = arith.constant 319 : i32
    %broadcast_in_dim3A_2525 = vector.broadcast %jit3A_2524 : i32 to vector<8x128xi32>
    %select_n3A_2526 = arith.select %gt3A_2522, %broadcast_in_dim3A_2525, %select_n3A_2446 : vector<8x128xi1>, vector<8x128xi32>
    %get3A_2527 = arith.constant 2560 : index
    %get3A_2528 = arith.constant 0 : index
    %get3A_2529 = vector.load %arg1[%get3A_2527, %get3A_2528] : memref<4000x128xf32, #tpu.memory_space<vmem>>, vector<8x128xf32>
    %gt3A_2530 = arith.cmpf ogt, %get3A_2529, %select_n3A_2451 : vector<8x128xf32>
    %select_n3A_2531 = arith.select %gt3A_2530, %get3A_2529, %select_n3A_2451 : vector<8x128xi1>, vector<8x128xf32>
    %jit3A_2532 = arith.constant 320 : i32
    %broadcast_in_dim3A_2533 = vector.broadcast %jit3A_2532 : i32 to vector<8x128xi32>
    %select_n3A_2534 = arith.select %gt3A_2530, %broadcast_in_dim3A_2533, %select_n3A_2454 : vector<8x128xi1>, vector<8x128xi32>
    %get3A_2535 = arith.constant 2568 : index
    %get3A_2536 = arith.constant 0 : index
    %get3A_2537 = vector.load %arg1[%get3A_2535, %get3A_2536] : memref<4000x128xf32, #tpu.memory_space<vmem>>, vector<8x128xf32>
    %gt3A_2538 = arith.cmpf ogt, %get3A_2537, %select_n3A_2459 : vector<8x128xf32>
    %select_n3A_2539 = arith.select %gt3A_2538, %get3A_2537, %select_n3A_2459 : vector<8x128xi1>, vector<8x128xf32>
    %jit3A_2540 = arith.constant 321 : i32
    %broadcast_in_dim3A_2541 = vector.broadcast %jit3A_2540 : i32 to vector<8x128xi32>
    %select_n3A_2542 = arith.select %gt3A_2538, %broadcast_in_dim3A_2541, %select_n3A_2462 : vector<8x128xi1>, vector<8x128xi32>
    %get3A_2543 = arith.constant 2576 : index
    %get3A_2544 = arith.constant 0 : index
    %get3A_2545 = vector.load %arg1[%get3A_2543, %get3A_2544] : memref<4000x128xf32, #tpu.memory_space<vmem>>, vector<8x128xf32>
    %gt3A_2546 = arith.cmpf ogt, %get3A_2545, %select_n3A_2467 : vector<8x128xf32>
    %select_n3A_2547 = arith.select %gt3A_2546, %get3A_2545, %select_n3A_2467 : vector<8x128xi1>, vector<8x128xf32>
    %jit3A_2548 = arith.constant 322 : i32
    %broadcast_in_dim3A_2549 = vector.broadcast %jit3A_2548 : i32 to vector<8x128xi32>
    %select_n3A_2550 = arith.select %gt3A_2546, %broadcast_in_dim3A_2549, %select_n3A_2470 : vector<8x128xi1>, vector<8x128xi32>
    %get3A_2551 = arith.constant 2584 : index
    %get3A_2552 = arith.constant 0 : index
    %get3A_2553 = vector.load %arg1[%get3A_2551, %get3A_2552] : memref<4000x128xf32, #tpu.memory_space<vmem>>, vector<8x128xf32>
    %gt3A_2554 = arith.cmpf ogt, %get3A_2553, %select_n3A_2475 : vector<8x128xf32>
    %select_n3A_2555 = arith.select %gt3A_2554, %get3A_2553, %select_n3A_2475 : vector<8x128xi1>, vector<8x128xf32>
    %jit3A_2556 = arith.constant 323 : i32
    %broadcast_in_dim3A_2557 = vector.broadcast %jit3A_2556 : i32 to vector<8x128xi32>
    %select_n3A_2558 = arith.select %gt3A_2554, %broadcast_in_dim3A_2557, %select_n3A_2478 : vector<8x128xi1>, vector<8x128xi32>
    %get3A_2559 = arith.constant 2592 : index
    %get3A_2560 = arith.constant 0 : index
    %get3A_2561 = vector.load %arg1[%get3A_2559, %get3A_2560] : memref<4000x128xf32, #tpu.memory_space<vmem>>, vector<8x128xf32>
    %gt3A_2562 = arith.cmpf ogt, %get3A_2561, %select_n3A_2483 : vector<8x128xf32>
    %select_n3A_2563 = arith.select %gt3A_2562, %get3A_2561, %select_n3A_2483 : vector<8x128xi1>, vector<8x128xf32>
    %jit3A_2564 = arith.constant 324 : i32
    %broadcast_in_dim3A_2565 = vector.broadcast %jit3A_2564 : i32 to vector<8x128xi32>
    %select_n3A_2566 = arith.select %gt3A_2562, %broadcast_in_dim3A_2565, %select_n3A_2486 : vector<8x128xi1>, vector<8x128xi32>
    %get3A_2567 = arith.constant 2600 : index
    %get3A_2568 = arith.constant 0 : index
    %get3A_2569 = vector.load %arg1[%get3A_2567, %get3A_2568] : memref<4000x128xf32, #tpu.memory_space<vmem>>, vector<8x128xf32>
    %gt3A_2570 = arith.cmpf ogt, %get3A_2569, %select_n3A_2491 : vector<8x128xf32>
    %select_n3A_2571 = arith.select %gt3A_2570, %get3A_2569, %select_n3A_2491 : vector<8x128xi1>, vector<8x128xf32>
    %jit3A_2572 = arith.constant 325 : i32
    %broadcast_in_dim3A_2573 = vector.broadcast %jit3A_2572 : i32 to vector<8x128xi32>
    %select_n3A_2574 = arith.select %gt3A_2570, %broadcast_in_dim3A_2573, %select_n3A_2494 : vector<8x128xi1>, vector<8x128xi32>
    %get3A_2575 = arith.constant 2608 : index
    %get3A_2576 = arith.constant 0 : index
    %get3A_2577 = vector.load %arg1[%get3A_2575, %get3A_2576] : memref<4000x128xf32, #tpu.memory_space<vmem>>, vector<8x128xf32>
    %gt3A_2578 = arith.cmpf ogt, %get3A_2577, %select_n3A_2499 : vector<8x128xf32>
    %select_n3A_2579 = arith.select %gt3A_2578, %get3A_2577, %select_n3A_2499 : vector<8x128xi1>, vector<8x128xf32>
    %jit3A_2580 = arith.constant 326 : i32
    %broadcast_in_dim3A_2581 = vector.broadcast %jit3A_2580 : i32 to vector<8x128xi32>
    %select_n3A_2582 = arith.select %gt3A_2578, %broadcast_in_dim3A_2581, %select_n3A_2502 : vector<8x128xi1>, vector<8x128xi32>
    %get3A_2583 = arith.constant 2616 : index
    %get3A_2584 = arith.constant 0 : index
    %get3A_2585 = vector.load %arg1[%get3A_2583, %get3A_2584] : memref<4000x128xf32, #tpu.memory_space<vmem>>, vector<8x128xf32>
    %gt3A_2586 = arith.cmpf ogt, %get3A_2585, %select_n3A_2507 : vector<8x128xf32>
    %select_n3A_2587 = arith.select %gt3A_2586, %get3A_2585, %select_n3A_2507 : vector<8x128xi1>, vector<8x128xf32>
    %jit3A_2588 = arith.constant 327 : i32
    %broadcast_in_dim3A_2589 = vector.broadcast %jit3A_2588 : i32 to vector<8x128xi32>
    %select_n3A_2590 = arith.select %gt3A_2586, %broadcast_in_dim3A_2589, %select_n3A_2510 : vector<8x128xi1>, vector<8x128xi32>
    %get3A_2591 = arith.constant 2624 : index
    %get3A_2592 = arith.constant 0 : index
    %get3A_2593 = vector.load %arg1[%get3A_2591, %get3A_2592] : memref<4000x128xf32, #tpu.memory_space<vmem>>, vector<8x128xf32>
    %gt3A_2594 = arith.cmpf ogt, %get3A_2593, %select_n3A_2515 : vector<8x128xf32>
    %select_n3A_2595 = arith.select %gt3A_2594, %get3A_2593, %select_n3A_2515 : vector<8x128xi1>, vector<8x128xf32>
    %jit3A_2596 = arith.constant 328 : i32
    %broadcast_in_dim3A_2597 = vector.broadcast %jit3A_2596 : i32 to vector<8x128xi32>
    %select_n3A_2598 = arith.select %gt3A_2594, %broadcast_in_dim3A_2597, %select_n3A_2518 : vector<8x128xi1>, vector<8x128xi32>
    %get3A_2599 = arith.constant 2632 : index
    %get3A_2600 = arith.constant 0 : index
    %get3A_2601 = vector.load %arg1[%get3A_2599, %get3A_2600] : memref<4000x128xf32, #tpu.memory_space<vmem>>, vector<8x128xf32>
    %gt3A_2602 = arith.cmpf ogt, %get3A_2601, %select_n3A_2523 : vector<8x128xf32>
    %select_n3A_2603 = arith.select %gt3A_2602, %get3A_2601, %select_n3A_2523 : vector<8x128xi1>, vector<8x128xf32>
    %jit3A_2604 = arith.constant 329 : i32
    %broadcast_in_dim3A_2605 = vector.broadcast %jit3A_2604 : i32 to vector<8x128xi32>
    %select_n3A_2606 = arith.select %gt3A_2602, %broadcast_in_dim3A_2605, %select_n3A_2526 : vector<8x128xi1>, vector<8x128xi32>
    %get3A_2607 = arith.constant 2640 : index
    %get3A_2608 = arith.constant 0 : index
    %get3A_2609 = vector.load %arg1[%get3A_2607, %get3A_2608] : memref<4000x128xf32, #tpu.memory_space<vmem>>, vector<8x128xf32>
    %gt3A_2610 = arith.cmpf ogt, %get3A_2609, %select_n3A_2531 : vector<8x128xf32>
    %select_n3A_2611 = arith.select %gt3A_2610, %get3A_2609, %select_n3A_2531 : vector<8x128xi1>, vector<8x128xf32>
    %jit3A_2612 = arith.constant 330 : i32
    %broadcast_in_dim3A_2613 = vector.broadcast %jit3A_2612 : i32 to vector<8x128xi32>
    %select_n3A_2614 = arith.select %gt3A_2610, %broadcast_in_dim3A_2613, %select_n3A_2534 : vector<8x128xi1>, vector<8x128xi32>
    %get3A_2615 = arith.constant 2648 : index
    %get3A_2616 = arith.constant 0 : index
    %get3A_2617 = vector.load %arg1[%get3A_2615, %get3A_2616] : memref<4000x128xf32, #tpu.memory_space<vmem>>, vector<8x128xf32>
    %gt3A_2618 = arith.cmpf ogt, %get3A_2617, %select_n3A_2539 : vector<8x128xf32>
    %select_n3A_2619 = arith.select %gt3A_2618, %get3A_2617, %select_n3A_2539 : vector<8x128xi1>, vector<8x128xf32>
    %jit3A_2620 = arith.constant 331 : i32
    %broadcast_in_dim3A_2621 = vector.broadcast %jit3A_2620 : i32 to vector<8x128xi32>
    %select_n3A_2622 = arith.select %gt3A_2618, %broadcast_in_dim3A_2621, %select_n3A_2542 : vector<8x128xi1>, vector<8x128xi32>
    %get3A_2623 = arith.constant 2656 : index
    %get3A_2624 = arith.constant 0 : index
    %get3A_2625 = vector.load %arg1[%get3A_2623, %get3A_2624] : memref<4000x128xf32, #tpu.memory_space<vmem>>, vector<8x128xf32>
    %gt3A_2626 = arith.cmpf ogt, %get3A_2625, %select_n3A_2547 : vector<8x128xf32>
    %select_n3A_2627 = arith.select %gt3A_2626, %get3A_2625, %select_n3A_2547 : vector<8x128xi1>, vector<8x128xf32>
    %jit3A_2628 = arith.constant 332 : i32
    %broadcast_in_dim3A_2629 = vector.broadcast %jit3A_2628 : i32 to vector<8x128xi32>
    %select_n3A_2630 = arith.select %gt3A_2626, %broadcast_in_dim3A_2629, %select_n3A_2550 : vector<8x128xi1>, vector<8x128xi32>
    %get3A_2631 = arith.constant 2664 : index
    %get3A_2632 = arith.constant 0 : index
    %get3A_2633 = vector.load %arg1[%get3A_2631, %get3A_2632] : memref<4000x128xf32, #tpu.memory_space<vmem>>, vector<8x128xf32>
    %gt3A_2634 = arith.cmpf ogt, %get3A_2633, %select_n3A_2555 : vector<8x128xf32>
    %select_n3A_2635 = arith.select %gt3A_2634, %get3A_2633, %select_n3A_2555 : vector<8x128xi1>, vector<8x128xf32>
    %jit3A_2636 = arith.constant 333 : i32
    %broadcast_in_dim3A_2637 = vector.broadcast %jit3A_2636 : i32 to vector<8x128xi32>
    %select_n3A_2638 = arith.select %gt3A_2634, %broadcast_in_dim3A_2637, %select_n3A_2558 : vector<8x128xi1>, vector<8x128xi32>
    %get3A_2639 = arith.constant 2672 : index
    %get3A_2640 = arith.constant 0 : index
    %get3A_2641 = vector.load %arg1[%get3A_2639, %get3A_2640] : memref<4000x128xf32, #tpu.memory_space<vmem>>, vector<8x128xf32>
    %gt3A_2642 = arith.cmpf ogt, %get3A_2641, %select_n3A_2563 : vector<8x128xf32>
    %select_n3A_2643 = arith.select %gt3A_2642, %get3A_2641, %select_n3A_2563 : vector<8x128xi1>, vector<8x128xf32>
    %jit3A_2644 = arith.constant 334 : i32
    %broadcast_in_dim3A_2645 = vector.broadcast %jit3A_2644 : i32 to vector<8x128xi32>
    %select_n3A_2646 = arith.select %gt3A_2642, %broadcast_in_dim3A_2645, %select_n3A_2566 : vector<8x128xi1>, vector<8x128xi32>
    %get3A_2647 = arith.constant 2680 : index
    %get3A_2648 = arith.constant 0 : index
    %get3A_2649 = vector.load %arg1[%get3A_2647, %get3A_2648] : memref<4000x128xf32, #tpu.memory_space<vmem>>, vector<8x128xf32>
    %gt3A_2650 = arith.cmpf ogt, %get3A_2649, %select_n3A_2571 : vector<8x128xf32>
    %select_n3A_2651 = arith.select %gt3A_2650, %get3A_2649, %select_n3A_2571 : vector<8x128xi1>, vector<8x128xf32>
    %jit3A_2652 = arith.constant 335 : i32
    %broadcast_in_dim3A_2653 = vector.broadcast %jit3A_2652 : i32 to vector<8x128xi32>
    %select_n3A_2654 = arith.select %gt3A_2650, %broadcast_in_dim3A_2653, %select_n3A_2574 : vector<8x128xi1>, vector<8x128xi32>
    %get3A_2655 = arith.constant 2688 : index
    %get3A_2656 = arith.constant 0 : index
    %get3A_2657 = vector.load %arg1[%get3A_2655, %get3A_2656] : memref<4000x128xf32, #tpu.memory_space<vmem>>, vector<8x128xf32>
    %gt3A_2658 = arith.cmpf ogt, %get3A_2657, %select_n3A_2579 : vector<8x128xf32>
    %select_n3A_2659 = arith.select %gt3A_2658, %get3A_2657, %select_n3A_2579 : vector<8x128xi1>, vector<8x128xf32>
    %jit3A_2660 = arith.constant 336 : i32
    %broadcast_in_dim3A_2661 = vector.broadcast %jit3A_2660 : i32 to vector<8x128xi32>
    %select_n3A_2662 = arith.select %gt3A_2658, %broadcast_in_dim3A_2661, %select_n3A_2582 : vector<8x128xi1>, vector<8x128xi32>
    %get3A_2663 = arith.constant 2696 : index
    %get3A_2664 = arith.constant 0 : index
    %get3A_2665 = vector.load %arg1[%get3A_2663, %get3A_2664] : memref<4000x128xf32, #tpu.memory_space<vmem>>, vector<8x128xf32>
    %gt3A_2666 = arith.cmpf ogt, %get3A_2665, %select_n3A_2587 : vector<8x128xf32>
    %select_n3A_2667 = arith.select %gt3A_2666, %get3A_2665, %select_n3A_2587 : vector<8x128xi1>, vector<8x128xf32>
    %jit3A_2668 = arith.constant 337 : i32
    %broadcast_in_dim3A_2669 = vector.broadcast %jit3A_2668 : i32 to vector<8x128xi32>
    %select_n3A_2670 = arith.select %gt3A_2666, %broadcast_in_dim3A_2669, %select_n3A_2590 : vector<8x128xi1>, vector<8x128xi32>
    %get3A_2671 = arith.constant 2704 : index
    %get3A_2672 = arith.constant 0 : index
    %get3A_2673 = vector.load %arg1[%get3A_2671, %get3A_2672] : memref<4000x128xf32, #tpu.memory_space<vmem>>, vector<8x128xf32>
    %gt3A_2674 = arith.cmpf ogt, %get3A_2673, %select_n3A_2595 : vector<8x128xf32>
    %select_n3A_2675 = arith.select %gt3A_2674, %get3A_2673, %select_n3A_2595 : vector<8x128xi1>, vector<8x128xf32>
    %jit3A_2676 = arith.constant 338 : i32
    %broadcast_in_dim3A_2677 = vector.broadcast %jit3A_2676 : i32 to vector<8x128xi32>
    %select_n3A_2678 = arith.select %gt3A_2674, %broadcast_in_dim3A_2677, %select_n3A_2598 : vector<8x128xi1>, vector<8x128xi32>
    %get3A_2679 = arith.constant 2712 : index
    %get3A_2680 = arith.constant 0 : index
    %get3A_2681 = vector.load %arg1[%get3A_2679, %get3A_2680] : memref<4000x128xf32, #tpu.memory_space<vmem>>, vector<8x128xf32>
    %gt3A_2682 = arith.cmpf ogt, %get3A_2681, %select_n3A_2603 : vector<8x128xf32>
    %select_n3A_2683 = arith.select %gt3A_2682, %get3A_2681, %select_n3A_2603 : vector<8x128xi1>, vector<8x128xf32>
    %jit3A_2684 = arith.constant 339 : i32
    %broadcast_in_dim3A_2685 = vector.broadcast %jit3A_2684 : i32 to vector<8x128xi32>
    %select_n3A_2686 = arith.select %gt3A_2682, %broadcast_in_dim3A_2685, %select_n3A_2606 : vector<8x128xi1>, vector<8x128xi32>
    %get3A_2687 = arith.constant 2720 : index
    %get3A_2688 = arith.constant 0 : index
    %get3A_2689 = vector.load %arg1[%get3A_2687, %get3A_2688] : memref<4000x128xf32, #tpu.memory_space<vmem>>, vector<8x128xf32>
    %gt3A_2690 = arith.cmpf ogt, %get3A_2689, %select_n3A_2611 : vector<8x128xf32>
    %select_n3A_2691 = arith.select %gt3A_2690, %get3A_2689, %select_n3A_2611 : vector<8x128xi1>, vector<8x128xf32>
    %jit3A_2692 = arith.constant 340 : i32
    %broadcast_in_dim3A_2693 = vector.broadcast %jit3A_2692 : i32 to vector<8x128xi32>
    %select_n3A_2694 = arith.select %gt3A_2690, %broadcast_in_dim3A_2693, %select_n3A_2614 : vector<8x128xi1>, vector<8x128xi32>
    %get3A_2695 = arith.constant 2728 : index
    %get3A_2696 = arith.constant 0 : index
    %get3A_2697 = vector.load %arg1[%get3A_2695, %get3A_2696] : memref<4000x128xf32, #tpu.memory_space<vmem>>, vector<8x128xf32>
    %gt3A_2698 = arith.cmpf ogt, %get3A_2697, %select_n3A_2619 : vector<8x128xf32>
    %select_n3A_2699 = arith.select %gt3A_2698, %get3A_2697, %select_n3A_2619 : vector<8x128xi1>, vector<8x128xf32>
    %jit3A_2700 = arith.constant 341 : i32
    %broadcast_in_dim3A_2701 = vector.broadcast %jit3A_2700 : i32 to vector<8x128xi32>
    %select_n3A_2702 = arith.select %gt3A_2698, %broadcast_in_dim3A_2701, %select_n3A_2622 : vector<8x128xi1>, vector<8x128xi32>
    %get3A_2703 = arith.constant 2736 : index
    %get3A_2704 = arith.constant 0 : index
    %get3A_2705 = vector.load %arg1[%get3A_2703, %get3A_2704] : memref<4000x128xf32, #tpu.memory_space<vmem>>, vector<8x128xf32>
    %gt3A_2706 = arith.cmpf ogt, %get3A_2705, %select_n3A_2627 : vector<8x128xf32>
    %select_n3A_2707 = arith.select %gt3A_2706, %get3A_2705, %select_n3A_2627 : vector<8x128xi1>, vector<8x128xf32>
    %jit3A_2708 = arith.constant 342 : i32
    %broadcast_in_dim3A_2709 = vector.broadcast %jit3A_2708 : i32 to vector<8x128xi32>
    %select_n3A_2710 = arith.select %gt3A_2706, %broadcast_in_dim3A_2709, %select_n3A_2630 : vector<8x128xi1>, vector<8x128xi32>
    %get3A_2711 = arith.constant 2744 : index
    %get3A_2712 = arith.constant 0 : index
    %get3A_2713 = vector.load %arg1[%get3A_2711, %get3A_2712] : memref<4000x128xf32, #tpu.memory_space<vmem>>, vector<8x128xf32>
    %gt3A_2714 = arith.cmpf ogt, %get3A_2713, %select_n3A_2635 : vector<8x128xf32>
    %select_n3A_2715 = arith.select %gt3A_2714, %get3A_2713, %select_n3A_2635 : vector<8x128xi1>, vector<8x128xf32>
    %jit3A_2716 = arith.constant 343 : i32
    %broadcast_in_dim3A_2717 = vector.broadcast %jit3A_2716 : i32 to vector<8x128xi32>
    %select_n3A_2718 = arith.select %gt3A_2714, %broadcast_in_dim3A_2717, %select_n3A_2638 : vector<8x128xi1>, vector<8x128xi32>
    %get3A_2719 = arith.constant 2752 : index
    %get3A_2720 = arith.constant 0 : index
    %get3A_2721 = vector.load %arg1[%get3A_2719, %get3A_2720] : memref<4000x128xf32, #tpu.memory_space<vmem>>, vector<8x128xf32>
    %gt3A_2722 = arith.cmpf ogt, %get3A_2721, %select_n3A_2643 : vector<8x128xf32>
    %select_n3A_2723 = arith.select %gt3A_2722, %get3A_2721, %select_n3A_2643 : vector<8x128xi1>, vector<8x128xf32>
    %jit3A_2724 = arith.constant 344 : i32
    %broadcast_in_dim3A_2725 = vector.broadcast %jit3A_2724 : i32 to vector<8x128xi32>
    %select_n3A_2726 = arith.select %gt3A_2722, %broadcast_in_dim3A_2725, %select_n3A_2646 : vector<8x128xi1>, vector<8x128xi32>
    %get3A_2727 = arith.constant 2760 : index
    %get3A_2728 = arith.constant 0 : index
    %get3A_2729 = vector.load %arg1[%get3A_2727, %get3A_2728] : memref<4000x128xf32, #tpu.memory_space<vmem>>, vector<8x128xf32>
    %gt3A_2730 = arith.cmpf ogt, %get3A_2729, %select_n3A_2651 : vector<8x128xf32>
    %select_n3A_2731 = arith.select %gt3A_2730, %get3A_2729, %select_n3A_2651 : vector<8x128xi1>, vector<8x128xf32>
    %jit3A_2732 = arith.constant 345 : i32
    %broadcast_in_dim3A_2733 = vector.broadcast %jit3A_2732 : i32 to vector<8x128xi32>
    %select_n3A_2734 = arith.select %gt3A_2730, %broadcast_in_dim3A_2733, %select_n3A_2654 : vector<8x128xi1>, vector<8x128xi32>
    %get3A_2735 = arith.constant 2768 : index
    %get3A_2736 = arith.constant 0 : index
    %get3A_2737 = vector.load %arg1[%get3A_2735, %get3A_2736] : memref<4000x128xf32, #tpu.memory_space<vmem>>, vector<8x128xf32>
    %gt3A_2738 = arith.cmpf ogt, %get3A_2737, %select_n3A_2659 : vector<8x128xf32>
    %select_n3A_2739 = arith.select %gt3A_2738, %get3A_2737, %select_n3A_2659 : vector<8x128xi1>, vector<8x128xf32>
    %jit3A_2740 = arith.constant 346 : i32
    %broadcast_in_dim3A_2741 = vector.broadcast %jit3A_2740 : i32 to vector<8x128xi32>
    %select_n3A_2742 = arith.select %gt3A_2738, %broadcast_in_dim3A_2741, %select_n3A_2662 : vector<8x128xi1>, vector<8x128xi32>
    %get3A_2743 = arith.constant 2776 : index
    %get3A_2744 = arith.constant 0 : index
    %get3A_2745 = vector.load %arg1[%get3A_2743, %get3A_2744] : memref<4000x128xf32, #tpu.memory_space<vmem>>, vector<8x128xf32>
    %gt3A_2746 = arith.cmpf ogt, %get3A_2745, %select_n3A_2667 : vector<8x128xf32>
    %select_n3A_2747 = arith.select %gt3A_2746, %get3A_2745, %select_n3A_2667 : vector<8x128xi1>, vector<8x128xf32>
    %jit3A_2748 = arith.constant 347 : i32
    %broadcast_in_dim3A_2749 = vector.broadcast %jit3A_2748 : i32 to vector<8x128xi32>
    %select_n3A_2750 = arith.select %gt3A_2746, %broadcast_in_dim3A_2749, %select_n3A_2670 : vector<8x128xi1>, vector<8x128xi32>
    %get3A_2751 = arith.constant 2784 : index
    %get3A_2752 = arith.constant 0 : index
    %get3A_2753 = vector.load %arg1[%get3A_2751, %get3A_2752] : memref<4000x128xf32, #tpu.memory_space<vmem>>, vector<8x128xf32>
    %gt3A_2754 = arith.cmpf ogt, %get3A_2753, %select_n3A_2675 : vector<8x128xf32>
    %select_n3A_2755 = arith.select %gt3A_2754, %get3A_2753, %select_n3A_2675 : vector<8x128xi1>, vector<8x128xf32>
    %jit3A_2756 = arith.constant 348 : i32
    %broadcast_in_dim3A_2757 = vector.broadcast %jit3A_2756 : i32 to vector<8x128xi32>
    %select_n3A_2758 = arith.select %gt3A_2754, %broadcast_in_dim3A_2757, %select_n3A_2678 : vector<8x128xi1>, vector<8x128xi32>
    %get3A_2759 = arith.constant 2792 : index
    %get3A_2760 = arith.constant 0 : index
    %get3A_2761 = vector.load %arg1[%get3A_2759, %get3A_2760] : memref<4000x128xf32, #tpu.memory_space<vmem>>, vector<8x128xf32>
    %gt3A_2762 = arith.cmpf ogt, %get3A_2761, %select_n3A_2683 : vector<8x128xf32>
    %select_n3A_2763 = arith.select %gt3A_2762, %get3A_2761, %select_n3A_2683 : vector<8x128xi1>, vector<8x128xf32>
    %jit3A_2764 = arith.constant 349 : i32
    %broadcast_in_dim3A_2765 = vector.broadcast %jit3A_2764 : i32 to vector<8x128xi32>
    %select_n3A_2766 = arith.select %gt3A_2762, %broadcast_in_dim3A_2765, %select_n3A_2686 : vector<8x128xi1>, vector<8x128xi32>
    %get3A_2767 = arith.constant 2800 : index
    %get3A_2768 = arith.constant 0 : index
    %get3A_2769 = vector.load %arg1[%get3A_2767, %get3A_2768] : memref<4000x128xf32, #tpu.memory_space<vmem>>, vector<8x128xf32>
    %gt3A_2770 = arith.cmpf ogt, %get3A_2769, %select_n3A_2691 : vector<8x128xf32>
    %select_n3A_2771 = arith.select %gt3A_2770, %get3A_2769, %select_n3A_2691 : vector<8x128xi1>, vector<8x128xf32>
    %jit3A_2772 = arith.constant 350 : i32
    %broadcast_in_dim3A_2773 = vector.broadcast %jit3A_2772 : i32 to vector<8x128xi32>
    %select_n3A_2774 = arith.select %gt3A_2770, %broadcast_in_dim3A_2773, %select_n3A_2694 : vector<8x128xi1>, vector<8x128xi32>
    %get3A_2775 = arith.constant 2808 : index
    %get3A_2776 = arith.constant 0 : index
    %get3A_2777 = vector.load %arg1[%get3A_2775, %get3A_2776] : memref<4000x128xf32, #tpu.memory_space<vmem>>, vector<8x128xf32>
    %gt3A_2778 = arith.cmpf ogt, %get3A_2777, %select_n3A_2699 : vector<8x128xf32>
    %select_n3A_2779 = arith.select %gt3A_2778, %get3A_2777, %select_n3A_2699 : vector<8x128xi1>, vector<8x128xf32>
    %jit3A_2780 = arith.constant 351 : i32
    %broadcast_in_dim3A_2781 = vector.broadcast %jit3A_2780 : i32 to vector<8x128xi32>
    %select_n3A_2782 = arith.select %gt3A_2778, %broadcast_in_dim3A_2781, %select_n3A_2702 : vector<8x128xi1>, vector<8x128xi32>
    %get3A_2783 = arith.constant 2816 : index
    %get3A_2784 = arith.constant 0 : index
    %get3A_2785 = vector.load %arg1[%get3A_2783, %get3A_2784] : memref<4000x128xf32, #tpu.memory_space<vmem>>, vector<8x128xf32>
    %gt3A_2786 = arith.cmpf ogt, %get3A_2785, %select_n3A_2707 : vector<8x128xf32>
    %select_n3A_2787 = arith.select %gt3A_2786, %get3A_2785, %select_n3A_2707 : vector<8x128xi1>, vector<8x128xf32>
    %jit3A_2788 = arith.constant 352 : i32
    %broadcast_in_dim3A_2789 = vector.broadcast %jit3A_2788 : i32 to vector<8x128xi32>
    %select_n3A_2790 = arith.select %gt3A_2786, %broadcast_in_dim3A_2789, %select_n3A_2710 : vector<8x128xi1>, vector<8x128xi32>
    %get3A_2791 = arith.constant 2824 : index
    %get3A_2792 = arith.constant 0 : index
    %get3A_2793 = vector.load %arg1[%get3A_2791, %get3A_2792] : memref<4000x128xf32, #tpu.memory_space<vmem>>, vector<8x128xf32>
    %gt3A_2794 = arith.cmpf ogt, %get3A_2793, %select_n3A_2715 : vector<8x128xf32>
    %select_n3A_2795 = arith.select %gt3A_2794, %get3A_2793, %select_n3A_2715 : vector<8x128xi1>, vector<8x128xf32>
    %jit3A_2796 = arith.constant 353 : i32
    %broadcast_in_dim3A_2797 = vector.broadcast %jit3A_2796 : i32 to vector<8x128xi32>
    %select_n3A_2798 = arith.select %gt3A_2794, %broadcast_in_dim3A_2797, %select_n3A_2718 : vector<8x128xi1>, vector<8x128xi32>
    %get3A_2799 = arith.constant 2832 : index
    %get3A_2800 = arith.constant 0 : index
    %get3A_2801 = vector.load %arg1[%get3A_2799, %get3A_2800] : memref<4000x128xf32, #tpu.memory_space<vmem>>, vector<8x128xf32>
    %gt3A_2802 = arith.cmpf ogt, %get3A_2801, %select_n3A_2723 : vector<8x128xf32>
    %select_n3A_2803 = arith.select %gt3A_2802, %get3A_2801, %select_n3A_2723 : vector<8x128xi1>, vector<8x128xf32>
    %jit3A_2804 = arith.constant 354 : i32
    %broadcast_in_dim3A_2805 = vector.broadcast %jit3A_2804 : i32 to vector<8x128xi32>
    %select_n3A_2806 = arith.select %gt3A_2802, %broadcast_in_dim3A_2805, %select_n3A_2726 : vector<8x128xi1>, vector<8x128xi32>
    %get3A_2807 = arith.constant 2840 : index
    %get3A_2808 = arith.constant 0 : index
    %get3A_2809 = vector.load %arg1[%get3A_2807, %get3A_2808] : memref<4000x128xf32, #tpu.memory_space<vmem>>, vector<8x128xf32>
    %gt3A_2810 = arith.cmpf ogt, %get3A_2809, %select_n3A_2731 : vector<8x128xf32>
    %select_n3A_2811 = arith.select %gt3A_2810, %get3A_2809, %select_n3A_2731 : vector<8x128xi1>, vector<8x128xf32>
    %jit3A_2812 = arith.constant 355 : i32
    %broadcast_in_dim3A_2813 = vector.broadcast %jit3A_2812 : i32 to vector<8x128xi32>
    %select_n3A_2814 = arith.select %gt3A_2810, %broadcast_in_dim3A_2813, %select_n3A_2734 : vector<8x128xi1>, vector<8x128xi32>
    %get3A_2815 = arith.constant 2848 : index
    %get3A_2816 = arith.constant 0 : index
    %get3A_2817 = vector.load %arg1[%get3A_2815, %get3A_2816] : memref<4000x128xf32, #tpu.memory_space<vmem>>, vector<8x128xf32>
    %gt3A_2818 = arith.cmpf ogt, %get3A_2817, %select_n3A_2739 : vector<8x128xf32>
    %select_n3A_2819 = arith.select %gt3A_2818, %get3A_2817, %select_n3A_2739 : vector<8x128xi1>, vector<8x128xf32>
    %jit3A_2820 = arith.constant 356 : i32
    %broadcast_in_dim3A_2821 = vector.broadcast %jit3A_2820 : i32 to vector<8x128xi32>
    %select_n3A_2822 = arith.select %gt3A_2818, %broadcast_in_dim3A_2821, %select_n3A_2742 : vector<8x128xi1>, vector<8x128xi32>
    %get3A_2823 = arith.constant 2856 : index
    %get3A_2824 = arith.constant 0 : index
    %get3A_2825 = vector.load %arg1[%get3A_2823, %get3A_2824] : memref<4000x128xf32, #tpu.memory_space<vmem>>, vector<8x128xf32>
    %gt3A_2826 = arith.cmpf ogt, %get3A_2825, %select_n3A_2747 : vector<8x128xf32>
    %select_n3A_2827 = arith.select %gt3A_2826, %get3A_2825, %select_n3A_2747 : vector<8x128xi1>, vector<8x128xf32>
    %jit3A_2828 = arith.constant 357 : i32
    %broadcast_in_dim3A_2829 = vector.broadcast %jit3A_2828 : i32 to vector<8x128xi32>
    %select_n3A_2830 = arith.select %gt3A_2826, %broadcast_in_dim3A_2829, %select_n3A_2750 : vector<8x128xi1>, vector<8x128xi32>
    %get3A_2831 = arith.constant 2864 : index
    %get3A_2832 = arith.constant 0 : index
    %get3A_2833 = vector.load %arg1[%get3A_2831, %get3A_2832] : memref<4000x128xf32, #tpu.memory_space<vmem>>, vector<8x128xf32>
    %gt3A_2834 = arith.cmpf ogt, %get3A_2833, %select_n3A_2755 : vector<8x128xf32>
    %select_n3A_2835 = arith.select %gt3A_2834, %get3A_2833, %select_n3A_2755 : vector<8x128xi1>, vector<8x128xf32>
    %jit3A_2836 = arith.constant 358 : i32
    %broadcast_in_dim3A_2837 = vector.broadcast %jit3A_2836 : i32 to vector<8x128xi32>
    %select_n3A_2838 = arith.select %gt3A_2834, %broadcast_in_dim3A_2837, %select_n3A_2758 : vector<8x128xi1>, vector<8x128xi32>
    %get3A_2839 = arith.constant 2872 : index
    %get3A_2840 = arith.constant 0 : index
    %get3A_2841 = vector.load %arg1[%get3A_2839, %get3A_2840] : memref<4000x128xf32, #tpu.memory_space<vmem>>, vector<8x128xf32>
    %gt3A_2842 = arith.cmpf ogt, %get3A_2841, %select_n3A_2763 : vector<8x128xf32>
    %select_n3A_2843 = arith.select %gt3A_2842, %get3A_2841, %select_n3A_2763 : vector<8x128xi1>, vector<8x128xf32>
    %jit3A_2844 = arith.constant 359 : i32
    %broadcast_in_dim3A_2845 = vector.broadcast %jit3A_2844 : i32 to vector<8x128xi32>
    %select_n3A_2846 = arith.select %gt3A_2842, %broadcast_in_dim3A_2845, %select_n3A_2766 : vector<8x128xi1>, vector<8x128xi32>
    %get3A_2847 = arith.constant 2880 : index
    %get3A_2848 = arith.constant 0 : index
    %get3A_2849 = vector.load %arg1[%get3A_2847, %get3A_2848] : memref<4000x128xf32, #tpu.memory_space<vmem>>, vector<8x128xf32>
    %gt3A_2850 = arith.cmpf ogt, %get3A_2849, %select_n3A_2771 : vector<8x128xf32>
    %select_n3A_2851 = arith.select %gt3A_2850, %get3A_2849, %select_n3A_2771 : vector<8x128xi1>, vector<8x128xf32>
    %jit3A_2852 = arith.constant 360 : i32
    %broadcast_in_dim3A_2853 = vector.broadcast %jit3A_2852 : i32 to vector<8x128xi32>
    %select_n3A_2854 = arith.select %gt3A_2850, %broadcast_in_dim3A_2853, %select_n3A_2774 : vector<8x128xi1>, vector<8x128xi32>
    %get3A_2855 = arith.constant 2888 : index
    %get3A_2856 = arith.constant 0 : index
    %get3A_2857 = vector.load %arg1[%get3A_2855, %get3A_2856] : memref<4000x128xf32, #tpu.memory_space<vmem>>, vector<8x128xf32>
    %gt3A_2858 = arith.cmpf ogt, %get3A_2857, %select_n3A_2779 : vector<8x128xf32>
    %select_n3A_2859 = arith.select %gt3A_2858, %get3A_2857, %select_n3A_2779 : vector<8x128xi1>, vector<8x128xf32>
    %jit3A_2860 = arith.constant 361 : i32
    %broadcast_in_dim3A_2861 = vector.broadcast %jit3A_2860 : i32 to vector<8x128xi32>
    %select_n3A_2862 = arith.select %gt3A_2858, %broadcast_in_dim3A_2861, %select_n3A_2782 : vector<8x128xi1>, vector<8x128xi32>
    %get3A_2863 = arith.constant 2896 : index
    %get3A_2864 = arith.constant 0 : index
    %get3A_2865 = vector.load %arg1[%get3A_2863, %get3A_2864] : memref<4000x128xf32, #tpu.memory_space<vmem>>, vector<8x128xf32>
    %gt3A_2866 = arith.cmpf ogt, %get3A_2865, %select_n3A_2787 : vector<8x128xf32>
    %select_n3A_2867 = arith.select %gt3A_2866, %get3A_2865, %select_n3A_2787 : vector<8x128xi1>, vector<8x128xf32>
    %jit3A_2868 = arith.constant 362 : i32
    %broadcast_in_dim3A_2869 = vector.broadcast %jit3A_2868 : i32 to vector<8x128xi32>
    %select_n3A_2870 = arith.select %gt3A_2866, %broadcast_in_dim3A_2869, %select_n3A_2790 : vector<8x128xi1>, vector<8x128xi32>
    %get3A_2871 = arith.constant 2904 : index
    %get3A_2872 = arith.constant 0 : index
    %get3A_2873 = vector.load %arg1[%get3A_2871, %get3A_2872] : memref<4000x128xf32, #tpu.memory_space<vmem>>, vector<8x128xf32>
    %gt3A_2874 = arith.cmpf ogt, %get3A_2873, %select_n3A_2795 : vector<8x128xf32>
    %select_n3A_2875 = arith.select %gt3A_2874, %get3A_2873, %select_n3A_2795 : vector<8x128xi1>, vector<8x128xf32>
    %jit3A_2876 = arith.constant 363 : i32
    %broadcast_in_dim3A_2877 = vector.broadcast %jit3A_2876 : i32 to vector<8x128xi32>
    %select_n3A_2878 = arith.select %gt3A_2874, %broadcast_in_dim3A_2877, %select_n3A_2798 : vector<8x128xi1>, vector<8x128xi32>
    %get3A_2879 = arith.constant 2912 : index
    %get3A_2880 = arith.constant 0 : index
    %get3A_2881 = vector.load %arg1[%get3A_2879, %get3A_2880] : memref<4000x128xf32, #tpu.memory_space<vmem>>, vector<8x128xf32>
    %gt3A_2882 = arith.cmpf ogt, %get3A_2881, %select_n3A_2803 : vector<8x128xf32>
    %select_n3A_2883 = arith.select %gt3A_2882, %get3A_2881, %select_n3A_2803 : vector<8x128xi1>, vector<8x128xf32>
    %jit3A_2884 = arith.constant 364 : i32
    %broadcast_in_dim3A_2885 = vector.broadcast %jit3A_2884 : i32 to vector<8x128xi32>
    %select_n3A_2886 = arith.select %gt3A_2882, %broadcast_in_dim3A_2885, %select_n3A_2806 : vector<8x128xi1>, vector<8x128xi32>
    %get3A_2887 = arith.constant 2920 : index
    %get3A_2888 = arith.constant 0 : index
    %get3A_2889 = vector.load %arg1[%get3A_2887, %get3A_2888] : memref<4000x128xf32, #tpu.memory_space<vmem>>, vector<8x128xf32>
    %gt3A_2890 = arith.cmpf ogt, %get3A_2889, %select_n3A_2811 : vector<8x128xf32>
    %select_n3A_2891 = arith.select %gt3A_2890, %get3A_2889, %select_n3A_2811 : vector<8x128xi1>, vector<8x128xf32>
    %jit3A_2892 = arith.constant 365 : i32
    %broadcast_in_dim3A_2893 = vector.broadcast %jit3A_2892 : i32 to vector<8x128xi32>
    %select_n3A_2894 = arith.select %gt3A_2890, %broadcast_in_dim3A_2893, %select_n3A_2814 : vector<8x128xi1>, vector<8x128xi32>
    %get3A_2895 = arith.constant 2928 : index
    %get3A_2896 = arith.constant 0 : index
    %get3A_2897 = vector.load %arg1[%get3A_2895, %get3A_2896] : memref<4000x128xf32, #tpu.memory_space<vmem>>, vector<8x128xf32>
    %gt3A_2898 = arith.cmpf ogt, %get3A_2897, %select_n3A_2819 : vector<8x128xf32>
    %select_n3A_2899 = arith.select %gt3A_2898, %get3A_2897, %select_n3A_2819 : vector<8x128xi1>, vector<8x128xf32>
    %jit3A_2900 = arith.constant 366 : i32
    %broadcast_in_dim3A_2901 = vector.broadcast %jit3A_2900 : i32 to vector<8x128xi32>
    %select_n3A_2902 = arith.select %gt3A_2898, %broadcast_in_dim3A_2901, %select_n3A_2822 : vector<8x128xi1>, vector<8x128xi32>
    %get3A_2903 = arith.constant 2936 : index
    %get3A_2904 = arith.constant 0 : index
    %get3A_2905 = vector.load %arg1[%get3A_2903, %get3A_2904] : memref<4000x128xf32, #tpu.memory_space<vmem>>, vector<8x128xf32>
    %gt3A_2906 = arith.cmpf ogt, %get3A_2905, %select_n3A_2827 : vector<8x128xf32>
    %select_n3A_2907 = arith.select %gt3A_2906, %get3A_2905, %select_n3A_2827 : vector<8x128xi1>, vector<8x128xf32>
    %jit3A_2908 = arith.constant 367 : i32
    %broadcast_in_dim3A_2909 = vector.broadcast %jit3A_2908 : i32 to vector<8x128xi32>
    %select_n3A_2910 = arith.select %gt3A_2906, %broadcast_in_dim3A_2909, %select_n3A_2830 : vector<8x128xi1>, vector<8x128xi32>
    %get3A_2911 = arith.constant 2944 : index
    %get3A_2912 = arith.constant 0 : index
    %get3A_2913 = vector.load %arg1[%get3A_2911, %get3A_2912] : memref<4000x128xf32, #tpu.memory_space<vmem>>, vector<8x128xf32>
    %gt3A_2914 = arith.cmpf ogt, %get3A_2913, %select_n3A_2835 : vector<8x128xf32>
    %select_n3A_2915 = arith.select %gt3A_2914, %get3A_2913, %select_n3A_2835 : vector<8x128xi1>, vector<8x128xf32>
    %jit3A_2916 = arith.constant 368 : i32
    %broadcast_in_dim3A_2917 = vector.broadcast %jit3A_2916 : i32 to vector<8x128xi32>
    %select_n3A_2918 = arith.select %gt3A_2914, %broadcast_in_dim3A_2917, %select_n3A_2838 : vector<8x128xi1>, vector<8x128xi32>
    %get3A_2919 = arith.constant 2952 : index
    %get3A_2920 = arith.constant 0 : index
    %get3A_2921 = vector.load %arg1[%get3A_2919, %get3A_2920] : memref<4000x128xf32, #tpu.memory_space<vmem>>, vector<8x128xf32>
    %gt3A_2922 = arith.cmpf ogt, %get3A_2921, %select_n3A_2843 : vector<8x128xf32>
    %select_n3A_2923 = arith.select %gt3A_2922, %get3A_2921, %select_n3A_2843 : vector<8x128xi1>, vector<8x128xf32>
    %jit3A_2924 = arith.constant 369 : i32
    %broadcast_in_dim3A_2925 = vector.broadcast %jit3A_2924 : i32 to vector<8x128xi32>
    %select_n3A_2926 = arith.select %gt3A_2922, %broadcast_in_dim3A_2925, %select_n3A_2846 : vector<8x128xi1>, vector<8x128xi32>
    %get3A_2927 = arith.constant 2960 : index
    %get3A_2928 = arith.constant 0 : index
    %get3A_2929 = vector.load %arg1[%get3A_2927, %get3A_2928] : memref<4000x128xf32, #tpu.memory_space<vmem>>, vector<8x128xf32>
    %gt3A_2930 = arith.cmpf ogt, %get3A_2929, %select_n3A_2851 : vector<8x128xf32>
    %select_n3A_2931 = arith.select %gt3A_2930, %get3A_2929, %select_n3A_2851 : vector<8x128xi1>, vector<8x128xf32>
    %jit3A_2932 = arith.constant 370 : i32
    %broadcast_in_dim3A_2933 = vector.broadcast %jit3A_2932 : i32 to vector<8x128xi32>
    %select_n3A_2934 = arith.select %gt3A_2930, %broadcast_in_dim3A_2933, %select_n3A_2854 : vector<8x128xi1>, vector<8x128xi32>
    %get3A_2935 = arith.constant 2968 : index
    %get3A_2936 = arith.constant 0 : index
    %get3A_2937 = vector.load %arg1[%get3A_2935, %get3A_2936] : memref<4000x128xf32, #tpu.memory_space<vmem>>, vector<8x128xf32>
    %gt3A_2938 = arith.cmpf ogt, %get3A_2937, %select_n3A_2859 : vector<8x128xf32>
    %select_n3A_2939 = arith.select %gt3A_2938, %get3A_2937, %select_n3A_2859 : vector<8x128xi1>, vector<8x128xf32>
    %jit3A_2940 = arith.constant 371 : i32
    %broadcast_in_dim3A_2941 = vector.broadcast %jit3A_2940 : i32 to vector<8x128xi32>
    %select_n3A_2942 = arith.select %gt3A_2938, %broadcast_in_dim3A_2941, %select_n3A_2862 : vector<8x128xi1>, vector<8x128xi32>
    %get3A_2943 = arith.constant 2976 : index
    %get3A_2944 = arith.constant 0 : index
    %get3A_2945 = vector.load %arg1[%get3A_2943, %get3A_2944] : memref<4000x128xf32, #tpu.memory_space<vmem>>, vector<8x128xf32>
    %gt3A_2946 = arith.cmpf ogt, %get3A_2945, %select_n3A_2867 : vector<8x128xf32>
    %select_n3A_2947 = arith.select %gt3A_2946, %get3A_2945, %select_n3A_2867 : vector<8x128xi1>, vector<8x128xf32>
    %jit3A_2948 = arith.constant 372 : i32
    %broadcast_in_dim3A_2949 = vector.broadcast %jit3A_2948 : i32 to vector<8x128xi32>
    %select_n3A_2950 = arith.select %gt3A_2946, %broadcast_in_dim3A_2949, %select_n3A_2870 : vector<8x128xi1>, vector<8x128xi32>
    %get3A_2951 = arith.constant 2984 : index
    %get3A_2952 = arith.constant 0 : index
    %get3A_2953 = vector.load %arg1[%get3A_2951, %get3A_2952] : memref<4000x128xf32, #tpu.memory_space<vmem>>, vector<8x128xf32>
    %gt3A_2954 = arith.cmpf ogt, %get3A_2953, %select_n3A_2875 : vector<8x128xf32>
    %select_n3A_2955 = arith.select %gt3A_2954, %get3A_2953, %select_n3A_2875 : vector<8x128xi1>, vector<8x128xf32>
    %jit3A_2956 = arith.constant 373 : i32
    %broadcast_in_dim3A_2957 = vector.broadcast %jit3A_2956 : i32 to vector<8x128xi32>
    %select_n3A_2958 = arith.select %gt3A_2954, %broadcast_in_dim3A_2957, %select_n3A_2878 : vector<8x128xi1>, vector<8x128xi32>
    %get3A_2959 = arith.constant 2992 : index
    %get3A_2960 = arith.constant 0 : index
    %get3A_2961 = vector.load %arg1[%get3A_2959, %get3A_2960] : memref<4000x128xf32, #tpu.memory_space<vmem>>, vector<8x128xf32>
    %gt3A_2962 = arith.cmpf ogt, %get3A_2961, %select_n3A_2883 : vector<8x128xf32>
    %select_n3A_2963 = arith.select %gt3A_2962, %get3A_2961, %select_n3A_2883 : vector<8x128xi1>, vector<8x128xf32>
    %jit3A_2964 = arith.constant 374 : i32
    %broadcast_in_dim3A_2965 = vector.broadcast %jit3A_2964 : i32 to vector<8x128xi32>
    %select_n3A_2966 = arith.select %gt3A_2962, %broadcast_in_dim3A_2965, %select_n3A_2886 : vector<8x128xi1>, vector<8x128xi32>
    %get3A_2967 = arith.constant 3000 : index
    %get3A_2968 = arith.constant 0 : index
    %get3A_2969 = vector.load %arg1[%get3A_2967, %get3A_2968] : memref<4000x128xf32, #tpu.memory_space<vmem>>, vector<8x128xf32>
    %gt3A_2970 = arith.cmpf ogt, %get3A_2969, %select_n3A_2891 : vector<8x128xf32>
    %select_n3A_2971 = arith.select %gt3A_2970, %get3A_2969, %select_n3A_2891 : vector<8x128xi1>, vector<8x128xf32>
    %jit3A_2972 = arith.constant 375 : i32
    %broadcast_in_dim3A_2973 = vector.broadcast %jit3A_2972 : i32 to vector<8x128xi32>
    %select_n3A_2974 = arith.select %gt3A_2970, %broadcast_in_dim3A_2973, %select_n3A_2894 : vector<8x128xi1>, vector<8x128xi32>
    %get3A_2975 = arith.constant 3008 : index
    %get3A_2976 = arith.constant 0 : index
    %get3A_2977 = vector.load %arg1[%get3A_2975, %get3A_2976] : memref<4000x128xf32, #tpu.memory_space<vmem>>, vector<8x128xf32>
    %gt3A_2978 = arith.cmpf ogt, %get3A_2977, %select_n3A_2899 : vector<8x128xf32>
    %select_n3A_2979 = arith.select %gt3A_2978, %get3A_2977, %select_n3A_2899 : vector<8x128xi1>, vector<8x128xf32>
    %jit3A_2980 = arith.constant 376 : i32
    %broadcast_in_dim3A_2981 = vector.broadcast %jit3A_2980 : i32 to vector<8x128xi32>
    %select_n3A_2982 = arith.select %gt3A_2978, %broadcast_in_dim3A_2981, %select_n3A_2902 : vector<8x128xi1>, vector<8x128xi32>
    %get3A_2983 = arith.constant 3016 : index
    %get3A_2984 = arith.constant 0 : index
    %get3A_2985 = vector.load %arg1[%get3A_2983, %get3A_2984] : memref<4000x128xf32, #tpu.memory_space<vmem>>, vector<8x128xf32>
    %gt3A_2986 = arith.cmpf ogt, %get3A_2985, %select_n3A_2907 : vector<8x128xf32>
    %select_n3A_2987 = arith.select %gt3A_2986, %get3A_2985, %select_n3A_2907 : vector<8x128xi1>, vector<8x128xf32>
    %jit3A_2988 = arith.constant 377 : i32
    %broadcast_in_dim3A_2989 = vector.broadcast %jit3A_2988 : i32 to vector<8x128xi32>
    %select_n3A_2990 = arith.select %gt3A_2986, %broadcast_in_dim3A_2989, %select_n3A_2910 : vector<8x128xi1>, vector<8x128xi32>
    %get3A_2991 = arith.constant 3024 : index
    %get3A_2992 = arith.constant 0 : index
    %get3A_2993 = vector.load %arg1[%get3A_2991, %get3A_2992] : memref<4000x128xf32, #tpu.memory_space<vmem>>, vector<8x128xf32>
    %gt3A_2994 = arith.cmpf ogt, %get3A_2993, %select_n3A_2915 : vector<8x128xf32>
    %select_n3A_2995 = arith.select %gt3A_2994, %get3A_2993, %select_n3A_2915 : vector<8x128xi1>, vector<8x128xf32>
    %jit3A_2996 = arith.constant 378 : i32
    %broadcast_in_dim3A_2997 = vector.broadcast %jit3A_2996 : i32 to vector<8x128xi32>
    %select_n3A_2998 = arith.select %gt3A_2994, %broadcast_in_dim3A_2997, %select_n3A_2918 : vector<8x128xi1>, vector<8x128xi32>
    %get3A_2999 = arith.constant 3032 : index
    %get3A_3000 = arith.constant 0 : index
    %get3A_3001 = vector.load %arg1[%get3A_2999, %get3A_3000] : memref<4000x128xf32, #tpu.memory_space<vmem>>, vector<8x128xf32>
    %gt3A_3002 = arith.cmpf ogt, %get3A_3001, %select_n3A_2923 : vector<8x128xf32>
    %select_n3A_3003 = arith.select %gt3A_3002, %get3A_3001, %select_n3A_2923 : vector<8x128xi1>, vector<8x128xf32>
    %jit3A_3004 = arith.constant 379 : i32
    %broadcast_in_dim3A_3005 = vector.broadcast %jit3A_3004 : i32 to vector<8x128xi32>
    %select_n3A_3006 = arith.select %gt3A_3002, %broadcast_in_dim3A_3005, %select_n3A_2926 : vector<8x128xi1>, vector<8x128xi32>
    %get3A_3007 = arith.constant 3040 : index
    %get3A_3008 = arith.constant 0 : index
    %get3A_3009 = vector.load %arg1[%get3A_3007, %get3A_3008] : memref<4000x128xf32, #tpu.memory_space<vmem>>, vector<8x128xf32>
    %gt3A_3010 = arith.cmpf ogt, %get3A_3009, %select_n3A_2931 : vector<8x128xf32>
    %select_n3A_3011 = arith.select %gt3A_3010, %get3A_3009, %select_n3A_2931 : vector<8x128xi1>, vector<8x128xf32>
    %jit3A_3012 = arith.constant 380 : i32
    %broadcast_in_dim3A_3013 = vector.broadcast %jit3A_3012 : i32 to vector<8x128xi32>
    %select_n3A_3014 = arith.select %gt3A_3010, %broadcast_in_dim3A_3013, %select_n3A_2934 : vector<8x128xi1>, vector<8x128xi32>
    %get3A_3015 = arith.constant 3048 : index
    %get3A_3016 = arith.constant 0 : index
    %get3A_3017 = vector.load %arg1[%get3A_3015, %get3A_3016] : memref<4000x128xf32, #tpu.memory_space<vmem>>, vector<8x128xf32>
    %gt3A_3018 = arith.cmpf ogt, %get3A_3017, %select_n3A_2939 : vector<8x128xf32>
    %select_n3A_3019 = arith.select %gt3A_3018, %get3A_3017, %select_n3A_2939 : vector<8x128xi1>, vector<8x128xf32>
    %jit3A_3020 = arith.constant 381 : i32
    %broadcast_in_dim3A_3021 = vector.broadcast %jit3A_3020 : i32 to vector<8x128xi32>
    %select_n3A_3022 = arith.select %gt3A_3018, %broadcast_in_dim3A_3021, %select_n3A_2942 : vector<8x128xi1>, vector<8x128xi32>
    %get3A_3023 = arith.constant 3056 : index
    %get3A_3024 = arith.constant 0 : index
    %get3A_3025 = vector.load %arg1[%get3A_3023, %get3A_3024] : memref<4000x128xf32, #tpu.memory_space<vmem>>, vector<8x128xf32>
    %gt3A_3026 = arith.cmpf ogt, %get3A_3025, %select_n3A_2947 : vector<8x128xf32>
    %select_n3A_3027 = arith.select %gt3A_3026, %get3A_3025, %select_n3A_2947 : vector<8x128xi1>, vector<8x128xf32>
    %jit3A_3028 = arith.constant 382 : i32
    %broadcast_in_dim3A_3029 = vector.broadcast %jit3A_3028 : i32 to vector<8x128xi32>
    %select_n3A_3030 = arith.select %gt3A_3026, %broadcast_in_dim3A_3029, %select_n3A_2950 : vector<8x128xi1>, vector<8x128xi32>
    %get3A_3031 = arith.constant 3064 : index
    %get3A_3032 = arith.constant 0 : index
    %get3A_3033 = vector.load %arg1[%get3A_3031, %get3A_3032] : memref<4000x128xf32, #tpu.memory_space<vmem>>, vector<8x128xf32>
    %gt3A_3034 = arith.cmpf ogt, %get3A_3033, %select_n3A_2955 : vector<8x128xf32>
    %select_n3A_3035 = arith.select %gt3A_3034, %get3A_3033, %select_n3A_2955 : vector<8x128xi1>, vector<8x128xf32>
    %jit3A_3036 = arith.constant 383 : i32
    %broadcast_in_dim3A_3037 = vector.broadcast %jit3A_3036 : i32 to vector<8x128xi32>
    %select_n3A_3038 = arith.select %gt3A_3034, %broadcast_in_dim3A_3037, %select_n3A_2958 : vector<8x128xi1>, vector<8x128xi32>
    %get3A_3039 = arith.constant 3072 : index
    %get3A_3040 = arith.constant 0 : index
    %get3A_3041 = vector.load %arg1[%get3A_3039, %get3A_3040] : memref<4000x128xf32, #tpu.memory_space<vmem>>, vector<8x128xf32>
    %gt3A_3042 = arith.cmpf ogt, %get3A_3041, %select_n3A_2963 : vector<8x128xf32>
    %select_n3A_3043 = arith.select %gt3A_3042, %get3A_3041, %select_n3A_2963 : vector<8x128xi1>, vector<8x128xf32>
    %jit3A_3044 = arith.constant 384 : i32
    %broadcast_in_dim3A_3045 = vector.broadcast %jit3A_3044 : i32 to vector<8x128xi32>
    %select_n3A_3046 = arith.select %gt3A_3042, %broadcast_in_dim3A_3045, %select_n3A_2966 : vector<8x128xi1>, vector<8x128xi32>
    %get3A_3047 = arith.constant 3080 : index
    %get3A_3048 = arith.constant 0 : index
    %get3A_3049 = vector.load %arg1[%get3A_3047, %get3A_3048] : memref<4000x128xf32, #tpu.memory_space<vmem>>, vector<8x128xf32>
    %gt3A_3050 = arith.cmpf ogt, %get3A_3049, %select_n3A_2971 : vector<8x128xf32>
    %select_n3A_3051 = arith.select %gt3A_3050, %get3A_3049, %select_n3A_2971 : vector<8x128xi1>, vector<8x128xf32>
    %jit3A_3052 = arith.constant 385 : i32
    %broadcast_in_dim3A_3053 = vector.broadcast %jit3A_3052 : i32 to vector<8x128xi32>
    %select_n3A_3054 = arith.select %gt3A_3050, %broadcast_in_dim3A_3053, %select_n3A_2974 : vector<8x128xi1>, vector<8x128xi32>
    %get3A_3055 = arith.constant 3088 : index
    %get3A_3056 = arith.constant 0 : index
    %get3A_3057 = vector.load %arg1[%get3A_3055, %get3A_3056] : memref<4000x128xf32, #tpu.memory_space<vmem>>, vector<8x128xf32>
    %gt3A_3058 = arith.cmpf ogt, %get3A_3057, %select_n3A_2979 : vector<8x128xf32>
    %select_n3A_3059 = arith.select %gt3A_3058, %get3A_3057, %select_n3A_2979 : vector<8x128xi1>, vector<8x128xf32>
    %jit3A_3060 = arith.constant 386 : i32
    %broadcast_in_dim3A_3061 = vector.broadcast %jit3A_3060 : i32 to vector<8x128xi32>
    %select_n3A_3062 = arith.select %gt3A_3058, %broadcast_in_dim3A_3061, %select_n3A_2982 : vector<8x128xi1>, vector<8x128xi32>
    %get3A_3063 = arith.constant 3096 : index
    %get3A_3064 = arith.constant 0 : index
    %get3A_3065 = vector.load %arg1[%get3A_3063, %get3A_3064] : memref<4000x128xf32, #tpu.memory_space<vmem>>, vector<8x128xf32>
    %gt3A_3066 = arith.cmpf ogt, %get3A_3065, %select_n3A_2987 : vector<8x128xf32>
    %select_n3A_3067 = arith.select %gt3A_3066, %get3A_3065, %select_n3A_2987 : vector<8x128xi1>, vector<8x128xf32>
    %jit3A_3068 = arith.constant 387 : i32
    %broadcast_in_dim3A_3069 = vector.broadcast %jit3A_3068 : i32 to vector<8x128xi32>
    %select_n3A_3070 = arith.select %gt3A_3066, %broadcast_in_dim3A_3069, %select_n3A_2990 : vector<8x128xi1>, vector<8x128xi32>
    %get3A_3071 = arith.constant 3104 : index
    %get3A_3072 = arith.constant 0 : index
    %get3A_3073 = vector.load %arg1[%get3A_3071, %get3A_3072] : memref<4000x128xf32, #tpu.memory_space<vmem>>, vector<8x128xf32>
    %gt3A_3074 = arith.cmpf ogt, %get3A_3073, %select_n3A_2995 : vector<8x128xf32>
    %select_n3A_3075 = arith.select %gt3A_3074, %get3A_3073, %select_n3A_2995 : vector<8x128xi1>, vector<8x128xf32>
    %jit3A_3076 = arith.constant 388 : i32
    %broadcast_in_dim3A_3077 = vector.broadcast %jit3A_3076 : i32 to vector<8x128xi32>
    %select_n3A_3078 = arith.select %gt3A_3074, %broadcast_in_dim3A_3077, %select_n3A_2998 : vector<8x128xi1>, vector<8x128xi32>
    %get3A_3079 = arith.constant 3112 : index
    %get3A_3080 = arith.constant 0 : index
    %get3A_3081 = vector.load %arg1[%get3A_3079, %get3A_3080] : memref<4000x128xf32, #tpu.memory_space<vmem>>, vector<8x128xf32>
    %gt3A_3082 = arith.cmpf ogt, %get3A_3081, %select_n3A_3003 : vector<8x128xf32>
    %select_n3A_3083 = arith.select %gt3A_3082, %get3A_3081, %select_n3A_3003 : vector<8x128xi1>, vector<8x128xf32>
    %jit3A_3084 = arith.constant 389 : i32
    %broadcast_in_dim3A_3085 = vector.broadcast %jit3A_3084 : i32 to vector<8x128xi32>
    %select_n3A_3086 = arith.select %gt3A_3082, %broadcast_in_dim3A_3085, %select_n3A_3006 : vector<8x128xi1>, vector<8x128xi32>
    %get3A_3087 = arith.constant 3120 : index
    %get3A_3088 = arith.constant 0 : index
    %get3A_3089 = vector.load %arg1[%get3A_3087, %get3A_3088] : memref<4000x128xf32, #tpu.memory_space<vmem>>, vector<8x128xf32>
    %gt3A_3090 = arith.cmpf ogt, %get3A_3089, %select_n3A_3011 : vector<8x128xf32>
    %select_n3A_3091 = arith.select %gt3A_3090, %get3A_3089, %select_n3A_3011 : vector<8x128xi1>, vector<8x128xf32>
    %jit3A_3092 = arith.constant 390 : i32
    %broadcast_in_dim3A_3093 = vector.broadcast %jit3A_3092 : i32 to vector<8x128xi32>
    %select_n3A_3094 = arith.select %gt3A_3090, %broadcast_in_dim3A_3093, %select_n3A_3014 : vector<8x128xi1>, vector<8x128xi32>
    %get3A_3095 = arith.constant 3128 : index
    %get3A_3096 = arith.constant 0 : index
    %get3A_3097 = vector.load %arg1[%get3A_3095, %get3A_3096] : memref<4000x128xf32, #tpu.memory_space<vmem>>, vector<8x128xf32>
    %gt3A_3098 = arith.cmpf ogt, %get3A_3097, %select_n3A_3019 : vector<8x128xf32>
    %select_n3A_3099 = arith.select %gt3A_3098, %get3A_3097, %select_n3A_3019 : vector<8x128xi1>, vector<8x128xf32>
    %jit3A_3100 = arith.constant 391 : i32
    %broadcast_in_dim3A_3101 = vector.broadcast %jit3A_3100 : i32 to vector<8x128xi32>
    %select_n3A_3102 = arith.select %gt3A_3098, %broadcast_in_dim3A_3101, %select_n3A_3022 : vector<8x128xi1>, vector<8x128xi32>
    %get3A_3103 = arith.constant 3136 : index
    %get3A_3104 = arith.constant 0 : index
    %get3A_3105 = vector.load %arg1[%get3A_3103, %get3A_3104] : memref<4000x128xf32, #tpu.memory_space<vmem>>, vector<8x128xf32>
    %gt3A_3106 = arith.cmpf ogt, %get3A_3105, %select_n3A_3027 : vector<8x128xf32>
    %select_n3A_3107 = arith.select %gt3A_3106, %get3A_3105, %select_n3A_3027 : vector<8x128xi1>, vector<8x128xf32>
    %jit3A_3108 = arith.constant 392 : i32
    %broadcast_in_dim3A_3109 = vector.broadcast %jit3A_3108 : i32 to vector<8x128xi32>
    %select_n3A_3110 = arith.select %gt3A_3106, %broadcast_in_dim3A_3109, %select_n3A_3030 : vector<8x128xi1>, vector<8x128xi32>
    %get3A_3111 = arith.constant 3144 : index
    %get3A_3112 = arith.constant 0 : index
    %get3A_3113 = vector.load %arg1[%get3A_3111, %get3A_3112] : memref<4000x128xf32, #tpu.memory_space<vmem>>, vector<8x128xf32>
    %gt3A_3114 = arith.cmpf ogt, %get3A_3113, %select_n3A_3035 : vector<8x128xf32>
    %select_n3A_3115 = arith.select %gt3A_3114, %get3A_3113, %select_n3A_3035 : vector<8x128xi1>, vector<8x128xf32>
    %jit3A_3116 = arith.constant 393 : i32
    %broadcast_in_dim3A_3117 = vector.broadcast %jit3A_3116 : i32 to vector<8x128xi32>
    %select_n3A_3118 = arith.select %gt3A_3114, %broadcast_in_dim3A_3117, %select_n3A_3038 : vector<8x128xi1>, vector<8x128xi32>
    %get3A_3119 = arith.constant 3152 : index
    %get3A_3120 = arith.constant 0 : index
    %get3A_3121 = vector.load %arg1[%get3A_3119, %get3A_3120] : memref<4000x128xf32, #tpu.memory_space<vmem>>, vector<8x128xf32>
    %gt3A_3122 = arith.cmpf ogt, %get3A_3121, %select_n3A_3043 : vector<8x128xf32>
    %select_n3A_3123 = arith.select %gt3A_3122, %get3A_3121, %select_n3A_3043 : vector<8x128xi1>, vector<8x128xf32>
    %jit3A_3124 = arith.constant 394 : i32
    %broadcast_in_dim3A_3125 = vector.broadcast %jit3A_3124 : i32 to vector<8x128xi32>
    %select_n3A_3126 = arith.select %gt3A_3122, %broadcast_in_dim3A_3125, %select_n3A_3046 : vector<8x128xi1>, vector<8x128xi32>
    %get3A_3127 = arith.constant 3160 : index
    %get3A_3128 = arith.constant 0 : index
    %get3A_3129 = vector.load %arg1[%get3A_3127, %get3A_3128] : memref<4000x128xf32, #tpu.memory_space<vmem>>, vector<8x128xf32>
    %gt3A_3130 = arith.cmpf ogt, %get3A_3129, %select_n3A_3051 : vector<8x128xf32>
    %select_n3A_3131 = arith.select %gt3A_3130, %get3A_3129, %select_n3A_3051 : vector<8x128xi1>, vector<8x128xf32>
    %jit3A_3132 = arith.constant 395 : i32
    %broadcast_in_dim3A_3133 = vector.broadcast %jit3A_3132 : i32 to vector<8x128xi32>
    %select_n3A_3134 = arith.select %gt3A_3130, %broadcast_in_dim3A_3133, %select_n3A_3054 : vector<8x128xi1>, vector<8x128xi32>
    %get3A_3135 = arith.constant 3168 : index
    %get3A_3136 = arith.constant 0 : index
    %get3A_3137 = vector.load %arg1[%get3A_3135, %get3A_3136] : memref<4000x128xf32, #tpu.memory_space<vmem>>, vector<8x128xf32>
    %gt3A_3138 = arith.cmpf ogt, %get3A_3137, %select_n3A_3059 : vector<8x128xf32>
    %select_n3A_3139 = arith.select %gt3A_3138, %get3A_3137, %select_n3A_3059 : vector<8x128xi1>, vector<8x128xf32>
    %jit3A_3140 = arith.constant 396 : i32
    %broadcast_in_dim3A_3141 = vector.broadcast %jit3A_3140 : i32 to vector<8x128xi32>
    %select_n3A_3142 = arith.select %gt3A_3138, %broadcast_in_dim3A_3141, %select_n3A_3062 : vector<8x128xi1>, vector<8x128xi32>
    %get3A_3143 = arith.constant 3176 : index
    %get3A_3144 = arith.constant 0 : index
    %get3A_3145 = vector.load %arg1[%get3A_3143, %get3A_3144] : memref<4000x128xf32, #tpu.memory_space<vmem>>, vector<8x128xf32>
    %gt3A_3146 = arith.cmpf ogt, %get3A_3145, %select_n3A_3067 : vector<8x128xf32>
    %select_n3A_3147 = arith.select %gt3A_3146, %get3A_3145, %select_n3A_3067 : vector<8x128xi1>, vector<8x128xf32>
    %jit3A_3148 = arith.constant 397 : i32
    %broadcast_in_dim3A_3149 = vector.broadcast %jit3A_3148 : i32 to vector<8x128xi32>
    %select_n3A_3150 = arith.select %gt3A_3146, %broadcast_in_dim3A_3149, %select_n3A_3070 : vector<8x128xi1>, vector<8x128xi32>
    %get3A_3151 = arith.constant 3184 : index
    %get3A_3152 = arith.constant 0 : index
    %get3A_3153 = vector.load %arg1[%get3A_3151, %get3A_3152] : memref<4000x128xf32, #tpu.memory_space<vmem>>, vector<8x128xf32>
    %gt3A_3154 = arith.cmpf ogt, %get3A_3153, %select_n3A_3075 : vector<8x128xf32>
    %select_n3A_3155 = arith.select %gt3A_3154, %get3A_3153, %select_n3A_3075 : vector<8x128xi1>, vector<8x128xf32>
    %jit3A_3156 = arith.constant 398 : i32
    %broadcast_in_dim3A_3157 = vector.broadcast %jit3A_3156 : i32 to vector<8x128xi32>
    %select_n3A_3158 = arith.select %gt3A_3154, %broadcast_in_dim3A_3157, %select_n3A_3078 : vector<8x128xi1>, vector<8x128xi32>
    %get3A_3159 = arith.constant 3192 : index
    %get3A_3160 = arith.constant 0 : index
    %get3A_3161 = vector.load %arg1[%get3A_3159, %get3A_3160] : memref<4000x128xf32, #tpu.memory_space<vmem>>, vector<8x128xf32>
    %gt3A_3162 = arith.cmpf ogt, %get3A_3161, %select_n3A_3083 : vector<8x128xf32>
    %select_n3A_3163 = arith.select %gt3A_3162, %get3A_3161, %select_n3A_3083 : vector<8x128xi1>, vector<8x128xf32>
    %jit3A_3164 = arith.constant 399 : i32
    %broadcast_in_dim3A_3165 = vector.broadcast %jit3A_3164 : i32 to vector<8x128xi32>
    %select_n3A_3166 = arith.select %gt3A_3162, %broadcast_in_dim3A_3165, %select_n3A_3086 : vector<8x128xi1>, vector<8x128xi32>
    %get3A_3167 = arith.constant 3200 : index
    %get3A_3168 = arith.constant 0 : index
    %get3A_3169 = vector.load %arg1[%get3A_3167, %get3A_3168] : memref<4000x128xf32, #tpu.memory_space<vmem>>, vector<8x128xf32>
    %gt3A_3170 = arith.cmpf ogt, %get3A_3169, %select_n3A_3091 : vector<8x128xf32>
    %select_n3A_3171 = arith.select %gt3A_3170, %get3A_3169, %select_n3A_3091 : vector<8x128xi1>, vector<8x128xf32>
    %jit3A_3172 = arith.constant 400 : i32
    %broadcast_in_dim3A_3173 = vector.broadcast %jit3A_3172 : i32 to vector<8x128xi32>
    %select_n3A_3174 = arith.select %gt3A_3170, %broadcast_in_dim3A_3173, %select_n3A_3094 : vector<8x128xi1>, vector<8x128xi32>
    %get3A_3175 = arith.constant 3208 : index
    %get3A_3176 = arith.constant 0 : index
    %get3A_3177 = vector.load %arg1[%get3A_3175, %get3A_3176] : memref<4000x128xf32, #tpu.memory_space<vmem>>, vector<8x128xf32>
    %gt3A_3178 = arith.cmpf ogt, %get3A_3177, %select_n3A_3099 : vector<8x128xf32>
    %select_n3A_3179 = arith.select %gt3A_3178, %get3A_3177, %select_n3A_3099 : vector<8x128xi1>, vector<8x128xf32>
    %jit3A_3180 = arith.constant 401 : i32
    %broadcast_in_dim3A_3181 = vector.broadcast %jit3A_3180 : i32 to vector<8x128xi32>
    %select_n3A_3182 = arith.select %gt3A_3178, %broadcast_in_dim3A_3181, %select_n3A_3102 : vector<8x128xi1>, vector<8x128xi32>
    %get3A_3183 = arith.constant 3216 : index
    %get3A_3184 = arith.constant 0 : index
    %get3A_3185 = vector.load %arg1[%get3A_3183, %get3A_3184] : memref<4000x128xf32, #tpu.memory_space<vmem>>, vector<8x128xf32>
    %gt3A_3186 = arith.cmpf ogt, %get3A_3185, %select_n3A_3107 : vector<8x128xf32>
    %select_n3A_3187 = arith.select %gt3A_3186, %get3A_3185, %select_n3A_3107 : vector<8x128xi1>, vector<8x128xf32>
    %jit3A_3188 = arith.constant 402 : i32
    %broadcast_in_dim3A_3189 = vector.broadcast %jit3A_3188 : i32 to vector<8x128xi32>
    %select_n3A_3190 = arith.select %gt3A_3186, %broadcast_in_dim3A_3189, %select_n3A_3110 : vector<8x128xi1>, vector<8x128xi32>
    %get3A_3191 = arith.constant 3224 : index
    %get3A_3192 = arith.constant 0 : index
    %get3A_3193 = vector.load %arg1[%get3A_3191, %get3A_3192] : memref<4000x128xf32, #tpu.memory_space<vmem>>, vector<8x128xf32>
    %gt3A_3194 = arith.cmpf ogt, %get3A_3193, %select_n3A_3115 : vector<8x128xf32>
    %select_n3A_3195 = arith.select %gt3A_3194, %get3A_3193, %select_n3A_3115 : vector<8x128xi1>, vector<8x128xf32>
    %jit3A_3196 = arith.constant 403 : i32
    %broadcast_in_dim3A_3197 = vector.broadcast %jit3A_3196 : i32 to vector<8x128xi32>
    %select_n3A_3198 = arith.select %gt3A_3194, %broadcast_in_dim3A_3197, %select_n3A_3118 : vector<8x128xi1>, vector<8x128xi32>
    %get3A_3199 = arith.constant 3232 : index
    %get3A_3200 = arith.constant 0 : index
    %get3A_3201 = vector.load %arg1[%get3A_3199, %get3A_3200] : memref<4000x128xf32, #tpu.memory_space<vmem>>, vector<8x128xf32>
    %gt3A_3202 = arith.cmpf ogt, %get3A_3201, %select_n3A_3123 : vector<8x128xf32>
    %select_n3A_3203 = arith.select %gt3A_3202, %get3A_3201, %select_n3A_3123 : vector<8x128xi1>, vector<8x128xf32>
    %jit3A_3204 = arith.constant 404 : i32
    %broadcast_in_dim3A_3205 = vector.broadcast %jit3A_3204 : i32 to vector<8x128xi32>
    %select_n3A_3206 = arith.select %gt3A_3202, %broadcast_in_dim3A_3205, %select_n3A_3126 : vector<8x128xi1>, vector<8x128xi32>
    %get3A_3207 = arith.constant 3240 : index
    %get3A_3208 = arith.constant 0 : index
    %get3A_3209 = vector.load %arg1[%get3A_3207, %get3A_3208] : memref<4000x128xf32, #tpu.memory_space<vmem>>, vector<8x128xf32>
    %gt3A_3210 = arith.cmpf ogt, %get3A_3209, %select_n3A_3131 : vector<8x128xf32>
    %select_n3A_3211 = arith.select %gt3A_3210, %get3A_3209, %select_n3A_3131 : vector<8x128xi1>, vector<8x128xf32>
    %jit3A_3212 = arith.constant 405 : i32
    %broadcast_in_dim3A_3213 = vector.broadcast %jit3A_3212 : i32 to vector<8x128xi32>
    %select_n3A_3214 = arith.select %gt3A_3210, %broadcast_in_dim3A_3213, %select_n3A_3134 : vector<8x128xi1>, vector<8x128xi32>
    %get3A_3215 = arith.constant 3248 : index
    %get3A_3216 = arith.constant 0 : index
    %get3A_3217 = vector.load %arg1[%get3A_3215, %get3A_3216] : memref<4000x128xf32, #tpu.memory_space<vmem>>, vector<8x128xf32>
    %gt3A_3218 = arith.cmpf ogt, %get3A_3217, %select_n3A_3139 : vector<8x128xf32>
    %select_n3A_3219 = arith.select %gt3A_3218, %get3A_3217, %select_n3A_3139 : vector<8x128xi1>, vector<8x128xf32>
    %jit3A_3220 = arith.constant 406 : i32
    %broadcast_in_dim3A_3221 = vector.broadcast %jit3A_3220 : i32 to vector<8x128xi32>
    %select_n3A_3222 = arith.select %gt3A_3218, %broadcast_in_dim3A_3221, %select_n3A_3142 : vector<8x128xi1>, vector<8x128xi32>
    %get3A_3223 = arith.constant 3256 : index
    %get3A_3224 = arith.constant 0 : index
    %get3A_3225 = vector.load %arg1[%get3A_3223, %get3A_3224] : memref<4000x128xf32, #tpu.memory_space<vmem>>, vector<8x128xf32>
    %gt3A_3226 = arith.cmpf ogt, %get3A_3225, %select_n3A_3147 : vector<8x128xf32>
    %select_n3A_3227 = arith.select %gt3A_3226, %get3A_3225, %select_n3A_3147 : vector<8x128xi1>, vector<8x128xf32>
    %jit3A_3228 = arith.constant 407 : i32
    %broadcast_in_dim3A_3229 = vector.broadcast %jit3A_3228 : i32 to vector<8x128xi32>
    %select_n3A_3230 = arith.select %gt3A_3226, %broadcast_in_dim3A_3229, %select_n3A_3150 : vector<8x128xi1>, vector<8x128xi32>
    %get3A_3231 = arith.constant 3264 : index
    %get3A_3232 = arith.constant 0 : index
    %get3A_3233 = vector.load %arg1[%get3A_3231, %get3A_3232] : memref<4000x128xf32, #tpu.memory_space<vmem>>, vector<8x128xf32>
    %gt3A_3234 = arith.cmpf ogt, %get3A_3233, %select_n3A_3155 : vector<8x128xf32>
    %select_n3A_3235 = arith.select %gt3A_3234, %get3A_3233, %select_n3A_3155 : vector<8x128xi1>, vector<8x128xf32>
    %jit3A_3236 = arith.constant 408 : i32
    %broadcast_in_dim3A_3237 = vector.broadcast %jit3A_3236 : i32 to vector<8x128xi32>
    %select_n3A_3238 = arith.select %gt3A_3234, %broadcast_in_dim3A_3237, %select_n3A_3158 : vector<8x128xi1>, vector<8x128xi32>
    %get3A_3239 = arith.constant 3272 : index
    %get3A_3240 = arith.constant 0 : index
    %get3A_3241 = vector.load %arg1[%get3A_3239, %get3A_3240] : memref<4000x128xf32, #tpu.memory_space<vmem>>, vector<8x128xf32>
    %gt3A_3242 = arith.cmpf ogt, %get3A_3241, %select_n3A_3163 : vector<8x128xf32>
    %select_n3A_3243 = arith.select %gt3A_3242, %get3A_3241, %select_n3A_3163 : vector<8x128xi1>, vector<8x128xf32>
    %jit3A_3244 = arith.constant 409 : i32
    %broadcast_in_dim3A_3245 = vector.broadcast %jit3A_3244 : i32 to vector<8x128xi32>
    %select_n3A_3246 = arith.select %gt3A_3242, %broadcast_in_dim3A_3245, %select_n3A_3166 : vector<8x128xi1>, vector<8x128xi32>
    %get3A_3247 = arith.constant 3280 : index
    %get3A_3248 = arith.constant 0 : index
    %get3A_3249 = vector.load %arg1[%get3A_3247, %get3A_3248] : memref<4000x128xf32, #tpu.memory_space<vmem>>, vector<8x128xf32>
    %gt3A_3250 = arith.cmpf ogt, %get3A_3249, %select_n3A_3171 : vector<8x128xf32>
    %select_n3A_3251 = arith.select %gt3A_3250, %get3A_3249, %select_n3A_3171 : vector<8x128xi1>, vector<8x128xf32>
    %jit3A_3252 = arith.constant 410 : i32
    %broadcast_in_dim3A_3253 = vector.broadcast %jit3A_3252 : i32 to vector<8x128xi32>
    %select_n3A_3254 = arith.select %gt3A_3250, %broadcast_in_dim3A_3253, %select_n3A_3174 : vector<8x128xi1>, vector<8x128xi32>
    %get3A_3255 = arith.constant 3288 : index
    %get3A_3256 = arith.constant 0 : index
    %get3A_3257 = vector.load %arg1[%get3A_3255, %get3A_3256] : memref<4000x128xf32, #tpu.memory_space<vmem>>, vector<8x128xf32>
    %gt3A_3258 = arith.cmpf ogt, %get3A_3257, %select_n3A_3179 : vector<8x128xf32>
    %select_n3A_3259 = arith.select %gt3A_3258, %get3A_3257, %select_n3A_3179 : vector<8x128xi1>, vector<8x128xf32>
    %jit3A_3260 = arith.constant 411 : i32
    %broadcast_in_dim3A_3261 = vector.broadcast %jit3A_3260 : i32 to vector<8x128xi32>
    %select_n3A_3262 = arith.select %gt3A_3258, %broadcast_in_dim3A_3261, %select_n3A_3182 : vector<8x128xi1>, vector<8x128xi32>
    %get3A_3263 = arith.constant 3296 : index
    %get3A_3264 = arith.constant 0 : index
    %get3A_3265 = vector.load %arg1[%get3A_3263, %get3A_3264] : memref<4000x128xf32, #tpu.memory_space<vmem>>, vector<8x128xf32>
    %gt3A_3266 = arith.cmpf ogt, %get3A_3265, %select_n3A_3187 : vector<8x128xf32>
    %select_n3A_3267 = arith.select %gt3A_3266, %get3A_3265, %select_n3A_3187 : vector<8x128xi1>, vector<8x128xf32>
    %jit3A_3268 = arith.constant 412 : i32
    %broadcast_in_dim3A_3269 = vector.broadcast %jit3A_3268 : i32 to vector<8x128xi32>
    %select_n3A_3270 = arith.select %gt3A_3266, %broadcast_in_dim3A_3269, %select_n3A_3190 : vector<8x128xi1>, vector<8x128xi32>
    %get3A_3271 = arith.constant 3304 : index
    %get3A_3272 = arith.constant 0 : index
    %get3A_3273 = vector.load %arg1[%get3A_3271, %get3A_3272] : memref<4000x128xf32, #tpu.memory_space<vmem>>, vector<8x128xf32>
    %gt3A_3274 = arith.cmpf ogt, %get3A_3273, %select_n3A_3195 : vector<8x128xf32>
    %select_n3A_3275 = arith.select %gt3A_3274, %get3A_3273, %select_n3A_3195 : vector<8x128xi1>, vector<8x128xf32>
    %jit3A_3276 = arith.constant 413 : i32
    %broadcast_in_dim3A_3277 = vector.broadcast %jit3A_3276 : i32 to vector<8x128xi32>
    %select_n3A_3278 = arith.select %gt3A_3274, %broadcast_in_dim3A_3277, %select_n3A_3198 : vector<8x128xi1>, vector<8x128xi32>
    %get3A_3279 = arith.constant 3312 : index
    %get3A_3280 = arith.constant 0 : index
    %get3A_3281 = vector.load %arg1[%get3A_3279, %get3A_3280] : memref<4000x128xf32, #tpu.memory_space<vmem>>, vector<8x128xf32>
    %gt3A_3282 = arith.cmpf ogt, %get3A_3281, %select_n3A_3203 : vector<8x128xf32>
    %select_n3A_3283 = arith.select %gt3A_3282, %get3A_3281, %select_n3A_3203 : vector<8x128xi1>, vector<8x128xf32>
    %jit3A_3284 = arith.constant 414 : i32
    %broadcast_in_dim3A_3285 = vector.broadcast %jit3A_3284 : i32 to vector<8x128xi32>
    %select_n3A_3286 = arith.select %gt3A_3282, %broadcast_in_dim3A_3285, %select_n3A_3206 : vector<8x128xi1>, vector<8x128xi32>
    %get3A_3287 = arith.constant 3320 : index
    %get3A_3288 = arith.constant 0 : index
    %get3A_3289 = vector.load %arg1[%get3A_3287, %get3A_3288] : memref<4000x128xf32, #tpu.memory_space<vmem>>, vector<8x128xf32>
    %gt3A_3290 = arith.cmpf ogt, %get3A_3289, %select_n3A_3211 : vector<8x128xf32>
    %select_n3A_3291 = arith.select %gt3A_3290, %get3A_3289, %select_n3A_3211 : vector<8x128xi1>, vector<8x128xf32>
    %jit3A_3292 = arith.constant 415 : i32
    %broadcast_in_dim3A_3293 = vector.broadcast %jit3A_3292 : i32 to vector<8x128xi32>
    %select_n3A_3294 = arith.select %gt3A_3290, %broadcast_in_dim3A_3293, %select_n3A_3214 : vector<8x128xi1>, vector<8x128xi32>
    %get3A_3295 = arith.constant 3328 : index
    %get3A_3296 = arith.constant 0 : index
    %get3A_3297 = vector.load %arg1[%get3A_3295, %get3A_3296] : memref<4000x128xf32, #tpu.memory_space<vmem>>, vector<8x128xf32>
    %gt3A_3298 = arith.cmpf ogt, %get3A_3297, %select_n3A_3219 : vector<8x128xf32>
    %select_n3A_3299 = arith.select %gt3A_3298, %get3A_3297, %select_n3A_3219 : vector<8x128xi1>, vector<8x128xf32>
    %jit3A_3300 = arith.constant 416 : i32
    %broadcast_in_dim3A_3301 = vector.broadcast %jit3A_3300 : i32 to vector<8x128xi32>
    %select_n3A_3302 = arith.select %gt3A_3298, %broadcast_in_dim3A_3301, %select_n3A_3222 : vector<8x128xi1>, vector<8x128xi32>
    %get3A_3303 = arith.constant 3336 : index
    %get3A_3304 = arith.constant 0 : index
    %get3A_3305 = vector.load %arg1[%get3A_3303, %get3A_3304] : memref<4000x128xf32, #tpu.memory_space<vmem>>, vector<8x128xf32>
    %gt3A_3306 = arith.cmpf ogt, %get3A_3305, %select_n3A_3227 : vector<8x128xf32>
    %select_n3A_3307 = arith.select %gt3A_3306, %get3A_3305, %select_n3A_3227 : vector<8x128xi1>, vector<8x128xf32>
    %jit3A_3308 = arith.constant 417 : i32
    %broadcast_in_dim3A_3309 = vector.broadcast %jit3A_3308 : i32 to vector<8x128xi32>
    %select_n3A_3310 = arith.select %gt3A_3306, %broadcast_in_dim3A_3309, %select_n3A_3230 : vector<8x128xi1>, vector<8x128xi32>
    %get3A_3311 = arith.constant 3344 : index
    %get3A_3312 = arith.constant 0 : index
    %get3A_3313 = vector.load %arg1[%get3A_3311, %get3A_3312] : memref<4000x128xf32, #tpu.memory_space<vmem>>, vector<8x128xf32>
    %gt3A_3314 = arith.cmpf ogt, %get3A_3313, %select_n3A_3235 : vector<8x128xf32>
    %select_n3A_3315 = arith.select %gt3A_3314, %get3A_3313, %select_n3A_3235 : vector<8x128xi1>, vector<8x128xf32>
    %jit3A_3316 = arith.constant 418 : i32
    %broadcast_in_dim3A_3317 = vector.broadcast %jit3A_3316 : i32 to vector<8x128xi32>
    %select_n3A_3318 = arith.select %gt3A_3314, %broadcast_in_dim3A_3317, %select_n3A_3238 : vector<8x128xi1>, vector<8x128xi32>
    %get3A_3319 = arith.constant 3352 : index
    %get3A_3320 = arith.constant 0 : index
    %get3A_3321 = vector.load %arg1[%get3A_3319, %get3A_3320] : memref<4000x128xf32, #tpu.memory_space<vmem>>, vector<8x128xf32>
    %gt3A_3322 = arith.cmpf ogt, %get3A_3321, %select_n3A_3243 : vector<8x128xf32>
    %select_n3A_3323 = arith.select %gt3A_3322, %get3A_3321, %select_n3A_3243 : vector<8x128xi1>, vector<8x128xf32>
    %jit3A_3324 = arith.constant 419 : i32
    %broadcast_in_dim3A_3325 = vector.broadcast %jit3A_3324 : i32 to vector<8x128xi32>
    %select_n3A_3326 = arith.select %gt3A_3322, %broadcast_in_dim3A_3325, %select_n3A_3246 : vector<8x128xi1>, vector<8x128xi32>
    %get3A_3327 = arith.constant 3360 : index
    %get3A_3328 = arith.constant 0 : index
    %get3A_3329 = vector.load %arg1[%get3A_3327, %get3A_3328] : memref<4000x128xf32, #tpu.memory_space<vmem>>, vector<8x128xf32>
    %gt3A_3330 = arith.cmpf ogt, %get3A_3329, %select_n3A_3251 : vector<8x128xf32>
    %select_n3A_3331 = arith.select %gt3A_3330, %get3A_3329, %select_n3A_3251 : vector<8x128xi1>, vector<8x128xf32>
    %jit3A_3332 = arith.constant 420 : i32
    %broadcast_in_dim3A_3333 = vector.broadcast %jit3A_3332 : i32 to vector<8x128xi32>
    %select_n3A_3334 = arith.select %gt3A_3330, %broadcast_in_dim3A_3333, %select_n3A_3254 : vector<8x128xi1>, vector<8x128xi32>
    %get3A_3335 = arith.constant 3368 : index
    %get3A_3336 = arith.constant 0 : index
    %get3A_3337 = vector.load %arg1[%get3A_3335, %get3A_3336] : memref<4000x128xf32, #tpu.memory_space<vmem>>, vector<8x128xf32>
    %gt3A_3338 = arith.cmpf ogt, %get3A_3337, %select_n3A_3259 : vector<8x128xf32>
    %select_n3A_3339 = arith.select %gt3A_3338, %get3A_3337, %select_n3A_3259 : vector<8x128xi1>, vector<8x128xf32>
    %jit3A_3340 = arith.constant 421 : i32
    %broadcast_in_dim3A_3341 = vector.broadcast %jit3A_3340 : i32 to vector<8x128xi32>
    %select_n3A_3342 = arith.select %gt3A_3338, %broadcast_in_dim3A_3341, %select_n3A_3262 : vector<8x128xi1>, vector<8x128xi32>
    %get3A_3343 = arith.constant 3376 : index
    %get3A_3344 = arith.constant 0 : index
    %get3A_3345 = vector.load %arg1[%get3A_3343, %get3A_3344] : memref<4000x128xf32, #tpu.memory_space<vmem>>, vector<8x128xf32>
    %gt3A_3346 = arith.cmpf ogt, %get3A_3345, %select_n3A_3267 : vector<8x128xf32>
    %select_n3A_3347 = arith.select %gt3A_3346, %get3A_3345, %select_n3A_3267 : vector<8x128xi1>, vector<8x128xf32>
    %jit3A_3348 = arith.constant 422 : i32
    %broadcast_in_dim3A_3349 = vector.broadcast %jit3A_3348 : i32 to vector<8x128xi32>
    %select_n3A_3350 = arith.select %gt3A_3346, %broadcast_in_dim3A_3349, %select_n3A_3270 : vector<8x128xi1>, vector<8x128xi32>
    %get3A_3351 = arith.constant 3384 : index
    %get3A_3352 = arith.constant 0 : index
    %get3A_3353 = vector.load %arg1[%get3A_3351, %get3A_3352] : memref<4000x128xf32, #tpu.memory_space<vmem>>, vector<8x128xf32>
    %gt3A_3354 = arith.cmpf ogt, %get3A_3353, %select_n3A_3275 : vector<8x128xf32>
    %select_n3A_3355 = arith.select %gt3A_3354, %get3A_3353, %select_n3A_3275 : vector<8x128xi1>, vector<8x128xf32>
    %jit3A_3356 = arith.constant 423 : i32
    %broadcast_in_dim3A_3357 = vector.broadcast %jit3A_3356 : i32 to vector<8x128xi32>
    %select_n3A_3358 = arith.select %gt3A_3354, %broadcast_in_dim3A_3357, %select_n3A_3278 : vector<8x128xi1>, vector<8x128xi32>
    %get3A_3359 = arith.constant 3392 : index
    %get3A_3360 = arith.constant 0 : index
    %get3A_3361 = vector.load %arg1[%get3A_3359, %get3A_3360] : memref<4000x128xf32, #tpu.memory_space<vmem>>, vector<8x128xf32>
    %gt3A_3362 = arith.cmpf ogt, %get3A_3361, %select_n3A_3283 : vector<8x128xf32>
    %select_n3A_3363 = arith.select %gt3A_3362, %get3A_3361, %select_n3A_3283 : vector<8x128xi1>, vector<8x128xf32>
    %jit3A_3364 = arith.constant 424 : i32
    %broadcast_in_dim3A_3365 = vector.broadcast %jit3A_3364 : i32 to vector<8x128xi32>
    %select_n3A_3366 = arith.select %gt3A_3362, %broadcast_in_dim3A_3365, %select_n3A_3286 : vector<8x128xi1>, vector<8x128xi32>
    %get3A_3367 = arith.constant 3400 : index
    %get3A_3368 = arith.constant 0 : index
    %get3A_3369 = vector.load %arg1[%get3A_3367, %get3A_3368] : memref<4000x128xf32, #tpu.memory_space<vmem>>, vector<8x128xf32>
    %gt3A_3370 = arith.cmpf ogt, %get3A_3369, %select_n3A_3291 : vector<8x128xf32>
    %select_n3A_3371 = arith.select %gt3A_3370, %get3A_3369, %select_n3A_3291 : vector<8x128xi1>, vector<8x128xf32>
    %jit3A_3372 = arith.constant 425 : i32
    %broadcast_in_dim3A_3373 = vector.broadcast %jit3A_3372 : i32 to vector<8x128xi32>
    %select_n3A_3374 = arith.select %gt3A_3370, %broadcast_in_dim3A_3373, %select_n3A_3294 : vector<8x128xi1>, vector<8x128xi32>
    %get3A_3375 = arith.constant 3408 : index
    %get3A_3376 = arith.constant 0 : index
    %get3A_3377 = vector.load %arg1[%get3A_3375, %get3A_3376] : memref<4000x128xf32, #tpu.memory_space<vmem>>, vector<8x128xf32>
    %gt3A_3378 = arith.cmpf ogt, %get3A_3377, %select_n3A_3299 : vector<8x128xf32>
    %select_n3A_3379 = arith.select %gt3A_3378, %get3A_3377, %select_n3A_3299 : vector<8x128xi1>, vector<8x128xf32>
    %jit3A_3380 = arith.constant 426 : i32
    %broadcast_in_dim3A_3381 = vector.broadcast %jit3A_3380 : i32 to vector<8x128xi32>
    %select_n3A_3382 = arith.select %gt3A_3378, %broadcast_in_dim3A_3381, %select_n3A_3302 : vector<8x128xi1>, vector<8x128xi32>
    %get3A_3383 = arith.constant 3416 : index
    %get3A_3384 = arith.constant 0 : index
    %get3A_3385 = vector.load %arg1[%get3A_3383, %get3A_3384] : memref<4000x128xf32, #tpu.memory_space<vmem>>, vector<8x128xf32>
    %gt3A_3386 = arith.cmpf ogt, %get3A_3385, %select_n3A_3307 : vector<8x128xf32>
    %select_n3A_3387 = arith.select %gt3A_3386, %get3A_3385, %select_n3A_3307 : vector<8x128xi1>, vector<8x128xf32>
    %jit3A_3388 = arith.constant 427 : i32
    %broadcast_in_dim3A_3389 = vector.broadcast %jit3A_3388 : i32 to vector<8x128xi32>
    %select_n3A_3390 = arith.select %gt3A_3386, %broadcast_in_dim3A_3389, %select_n3A_3310 : vector<8x128xi1>, vector<8x128xi32>
    %get3A_3391 = arith.constant 3424 : index
    %get3A_3392 = arith.constant 0 : index
    %get3A_3393 = vector.load %arg1[%get3A_3391, %get3A_3392] : memref<4000x128xf32, #tpu.memory_space<vmem>>, vector<8x128xf32>
    %gt3A_3394 = arith.cmpf ogt, %get3A_3393, %select_n3A_3315 : vector<8x128xf32>
    %select_n3A_3395 = arith.select %gt3A_3394, %get3A_3393, %select_n3A_3315 : vector<8x128xi1>, vector<8x128xf32>
    %jit3A_3396 = arith.constant 428 : i32
    %broadcast_in_dim3A_3397 = vector.broadcast %jit3A_3396 : i32 to vector<8x128xi32>
    %select_n3A_3398 = arith.select %gt3A_3394, %broadcast_in_dim3A_3397, %select_n3A_3318 : vector<8x128xi1>, vector<8x128xi32>
    %get3A_3399 = arith.constant 3432 : index
    %get3A_3400 = arith.constant 0 : index
    %get3A_3401 = vector.load %arg1[%get3A_3399, %get3A_3400] : memref<4000x128xf32, #tpu.memory_space<vmem>>, vector<8x128xf32>
    %gt3A_3402 = arith.cmpf ogt, %get3A_3401, %select_n3A_3323 : vector<8x128xf32>
    %select_n3A_3403 = arith.select %gt3A_3402, %get3A_3401, %select_n3A_3323 : vector<8x128xi1>, vector<8x128xf32>
    %jit3A_3404 = arith.constant 429 : i32
    %broadcast_in_dim3A_3405 = vector.broadcast %jit3A_3404 : i32 to vector<8x128xi32>
    %select_n3A_3406 = arith.select %gt3A_3402, %broadcast_in_dim3A_3405, %select_n3A_3326 : vector<8x128xi1>, vector<8x128xi32>
    %get3A_3407 = arith.constant 3440 : index
    %get3A_3408 = arith.constant 0 : index
    %get3A_3409 = vector.load %arg1[%get3A_3407, %get3A_3408] : memref<4000x128xf32, #tpu.memory_space<vmem>>, vector<8x128xf32>
    %gt3A_3410 = arith.cmpf ogt, %get3A_3409, %select_n3A_3331 : vector<8x128xf32>
    %select_n3A_3411 = arith.select %gt3A_3410, %get3A_3409, %select_n3A_3331 : vector<8x128xi1>, vector<8x128xf32>
    %jit3A_3412 = arith.constant 430 : i32
    %broadcast_in_dim3A_3413 = vector.broadcast %jit3A_3412 : i32 to vector<8x128xi32>
    %select_n3A_3414 = arith.select %gt3A_3410, %broadcast_in_dim3A_3413, %select_n3A_3334 : vector<8x128xi1>, vector<8x128xi32>
    %get3A_3415 = arith.constant 3448 : index
    %get3A_3416 = arith.constant 0 : index
    %get3A_3417 = vector.load %arg1[%get3A_3415, %get3A_3416] : memref<4000x128xf32, #tpu.memory_space<vmem>>, vector<8x128xf32>
    %gt3A_3418 = arith.cmpf ogt, %get3A_3417, %select_n3A_3339 : vector<8x128xf32>
    %select_n3A_3419 = arith.select %gt3A_3418, %get3A_3417, %select_n3A_3339 : vector<8x128xi1>, vector<8x128xf32>
    %jit3A_3420 = arith.constant 431 : i32
    %broadcast_in_dim3A_3421 = vector.broadcast %jit3A_3420 : i32 to vector<8x128xi32>
    %select_n3A_3422 = arith.select %gt3A_3418, %broadcast_in_dim3A_3421, %select_n3A_3342 : vector<8x128xi1>, vector<8x128xi32>
    %get3A_3423 = arith.constant 3456 : index
    %get3A_3424 = arith.constant 0 : index
    %get3A_3425 = vector.load %arg1[%get3A_3423, %get3A_3424] : memref<4000x128xf32, #tpu.memory_space<vmem>>, vector<8x128xf32>
    %gt3A_3426 = arith.cmpf ogt, %get3A_3425, %select_n3A_3347 : vector<8x128xf32>
    %select_n3A_3427 = arith.select %gt3A_3426, %get3A_3425, %select_n3A_3347 : vector<8x128xi1>, vector<8x128xf32>
    %jit3A_3428 = arith.constant 432 : i32
    %broadcast_in_dim3A_3429 = vector.broadcast %jit3A_3428 : i32 to vector<8x128xi32>
    %select_n3A_3430 = arith.select %gt3A_3426, %broadcast_in_dim3A_3429, %select_n3A_3350 : vector<8x128xi1>, vector<8x128xi32>
    %get3A_3431 = arith.constant 3464 : index
    %get3A_3432 = arith.constant 0 : index
    %get3A_3433 = vector.load %arg1[%get3A_3431, %get3A_3432] : memref<4000x128xf32, #tpu.memory_space<vmem>>, vector<8x128xf32>
    %gt3A_3434 = arith.cmpf ogt, %get3A_3433, %select_n3A_3355 : vector<8x128xf32>
    %select_n3A_3435 = arith.select %gt3A_3434, %get3A_3433, %select_n3A_3355 : vector<8x128xi1>, vector<8x128xf32>
    %jit3A_3436 = arith.constant 433 : i32
    %broadcast_in_dim3A_3437 = vector.broadcast %jit3A_3436 : i32 to vector<8x128xi32>
    %select_n3A_3438 = arith.select %gt3A_3434, %broadcast_in_dim3A_3437, %select_n3A_3358 : vector<8x128xi1>, vector<8x128xi32>
    %get3A_3439 = arith.constant 3472 : index
    %get3A_3440 = arith.constant 0 : index
    %get3A_3441 = vector.load %arg1[%get3A_3439, %get3A_3440] : memref<4000x128xf32, #tpu.memory_space<vmem>>, vector<8x128xf32>
    %gt3A_3442 = arith.cmpf ogt, %get3A_3441, %select_n3A_3363 : vector<8x128xf32>
    %select_n3A_3443 = arith.select %gt3A_3442, %get3A_3441, %select_n3A_3363 : vector<8x128xi1>, vector<8x128xf32>
    %jit3A_3444 = arith.constant 434 : i32
    %broadcast_in_dim3A_3445 = vector.broadcast %jit3A_3444 : i32 to vector<8x128xi32>
    %select_n3A_3446 = arith.select %gt3A_3442, %broadcast_in_dim3A_3445, %select_n3A_3366 : vector<8x128xi1>, vector<8x128xi32>
    %get3A_3447 = arith.constant 3480 : index
    %get3A_3448 = arith.constant 0 : index
    %get3A_3449 = vector.load %arg1[%get3A_3447, %get3A_3448] : memref<4000x128xf32, #tpu.memory_space<vmem>>, vector<8x128xf32>
    %gt3A_3450 = arith.cmpf ogt, %get3A_3449, %select_n3A_3371 : vector<8x128xf32>
    %select_n3A_3451 = arith.select %gt3A_3450, %get3A_3449, %select_n3A_3371 : vector<8x128xi1>, vector<8x128xf32>
    %jit3A_3452 = arith.constant 435 : i32
    %broadcast_in_dim3A_3453 = vector.broadcast %jit3A_3452 : i32 to vector<8x128xi32>
    %select_n3A_3454 = arith.select %gt3A_3450, %broadcast_in_dim3A_3453, %select_n3A_3374 : vector<8x128xi1>, vector<8x128xi32>
    %get3A_3455 = arith.constant 3488 : index
    %get3A_3456 = arith.constant 0 : index
    %get3A_3457 = vector.load %arg1[%get3A_3455, %get3A_3456] : memref<4000x128xf32, #tpu.memory_space<vmem>>, vector<8x128xf32>
    %gt3A_3458 = arith.cmpf ogt, %get3A_3457, %select_n3A_3379 : vector<8x128xf32>
    %select_n3A_3459 = arith.select %gt3A_3458, %get3A_3457, %select_n3A_3379 : vector<8x128xi1>, vector<8x128xf32>
    %jit3A_3460 = arith.constant 436 : i32
    %broadcast_in_dim3A_3461 = vector.broadcast %jit3A_3460 : i32 to vector<8x128xi32>
    %select_n3A_3462 = arith.select %gt3A_3458, %broadcast_in_dim3A_3461, %select_n3A_3382 : vector<8x128xi1>, vector<8x128xi32>
    %get3A_3463 = arith.constant 3496 : index
    %get3A_3464 = arith.constant 0 : index
    %get3A_3465 = vector.load %arg1[%get3A_3463, %get3A_3464] : memref<4000x128xf32, #tpu.memory_space<vmem>>, vector<8x128xf32>
    %gt3A_3466 = arith.cmpf ogt, %get3A_3465, %select_n3A_3387 : vector<8x128xf32>
    %select_n3A_3467 = arith.select %gt3A_3466, %get3A_3465, %select_n3A_3387 : vector<8x128xi1>, vector<8x128xf32>
    %jit3A_3468 = arith.constant 437 : i32
    %broadcast_in_dim3A_3469 = vector.broadcast %jit3A_3468 : i32 to vector<8x128xi32>
    %select_n3A_3470 = arith.select %gt3A_3466, %broadcast_in_dim3A_3469, %select_n3A_3390 : vector<8x128xi1>, vector<8x128xi32>
    %get3A_3471 = arith.constant 3504 : index
    %get3A_3472 = arith.constant 0 : index
    %get3A_3473 = vector.load %arg1[%get3A_3471, %get3A_3472] : memref<4000x128xf32, #tpu.memory_space<vmem>>, vector<8x128xf32>
    %gt3A_3474 = arith.cmpf ogt, %get3A_3473, %select_n3A_3395 : vector<8x128xf32>
    %select_n3A_3475 = arith.select %gt3A_3474, %get3A_3473, %select_n3A_3395 : vector<8x128xi1>, vector<8x128xf32>
    %jit3A_3476 = arith.constant 438 : i32
    %broadcast_in_dim3A_3477 = vector.broadcast %jit3A_3476 : i32 to vector<8x128xi32>
    %select_n3A_3478 = arith.select %gt3A_3474, %broadcast_in_dim3A_3477, %select_n3A_3398 : vector<8x128xi1>, vector<8x128xi32>
    %get3A_3479 = arith.constant 3512 : index
    %get3A_3480 = arith.constant 0 : index
    %get3A_3481 = vector.load %arg1[%get3A_3479, %get3A_3480] : memref<4000x128xf32, #tpu.memory_space<vmem>>, vector<8x128xf32>
    %gt3A_3482 = arith.cmpf ogt, %get3A_3481, %select_n3A_3403 : vector<8x128xf32>
    %select_n3A_3483 = arith.select %gt3A_3482, %get3A_3481, %select_n3A_3403 : vector<8x128xi1>, vector<8x128xf32>
    %jit3A_3484 = arith.constant 439 : i32
    %broadcast_in_dim3A_3485 = vector.broadcast %jit3A_3484 : i32 to vector<8x128xi32>
    %select_n3A_3486 = arith.select %gt3A_3482, %broadcast_in_dim3A_3485, %select_n3A_3406 : vector<8x128xi1>, vector<8x128xi32>
    %get3A_3487 = arith.constant 3520 : index
    %get3A_3488 = arith.constant 0 : index
    %get3A_3489 = vector.load %arg1[%get3A_3487, %get3A_3488] : memref<4000x128xf32, #tpu.memory_space<vmem>>, vector<8x128xf32>
    %gt3A_3490 = arith.cmpf ogt, %get3A_3489, %select_n3A_3411 : vector<8x128xf32>
    %select_n3A_3491 = arith.select %gt3A_3490, %get3A_3489, %select_n3A_3411 : vector<8x128xi1>, vector<8x128xf32>
    %jit3A_3492 = arith.constant 440 : i32
    %broadcast_in_dim3A_3493 = vector.broadcast %jit3A_3492 : i32 to vector<8x128xi32>
    %select_n3A_3494 = arith.select %gt3A_3490, %broadcast_in_dim3A_3493, %select_n3A_3414 : vector<8x128xi1>, vector<8x128xi32>
    %get3A_3495 = arith.constant 3528 : index
    %get3A_3496 = arith.constant 0 : index
    %get3A_3497 = vector.load %arg1[%get3A_3495, %get3A_3496] : memref<4000x128xf32, #tpu.memory_space<vmem>>, vector<8x128xf32>
    %gt3A_3498 = arith.cmpf ogt, %get3A_3497, %select_n3A_3419 : vector<8x128xf32>
    %select_n3A_3499 = arith.select %gt3A_3498, %get3A_3497, %select_n3A_3419 : vector<8x128xi1>, vector<8x128xf32>
    %jit3A_3500 = arith.constant 441 : i32
    %broadcast_in_dim3A_3501 = vector.broadcast %jit3A_3500 : i32 to vector<8x128xi32>
    %select_n3A_3502 = arith.select %gt3A_3498, %broadcast_in_dim3A_3501, %select_n3A_3422 : vector<8x128xi1>, vector<8x128xi32>
    %get3A_3503 = arith.constant 3536 : index
    %get3A_3504 = arith.constant 0 : index
    %get3A_3505 = vector.load %arg1[%get3A_3503, %get3A_3504] : memref<4000x128xf32, #tpu.memory_space<vmem>>, vector<8x128xf32>
    %gt3A_3506 = arith.cmpf ogt, %get3A_3505, %select_n3A_3427 : vector<8x128xf32>
    %select_n3A_3507 = arith.select %gt3A_3506, %get3A_3505, %select_n3A_3427 : vector<8x128xi1>, vector<8x128xf32>
    %jit3A_3508 = arith.constant 442 : i32
    %broadcast_in_dim3A_3509 = vector.broadcast %jit3A_3508 : i32 to vector<8x128xi32>
    %select_n3A_3510 = arith.select %gt3A_3506, %broadcast_in_dim3A_3509, %select_n3A_3430 : vector<8x128xi1>, vector<8x128xi32>
    %get3A_3511 = arith.constant 3544 : index
    %get3A_3512 = arith.constant 0 : index
    %get3A_3513 = vector.load %arg1[%get3A_3511, %get3A_3512] : memref<4000x128xf32, #tpu.memory_space<vmem>>, vector<8x128xf32>
    %gt3A_3514 = arith.cmpf ogt, %get3A_3513, %select_n3A_3435 : vector<8x128xf32>
    %select_n3A_3515 = arith.select %gt3A_3514, %get3A_3513, %select_n3A_3435 : vector<8x128xi1>, vector<8x128xf32>
    %jit3A_3516 = arith.constant 443 : i32
    %broadcast_in_dim3A_3517 = vector.broadcast %jit3A_3516 : i32 to vector<8x128xi32>
    %select_n3A_3518 = arith.select %gt3A_3514, %broadcast_in_dim3A_3517, %select_n3A_3438 : vector<8x128xi1>, vector<8x128xi32>
    %get3A_3519 = arith.constant 3552 : index
    %get3A_3520 = arith.constant 0 : index
    %get3A_3521 = vector.load %arg1[%get3A_3519, %get3A_3520] : memref<4000x128xf32, #tpu.memory_space<vmem>>, vector<8x128xf32>
    %gt3A_3522 = arith.cmpf ogt, %get3A_3521, %select_n3A_3443 : vector<8x128xf32>
    %select_n3A_3523 = arith.select %gt3A_3522, %get3A_3521, %select_n3A_3443 : vector<8x128xi1>, vector<8x128xf32>
    %jit3A_3524 = arith.constant 444 : i32
    %broadcast_in_dim3A_3525 = vector.broadcast %jit3A_3524 : i32 to vector<8x128xi32>
    %select_n3A_3526 = arith.select %gt3A_3522, %broadcast_in_dim3A_3525, %select_n3A_3446 : vector<8x128xi1>, vector<8x128xi32>
    %get3A_3527 = arith.constant 3560 : index
    %get3A_3528 = arith.constant 0 : index
    %get3A_3529 = vector.load %arg1[%get3A_3527, %get3A_3528] : memref<4000x128xf32, #tpu.memory_space<vmem>>, vector<8x128xf32>
    %gt3A_3530 = arith.cmpf ogt, %get3A_3529, %select_n3A_3451 : vector<8x128xf32>
    %select_n3A_3531 = arith.select %gt3A_3530, %get3A_3529, %select_n3A_3451 : vector<8x128xi1>, vector<8x128xf32>
    %jit3A_3532 = arith.constant 445 : i32
    %broadcast_in_dim3A_3533 = vector.broadcast %jit3A_3532 : i32 to vector<8x128xi32>
    %select_n3A_3534 = arith.select %gt3A_3530, %broadcast_in_dim3A_3533, %select_n3A_3454 : vector<8x128xi1>, vector<8x128xi32>
    %get3A_3535 = arith.constant 3568 : index
    %get3A_3536 = arith.constant 0 : index
    %get3A_3537 = vector.load %arg1[%get3A_3535, %get3A_3536] : memref<4000x128xf32, #tpu.memory_space<vmem>>, vector<8x128xf32>
    %gt3A_3538 = arith.cmpf ogt, %get3A_3537, %select_n3A_3459 : vector<8x128xf32>
    %select_n3A_3539 = arith.select %gt3A_3538, %get3A_3537, %select_n3A_3459 : vector<8x128xi1>, vector<8x128xf32>
    %jit3A_3540 = arith.constant 446 : i32
    %broadcast_in_dim3A_3541 = vector.broadcast %jit3A_3540 : i32 to vector<8x128xi32>
    %select_n3A_3542 = arith.select %gt3A_3538, %broadcast_in_dim3A_3541, %select_n3A_3462 : vector<8x128xi1>, vector<8x128xi32>
    %get3A_3543 = arith.constant 3576 : index
    %get3A_3544 = arith.constant 0 : index
    %get3A_3545 = vector.load %arg1[%get3A_3543, %get3A_3544] : memref<4000x128xf32, #tpu.memory_space<vmem>>, vector<8x128xf32>
    %gt3A_3546 = arith.cmpf ogt, %get3A_3545, %select_n3A_3467 : vector<8x128xf32>
    %select_n3A_3547 = arith.select %gt3A_3546, %get3A_3545, %select_n3A_3467 : vector<8x128xi1>, vector<8x128xf32>
    %jit3A_3548 = arith.constant 447 : i32
    %broadcast_in_dim3A_3549 = vector.broadcast %jit3A_3548 : i32 to vector<8x128xi32>
    %select_n3A_3550 = arith.select %gt3A_3546, %broadcast_in_dim3A_3549, %select_n3A_3470 : vector<8x128xi1>, vector<8x128xi32>
    %get3A_3551 = arith.constant 3584 : index
    %get3A_3552 = arith.constant 0 : index
    %get3A_3553 = vector.load %arg1[%get3A_3551, %get3A_3552] : memref<4000x128xf32, #tpu.memory_space<vmem>>, vector<8x128xf32>
    %gt3A_3554 = arith.cmpf ogt, %get3A_3553, %select_n3A_3475 : vector<8x128xf32>
    %select_n3A_3555 = arith.select %gt3A_3554, %get3A_3553, %select_n3A_3475 : vector<8x128xi1>, vector<8x128xf32>
    %jit3A_3556 = arith.constant 448 : i32
    %broadcast_in_dim3A_3557 = vector.broadcast %jit3A_3556 : i32 to vector<8x128xi32>
    %select_n3A_3558 = arith.select %gt3A_3554, %broadcast_in_dim3A_3557, %select_n3A_3478 : vector<8x128xi1>, vector<8x128xi32>
    %get3A_3559 = arith.constant 3592 : index
    %get3A_3560 = arith.constant 0 : index
    %get3A_3561 = vector.load %arg1[%get3A_3559, %get3A_3560] : memref<4000x128xf32, #tpu.memory_space<vmem>>, vector<8x128xf32>
    %gt3A_3562 = arith.cmpf ogt, %get3A_3561, %select_n3A_3483 : vector<8x128xf32>
    %select_n3A_3563 = arith.select %gt3A_3562, %get3A_3561, %select_n3A_3483 : vector<8x128xi1>, vector<8x128xf32>
    %jit3A_3564 = arith.constant 449 : i32
    %broadcast_in_dim3A_3565 = vector.broadcast %jit3A_3564 : i32 to vector<8x128xi32>
    %select_n3A_3566 = arith.select %gt3A_3562, %broadcast_in_dim3A_3565, %select_n3A_3486 : vector<8x128xi1>, vector<8x128xi32>
    %get3A_3567 = arith.constant 3600 : index
    %get3A_3568 = arith.constant 0 : index
    %get3A_3569 = vector.load %arg1[%get3A_3567, %get3A_3568] : memref<4000x128xf32, #tpu.memory_space<vmem>>, vector<8x128xf32>
    %gt3A_3570 = arith.cmpf ogt, %get3A_3569, %select_n3A_3491 : vector<8x128xf32>
    %select_n3A_3571 = arith.select %gt3A_3570, %get3A_3569, %select_n3A_3491 : vector<8x128xi1>, vector<8x128xf32>
    %jit3A_3572 = arith.constant 450 : i32
    %broadcast_in_dim3A_3573 = vector.broadcast %jit3A_3572 : i32 to vector<8x128xi32>
    %select_n3A_3574 = arith.select %gt3A_3570, %broadcast_in_dim3A_3573, %select_n3A_3494 : vector<8x128xi1>, vector<8x128xi32>
    %get3A_3575 = arith.constant 3608 : index
    %get3A_3576 = arith.constant 0 : index
    %get3A_3577 = vector.load %arg1[%get3A_3575, %get3A_3576] : memref<4000x128xf32, #tpu.memory_space<vmem>>, vector<8x128xf32>
    %gt3A_3578 = arith.cmpf ogt, %get3A_3577, %select_n3A_3499 : vector<8x128xf32>
    %select_n3A_3579 = arith.select %gt3A_3578, %get3A_3577, %select_n3A_3499 : vector<8x128xi1>, vector<8x128xf32>
    %jit3A_3580 = arith.constant 451 : i32
    %broadcast_in_dim3A_3581 = vector.broadcast %jit3A_3580 : i32 to vector<8x128xi32>
    %select_n3A_3582 = arith.select %gt3A_3578, %broadcast_in_dim3A_3581, %select_n3A_3502 : vector<8x128xi1>, vector<8x128xi32>
    %get3A_3583 = arith.constant 3616 : index
    %get3A_3584 = arith.constant 0 : index
    %get3A_3585 = vector.load %arg1[%get3A_3583, %get3A_3584] : memref<4000x128xf32, #tpu.memory_space<vmem>>, vector<8x128xf32>
    %gt3A_3586 = arith.cmpf ogt, %get3A_3585, %select_n3A_3507 : vector<8x128xf32>
    %select_n3A_3587 = arith.select %gt3A_3586, %get3A_3585, %select_n3A_3507 : vector<8x128xi1>, vector<8x128xf32>
    %jit3A_3588 = arith.constant 452 : i32
    %broadcast_in_dim3A_3589 = vector.broadcast %jit3A_3588 : i32 to vector<8x128xi32>
    %select_n3A_3590 = arith.select %gt3A_3586, %broadcast_in_dim3A_3589, %select_n3A_3510 : vector<8x128xi1>, vector<8x128xi32>
    %get3A_3591 = arith.constant 3624 : index
    %get3A_3592 = arith.constant 0 : index
    %get3A_3593 = vector.load %arg1[%get3A_3591, %get3A_3592] : memref<4000x128xf32, #tpu.memory_space<vmem>>, vector<8x128xf32>
    %gt3A_3594 = arith.cmpf ogt, %get3A_3593, %select_n3A_3515 : vector<8x128xf32>
    %select_n3A_3595 = arith.select %gt3A_3594, %get3A_3593, %select_n3A_3515 : vector<8x128xi1>, vector<8x128xf32>
    %jit3A_3596 = arith.constant 453 : i32
    %broadcast_in_dim3A_3597 = vector.broadcast %jit3A_3596 : i32 to vector<8x128xi32>
    %select_n3A_3598 = arith.select %gt3A_3594, %broadcast_in_dim3A_3597, %select_n3A_3518 : vector<8x128xi1>, vector<8x128xi32>
    %get3A_3599 = arith.constant 3632 : index
    %get3A_3600 = arith.constant 0 : index
    %get3A_3601 = vector.load %arg1[%get3A_3599, %get3A_3600] : memref<4000x128xf32, #tpu.memory_space<vmem>>, vector<8x128xf32>
    %gt3A_3602 = arith.cmpf ogt, %get3A_3601, %select_n3A_3523 : vector<8x128xf32>
    %select_n3A_3603 = arith.select %gt3A_3602, %get3A_3601, %select_n3A_3523 : vector<8x128xi1>, vector<8x128xf32>
    %jit3A_3604 = arith.constant 454 : i32
    %broadcast_in_dim3A_3605 = vector.broadcast %jit3A_3604 : i32 to vector<8x128xi32>
    %select_n3A_3606 = arith.select %gt3A_3602, %broadcast_in_dim3A_3605, %select_n3A_3526 : vector<8x128xi1>, vector<8x128xi32>
    %get3A_3607 = arith.constant 3640 : index
    %get3A_3608 = arith.constant 0 : index
    %get3A_3609 = vector.load %arg1[%get3A_3607, %get3A_3608] : memref<4000x128xf32, #tpu.memory_space<vmem>>, vector<8x128xf32>
    %gt3A_3610 = arith.cmpf ogt, %get3A_3609, %select_n3A_3531 : vector<8x128xf32>
    %select_n3A_3611 = arith.select %gt3A_3610, %get3A_3609, %select_n3A_3531 : vector<8x128xi1>, vector<8x128xf32>
    %jit3A_3612 = arith.constant 455 : i32
    %broadcast_in_dim3A_3613 = vector.broadcast %jit3A_3612 : i32 to vector<8x128xi32>
    %select_n3A_3614 = arith.select %gt3A_3610, %broadcast_in_dim3A_3613, %select_n3A_3534 : vector<8x128xi1>, vector<8x128xi32>
    %get3A_3615 = arith.constant 3648 : index
    %get3A_3616 = arith.constant 0 : index
    %get3A_3617 = vector.load %arg1[%get3A_3615, %get3A_3616] : memref<4000x128xf32, #tpu.memory_space<vmem>>, vector<8x128xf32>
    %gt3A_3618 = arith.cmpf ogt, %get3A_3617, %select_n3A_3539 : vector<8x128xf32>
    %select_n3A_3619 = arith.select %gt3A_3618, %get3A_3617, %select_n3A_3539 : vector<8x128xi1>, vector<8x128xf32>
    %jit3A_3620 = arith.constant 456 : i32
    %broadcast_in_dim3A_3621 = vector.broadcast %jit3A_3620 : i32 to vector<8x128xi32>
    %select_n3A_3622 = arith.select %gt3A_3618, %broadcast_in_dim3A_3621, %select_n3A_3542 : vector<8x128xi1>, vector<8x128xi32>
    %get3A_3623 = arith.constant 3656 : index
    %get3A_3624 = arith.constant 0 : index
    %get3A_3625 = vector.load %arg1[%get3A_3623, %get3A_3624] : memref<4000x128xf32, #tpu.memory_space<vmem>>, vector<8x128xf32>
    %gt3A_3626 = arith.cmpf ogt, %get3A_3625, %select_n3A_3547 : vector<8x128xf32>
    %select_n3A_3627 = arith.select %gt3A_3626, %get3A_3625, %select_n3A_3547 : vector<8x128xi1>, vector<8x128xf32>
    %jit3A_3628 = arith.constant 457 : i32
    %broadcast_in_dim3A_3629 = vector.broadcast %jit3A_3628 : i32 to vector<8x128xi32>
    %select_n3A_3630 = arith.select %gt3A_3626, %broadcast_in_dim3A_3629, %select_n3A_3550 : vector<8x128xi1>, vector<8x128xi32>
    %get3A_3631 = arith.constant 3664 : index
    %get3A_3632 = arith.constant 0 : index
    %get3A_3633 = vector.load %arg1[%get3A_3631, %get3A_3632] : memref<4000x128xf32, #tpu.memory_space<vmem>>, vector<8x128xf32>
    %gt3A_3634 = arith.cmpf ogt, %get3A_3633, %select_n3A_3555 : vector<8x128xf32>
    %select_n3A_3635 = arith.select %gt3A_3634, %get3A_3633, %select_n3A_3555 : vector<8x128xi1>, vector<8x128xf32>
    %jit3A_3636 = arith.constant 458 : i32
    %broadcast_in_dim3A_3637 = vector.broadcast %jit3A_3636 : i32 to vector<8x128xi32>
    %select_n3A_3638 = arith.select %gt3A_3634, %broadcast_in_dim3A_3637, %select_n3A_3558 : vector<8x128xi1>, vector<8x128xi32>
    %get3A_3639 = arith.constant 3672 : index
    %get3A_3640 = arith.constant 0 : index
    %get3A_3641 = vector.load %arg1[%get3A_3639, %get3A_3640] : memref<4000x128xf32, #tpu.memory_space<vmem>>, vector<8x128xf32>
    %gt3A_3642 = arith.cmpf ogt, %get3A_3641, %select_n3A_3563 : vector<8x128xf32>
    %select_n3A_3643 = arith.select %gt3A_3642, %get3A_3641, %select_n3A_3563 : vector<8x128xi1>, vector<8x128xf32>
    %jit3A_3644 = arith.constant 459 : i32
    %broadcast_in_dim3A_3645 = vector.broadcast %jit3A_3644 : i32 to vector<8x128xi32>
    %select_n3A_3646 = arith.select %gt3A_3642, %broadcast_in_dim3A_3645, %select_n3A_3566 : vector<8x128xi1>, vector<8x128xi32>
    %get3A_3647 = arith.constant 3680 : index
    %get3A_3648 = arith.constant 0 : index
    %get3A_3649 = vector.load %arg1[%get3A_3647, %get3A_3648] : memref<4000x128xf32, #tpu.memory_space<vmem>>, vector<8x128xf32>
    %gt3A_3650 = arith.cmpf ogt, %get3A_3649, %select_n3A_3571 : vector<8x128xf32>
    %select_n3A_3651 = arith.select %gt3A_3650, %get3A_3649, %select_n3A_3571 : vector<8x128xi1>, vector<8x128xf32>
    %jit3A_3652 = arith.constant 460 : i32
    %broadcast_in_dim3A_3653 = vector.broadcast %jit3A_3652 : i32 to vector<8x128xi32>
    %select_n3A_3654 = arith.select %gt3A_3650, %broadcast_in_dim3A_3653, %select_n3A_3574 : vector<8x128xi1>, vector<8x128xi32>
    %get3A_3655 = arith.constant 3688 : index
    %get3A_3656 = arith.constant 0 : index
    %get3A_3657 = vector.load %arg1[%get3A_3655, %get3A_3656] : memref<4000x128xf32, #tpu.memory_space<vmem>>, vector<8x128xf32>
    %gt3A_3658 = arith.cmpf ogt, %get3A_3657, %select_n3A_3579 : vector<8x128xf32>
    %select_n3A_3659 = arith.select %gt3A_3658, %get3A_3657, %select_n3A_3579 : vector<8x128xi1>, vector<8x128xf32>
    %jit3A_3660 = arith.constant 461 : i32
    %broadcast_in_dim3A_3661 = vector.broadcast %jit3A_3660 : i32 to vector<8x128xi32>
    %select_n3A_3662 = arith.select %gt3A_3658, %broadcast_in_dim3A_3661, %select_n3A_3582 : vector<8x128xi1>, vector<8x128xi32>
    %get3A_3663 = arith.constant 3696 : index
    %get3A_3664 = arith.constant 0 : index
    %get3A_3665 = vector.load %arg1[%get3A_3663, %get3A_3664] : memref<4000x128xf32, #tpu.memory_space<vmem>>, vector<8x128xf32>
    %gt3A_3666 = arith.cmpf ogt, %get3A_3665, %select_n3A_3587 : vector<8x128xf32>
    %select_n3A_3667 = arith.select %gt3A_3666, %get3A_3665, %select_n3A_3587 : vector<8x128xi1>, vector<8x128xf32>
    %jit3A_3668 = arith.constant 462 : i32
    %broadcast_in_dim3A_3669 = vector.broadcast %jit3A_3668 : i32 to vector<8x128xi32>
    %select_n3A_3670 = arith.select %gt3A_3666, %broadcast_in_dim3A_3669, %select_n3A_3590 : vector<8x128xi1>, vector<8x128xi32>
    %get3A_3671 = arith.constant 3704 : index
    %get3A_3672 = arith.constant 0 : index
    %get3A_3673 = vector.load %arg1[%get3A_3671, %get3A_3672] : memref<4000x128xf32, #tpu.memory_space<vmem>>, vector<8x128xf32>
    %gt3A_3674 = arith.cmpf ogt, %get3A_3673, %select_n3A_3595 : vector<8x128xf32>
    %select_n3A_3675 = arith.select %gt3A_3674, %get3A_3673, %select_n3A_3595 : vector<8x128xi1>, vector<8x128xf32>
    %jit3A_3676 = arith.constant 463 : i32
    %broadcast_in_dim3A_3677 = vector.broadcast %jit3A_3676 : i32 to vector<8x128xi32>
    %select_n3A_3678 = arith.select %gt3A_3674, %broadcast_in_dim3A_3677, %select_n3A_3598 : vector<8x128xi1>, vector<8x128xi32>
    %get3A_3679 = arith.constant 3712 : index
    %get3A_3680 = arith.constant 0 : index
    %get3A_3681 = vector.load %arg1[%get3A_3679, %get3A_3680] : memref<4000x128xf32, #tpu.memory_space<vmem>>, vector<8x128xf32>
    %gt3A_3682 = arith.cmpf ogt, %get3A_3681, %select_n3A_3603 : vector<8x128xf32>
    %select_n3A_3683 = arith.select %gt3A_3682, %get3A_3681, %select_n3A_3603 : vector<8x128xi1>, vector<8x128xf32>
    %jit3A_3684 = arith.constant 464 : i32
    %broadcast_in_dim3A_3685 = vector.broadcast %jit3A_3684 : i32 to vector<8x128xi32>
    %select_n3A_3686 = arith.select %gt3A_3682, %broadcast_in_dim3A_3685, %select_n3A_3606 : vector<8x128xi1>, vector<8x128xi32>
    %get3A_3687 = arith.constant 3720 : index
    %get3A_3688 = arith.constant 0 : index
    %get3A_3689 = vector.load %arg1[%get3A_3687, %get3A_3688] : memref<4000x128xf32, #tpu.memory_space<vmem>>, vector<8x128xf32>
    %gt3A_3690 = arith.cmpf ogt, %get3A_3689, %select_n3A_3611 : vector<8x128xf32>
    %select_n3A_3691 = arith.select %gt3A_3690, %get3A_3689, %select_n3A_3611 : vector<8x128xi1>, vector<8x128xf32>
    %jit3A_3692 = arith.constant 465 : i32
    %broadcast_in_dim3A_3693 = vector.broadcast %jit3A_3692 : i32 to vector<8x128xi32>
    %select_n3A_3694 = arith.select %gt3A_3690, %broadcast_in_dim3A_3693, %select_n3A_3614 : vector<8x128xi1>, vector<8x128xi32>
    %get3A_3695 = arith.constant 3728 : index
    %get3A_3696 = arith.constant 0 : index
    %get3A_3697 = vector.load %arg1[%get3A_3695, %get3A_3696] : memref<4000x128xf32, #tpu.memory_space<vmem>>, vector<8x128xf32>
    %gt3A_3698 = arith.cmpf ogt, %get3A_3697, %select_n3A_3619 : vector<8x128xf32>
    %select_n3A_3699 = arith.select %gt3A_3698, %get3A_3697, %select_n3A_3619 : vector<8x128xi1>, vector<8x128xf32>
    %jit3A_3700 = arith.constant 466 : i32
    %broadcast_in_dim3A_3701 = vector.broadcast %jit3A_3700 : i32 to vector<8x128xi32>
    %select_n3A_3702 = arith.select %gt3A_3698, %broadcast_in_dim3A_3701, %select_n3A_3622 : vector<8x128xi1>, vector<8x128xi32>
    %get3A_3703 = arith.constant 3736 : index
    %get3A_3704 = arith.constant 0 : index
    %get3A_3705 = vector.load %arg1[%get3A_3703, %get3A_3704] : memref<4000x128xf32, #tpu.memory_space<vmem>>, vector<8x128xf32>
    %gt3A_3706 = arith.cmpf ogt, %get3A_3705, %select_n3A_3627 : vector<8x128xf32>
    %select_n3A_3707 = arith.select %gt3A_3706, %get3A_3705, %select_n3A_3627 : vector<8x128xi1>, vector<8x128xf32>
    %jit3A_3708 = arith.constant 467 : i32
    %broadcast_in_dim3A_3709 = vector.broadcast %jit3A_3708 : i32 to vector<8x128xi32>
    %select_n3A_3710 = arith.select %gt3A_3706, %broadcast_in_dim3A_3709, %select_n3A_3630 : vector<8x128xi1>, vector<8x128xi32>
    %get3A_3711 = arith.constant 3744 : index
    %get3A_3712 = arith.constant 0 : index
    %get3A_3713 = vector.load %arg1[%get3A_3711, %get3A_3712] : memref<4000x128xf32, #tpu.memory_space<vmem>>, vector<8x128xf32>
    %gt3A_3714 = arith.cmpf ogt, %get3A_3713, %select_n3A_3635 : vector<8x128xf32>
    %select_n3A_3715 = arith.select %gt3A_3714, %get3A_3713, %select_n3A_3635 : vector<8x128xi1>, vector<8x128xf32>
    %jit3A_3716 = arith.constant 468 : i32
    %broadcast_in_dim3A_3717 = vector.broadcast %jit3A_3716 : i32 to vector<8x128xi32>
    %select_n3A_3718 = arith.select %gt3A_3714, %broadcast_in_dim3A_3717, %select_n3A_3638 : vector<8x128xi1>, vector<8x128xi32>
    %get3A_3719 = arith.constant 3752 : index
    %get3A_3720 = arith.constant 0 : index
    %get3A_3721 = vector.load %arg1[%get3A_3719, %get3A_3720] : memref<4000x128xf32, #tpu.memory_space<vmem>>, vector<8x128xf32>
    %gt3A_3722 = arith.cmpf ogt, %get3A_3721, %select_n3A_3643 : vector<8x128xf32>
    %select_n3A_3723 = arith.select %gt3A_3722, %get3A_3721, %select_n3A_3643 : vector<8x128xi1>, vector<8x128xf32>
    %jit3A_3724 = arith.constant 469 : i32
    %broadcast_in_dim3A_3725 = vector.broadcast %jit3A_3724 : i32 to vector<8x128xi32>
    %select_n3A_3726 = arith.select %gt3A_3722, %broadcast_in_dim3A_3725, %select_n3A_3646 : vector<8x128xi1>, vector<8x128xi32>
    %get3A_3727 = arith.constant 3760 : index
    %get3A_3728 = arith.constant 0 : index
    %get3A_3729 = vector.load %arg1[%get3A_3727, %get3A_3728] : memref<4000x128xf32, #tpu.memory_space<vmem>>, vector<8x128xf32>
    %gt3A_3730 = arith.cmpf ogt, %get3A_3729, %select_n3A_3651 : vector<8x128xf32>
    %select_n3A_3731 = arith.select %gt3A_3730, %get3A_3729, %select_n3A_3651 : vector<8x128xi1>, vector<8x128xf32>
    %jit3A_3732 = arith.constant 470 : i32
    %broadcast_in_dim3A_3733 = vector.broadcast %jit3A_3732 : i32 to vector<8x128xi32>
    %select_n3A_3734 = arith.select %gt3A_3730, %broadcast_in_dim3A_3733, %select_n3A_3654 : vector<8x128xi1>, vector<8x128xi32>
    %get3A_3735 = arith.constant 3768 : index
    %get3A_3736 = arith.constant 0 : index
    %get3A_3737 = vector.load %arg1[%get3A_3735, %get3A_3736] : memref<4000x128xf32, #tpu.memory_space<vmem>>, vector<8x128xf32>
    %gt3A_3738 = arith.cmpf ogt, %get3A_3737, %select_n3A_3659 : vector<8x128xf32>
    %select_n3A_3739 = arith.select %gt3A_3738, %get3A_3737, %select_n3A_3659 : vector<8x128xi1>, vector<8x128xf32>
    %jit3A_3740 = arith.constant 471 : i32
    %broadcast_in_dim3A_3741 = vector.broadcast %jit3A_3740 : i32 to vector<8x128xi32>
    %select_n3A_3742 = arith.select %gt3A_3738, %broadcast_in_dim3A_3741, %select_n3A_3662 : vector<8x128xi1>, vector<8x128xi32>
    %get3A_3743 = arith.constant 3776 : index
    %get3A_3744 = arith.constant 0 : index
    %get3A_3745 = vector.load %arg1[%get3A_3743, %get3A_3744] : memref<4000x128xf32, #tpu.memory_space<vmem>>, vector<8x128xf32>
    %gt3A_3746 = arith.cmpf ogt, %get3A_3745, %select_n3A_3667 : vector<8x128xf32>
    %select_n3A_3747 = arith.select %gt3A_3746, %get3A_3745, %select_n3A_3667 : vector<8x128xi1>, vector<8x128xf32>
    %jit3A_3748 = arith.constant 472 : i32
    %broadcast_in_dim3A_3749 = vector.broadcast %jit3A_3748 : i32 to vector<8x128xi32>
    %select_n3A_3750 = arith.select %gt3A_3746, %broadcast_in_dim3A_3749, %select_n3A_3670 : vector<8x128xi1>, vector<8x128xi32>
    %get3A_3751 = arith.constant 3784 : index
    %get3A_3752 = arith.constant 0 : index
    %get3A_3753 = vector.load %arg1[%get3A_3751, %get3A_3752] : memref<4000x128xf32, #tpu.memory_space<vmem>>, vector<8x128xf32>
    %gt3A_3754 = arith.cmpf ogt, %get3A_3753, %select_n3A_3675 : vector<8x128xf32>
    %select_n3A_3755 = arith.select %gt3A_3754, %get3A_3753, %select_n3A_3675 : vector<8x128xi1>, vector<8x128xf32>
    %jit3A_3756 = arith.constant 473 : i32
    %broadcast_in_dim3A_3757 = vector.broadcast %jit3A_3756 : i32 to vector<8x128xi32>
    %select_n3A_3758 = arith.select %gt3A_3754, %broadcast_in_dim3A_3757, %select_n3A_3678 : vector<8x128xi1>, vector<8x128xi32>
    %get3A_3759 = arith.constant 3792 : index
    %get3A_3760 = arith.constant 0 : index
    %get3A_3761 = vector.load %arg1[%get3A_3759, %get3A_3760] : memref<4000x128xf32, #tpu.memory_space<vmem>>, vector<8x128xf32>
    %gt3A_3762 = arith.cmpf ogt, %get3A_3761, %select_n3A_3683 : vector<8x128xf32>
    %select_n3A_3763 = arith.select %gt3A_3762, %get3A_3761, %select_n3A_3683 : vector<8x128xi1>, vector<8x128xf32>
    %jit3A_3764 = arith.constant 474 : i32
    %broadcast_in_dim3A_3765 = vector.broadcast %jit3A_3764 : i32 to vector<8x128xi32>
    %select_n3A_3766 = arith.select %gt3A_3762, %broadcast_in_dim3A_3765, %select_n3A_3686 : vector<8x128xi1>, vector<8x128xi32>
    %get3A_3767 = arith.constant 3800 : index
    %get3A_3768 = arith.constant 0 : index
    %get3A_3769 = vector.load %arg1[%get3A_3767, %get3A_3768] : memref<4000x128xf32, #tpu.memory_space<vmem>>, vector<8x128xf32>
    %gt3A_3770 = arith.cmpf ogt, %get3A_3769, %select_n3A_3691 : vector<8x128xf32>
    %select_n3A_3771 = arith.select %gt3A_3770, %get3A_3769, %select_n3A_3691 : vector<8x128xi1>, vector<8x128xf32>
    %jit3A_3772 = arith.constant 475 : i32
    %broadcast_in_dim3A_3773 = vector.broadcast %jit3A_3772 : i32 to vector<8x128xi32>
    %select_n3A_3774 = arith.select %gt3A_3770, %broadcast_in_dim3A_3773, %select_n3A_3694 : vector<8x128xi1>, vector<8x128xi32>
    %get3A_3775 = arith.constant 3808 : index
    %get3A_3776 = arith.constant 0 : index
    %get3A_3777 = vector.load %arg1[%get3A_3775, %get3A_3776] : memref<4000x128xf32, #tpu.memory_space<vmem>>, vector<8x128xf32>
    %gt3A_3778 = arith.cmpf ogt, %get3A_3777, %select_n3A_3699 : vector<8x128xf32>
    %select_n3A_3779 = arith.select %gt3A_3778, %get3A_3777, %select_n3A_3699 : vector<8x128xi1>, vector<8x128xf32>
    %jit3A_3780 = arith.constant 476 : i32
    %broadcast_in_dim3A_3781 = vector.broadcast %jit3A_3780 : i32 to vector<8x128xi32>
    %select_n3A_3782 = arith.select %gt3A_3778, %broadcast_in_dim3A_3781, %select_n3A_3702 : vector<8x128xi1>, vector<8x128xi32>
    %get3A_3783 = arith.constant 3816 : index
    %get3A_3784 = arith.constant 0 : index
    %get3A_3785 = vector.load %arg1[%get3A_3783, %get3A_3784] : memref<4000x128xf32, #tpu.memory_space<vmem>>, vector<8x128xf32>
    %gt3A_3786 = arith.cmpf ogt, %get3A_3785, %select_n3A_3707 : vector<8x128xf32>
    %select_n3A_3787 = arith.select %gt3A_3786, %get3A_3785, %select_n3A_3707 : vector<8x128xi1>, vector<8x128xf32>
    %jit3A_3788 = arith.constant 477 : i32
    %broadcast_in_dim3A_3789 = vector.broadcast %jit3A_3788 : i32 to vector<8x128xi32>
    %select_n3A_3790 = arith.select %gt3A_3786, %broadcast_in_dim3A_3789, %select_n3A_3710 : vector<8x128xi1>, vector<8x128xi32>
    %get3A_3791 = arith.constant 3824 : index
    %get3A_3792 = arith.constant 0 : index
    %get3A_3793 = vector.load %arg1[%get3A_3791, %get3A_3792] : memref<4000x128xf32, #tpu.memory_space<vmem>>, vector<8x128xf32>
    %gt3A_3794 = arith.cmpf ogt, %get3A_3793, %select_n3A_3715 : vector<8x128xf32>
    %select_n3A_3795 = arith.select %gt3A_3794, %get3A_3793, %select_n3A_3715 : vector<8x128xi1>, vector<8x128xf32>
    %jit3A_3796 = arith.constant 478 : i32
    %broadcast_in_dim3A_3797 = vector.broadcast %jit3A_3796 : i32 to vector<8x128xi32>
    %select_n3A_3798 = arith.select %gt3A_3794, %broadcast_in_dim3A_3797, %select_n3A_3718 : vector<8x128xi1>, vector<8x128xi32>
    %get3A_3799 = arith.constant 3832 : index
    %get3A_3800 = arith.constant 0 : index
    %get3A_3801 = vector.load %arg1[%get3A_3799, %get3A_3800] : memref<4000x128xf32, #tpu.memory_space<vmem>>, vector<8x128xf32>
    %gt3A_3802 = arith.cmpf ogt, %get3A_3801, %select_n3A_3723 : vector<8x128xf32>
    %select_n3A_3803 = arith.select %gt3A_3802, %get3A_3801, %select_n3A_3723 : vector<8x128xi1>, vector<8x128xf32>
    %jit3A_3804 = arith.constant 479 : i32
    %broadcast_in_dim3A_3805 = vector.broadcast %jit3A_3804 : i32 to vector<8x128xi32>
    %select_n3A_3806 = arith.select %gt3A_3802, %broadcast_in_dim3A_3805, %select_n3A_3726 : vector<8x128xi1>, vector<8x128xi32>
    %get3A_3807 = arith.constant 3840 : index
    %get3A_3808 = arith.constant 0 : index
    %get3A_3809 = vector.load %arg1[%get3A_3807, %get3A_3808] : memref<4000x128xf32, #tpu.memory_space<vmem>>, vector<8x128xf32>
    %gt3A_3810 = arith.cmpf ogt, %get3A_3809, %select_n3A_3731 : vector<8x128xf32>
    %select_n3A_3811 = arith.select %gt3A_3810, %get3A_3809, %select_n3A_3731 : vector<8x128xi1>, vector<8x128xf32>
    %jit3A_3812 = arith.constant 480 : i32
    %broadcast_in_dim3A_3813 = vector.broadcast %jit3A_3812 : i32 to vector<8x128xi32>
    %select_n3A_3814 = arith.select %gt3A_3810, %broadcast_in_dim3A_3813, %select_n3A_3734 : vector<8x128xi1>, vector<8x128xi32>
    %get3A_3815 = arith.constant 3848 : index
    %get3A_3816 = arith.constant 0 : index
    %get3A_3817 = vector.load %arg1[%get3A_3815, %get3A_3816] : memref<4000x128xf32, #tpu.memory_space<vmem>>, vector<8x128xf32>
    %gt3A_3818 = arith.cmpf ogt, %get3A_3817, %select_n3A_3739 : vector<8x128xf32>
    %select_n3A_3819 = arith.select %gt3A_3818, %get3A_3817, %select_n3A_3739 : vector<8x128xi1>, vector<8x128xf32>
    %jit3A_3820 = arith.constant 481 : i32
    %broadcast_in_dim3A_3821 = vector.broadcast %jit3A_3820 : i32 to vector<8x128xi32>
    %select_n3A_3822 = arith.select %gt3A_3818, %broadcast_in_dim3A_3821, %select_n3A_3742 : vector<8x128xi1>, vector<8x128xi32>
    %get3A_3823 = arith.constant 3856 : index
    %get3A_3824 = arith.constant 0 : index
    %get3A_3825 = vector.load %arg1[%get3A_3823, %get3A_3824] : memref<4000x128xf32, #tpu.memory_space<vmem>>, vector<8x128xf32>
    %gt3A_3826 = arith.cmpf ogt, %get3A_3825, %select_n3A_3747 : vector<8x128xf32>
    %select_n3A_3827 = arith.select %gt3A_3826, %get3A_3825, %select_n3A_3747 : vector<8x128xi1>, vector<8x128xf32>
    %jit3A_3828 = arith.constant 482 : i32
    %broadcast_in_dim3A_3829 = vector.broadcast %jit3A_3828 : i32 to vector<8x128xi32>
    %select_n3A_3830 = arith.select %gt3A_3826, %broadcast_in_dim3A_3829, %select_n3A_3750 : vector<8x128xi1>, vector<8x128xi32>
    %get3A_3831 = arith.constant 3864 : index
    %get3A_3832 = arith.constant 0 : index
    %get3A_3833 = vector.load %arg1[%get3A_3831, %get3A_3832] : memref<4000x128xf32, #tpu.memory_space<vmem>>, vector<8x128xf32>
    %gt3A_3834 = arith.cmpf ogt, %get3A_3833, %select_n3A_3755 : vector<8x128xf32>
    %select_n3A_3835 = arith.select %gt3A_3834, %get3A_3833, %select_n3A_3755 : vector<8x128xi1>, vector<8x128xf32>
    %jit3A_3836 = arith.constant 483 : i32
    %broadcast_in_dim3A_3837 = vector.broadcast %jit3A_3836 : i32 to vector<8x128xi32>
    %select_n3A_3838 = arith.select %gt3A_3834, %broadcast_in_dim3A_3837, %select_n3A_3758 : vector<8x128xi1>, vector<8x128xi32>
    %get3A_3839 = arith.constant 3872 : index
    %get3A_3840 = arith.constant 0 : index
    %get3A_3841 = vector.load %arg1[%get3A_3839, %get3A_3840] : memref<4000x128xf32, #tpu.memory_space<vmem>>, vector<8x128xf32>
    %gt3A_3842 = arith.cmpf ogt, %get3A_3841, %select_n3A_3763 : vector<8x128xf32>
    %select_n3A_3843 = arith.select %gt3A_3842, %get3A_3841, %select_n3A_3763 : vector<8x128xi1>, vector<8x128xf32>
    %jit3A_3844 = arith.constant 484 : i32
    %broadcast_in_dim3A_3845 = vector.broadcast %jit3A_3844 : i32 to vector<8x128xi32>
    %select_n3A_3846 = arith.select %gt3A_3842, %broadcast_in_dim3A_3845, %select_n3A_3766 : vector<8x128xi1>, vector<8x128xi32>
    %get3A_3847 = arith.constant 3880 : index
    %get3A_3848 = arith.constant 0 : index
    %get3A_3849 = vector.load %arg1[%get3A_3847, %get3A_3848] : memref<4000x128xf32, #tpu.memory_space<vmem>>, vector<8x128xf32>
    %gt3A_3850 = arith.cmpf ogt, %get3A_3849, %select_n3A_3771 : vector<8x128xf32>
    %select_n3A_3851 = arith.select %gt3A_3850, %get3A_3849, %select_n3A_3771 : vector<8x128xi1>, vector<8x128xf32>
    %jit3A_3852 = arith.constant 485 : i32
    %broadcast_in_dim3A_3853 = vector.broadcast %jit3A_3852 : i32 to vector<8x128xi32>
    %select_n3A_3854 = arith.select %gt3A_3850, %broadcast_in_dim3A_3853, %select_n3A_3774 : vector<8x128xi1>, vector<8x128xi32>
    %get3A_3855 = arith.constant 3888 : index
    %get3A_3856 = arith.constant 0 : index
    %get3A_3857 = vector.load %arg1[%get3A_3855, %get3A_3856] : memref<4000x128xf32, #tpu.memory_space<vmem>>, vector<8x128xf32>
    %gt3A_3858 = arith.cmpf ogt, %get3A_3857, %select_n3A_3779 : vector<8x128xf32>
    %select_n3A_3859 = arith.select %gt3A_3858, %get3A_3857, %select_n3A_3779 : vector<8x128xi1>, vector<8x128xf32>
    %jit3A_3860 = arith.constant 486 : i32
    %broadcast_in_dim3A_3861 = vector.broadcast %jit3A_3860 : i32 to vector<8x128xi32>
    %select_n3A_3862 = arith.select %gt3A_3858, %broadcast_in_dim3A_3861, %select_n3A_3782 : vector<8x128xi1>, vector<8x128xi32>
    %get3A_3863 = arith.constant 3896 : index
    %get3A_3864 = arith.constant 0 : index
    %get3A_3865 = vector.load %arg1[%get3A_3863, %get3A_3864] : memref<4000x128xf32, #tpu.memory_space<vmem>>, vector<8x128xf32>
    %gt3A_3866 = arith.cmpf ogt, %get3A_3865, %select_n3A_3787 : vector<8x128xf32>
    %select_n3A_3867 = arith.select %gt3A_3866, %get3A_3865, %select_n3A_3787 : vector<8x128xi1>, vector<8x128xf32>
    %jit3A_3868 = arith.constant 487 : i32
    %broadcast_in_dim3A_3869 = vector.broadcast %jit3A_3868 : i32 to vector<8x128xi32>
    %select_n3A_3870 = arith.select %gt3A_3866, %broadcast_in_dim3A_3869, %select_n3A_3790 : vector<8x128xi1>, vector<8x128xi32>
    %get3A_3871 = arith.constant 3904 : index
    %get3A_3872 = arith.constant 0 : index
    %get3A_3873 = vector.load %arg1[%get3A_3871, %get3A_3872] : memref<4000x128xf32, #tpu.memory_space<vmem>>, vector<8x128xf32>
    %gt3A_3874 = arith.cmpf ogt, %get3A_3873, %select_n3A_3795 : vector<8x128xf32>
    %select_n3A_3875 = arith.select %gt3A_3874, %get3A_3873, %select_n3A_3795 : vector<8x128xi1>, vector<8x128xf32>
    %jit3A_3876 = arith.constant 488 : i32
    %broadcast_in_dim3A_3877 = vector.broadcast %jit3A_3876 : i32 to vector<8x128xi32>
    %select_n3A_3878 = arith.select %gt3A_3874, %broadcast_in_dim3A_3877, %select_n3A_3798 : vector<8x128xi1>, vector<8x128xi32>
    %get3A_3879 = arith.constant 3912 : index
    %get3A_3880 = arith.constant 0 : index
    %get3A_3881 = vector.load %arg1[%get3A_3879, %get3A_3880] : memref<4000x128xf32, #tpu.memory_space<vmem>>, vector<8x128xf32>
    %gt3A_3882 = arith.cmpf ogt, %get3A_3881, %select_n3A_3803 : vector<8x128xf32>
    %select_n3A_3883 = arith.select %gt3A_3882, %get3A_3881, %select_n3A_3803 : vector<8x128xi1>, vector<8x128xf32>
    %jit3A_3884 = arith.constant 489 : i32
    %broadcast_in_dim3A_3885 = vector.broadcast %jit3A_3884 : i32 to vector<8x128xi32>
    %select_n3A_3886 = arith.select %gt3A_3882, %broadcast_in_dim3A_3885, %select_n3A_3806 : vector<8x128xi1>, vector<8x128xi32>
    %get3A_3887 = arith.constant 3920 : index
    %get3A_3888 = arith.constant 0 : index
    %get3A_3889 = vector.load %arg1[%get3A_3887, %get3A_3888] : memref<4000x128xf32, #tpu.memory_space<vmem>>, vector<8x128xf32>
    %gt3A_3890 = arith.cmpf ogt, %get3A_3889, %select_n3A_3811 : vector<8x128xf32>
    %select_n3A_3891 = arith.select %gt3A_3890, %get3A_3889, %select_n3A_3811 : vector<8x128xi1>, vector<8x128xf32>
    %jit3A_3892 = arith.constant 490 : i32
    %broadcast_in_dim3A_3893 = vector.broadcast %jit3A_3892 : i32 to vector<8x128xi32>
    %select_n3A_3894 = arith.select %gt3A_3890, %broadcast_in_dim3A_3893, %select_n3A_3814 : vector<8x128xi1>, vector<8x128xi32>
    %get3A_3895 = arith.constant 3928 : index
    %get3A_3896 = arith.constant 0 : index
    %get3A_3897 = vector.load %arg1[%get3A_3895, %get3A_3896] : memref<4000x128xf32, #tpu.memory_space<vmem>>, vector<8x128xf32>
    %gt3A_3898 = arith.cmpf ogt, %get3A_3897, %select_n3A_3819 : vector<8x128xf32>
    %select_n3A_3899 = arith.select %gt3A_3898, %get3A_3897, %select_n3A_3819 : vector<8x128xi1>, vector<8x128xf32>
    %jit3A_3900 = arith.constant 491 : i32
    %broadcast_in_dim3A_3901 = vector.broadcast %jit3A_3900 : i32 to vector<8x128xi32>
    %select_n3A_3902 = arith.select %gt3A_3898, %broadcast_in_dim3A_3901, %select_n3A_3822 : vector<8x128xi1>, vector<8x128xi32>
    %get3A_3903 = arith.constant 3936 : index
    %get3A_3904 = arith.constant 0 : index
    %get3A_3905 = vector.load %arg1[%get3A_3903, %get3A_3904] : memref<4000x128xf32, #tpu.memory_space<vmem>>, vector<8x128xf32>
    %gt3A_3906 = arith.cmpf ogt, %get3A_3905, %select_n3A_3827 : vector<8x128xf32>
    %select_n3A_3907 = arith.select %gt3A_3906, %get3A_3905, %select_n3A_3827 : vector<8x128xi1>, vector<8x128xf32>
    %jit3A_3908 = arith.constant 492 : i32
    %broadcast_in_dim3A_3909 = vector.broadcast %jit3A_3908 : i32 to vector<8x128xi32>
    %select_n3A_3910 = arith.select %gt3A_3906, %broadcast_in_dim3A_3909, %select_n3A_3830 : vector<8x128xi1>, vector<8x128xi32>
    %get3A_3911 = arith.constant 3944 : index
    %get3A_3912 = arith.constant 0 : index
    %get3A_3913 = vector.load %arg1[%get3A_3911, %get3A_3912] : memref<4000x128xf32, #tpu.memory_space<vmem>>, vector<8x128xf32>
    %gt3A_3914 = arith.cmpf ogt, %get3A_3913, %select_n3A_3835 : vector<8x128xf32>
    %select_n3A_3915 = arith.select %gt3A_3914, %get3A_3913, %select_n3A_3835 : vector<8x128xi1>, vector<8x128xf32>
    %jit3A_3916 = arith.constant 493 : i32
    %broadcast_in_dim3A_3917 = vector.broadcast %jit3A_3916 : i32 to vector<8x128xi32>
    %select_n3A_3918 = arith.select %gt3A_3914, %broadcast_in_dim3A_3917, %select_n3A_3838 : vector<8x128xi1>, vector<8x128xi32>
    %get3A_3919 = arith.constant 3952 : index
    %get3A_3920 = arith.constant 0 : index
    %get3A_3921 = vector.load %arg1[%get3A_3919, %get3A_3920] : memref<4000x128xf32, #tpu.memory_space<vmem>>, vector<8x128xf32>
    %gt3A_3922 = arith.cmpf ogt, %get3A_3921, %select_n3A_3843 : vector<8x128xf32>
    %select_n3A_3923 = arith.select %gt3A_3922, %get3A_3921, %select_n3A_3843 : vector<8x128xi1>, vector<8x128xf32>
    %jit3A_3924 = arith.constant 494 : i32
    %broadcast_in_dim3A_3925 = vector.broadcast %jit3A_3924 : i32 to vector<8x128xi32>
    %select_n3A_3926 = arith.select %gt3A_3922, %broadcast_in_dim3A_3925, %select_n3A_3846 : vector<8x128xi1>, vector<8x128xi32>
    %get3A_3927 = arith.constant 3960 : index
    %get3A_3928 = arith.constant 0 : index
    %get3A_3929 = vector.load %arg1[%get3A_3927, %get3A_3928] : memref<4000x128xf32, #tpu.memory_space<vmem>>, vector<8x128xf32>
    %gt3A_3930 = arith.cmpf ogt, %get3A_3929, %select_n3A_3851 : vector<8x128xf32>
    %select_n3A_3931 = arith.select %gt3A_3930, %get3A_3929, %select_n3A_3851 : vector<8x128xi1>, vector<8x128xf32>
    %jit3A_3932 = arith.constant 495 : i32
    %broadcast_in_dim3A_3933 = vector.broadcast %jit3A_3932 : i32 to vector<8x128xi32>
    %select_n3A_3934 = arith.select %gt3A_3930, %broadcast_in_dim3A_3933, %select_n3A_3854 : vector<8x128xi1>, vector<8x128xi32>
    %get3A_3935 = arith.constant 3968 : index
    %get3A_3936 = arith.constant 0 : index
    %get3A_3937 = vector.load %arg1[%get3A_3935, %get3A_3936] : memref<4000x128xf32, #tpu.memory_space<vmem>>, vector<8x128xf32>
    %gt3A_3938 = arith.cmpf ogt, %get3A_3937, %select_n3A_3859 : vector<8x128xf32>
    %select_n3A_3939 = arith.select %gt3A_3938, %get3A_3937, %select_n3A_3859 : vector<8x128xi1>, vector<8x128xf32>
    %jit3A_3940 = arith.constant 496 : i32
    %broadcast_in_dim3A_3941 = vector.broadcast %jit3A_3940 : i32 to vector<8x128xi32>
    %select_n3A_3942 = arith.select %gt3A_3938, %broadcast_in_dim3A_3941, %select_n3A_3862 : vector<8x128xi1>, vector<8x128xi32>
    %get3A_3943 = arith.constant 3976 : index
    %get3A_3944 = arith.constant 0 : index
    %get3A_3945 = vector.load %arg1[%get3A_3943, %get3A_3944] : memref<4000x128xf32, #tpu.memory_space<vmem>>, vector<8x128xf32>
    %gt3A_3946 = arith.cmpf ogt, %get3A_3945, %select_n3A_3867 : vector<8x128xf32>
    %select_n3A_3947 = arith.select %gt3A_3946, %get3A_3945, %select_n3A_3867 : vector<8x128xi1>, vector<8x128xf32>
    %jit3A_3948 = arith.constant 497 : i32
    %broadcast_in_dim3A_3949 = vector.broadcast %jit3A_3948 : i32 to vector<8x128xi32>
    %select_n3A_3950 = arith.select %gt3A_3946, %broadcast_in_dim3A_3949, %select_n3A_3870 : vector<8x128xi1>, vector<8x128xi32>
    %get3A_3951 = arith.constant 3984 : index
    %get3A_3952 = arith.constant 0 : index
    %get3A_3953 = vector.load %arg1[%get3A_3951, %get3A_3952] : memref<4000x128xf32, #tpu.memory_space<vmem>>, vector<8x128xf32>
    %gt3A_3954 = arith.cmpf ogt, %get3A_3953, %select_n3A_3875 : vector<8x128xf32>
    %select_n3A_3955 = arith.select %gt3A_3954, %get3A_3953, %select_n3A_3875 : vector<8x128xi1>, vector<8x128xf32>
    %jit3A_3956 = arith.constant 498 : i32
    %broadcast_in_dim3A_3957 = vector.broadcast %jit3A_3956 : i32 to vector<8x128xi32>
    %select_n3A_3958 = arith.select %gt3A_3954, %broadcast_in_dim3A_3957, %select_n3A_3878 : vector<8x128xi1>, vector<8x128xi32>
    %get3A_3959 = arith.constant 3992 : index
    %get3A_3960 = arith.constant 0 : index
    %get3A_3961 = vector.load %arg1[%get3A_3959, %get3A_3960] : memref<4000x128xf32, #tpu.memory_space<vmem>>, vector<8x128xf32>
    %gt3A_3962 = arith.cmpf ogt, %get3A_3961, %select_n3A_3883 : vector<8x128xf32>
    %select_n3A_3963 = arith.select %gt3A_3962, %get3A_3961, %select_n3A_3883 : vector<8x128xi1>, vector<8x128xf32>
    %jit3A_3964 = arith.constant 499 : i32
    %broadcast_in_dim3A_3965 = vector.broadcast %jit3A_3964 : i32 to vector<8x128xi32>
    %select_n3A_3966 = arith.select %gt3A_3962, %broadcast_in_dim3A_3965, %select_n3A_3886 : vector<8x128xi1>, vector<8x128xi32>
    %gt3A_3967 = arith.cmpf ogt, %select_n3A_3899, %select_n3A_3891 : vector<8x128xf32>
    %eq3A = arith.cmpf oeq, %select_n3A_3899, %select_n3A_3891 : vector<8x128xf32>
    %lt3A = arith.cmpi slt, %select_n3A_3902, %select_n3A_3894 : vector<8x128xi32>
    %and3A = arith.andi %eq3A, %lt3A : vector<8x128xi1>
    %or3A = arith.ori %gt3A_3967, %and3A : vector<8x128xi1>
    %select_n3A_3968 = arith.select %or3A, %select_n3A_3899, %select_n3A_3891 : vector<8x128xi1>, vector<8x128xf32>
    %select_n3A_3969 = arith.select %or3A, %select_n3A_3902, %select_n3A_3894 : vector<8x128xi1>, vector<8x128xi32>
    %gt3A_3970 = arith.cmpf ogt, %select_n3A_3907, %select_n3A_3968 : vector<8x128xf32>
    %eq3A_3971 = arith.cmpf oeq, %select_n3A_3907, %select_n3A_3968 : vector<8x128xf32>
    %lt3A_3972 = arith.cmpi slt, %select_n3A_3910, %select_n3A_3969 : vector<8x128xi32>
    %and3A_3973 = arith.andi %eq3A_3971, %lt3A_3972 : vector<8x128xi1>
    %or3A_3974 = arith.ori %gt3A_3970, %and3A_3973 : vector<8x128xi1>
    %select_n3A_3975 = arith.select %or3A_3974, %select_n3A_3907, %select_n3A_3968 : vector<8x128xi1>, vector<8x128xf32>
    %select_n3A_3976 = arith.select %or3A_3974, %select_n3A_3910, %select_n3A_3969 : vector<8x128xi1>, vector<8x128xi32>
    %gt3A_3977 = arith.cmpf ogt, %select_n3A_3915, %select_n3A_3975 : vector<8x128xf32>
    %eq3A_3978 = arith.cmpf oeq, %select_n3A_3915, %select_n3A_3975 : vector<8x128xf32>
    %lt3A_3979 = arith.cmpi slt, %select_n3A_3918, %select_n3A_3976 : vector<8x128xi32>
    %and3A_3980 = arith.andi %eq3A_3978, %lt3A_3979 : vector<8x128xi1>
    %or3A_3981 = arith.ori %gt3A_3977, %and3A_3980 : vector<8x128xi1>
    %select_n3A_3982 = arith.select %or3A_3981, %select_n3A_3915, %select_n3A_3975 : vector<8x128xi1>, vector<8x128xf32>
    %select_n3A_3983 = arith.select %or3A_3981, %select_n3A_3918, %select_n3A_3976 : vector<8x128xi1>, vector<8x128xi32>
    %gt3A_3984 = arith.cmpf ogt, %select_n3A_3923, %select_n3A_3982 : vector<8x128xf32>
    %eq3A_3985 = arith.cmpf oeq, %select_n3A_3923, %select_n3A_3982 : vector<8x128xf32>
    %lt3A_3986 = arith.cmpi slt, %select_n3A_3926, %select_n3A_3983 : vector<8x128xi32>
    %and3A_3987 = arith.andi %eq3A_3985, %lt3A_3986 : vector<8x128xi1>
    %or3A_3988 = arith.ori %gt3A_3984, %and3A_3987 : vector<8x128xi1>
    %select_n3A_3989 = arith.select %or3A_3988, %select_n3A_3923, %select_n3A_3982 : vector<8x128xi1>, vector<8x128xf32>
    %select_n3A_3990 = arith.select %or3A_3988, %select_n3A_3926, %select_n3A_3983 : vector<8x128xi1>, vector<8x128xi32>
    %gt3A_3991 = arith.cmpf ogt, %select_n3A_3931, %select_n3A_3989 : vector<8x128xf32>
    %eq3A_3992 = arith.cmpf oeq, %select_n3A_3931, %select_n3A_3989 : vector<8x128xf32>
    %lt3A_3993 = arith.cmpi slt, %select_n3A_3934, %select_n3A_3990 : vector<8x128xi32>
    %and3A_3994 = arith.andi %eq3A_3992, %lt3A_3993 : vector<8x128xi1>
    %or3A_3995 = arith.ori %gt3A_3991, %and3A_3994 : vector<8x128xi1>
    %select_n3A_3996 = arith.select %or3A_3995, %select_n3A_3931, %select_n3A_3989 : vector<8x128xi1>, vector<8x128xf32>
    %select_n3A_3997 = arith.select %or3A_3995, %select_n3A_3934, %select_n3A_3990 : vector<8x128xi1>, vector<8x128xi32>
    %gt3A_3998 = arith.cmpf ogt, %select_n3A_3939, %select_n3A_3996 : vector<8x128xf32>
    %eq3A_3999 = arith.cmpf oeq, %select_n3A_3939, %select_n3A_3996 : vector<8x128xf32>
    %lt3A_4000 = arith.cmpi slt, %select_n3A_3942, %select_n3A_3997 : vector<8x128xi32>
    %and3A_4001 = arith.andi %eq3A_3999, %lt3A_4000 : vector<8x128xi1>
    %or3A_4002 = arith.ori %gt3A_3998, %and3A_4001 : vector<8x128xi1>
    %select_n3A_4003 = arith.select %or3A_4002, %select_n3A_3939, %select_n3A_3996 : vector<8x128xi1>, vector<8x128xf32>
    %select_n3A_4004 = arith.select %or3A_4002, %select_n3A_3942, %select_n3A_3997 : vector<8x128xi1>, vector<8x128xi32>
    %gt3A_4005 = arith.cmpf ogt, %select_n3A_3947, %select_n3A_4003 : vector<8x128xf32>
    %eq3A_4006 = arith.cmpf oeq, %select_n3A_3947, %select_n3A_4003 : vector<8x128xf32>
    %lt3A_4007 = arith.cmpi slt, %select_n3A_3950, %select_n3A_4004 : vector<8x128xi32>
    %and3A_4008 = arith.andi %eq3A_4006, %lt3A_4007 : vector<8x128xi1>
    %or3A_4009 = arith.ori %gt3A_4005, %and3A_4008 : vector<8x128xi1>
    %select_n3A_4010 = arith.select %or3A_4009, %select_n3A_3947, %select_n3A_4003 : vector<8x128xi1>, vector<8x128xf32>
    %select_n3A_4011 = arith.select %or3A_4009, %select_n3A_3950, %select_n3A_4004 : vector<8x128xi1>, vector<8x128xi32>
    %gt3A_4012 = arith.cmpf ogt, %select_n3A_3955, %select_n3A_4010 : vector<8x128xf32>
    %eq3A_4013 = arith.cmpf oeq, %select_n3A_3955, %select_n3A_4010 : vector<8x128xf32>
    %lt3A_4014 = arith.cmpi slt, %select_n3A_3958, %select_n3A_4011 : vector<8x128xi32>
    %and3A_4015 = arith.andi %eq3A_4013, %lt3A_4014 : vector<8x128xi1>
    %or3A_4016 = arith.ori %gt3A_4012, %and3A_4015 : vector<8x128xi1>
    %select_n3A_4017 = arith.select %or3A_4016, %select_n3A_3955, %select_n3A_4010 : vector<8x128xi1>, vector<8x128xf32>
    %select_n3A_4018 = arith.select %or3A_4016, %select_n3A_3958, %select_n3A_4011 : vector<8x128xi1>, vector<8x128xi32>
    %gt3A_4019 = arith.cmpf ogt, %select_n3A_3963, %select_n3A_4017 : vector<8x128xf32>
    %eq3A_4020 = arith.cmpf oeq, %select_n3A_3963, %select_n3A_4017 : vector<8x128xf32>
    %lt3A_4021 = arith.cmpi slt, %select_n3A_3966, %select_n3A_4018 : vector<8x128xi32>
    %and3A_4022 = arith.andi %eq3A_4020, %lt3A_4021 : vector<8x128xi1>
    %or3A_4023 = arith.ori %gt3A_4019, %and3A_4022 : vector<8x128xi1>
    %select_n3A_4024 = arith.select %or3A_4023, %select_n3A_3963, %select_n3A_4017 : vector<8x128xi1>, vector<8x128xf32>
    %select_n3A_4025 = arith.select %or3A_4023, %select_n3A_3966, %select_n3A_4018 : vector<8x128xi1>, vector<8x128xi32>
    %iota3A = tpu.iota {dimensions = array<i32: 0>} : vector<8x128xi32>
    %mul3A_4026 = arith.constant 8 : i32
    %mul3A_4027 = vector.broadcast %mul3A_4026 : i32 to vector<8x128xi32>
    %mul3A_4028 = arith.muli %select_n3A_4025, %mul3A_4027 : vector<8x128xi32>
    %add3A_4029 = arith.addi %mul3A_4028, %iota3A : vector<8x128xi32>
    %add3A_4030 = vector.broadcast %mul3A_1 : i32 to vector<8x128xi32>
    %add3A_4031 = arith.addi %add3A_4029, %add3A_4030 : vector<8x128xi32>
    %reduce_max3A = arith.constant dense<0xFF800000> : vector<128xf32>
    %reduce_max3A_4032 = vector.multi_reduction <maximumf>, %select_n3A_4024, %reduce_max3A [0] : vector<8x128xf32> to vector<128xf32>
    %broadcast_in_dim3A_4033 = vector.shape_cast %reduce_max3A_4032 : vector<128xf32> to vector<1x128xf32>
    %eq3A_4034 = vector.broadcast %broadcast_in_dim3A_4033 : vector<1x128xf32> to vector<8x128xf32>
    %eq3A_4035 = arith.cmpf oeq, %select_n3A_4024, %eq3A_4034 : vector<8x128xf32>
    %jit3A_4036 = arith.constant 1073741824 : i32
    %broadcast_in_dim3A_4037 = vector.broadcast %jit3A_4036 : i32 to vector<8x128xi32>
    %select_n3A_4038 = arith.select %eq3A_4035, %add3A_4031, %broadcast_in_dim3A_4037 : vector<8x128xi1>, vector<8x128xi32>
    %reduce_min3A = arith.constant dense<2147483647> : vector<128xi32>
    %reduce_min3A_4039 = vector.multi_reduction <minsi>, %select_n3A_4038, %reduce_min3A [0] : vector<8x128xi32> to vector<128xi32>
    %eq3A_4040 = arith.constant 0 : i32
    %eq3A_4041 = arith.cmpi eq, %arg0, %eq3A_4040 : i32
    %convert_element_type3A = arith.extui %eq3A_4041 : i1 to i32
    %cond3A = arith.constant 0 : i32
    %cond3A_4042 = arith.cmpi ne, %convert_element_type3A, %cond3A : i32
    scf.if %cond3A_4042 {
      %swap3A = arith.constant 0 : index
      %swap3A_4048 = arith.constant 0 : index
      %swap3A_4049 = arith.constant 0 : index
      %swap3A_4050 = vector.load %arg2[%swap3A, %swap3A_4048, %swap3A_4049] : memref<1x1x128xf32, #tpu.memory_space<vmem>>, vector<1x1x128xf32>
      %swap3A_4051 = vector.shape_cast %swap3A_4050 : vector<1x1x128xf32> to vector<128xf32>
      %swap3A_4052 = vector.shape_cast %reduce_max3A_4032 : vector<128xf32> to vector<1x1x128xf32>
      tpu.vector_store %arg2[%swap3A, %swap3A_4048, %swap3A_4049], %swap3A_4052 {strides = array<i32>} : memref<1x1x128xf32, #tpu.memory_space<vmem>>, vector<1x1x128xf32>,
      %swap3A_4053 = arith.constant 0 : index
      %swap3A_4054 = arith.constant 0 : index
      %swap3A_4055 = arith.constant 0 : index
      %swap3A_4056 = vector.load %arg3[%swap3A_4053, %swap3A_4054, %swap3A_4055] : memref<1x1x128xi32, #tpu.memory_space<vmem>>, vector<1x1x128xi32>
      %swap3A_4057 = vector.shape_cast %swap3A_4056 : vector<1x1x128xi32> to vector<128xi32>
      %swap3A_4058 = vector.shape_cast %reduce_min3A_4039 : vector<128xi32> to vector<1x1x128xi32>
      tpu.vector_store %arg3[%swap3A_4053, %swap3A_4054, %swap3A_4055], %swap3A_4058 {strides = array<i32>} : memref<1x1x128xi32, #tpu.memory_space<vmem>>, vector<1x1x128xi32>,
    } else {
    }
    %gt3A_4043 = arith.constant 0 : i32
    %gt3A_4044 = arith.cmpi sgt, %arg0, %gt3A_4043 : i32
    %convert_element_type3A_4045 = arith.extui %gt3A_4044 : i1 to i32
    %cond3A_4046 = arith.constant 0 : i32
    %cond3A_4047 = arith.cmpi ne, %convert_element_type3A_4045, %cond3A_4046 : i32
    scf.if %cond3A_4047 {
      %get3A_4048 = arith.constant 0 : index
      %get3A_4049 = arith.constant 0 : index
      %get3A_4050 = arith.constant 0 : index
      %get3A_4051 = vector.load %arg2[%get3A_4048, %get3A_4049, %get3A_4050] : memref<1x1x128xf32, #tpu.memory_space<vmem>>, vector<1x1x128xf32>
      %get3A_4052 = vector.shape_cast %get3A_4051 : vector<1x1x128xf32> to vector<128xf32>
      %get3A_4053 = arith.constant 0 : index
      %get3A_4054 = arith.constant 0 : index
      %get3A_4055 = arith.constant 0 : index
      %get3A_4056 = vector.load %arg3[%get3A_4053, %get3A_4054, %get3A_4055] : memref<1x1x128xi32, #tpu.memory_space<vmem>>, vector<1x1x128xi32>
      %get3A_4057 = vector.shape_cast %get3A_4056 : vector<1x1x128xi32> to vector<128xi32>
      %gt3A_4058 = arith.cmpf ogt, %reduce_max3A_4032, %get3A_4052 : vector<128xf32>
      %eq3A_4059 = arith.cmpf oeq, %reduce_max3A_4032, %get3A_4052 : vector<128xf32>
      %lt3A_4060 = arith.cmpi slt, %reduce_min3A_4039, %get3A_4057 : vector<128xi32>
      %and3A_4061 = arith.andi %eq3A_4059, %lt3A_4060 : vector<128xi1>
      %or3A_4062 = arith.ori %gt3A_4058, %and3A_4061 : vector<128xi1>
      %select_n3A_4063 = arith.select %or3A_4062, %reduce_max3A_4032, %get3A_4052 : vector<128xi1>, vector<128xf32>
      %swap3A = arith.constant 0 : index
      %swap3A_4064 = arith.constant 0 : index
      %swap3A_4065 = arith.constant 0 : index
      %swap3A_4066 = vector.load %arg2[%swap3A, %swap3A_4064, %swap3A_4065] : memref<1x1x128xf32, #tpu.memory_space<vmem>>, vector<1x1x128xf32>
      %swap3A_4067 = vector.shape_cast %swap3A_4066 : vector<1x1x128xf32> to vector<128xf32>
      %swap3A_4068 = vector.shape_cast %select_n3A_4063 : vector<128xf32> to vector<1x1x128xf32>
      tpu.vector_store %arg2[%swap3A, %swap3A_4064, %swap3A_4065], %swap3A_4068 {strides = array<i32>} : memref<1x1x128xf32, #tpu.memory_space<vmem>>, vector<1x1x128xf32>,
      %select_n3A_4069 = arith.select %or3A_4062, %reduce_min3A_4039, %get3A_4057 : vector<128xi1>, vector<128xi32>
      %swap3A_4070 = arith.constant 0 : index
      %swap3A_4071 = arith.constant 0 : index
      %swap3A_4072 = arith.constant 0 : index
      %swap3A_4073 = vector.load %arg3[%swap3A_4070, %swap3A_4071, %swap3A_4072] : memref<1x1x128xi32, #tpu.memory_space<vmem>>, vector<1x1x128xi32>
      %swap3A_4074 = vector.shape_cast %swap3A_4073 : vector<1x1x128xi32> to vector<128xi32>
      %swap3A_4075 = vector.shape_cast %select_n3A_4069 : vector<128xi32> to vector<1x1x128xi32>
      tpu.vector_store %arg3[%swap3A_4070, %swap3A_4071, %swap3A_4072], %swap3A_4075 {strides = array<i32>} : memref<1x1x128xi32, #tpu.memory_space<vmem>>, vector<1x1x128xi32>,
    } else {
    }
    return
  }
  func.func @transform_0(%arg0: i32) -> (i32, i32) {
    %add3A = arith.constant 8 : i32
    %add3A_0 = arith.addi %arg0, %add3A : i32
    %c0_i32 = arith.constant 0 : i32
    %c0_i32_1 = arith.constant 0 : i32
    return %add3A_0, %c0_i32 : i32, i32
  }
  func.func @transform_1(%arg0: i32) -> (i32, i32, i32) {
    %c0_i32 = arith.constant 0 : i32
    %c0_i32_0 = arith.constant 0 : i32
    %c0_i32_1 = arith.constant 0 : i32
    %c0_i32_2 = arith.constant 0 : i32
    return %c0_i32, %c0_i32_0, %c0_i32_1 : i32, i32, i32
  }
  func.func @transform_2(%arg0: i32) -> (i32, i32, i32) {
    %c0_i32 = arith.constant 0 : i32
    %c0_i32_0 = arith.constant 0 : i32
    %c0_i32_1 = arith.constant 0 : i32
    %c0_i32_2 = arith.constant 0 : i32
    return %c0_i32, %c0_i32_0, %c0_i32_1 : i32, i32, i32
  }
}

</mosaic_0001>

<sc_bundles>
// kernel: kernel.4.cloned.1.call-start
scs
__scs_entry_jumppad:
0x0: {  	(pc) =	sbr.rel $0x88, $3  }
0x1: {  	(tag) =	ssettag $0x0;
	lr =	simm.s32 $0x1  }
0x2: {  	[smem:$0x3FA0] =	sst lr;
	_ =	strace $0xD0000000  }
0x3: {  	_ = 	snop  }
0x4: {  	_ = 	snop  }
0x5: {  	_ = 	snop  }
0x6: {  	_ = 	snop  }
0x7: {  	_ = 	snop  }
__scs_overlays_trampoline_lowered:
0x8: {  	[smem:$0x3FAF] =	sst s0  }
0x9: {  	[smem:$0x3FB0] =	sst s1  }
0xa: {  	[smem:$0x3FB1] =	sst s2  }
0xb: {  	[smem:$0x3FB2] =	sst s3  }
0xc: {  	[smem:$0x3FB3] =	sst s4  }
0xd: {  	[smem:$0x3FB4] =	sst s5  }
0xe: {  	[smem:$0x3FB5] =	sst s6  }
0xf: {  	[smem:$0x3FB6] =	sst s7  }
0x10: {  	[smem:$0x3FB7] =	sst s8  }
0x11: {  	[smem:$0x3FB8] =	sst s9;
	s0 =	simm.s32 @!p0 $0x0  }
0x12: {  	s1 =	sld [smem:$0x3F9E];
	s0 =	simm.s32 @p0 $0x1  }
0x13: {  	[smem:$0x3FB9] =	sst s0;
	s0 =	simm.s32 @!p1 $0x0  }
0x14: {  	s2 =	sld [smem:$0x3F9D];
	s0 =	simm.s32 @p1 $0x1  }
0x15: {  	[smem:$0x3FBA] =	sst s0;
	s0 =	simm.s32 @!p2 $0x0  }
0x16: {  	s3 =	sld [smem:$0x3FDB];
	s0 =	simm.s32 @p2 $0x1  }
0x17: {  	s4 =	simm.s32 $0x1BF5;
	[smem:$0x3FBC] =	sst s0  }
0x18: {  	s0 =	sld [smem:$0x3F9F];
	_ =	swait.ge [sflag:s4], $0x0  }
0x19: {  	s7 =	sld [smem:$0x3FA0]  }
0x1a: {  	s8 =	sadd.s32 $0xFFFFE003, lr  }
0x1b: {  	s9 =	sadd.s32 $0xFFFFFEF7, lr;
	s5 =	simm.s32 $0xFFFFFFFF;
	p2 =	slt.u32 s8, $0xFFFFF086  }
0x1c: {  	p1 =	slt.u32 s9, $0xF7A;
	s5 =	simm.s32 @!p2 $0x0  }
0x1d: {  	s5 =	simm.s32 @p1 $0x1;
	p0 =	seq.s32 s7, s2  }
0x1e: {  	s7 =	smul.u32 @!p0 $0xF7A, s2;
	p2 =	seq.s32 @!p0 s5, $0x0  }
0x1f: {  	s9 =	smul.u32 $0xF7A, s1;
	s8 =	simm.s32 @!p0 $0x1BF5;
	p2 =	por !p2, p0  }
0x20: {  	[sflag:s8] =	ssyncset.s32 @!p0 $0xFFFFF086;
	s6 =	sadd.s32 @!p0 s3, s7;
	s7 =	simm.s32 @!p0 $0x108  }
0x21: {  	s3 =	sadd.s32 s3, s9;
	s6 =	sadd.s32 @!p0 $0x88, s6;
	s7 =	simm.s32 @p2 $0x1082  }
0x22: {  	[simem:s7], [sflag:s8] =	dma.local @!p0 [hbm:s6], $0xF7A  }
0x23: {  	s9 =	sor.u32 $0xD0000000, s2;
	s6 =	simm.s32 $0x108;
	_ =	swait.ge @!p0 [sflag:s8], $0x0  }
0x24: {  	s3 =	sadd.s32 $0x88, s3;
	s6 =	simm.s32 @!p1 $0x1082;
	[sflag:s4] =	ssyncset.s32 $0xFFFFF086  }
0x25: {  	[simem:s6], [sflag:s4] =	dma.local [hbm:s3], $0xF7A  }
0x26: {  	[smem:$0x3FA0] =	sst s1;
	(tag) =	ssettag s2;
	_ =	strace s9  }
0x27: {  	s1 =	sld [smem:$0x3FB0]  }
0x28: {  	s2 =	sld [smem:$0x3FB1]  }
0x29: {  	s4 =	sld [smem:$0x3FB3]  }
0x2a: {  	p0 =	seq.s32 s5, $0x0;
	s5 =	sld [smem:$0x3FB4]  }
0x2b: {  	s6 =	sld [smem:$0x3FB5]  }
0x2c: {  	s7 =	sld [smem:$0x3FB6]  }
0x2d: {  	s3 =	simm.s32 $0x108;
	s8 =	sld [smem:$0x3FB7]  }
0x2e: {  	s3 =	simm.s32 @!p0 $0x1082;
	s9 =	sld [smem:$0x3FB8]  }
0x2f: {  	lr =	sadd.s32 s0, s3;
	s0 =	sld [smem:$0x3FAF]  }
0x30: {  	s3 =	sld [smem:$0x3FB2]  }
0x31: {  	[smem:$0x3FBB] =	sst s10  }
0x32: {  	s10 =	sld [smem:$0x3FB9];
	_ =	sdelay $0x3  }
0x33: {  	p0 =	seq.s32 s10, $0x1;
	s10 =	sld [smem:$0x3FBB];
	_ =	sdelay $0x3  }
0x34: {  	[smem:$0x3FBB] =	sst s10  }
0x35: {  	s10 =	sld [smem:$0x3FBA];
	_ =	sdelay $0x3  }
0x36: {  	p1 =	seq.s32 s10, $0x1;
	s10 =	sld [smem:$0x3FBB];
	_ =	sdelay $0x3  }
0x37: {  	[smem:$0x3FBB] =	sst s10  }
0x38: {  	s10 =	sld [smem:$0x3FBC]  }
0x39: {  	_ = 	snop;
	(pc) =	sbr.ind lr, $3  }
0x3a: {  	_ = 	snop  }
0x3b: {  	_ = 	snop  }
0x3c: {  	p2 =	seq.s32 s10, $0x1;
	s10 =	sld [smem:$0x3FBB]  }
0x3d: {  	_ =	shalt  }
0x3e: {  	_ =	shalt  }
0x3f: {  	_ =	shalt  }
0x40: {  	_ =	shalt  }
0x41: {  	_ =	shalt  }
0x42: {  	_ =	shalt  }
0x43: {  	_ =	shalt  }
0x44: {  	_ =	shalt  }
0x45: {  	_ =	shalt  }
0x46: {  	_ =	shalt  }
0x47: {  	_ =	shalt  }
0x48: {  	_ =	shalt  }
0x49: {  	_ =	shalt  }
0x4a: {  	_ =	shalt  }
0x4b: {  	_ =	shalt  }
0x4c: {  	_ =	shalt  }
0x4d: {  	_ =	shalt  }
0x4e: {  	_ =	shalt  }
0x4f: {  	_ =	shalt  }
0x50: {  	_ =	shalt  }
0x51: {  	_ =	shalt  }
0x52: {  	_ =	shalt  }
0x53: {  	_ =	shalt  }
0x54: {  	_ =	shalt  }
0x55: {  	_ =	shalt  }
0x56: {  	_ =	shalt  }
0x57: {  	_ =	shalt  }
0x58: {  	_ =	shalt  }
0x59: {  	_ =	shalt  }
0x5a: {  	_ =	shalt  }
0x5b: {  	_ =	shalt  }
0x5c: {  	_ =	shalt  }
0x5d: {  	_ =	shalt  }
0x5e: {  	_ =	shalt  }
0x5f: {  	_ =	shalt  }
0x60: {  	_ =	shalt  }
0x61: {  	_ =	shalt  }
0x62: {  	_ =	shalt  }
0x63: {  	_ =	shalt  }
0x64: {  	_ =	shalt  }
0x65: {  	_ =	shalt  }
0x66: {  	_ =	shalt  }
0x67: {  	_ =	shalt  }
0x68: {  	_ =	shalt  }
0x69: {  	_ =	shalt  }
0x6a: {  	_ =	shalt  }
0x6b: {  	_ =	shalt  }
0x6c: {  	_ =	shalt  }
0x6d: {  	_ =	shalt  }
0x6e: {  	_ =	shalt  }
0x6f: {  	_ =	shalt  }
0x70: {  	_ =	shalt  }
0x71: {  	_ =	shalt  }
0x72: {  	_ =	shalt  }
0x73: {  	_ =	shalt  }
0x74: {  	_ =	shalt  }
0x75: {  	_ =	shalt  }
0x76: {  	_ =	shalt  }
0x77: {  	_ =	shalt  }
0x78: {  	_ =	shalt  }
0x79: {  	_ =	shalt  }
0x7a: {  	_ =	shalt  }
0x7b: {  	_ =	shalt  }
0x7c: {  	_ =	shalt  }
0x7d: {  	_ =	shalt  }
0x7e: {  	_ =	shalt  }
0x7f: {  	_ =	shalt  }
0x80: {  	_ =	shalt  }
0x81: {  	_ =	shalt  }
0x82: {  	_ =	shalt  }
0x83: {  	_ =	shalt  }
0x84: {  	_ =	shalt  }
0x85: {  	_ =	shalt  }
0x86: {  	_ =	shalt  }
0x87: {  	_ =	shalt  }
.Lfunc_end0:
.L_simem_size_0:
called_computation_lowered:
.L_overlay_start_0:
0x88: {  	s2 =	sld [smem:$0x3FD9]  }
0x89: {  	s3 =	sld [smem:$0x3FFE];
	_ =	sdelay $0x1  }
0x8a: {  	s1 =	srdreg.scid  }
0x8b: {  	s0 =	sand.u32 $0x1, s1  }
0x8c: {  	s17 =	sshll.u32 s0, $0xA;
	s2 =	sadd.s32 s3, s2  }
0x8d: {  	s2 =	sadd.s32 s2, s17  }
0x8e: {  	[smem:$0x3FC7] =	sst s2  }
0x8f: {  	_ = 	snop  }
0x90: {  	s2 =	sld [smem:$0x3FC9];
	(tm) =	ssettm $0x1  }
0x91: {  	s18 =	sld [smem:$0x3FFB];
	_ =	sdelay $0x3  }
0x92: {  	_ =	strace s18  }
0x93: {  	s3 =	sld [smem:$0x3FFC];
	_ =	sdelay $0x3  }
0x94: {  	_ =	strace s3  }
0x95: {  	s3 =	sld [smem:$0x3FFD];
	_ =	sdelay $0x3  }
0x96: {  	_ =	strace s3  }
0x97: {  	_ =	strace $0x8FFFFFFF  }
0x98: {  	s19 =	sld [smem:$0x3FDB];
	_ =	sdelay $0x1  }
0x99: {  	s4 =	simm.s32 $_scs_section_size  }
0x9a: {  	s5 =	simm.s32 $_size__tile_overlayer_lowered;
	s6 =	simm.s32 $_tile_overlayer_lowered  }
0x9b: {  	s22 =	simm.s32 $0x1BFF;
	s21 =	sshll.u32 s6, $0x1;
	s3 =	sadd.s32 s4, s19  }
0x9c: {  	s7 =	simm.s32 $0x0;
	s20 =	sshll.u32 s5, $0x1;
	s5 =	sadd.s32 s21, s3  }
0x9d: {  	[timem:s7], [sflag:s22] =	dma.local [hbm:s5], s20  }
0x9e: {  	_ =	swait.ge [sflag:s22], s20  }
0x9f: {  	s4 =	ssub.s32 $0x0, s20;
	[sflag:s22] =	ssyncset.done $0x0  }
0xa0: {  	[sflag:s22] =	ssyncadd.s32 s4;
	_ =	sdelay $0x1  }
0xa1: {  	s23 =	simm.s32 $0x1B8B  }
0xa2: {  	_ =	swait.ge [sflag:s23], $0x1  }
0xa3: {  	[sflag:s23] =	ssyncset.done $0x0  }
0xa4: {  	s25 =	simm.s32 $0x1B8E;
	s24 =	sld [smem:$0x3FFE];
	[sflag:s23] =	ssyncadd.s32 $0xFFFFFFFF  }
0xa5: {  	s26 =	simm.s32 $execute0_lowered;
	[smem:$0x3FD2] =	sst s25  }
0xa6: {  	s5 =	sshll.u32 s26, $0x1;
	_ =	strace $0x80000046;
	[dreg:$0x1] =	wrdreg $0xFFFFFFFF  }
0xa7: {  	s28 =	simm.s32 $_size_execute0_lowered;
	s3 =	sadd.s32 s3, s5;
	[dreg:$0x0] =	wrdreg $0x0  }
0xa8: {  	s5 =	sshll.u32 s28, $0x1;
	[dreg:$0x2] =	wrdreg s3  }
0xa9: {  	[dreg:$0x3] =	wrdreg s5  }
0xaa: {  	[dreg:$0x4] =	wrdreg $0xC0  }
0xab: {  	_ =	task [dreg:s7], $0x5FFFF  }
0xac: {  	[dreg:$0x1] =	wrdreg $0xFFFFFFFF  }
0xad: {  	[dreg:$0x0] =	wrdreg $0x60  }
0xae: {  	[dreg:$0x2] =	wrdreg s2  }
0xaf: {  	[dreg:$0x3] =	wrdreg s24  }
0xb0: {  	[dreg:$0x4] =	wrdreg $0xCB000  }
0xb1: {  	[dreg:$0x5] =	wrdreg $0xCB800  }
0xb2: {  	[dreg:$0x6] =	wrdreg $0x9  }
0xb3: {  	_ =	task.clear_ibuf [dreg:s7], $0x7FFFF;
	_ =	strace $0x90000046  }
0xb4: {  	s29 =	simm.s32 $0x9;
	_ =	strace $0x80000048  }
0xb5: {  	_ =	swait.ge [sflag:s29], $0x1  }
0xb6: {  	[sflag:s29] =	ssyncadd.s32 $0xFFFFFFFF  }
0xb7: {  	_ =	strace $0x90000048  }
0xb8: {  	_ =	sfence  }
0xb9: {  	s30 =	sld [smem:$0x0];
	_ =	sdelay $0x2  }
0xba: {  	s31 =	sshll.u32 s1, $0xD;
	s1 =	sshrl.u32 s1, $0x2  }
0xbb: {  	s3 =	sand.u32 $0x4000, s31;
	s1 =	sadd.s32 s1, s30  }
0xbc: {  	s0 =	sor.u32 s3, s0;
	s1 =	sshll.u32 s1, $0x11  }
0xbd: {  	s0 =	sor.u32 s1, s0  }
0xbe: {  	s0 =	sadd.s32 $0x8F2B, s0  }
0xbf: {  	[sflag:s0] =	ssyncadd.remote.s32 $0x1  }
0xc0: {  	_ =	sfence.sel $0xFFFF  }
0xc1: {  	[dreg:$0x0] =	wrdreg $0xFFFFFFFF;
	(pc) =	sbr.abs _section_cstart, $3  }
0xc2: {  	[dreg:$0x1] =	wrdreg $0xFFFFFFFF  }
0xc3: {  	_ =	task.clear_ibuf [dreg:s7], $0x2FFFF;
	_ =	strace $0x9FFFFFFF  }
0xc4: {  	(tm) =	ssettm $0x7FFFFFFF  }
0xc5: {  	_ =	shalt  }
tec
execute0_lowered:
.L_overlay_start_1:
0x0: {  	(tag) =	ssettag $0x1  }
0x1: {  	s0 =	rddreg [dreg:$0x0]  }
0x2: {  	s1 =	rddreg [dreg:$0x1]  }
0x3: {  	s4 =	rddreg [dreg:$0x2]  }
0x4: {  	s5 =	rddreg [dreg:$0x3]  }
0x5: {  	s3 =	srdreg.scid;
	s2 =	simm.s32 $0x0;
	s20 =	stileid.u32  }
0x6: {  	s6 =	sand.u32 $0x1, s3;
	s7 =	sshll.u32 s20, $0x4;
	s8 =	sshll.u32 s20, $0x1  }
0x7: {  	[smem:$0x7FF] =	sst s2;
	s23 =	sshll.u32 s20, $0x8;
	s24 =	smul.u32 $0x7D0, s20  }
0x8: {  	p0 =	sgt.u32 s20, $0x7;
	s3 =	sshll.u32 s6, $0x7;
	s9 =	ssub.s32 $0x2, s6  }
0x9: {  	s8 =	sor.u32 s6, s8;
	s11 =	sadd.s32 s7, s4;
	s12 =	sor.u32 $0x100, s7  }
0xa: {  	s13 =	sadd.s32 s7, s5;
	s15 =	sor.u32 $0x200, s7;
	s17 =	sor.u32 $0x300, s7  }
0xb: {  	s18 =	sor.u32 $0x400, s7;
	s19 =	sor.u32 $0x500, s7;
	s21 =	sor.u32 $0x600, s7  }
0xc: {  	s22 =	sor.u32 $0x700, s7;
	s6 =	smul.u32 $0x3E8, s6;
	s3 =	sadd.s32 s7, s3  }
0xd: {  	s10 =	sshrl.u32 s9, $0x1;
	s8 =	smul.u32 $0x3E80, s8;
	[dreg:$0x5] =	wrdreg s11  }
0xe: {  	[dreg:$0x6] =	wrdreg s13;
	s14 =	sadd.s32 s12, s4;
	s16 =	sadd.s32 s15, s4  }
0xf: {  	s11 =	sadd.s32 s17, s5;
	s13 =	sadd.s32 s18, s5;
	[dreg:$0x7] =	wrdreg s14  }
0x10: {  	s3 =	sshrl.u32 s3, $0x3;
	s9 =	ssub.s32 s9, s10;
	[dreg:$0x9] =	wrdreg s16  }
0x11: {  	s10 =	sadd.s32 s17, s4;
	s14 =	sadd.s32 s19, s4;
	s16 =	sadd.s32 s21, s4  }
0x12: {  	s17 =	sadd.s32 s21, s5;
	s21 =	simm.s32 $0x6400;
	s1 =	sadd.s32 s3, s1  }
0x13: {  	s3 =	sadd.s32 s0, s8;
	s0 =	sadd.s32 s12, s5;
	s8 =	sadd.s32 s15, s5  }
0x14: {  	s12 =	sadd.s32 s18, s4;
	s15 =	sadd.s32 s19, s5;
	s18 =	sadd.s32 s22, s4  }
0x15: {  	s19 =	sadd.s32 s22, s5;
	s4 =	sadd.s32 s23, s4;
	[dreg:$0x8] =	wrdreg s0  }
0x16: {  	s22 =	sadd.s32 s6, s24;
	s24 =	simm.s32 $0x2;
	[dreg:$0xa] =	wrdreg s8  }
0x17: {  	[dreg:$0xb] =	wrdreg s4;
	s0 =	sadd.s32 s23, s5;
	s25 =	sadd.s32 $0xA00, s1  }
0x18: {  	s26 =	sadd.s32 $0xC00, s1;
	s28 =	sadd.s32 $0x1900, s3;
	s29 =	sadd.s32 $0x2580, s3  }
.Ltmp0:
0x19: {  	s30 =	sadd.s32 $0x3200, s3;
	s31 =	sadd.s32 $0xC8, s22;
	(pc) =	sbr.rel .LBB2_1-.Ltmp0, $4  }
0x1a: {  	s1 =	sadd.s32 $0x258, s22;
	s20 =	sadd.s32 $0x320, s22;
	s23 =	simm.s32 $0x1  }
0x1b: {  	s4 =	simm.s32 $0x3;
	s5 =	simm.s32 $0x0;
	[dreg:$0xc] =	wrdreg s0  }
0x1c: {  	s0 =	sadd.s32 $0x190, s22;
	_ =	strace $0x80000047;
	[dreg:$0xd] =	wrdreg s25  }
0x1d: {  	[dreg:$0xe] =	wrdreg s26;
	s25 =	smax.u32 s9, $0x1;
	s26 =	sadd.s32 $0xC80, s3  }
.LBB2_13:
0x1e: {  	s5 =	sadd.s32 $0x1, s5  }
0x1f: {  	p1 =	sne.s32 s5, s25  }
.Ltmp1:
0x20: {  	_ = 	snop;
	(pc) =	sbr.rel @!p1 .LBB2_14-.Ltmp1, $1  }
0x21: {  	_ =	sdelay $0x3  }
.LBB2_1:
0x22: {  	[tilespmem:s2], [sflag:$0x1] =	stream.linear.gather [hbm4b:s3+s2], $0x6400, $0x38;
	[tilespmem:$0xCC00] =	vst v63  }
0x23: {  	_ = 	snop  }
0x24: {  	[tilespmem:s21], [sflag:$0x2] =	stream.linear.gather [hbm4b:s26+s2], $0x6400, $0x38;
	[tilespmem:$0xCC00] =	vst v63  }
0x25: {  	_ =	swait.ge [sflag:s23], $0x6400  }
0x26: {  	[sflag:s23] =	ssyncset.done $0x0  }
0x27: {  	s6 =	simm.s32 $0x40;
	[sflag:s23] =	ssyncadd.s32 $0xFFFF9C00  }
0x28: {  	v2 =	vld [tilespmem:s6+$0xFFFFFFC0]  }
0x29: {  	v4 =	vld [tilespmem:s6+$0xFFFFFFD0]  }
0x2a: {  	v6 =	vld [tilespmem:s6+$0xFFFFFFE0]  }
0x2b: {  	v7 =	vld [tilespmem:s6+$0xFFFFFFF0]  }
0x2c: {  	v8 =	vld [tilespmem:s6+$0x0]  }
0x2d: {  	v10 =	vld [tilespmem:s6+$0x10]  }
0x2e: {  	v11 =	vld [tilespmem:s6+$0x20];
	_ =	sdelay $0x1  }
0x2f: {  	v12 =	vimm.f32 $-Inf;
	s8 =	simm.s32 $0xC0;
	v13 =	vld [tilespmem:s6+$0x30]  }
0x30: {  	v0 =	vimm.s32 $0x40000000;
	v22 =	vld [tilespmem:s8+$0xFFFFFFC0];
	vm0 =	vgt.f32 v2, v12;
	vm1 =	vgt.f32 v4, v12  }
0x31: {  	v1 =	vld [tilespmem:s8+$0xFFFFFFD0];
	vm2 =	vgt.f32 v6, v12;
	vm3 =	vgt.f32 v7, v12;
	vm4 =	vgt.f32 v8, v12  }
0x32: {  	s6 =	sadd.s32 $0x0, s22;
	v23 =	vld [tilespmem:s8+$0xFFFFFFE0];
	vm5 =	vgt.f32 v10, v12;
	vm6 =	vgt.f32 v11, v12;
	v3 =	vsel vm0, v2, v12  }
0x33: {  	v16 =	vld [tilespmem:s8+$0x0];
	v5 =	vsel vm0, s6, v0;
	v4 =	vsel vm1, v4, v12;
	v6 =	vsel vm2, v6, v12  }
0x34: {  	v9 =	vld [tilespmem:s8+$0x10];
	v7 =	vsel vm3, v7, v12;
	v8 =	vsel vm4, v8, v12;
	vm0 =	vgt.f32 v13, v12  }
0x35: {  	v2 =	vld [tilespmem:s8+$0xFFFFFFF0];
	v10 =	vsel vm5, v10, v12;
	v11 =	vsel vm6, v11, v12;
	v14 =	vsel vm2, s6, v0  }
0x36: {  	v20 =	vld [tilespmem:s8+$0x20];
	v15 =	vsel vm3, s6, v0;
	v17 =	vsel vm4, s6, v0;
	v18 =	vsel vm5, s6, v0  }
0x37: {  	s7 =	simm.s32 $0x1;
	s9 =	simm.s32 $0x2;
	v21 =	vld [tilespmem:s8+$0x30];
	s8 =	simm.s32 $0x140;
	v19 =	vsel vm6, s6, v0;
	v12 =	vsel vm0, v13, v12;
	v13 =	vsel vm1, s6, v0  }
.LBB2_2:
0x38: {  	v24 =	vld [tilespmem:s8+$0xFFFFFFC0];
	p1 =	sne.s32 s9, $0xC7;
	vm1 =	vgt.f32 v22, v3;
	vm2 =	vgt.f32 v1, v4;
	v0 =	vsel vm0, s6, v0;
	s6 =	sadd.s32 s7, s22;
	s7 =	smov.u32 s9  }
0x39: {  	v3 =	vsel vm1, v22, v3;
	v5 =	vsel vm1, s6, v5;
	v4 =	vsel vm2, v1, v4;
	v1 =	vld [tilespmem:s8+$0xFFFFFFD0]  }
0x3a: {  	vm3 =	vgt.f32 v2, v7;
	vm1 =	vgt.f32 v23, v6;
	vm4 =	vgt.f32 v16, v8;
	v25 =	vld [tilespmem:s8+$0xFFFFFFE0]  }
.Ltmp2:
0x3b: {  	v7 =	vsel vm3, v2, v7;
	v6 =	vsel vm1, v23, v6;
	v8 =	vsel vm4, v16, v8;
	v2 =	vld [tilespmem:s8+$0xFFFFFFF0];
	(pc) =	sbr.rel @p1 .LBB2_2-.Ltmp2, $4  }
0x3c: {  	vm5 =	vgt.f32 v9, v10;
	vm6 =	vgt.f32 v20, v11;
	v16 =	vld [tilespmem:s8+$0x0];
	vm0 =	vgt.f32 v21, v12  }
0x3d: {  	v10 =	vsel vm5, v9, v10;
	v11 =	vsel vm6, v20, v11;
	v9 =	vld [tilespmem:s8+$0x10];
	v12 =	vsel vm0, v21, v12;
	v22 =	vmovc v24  }
0x3e: {  	v13 =	vsel vm2, s6, v13;
	v15 =	vsel vm3, s6, v15;
	v14 =	vsel vm1, s6, v14;
	v20 =	vld [tilespmem:s8+$0x20]  }
0x3f: {  	s9 =	sadd.s32 $0x1, s9;
	v17 =	vsel vm4, s6, v17;
	v18 =	vsel vm5, s6, v18;
	v19 =	vsel vm6, s6, v19;
	v21 =	vld [tilespmem:s8+$0x30];
	s8 =	sadd.s32 $0x80, s8;
	v23 =	vmovc v25  }
0x40: {  	s8 =	simm.s32 $0x0  }
0x41: {  	[tilespmem:s8], [sflag:$0x1] =	stream.linear.gather [hbm4b:s28+s8], $0x6400, $0x38;
	[tilespmem:$0xCC00] =	vst v63  }
0x42: {  	_ =	swait.ge [sflag:s24], $0x6400  }
0x43: {  	[sflag:s24] =	ssyncset.done $0x0  }
0x44: {  	s9 =	simm.s32 $0x6440;
	[sflag:s24] =	ssyncadd.s32 $0xFFFF9C00  }
0x45: {  	v24 =	vld [tilespmem:s9+$0xFFFFFFC0]  }
0x46: {  	vm1 =	vgt.f32 v22, v3;
	vm2 =	vgt.f32 v1, v4;
	v0 =	vsel vm0, s6, v0;
	v25 =	vld [tilespmem:s9+$0xFFFFFFD0]  }
0x47: {  	s7 =	sadd.s32 s7, s22;
	vm0 =	vgt.f32 v23, v6;
	v3 =	vsel vm1, v22, v3;
	vm3 =	vgt.f32 v16, v8;
	v26 =	vld [tilespmem:s9+$0xFFFFFFE0]  }
0x48: {  	v5 =	vsel vm1, s7, v5;
	v4 =	vsel vm2, v1, v4;
	v8 =	vsel vm3, v16, v8;
	v16 =	vld [tilespmem:s9+$0xFFFFFFF0]  }
0x49: {  	vm1 =	vgt.f32 v2, v7;
	v6 =	vsel vm0, v23, v6;
	vm5 =	vgt.f32 v20, v11;
	v27 =	vld [tilespmem:s9+$0x0]  }
0x4a: {  	v13 =	vsel vm2, s7, v13;
	vm6 =	vgt.f32 v21, v12;
	v11 =	vsel vm5, v20, v11;
	v20 =	vld [tilespmem:s9+$0x10]  }
0x4b: {  	v14 =	vsel vm0, s7, v14;
	v7 =	vsel vm1, v2, v7;
	v12 =	vsel vm6, v21, v12;
	v21 =	vld [tilespmem:s9+$0x20]  }
0x4c: {  	vm4 =	vgt.f32 v9, v10;
	v15 =	vsel vm1, s7, v15;
	v17 =	vsel vm3, s7, v17  }
0x4d: {  	v10 =	vsel vm4, v9, v10;
	v18 =	vsel vm4, s7, v18;
	v19 =	vsel vm5, s7, v19;
	v28 =	vld [tilespmem:s9+$0x30];
	s9 =	simm.s32 $0x64C0  }
0x4e: {  	v0 =	vsel vm6, s7, v0;
	v22 =	vld [tilespmem:s9+$0xFFFFFFC0];
	vm0 =	vgt.f32 v24, v3;
	vm1 =	vgt.f32 v25, v4  }
0x4f: {  	v1 =	vld [tilespmem:s9+$0xFFFFFFD0];
	vm2 =	vgt.f32 v26, v6;
	vm3 =	vgt.f32 v16, v7;
	vm13 =	vgt.f32 v27, v8  }
0x50: {  	s6 =	sadd.s32 $0x0, s31;
	v23 =	vld [tilespmem:s9+$0xFFFFFFE0];
	vm14 =	vgt.f32 v20, v10;
	vm15 =	vgt.f32 v21, v11;
	v3 =	vsel vm0, v24, v3  }
0x51: {  	v2 =	vld [tilespmem:s9+$0xFFFFFFF0];
	v5 =	vsel vm0, s6, v5;
	v4 =	vsel vm1, v25, v4;
	v6 =	vsel vm2, v26, v6  }
0x52: {  	v9 =	vld [tilespmem:s9+$0x10];
	v7 =	vsel vm3, v16, v7;
	v8 =	vsel vm13, v27, v8;
	vm0 =	vgt.f32 v28, v12  }
0x53: {  	v16 =	vld [tilespmem:s9+$0x0];
	v10 =	vsel vm14, v20, v10;
	v11 =	vsel vm15, v21, v11;
	v13 =	vsel vm1, s6, v13  }
0x54: {  	v20 =	vld [tilespmem:s9+$0x20];
	v14 =	vsel vm2, s6, v14;
	v15 =	vsel vm3, s6, v15;
	v17 =	vsel vm13, s6, v17  }
0x55: {  	s8 =	simm.s32 $0x6540;
	s7 =	simm.s32 $0x1;
	v21 =	vld [tilespmem:s9+$0x30];
	s9 =	simm.s32 $0x2;
	v18 =	vsel vm14, s6, v18;
	v19 =	vsel vm15, s6, v19;
	v12 =	vsel vm0, v28, v12  }
.LBB2_4:
0x56: {  	v24 =	vld [tilespmem:s8+$0xFFFFFFC0];
	p1 =	sne.s32 s9, $0xC7;
	vm1 =	vgt.f32 v22, v3;
	vm2 =	vgt.f32 v1, v4;
	v0 =	vsel vm0, s6, v0;
	s6 =	sadd.s32 s7, s31;
	s7 =	smov.u32 s9  }
0x57: {  	v3 =	vsel vm1, v22, v3;
	v5 =	vsel vm1, s6, v5;
	v4 =	vsel vm2, v1, v4;
	v1 =	vld [tilespmem:s8+$0xFFFFFFD0]  }
0x58: {  	vm3 =	vgt.f32 v2, v7;
	vm1 =	vgt.f32 v23, v6;
	vm4 =	vgt.f32 v16, v8;
	v25 =	vld [tilespmem:s8+$0xFFFFFFE0]  }
.Ltmp3:
0x59: {  	v7 =	vsel vm3, v2, v7;
	v6 =	vsel vm1, v23, v6;
	v8 =	vsel vm4, v16, v8;
	v2 =	vld [tilespmem:s8+$0xFFFFFFF0];
	(pc) =	sbr.rel @p1 .LBB2_4-.Ltmp3, $4  }
0x5a: {  	vm5 =	vgt.f32 v9, v10;
	vm6 =	vgt.f32 v20, v11;
	v16 =	vld [tilespmem:s8+$0x0];
	vm0 =	vgt.f32 v21, v12  }
0x5b: {  	v10 =	vsel vm5, v9, v10;
	v11 =	vsel vm6, v20, v11;
	v9 =	vld [tilespmem:s8+$0x10];
	v12 =	vsel vm0, v21, v12;
	v22 =	vmovc v24  }
0x5c: {  	v13 =	vsel vm2, s6, v13;
	v15 =	vsel vm3, s6, v15;
	v14 =	vsel vm1, s6, v14;
	v20 =	vld [tilespmem:s8+$0x20]  }
0x5d: {  	s9 =	sadd.s32 $0x1, s9;
	v17 =	vsel vm4, s6, v17;
	v18 =	vsel vm5, s6, v18;
	v19 =	vsel vm6, s6, v19;
	v21 =	vld [tilespmem:s8+$0x30];
	s8 =	sadd.s32 $0x80, s8;
	v23 =	vmovc v25  }
0x5e: {  	s8 =	simm.s32 $0x0  }
0x5f: {  	[tilespmem:s21], [sflag:$0x2] =	stream.linear.gather [hbm4b:s29+s8], $0x6400, $0x38;
	[tilespmem:$0xCC00] =	vst v63  }
0x60: {  	_ =	swait.ge [sflag:s23], $0x6400  }
0x61: {  	[sflag:s23] =	ssyncset.done $0x0  }
0x62: {  	s9 =	simm.s32 $0x40;
	[sflag:s23] =	ssyncadd.s32 $0xFFFF9C00  }
0x63: {  	v24 =	vld [tilespmem:s9+$0xFFFFFFC0]  }
0x64: {  	vm1 =	vgt.f32 v22, v3;
	vm2 =	vgt.f32 v1, v4;
	v0 =	vsel vm0, s6, v0;
	v25 =	vld [tilespmem:s9+$0xFFFFFFD0]  }
0x65: {  	s7 =	sadd.s32 s7, s31;
	vm0 =	vgt.f32 v23, v6;
	v3 =	vsel vm1, v22, v3;
	vm3 =	vgt.f32 v16, v8;
	v26 =	vld [tilespmem:s9+$0xFFFFFFE0]  }
0x66: {  	v5 =	vsel vm1, s7, v5;
	v4 =	vsel vm2, v1, v4;
	v8 =	vsel vm3, v16, v8;
	v16 =	vld [tilespmem:s9+$0xFFFFFFF0]  }
0x67: {  	vm1 =	vgt.f32 v2, v7;
	v6 =	vsel vm0, v23, v6;
	vm5 =	vgt.f32 v20, v11;
	v27 =	vld [tilespmem:s9+$0x0]  }
0x68: {  	v13 =	vsel vm2, s7, v13;
	vm6 =	vgt.f32 v21, v12;
	v11 =	vsel vm5, v20, v11;
	v20 =	vld [tilespmem:s9+$0x10]  }
0x69: {  	v14 =	vsel vm0, s7, v14;
	v7 =	vsel vm1, v2, v7;
	v12 =	vsel vm6, v21, v12;
	v21 =	vld [tilespmem:s9+$0x20]  }
0x6a: {  	vm4 =	vgt.f32 v9, v10;
	v15 =	vsel vm1, s7, v15;
	v17 =	vsel vm3, s7, v17  }
0x6b: {  	v10 =	vsel vm4, v9, v10;
	v18 =	vsel vm4, s7, v18;
	v19 =	vsel vm5, s7, v19;
	v28 =	vld [tilespmem:s9+$0x30];
	s9 =	simm.s32 $0xC0  }
0x6c: {  	v0 =	vsel vm6, s7, v0;
	v22 =	vld [tilespmem:s9+$0xFFFFFFC0];
	vm0 =	vgt.f32 v24, v3;
	vm1 =	vgt.f32 v25, v4  }
0x6d: {  	v1 =	vld [tilespmem:s9+$0xFFFFFFD0];
	vm2 =	vgt.f32 v26, v6;
	vm3 =	vgt.f32 v16, v7;
	vm13 =	vgt.f32 v27, v8  }
0x6e: {  	s6 =	sadd.s32 $0x0, s0;
	v23 =	vld [tilespmem:s9+$0xFFFFFFE0];
	vm14 =	vgt.f32 v20, v10;
	vm15 =	vgt.f32 v21, v11;
	v3 =	vsel vm0, v24, v3  }
0x6f: {  	v2 =	vld [tilespmem:s9+$0xFFFFFFF0];
	v5 =	vsel vm0, s6, v5;
	v4 =	vsel vm1, v25, v4;
	v6 =	vsel vm2, v26, v6  }
0x70: {  	v9 =	vld [tilespmem:s9+$0x10];
	v7 =	vsel vm3, v16, v7;
	v8 =	vsel vm13, v27, v8;
	vm0 =	vgt.f32 v28, v12  }
0x71: {  	v16 =	vld [tilespmem:s9+$0x0];
	v10 =	vsel vm14, v20, v10;
	v11 =	vsel vm15, v21, v11;
	v13 =	vsel vm1, s6, v13  }
0x72: {  	v20 =	vld [tilespmem:s9+$0x20];
	v14 =	vsel vm2, s6, v14;
	v15 =	vsel vm3, s6, v15;
	v17 =	vsel vm13, s6, v17  }
0x73: {  	s8 =	simm.s32 $0x140;
	s7 =	simm.s32 $0x1;
	v21 =	vld [tilespmem:s9+$0x30];
	s9 =	simm.s32 $0x2;
	v18 =	vsel vm14, s6, v18;
	v19 =	vsel vm15, s6, v19;
	v12 =	vsel vm0, v28, v12  }
.LBB2_6:
0x74: {  	v24 =	vld [tilespmem:s8+$0xFFFFFFC0];
	p1 =	sne.s32 s9, $0xC7;
	vm1 =	vgt.f32 v22, v3;
	vm2 =	vgt.f32 v1, v4;
	v0 =	vsel vm0, s6, v0;
	s6 =	sadd.s32 s7, s0;
	s7 =	smov.u32 s9  }
0x75: {  	v3 =	vsel vm1, v22, v3;
	v5 =	vsel vm1, s6, v5;
	v4 =	vsel vm2, v1, v4;
	v1 =	vld [tilespmem:s8+$0xFFFFFFD0]  }
0x76: {  	vm3 =	vgt.f32 v2, v7;
	vm1 =	vgt.f32 v23, v6;
	vm4 =	vgt.f32 v16, v8;
	v25 =	vld [tilespmem:s8+$0xFFFFFFE0]  }
.Ltmp4:
0x77: {  	v7 =	vsel vm3, v2, v7;
	v6 =	vsel vm1, v23, v6;
	v8 =	vsel vm4, v16, v8;
	v2 =	vld [tilespmem:s8+$0xFFFFFFF0];
	(pc) =	sbr.rel @p1 .LBB2_6-.Ltmp4, $4  }
0x78: {  	vm5 =	vgt.f32 v9, v10;
	vm6 =	vgt.f32 v20, v11;
	v16 =	vld [tilespmem:s8+$0x0];
	vm0 =	vgt.f32 v21, v12  }
0x79: {  	v10 =	vsel vm5, v9, v10;
	v11 =	vsel vm6, v20, v11;
	v9 =	vld [tilespmem:s8+$0x10];
	v12 =	vsel vm0, v21, v12;
	v22 =	vmovc v24  }
0x7a: {  	v13 =	vsel vm2, s6, v13;
	v15 =	vsel vm3, s6, v15;
	v14 =	vsel vm1, s6, v14;
	v20 =	vld [tilespmem:s8+$0x20]  }
0x7b: {  	s9 =	sadd.s32 $0x1, s9;
	v17 =	vsel vm4, s6, v17;
	v18 =	vsel vm5, s6, v18;
	v19 =	vsel vm6, s6, v19;
	v21 =	vld [tilespmem:s8+$0x30];
	s8 =	sadd.s32 $0x80, s8;
	v23 =	vmovc v25  }
0x7c: {  	s8 =	simm.s32 $0x0  }
0x7d: {  	[tilespmem:s8], [sflag:$0x1] =	stream.linear.gather [hbm4b:s30+s8], $0x6400, $0x38;
	[tilespmem:$0xCC00] =	vst v63  }
0x7e: {  	_ =	swait.ge [sflag:s24], $0x6400  }
0x7f: {  	[sflag:s24] =	ssyncset.done $0x0  }
0x80: {  	s9 =	simm.s32 $0x6440;
	[sflag:s24] =	ssyncadd.s32 $0xFFFF9C00  }
0x81: {  	v24 =	vld [tilespmem:s9+$0xFFFFFFC0]  }
0x82: {  	vm1 =	vgt.f32 v22, v3;
	vm2 =	vgt.f32 v1, v4;
	v0 =	vsel vm0, s6, v0;
	v25 =	vld [tilespmem:s9+$0xFFFFFFD0]  }
0x83: {  	s7 =	sadd.s32 s7, s0;
	vm0 =	vgt.f32 v23, v6;
	v3 =	vsel vm1, v22, v3;
	vm3 =	vgt.f32 v16, v8;
	v26 =	vld [tilespmem:s9+$0xFFFFFFE0]  }
0x84: {  	v5 =	vsel vm1, s7, v5;
	v4 =	vsel vm2, v1, v4;
	v8 =	vsel vm3, v16, v8;
	v16 =	vld [tilespmem:s9+$0xFFFFFFF0]  }
0x85: {  	vm1 =	vgt.f32 v2, v7;
	v6 =	vsel vm0, v23, v6;
	vm5 =	vgt.f32 v20, v11;
	v27 =	vld [tilespmem:s9+$0x0]  }
0x86: {  	v13 =	vsel vm2, s7, v13;
	vm6 =	vgt.f32 v21, v12;
	v11 =	vsel vm5, v20, v11;
	v20 =	vld [tilespmem:s9+$0x10]  }
0x87: {  	v14 =	vsel vm0, s7, v14;
	v7 =	vsel vm1, v2, v7;
	v12 =	vsel vm6, v21, v12;
	v21 =	vld [tilespmem:s9+$0x20]  }
0x88: {  	vm4 =	vgt.f32 v9, v10;
	v15 =	vsel vm1, s7, v15;
	v17 =	vsel vm3, s7, v17  }
0x89: {  	v10 =	vsel vm4, v9, v10;
	v18 =	vsel vm4, s7, v18;
	v19 =	vsel vm5, s7, v19;
	v28 =	vld [tilespmem:s9+$0x30];
	s9 =	simm.s32 $0x64C0  }
0x8a: {  	v0 =	vsel vm6, s7, v0;
	v22 =	vld [tilespmem:s9+$0xFFFFFFC0];
	vm0 =	vgt.f32 v24, v3;
	vm1 =	vgt.f32 v25, v4  }
0x8b: {  	v1 =	vld [tilespmem:s9+$0xFFFFFFD0];
	vm2 =	vgt.f32 v26, v6;
	vm3 =	vgt.f32 v16, v7;
	vm13 =	vgt.f32 v27, v8  }
0x8c: {  	s6 =	sadd.s32 $0x0, s1;
	v23 =	vld [tilespmem:s9+$0xFFFFFFE0];
	vm14 =	vgt.f32 v20, v10;
	vm15 =	vgt.f32 v21, v11;
	v3 =	vsel vm0, v24, v3  }
0x8d: {  	v2 =	vld [tilespmem:s9+$0xFFFFFFF0];
	v5 =	vsel vm0, s6, v5;
	v4 =	vsel vm1, v25, v4;
	v6 =	vsel vm2, v26, v6  }
0x8e: {  	v9 =	vld [tilespmem:s9+$0x10];
	v7 =	vsel vm3, v16, v7;
	v8 =	vsel vm13, v27, v8;
	vm0 =	vgt.f32 v28, v12  }
0x8f: {  	v16 =	vld [tilespmem:s9+$0x0];
	v10 =	vsel vm14, v20, v10;
	v11 =	vsel vm15, v21, v11;
	v13 =	vsel vm1, s6, v13  }
0x90: {  	v20 =	vld [tilespmem:s9+$0x20];
	v14 =	vsel vm2, s6, v14;
	v15 =	vsel vm3, s6, v15;
	v17 =	vsel vm13, s6, v17  }
0x91: {  	s8 =	simm.s32 $0x6540;
	s7 =	simm.s32 $0x1;
	v21 =	vld [tilespmem:s9+$0x30];
	s9 =	simm.s32 $0x2;
	v18 =	vsel vm14, s6, v18;
	v19 =	vsel vm15, s6, v19;
	v12 =	vsel vm0, v28, v12  }
.LBB2_8:
0x92: {  	v24 =	vld [tilespmem:s8+$0xFFFFFFC0];
	p1 =	sne.s32 s9, $0xC7;
	vm1 =	vgt.f32 v22, v3;
	vm2 =	vgt.f32 v1, v4;
	v0 =	vsel vm0, s6, v0;
	s6 =	sadd.s32 s7, s1;
	s7 =	smov.u32 s9  }
0x93: {  	v3 =	vsel vm1, v22, v3;
	v5 =	vsel vm1, s6, v5;
	v4 =	vsel vm2, v1, v4;
	v1 =	vld [tilespmem:s8+$0xFFFFFFD0]  }
0x94: {  	vm3 =	vgt.f32 v2, v7;
	vm1 =	vgt.f32 v23, v6;
	vm4 =	vgt.f32 v16, v8;
	v25 =	vld [tilespmem:s8+$0xFFFFFFE0]  }
.Ltmp5:
0x95: {  	v7 =	vsel vm3, v2, v7;
	v6 =	vsel vm1, v23, v6;
	v8 =	vsel vm4, v16, v8;
	v2 =	vld [tilespmem:s8+$0xFFFFFFF0];
	(pc) =	sbr.rel @p1 .LBB2_8-.Ltmp5, $4  }
0x96: {  	vm5 =	vgt.f32 v9, v10;
	vm6 =	vgt.f32 v20, v11;
	v16 =	vld [tilespmem:s8+$0x0];
	vm0 =	vgt.f32 v21, v12  }
0x97: {  	v10 =	vsel vm5, v9, v10;
	v11 =	vsel vm6, v20, v11;
	v9 =	vld [tilespmem:s8+$0x10];
	v12 =	vsel vm0, v21, v12;
	v22 =	vmovc v24  }
0x98: {  	v13 =	vsel vm2, s6, v13;
	v15 =	vsel vm3, s6, v15;
	v14 =	vsel vm1, s6, v14;
	v20 =	vld [tilespmem:s8+$0x20]  }
0x99: {  	s9 =	sadd.s32 $0x1, s9;
	v17 =	vsel vm4, s6, v17;
	v18 =	vsel vm5, s6, v18;
	v19 =	vsel vm6, s6, v19;
	v21 =	vld [tilespmem:s8+$0x30];
	s8 =	sadd.s32 $0x80, s8;
	v23 =	vmovc v25  }
0x9a: {  	_ =	swait.ge [sflag:s23], $0x6400  }
0x9b: {  	[sflag:s23] =	ssyncset.done $0x0  }
0x9c: {  	s8 =	simm.s32 $0x40;
	[sflag:s23] =	ssyncadd.s32 $0xFFFF9C00  }
0x9d: {  	vm1 =	vgt.f32 v22, v3;
	vm2 =	vgt.f32 v1, v4;
	v0 =	vsel vm0, s6, v0;
	v24 =	vld [tilespmem:s8+$0xFFFFFFC0]  }
0x9e: {  	s7 =	sadd.s32 s7, s1;
	vm0 =	vgt.f32 v23, v6;
	v3 =	vsel vm1, v22, v3;
	v1 =	vsel vm2, v1, v4;
	v4 =	vld [tilespmem:s8+$0xFFFFFFD0]  }
0x9f: {  	v5 =	vsel vm1, s7, v5;
	vm1 =	vgt.f32 v2, v7;
	vm3 =	vgt.f32 v16, v8;
	v25 =	vld [tilespmem:s8+$0xFFFFFFE0]  }
0xa0: {  	v26 =	vsel vm0, v23, v6;
	v2 =	vsel vm1, v2, v7;
	v7 =	vsel vm3, v16, v8;
	v8 =	vld [tilespmem:s8+$0xFFFFFFF0]  }
0xa1: {  	v29 =	vsel vm0, s7, v14;
	vm4 =	vgt.f32 v9, v10;
	v30 =	vsel vm1, s7, v15;
	v27 =	vld [tilespmem:s8+$0x0]  }
0xa2: {  	v17 =	vsel vm3, s7, v17;
	vm5 =	vgt.f32 v20, v11;
	v28 =	vsel vm4, v9, v10;
	v31 =	vld [tilespmem:s8+$0x20]  }
0xa3: {  	v32 =	vsel vm4, s7, v18;
	v18 =	vld [tilespmem:s8+$0x30];
	vm6 =	vgt.f32 v21, v12;
	v11 =	vsel vm5, v20, v11  }
0xa4: {  	s9 =	simm.s32 $0xC0;
	v20 =	vld [tilespmem:s8+$0x10];
	v33 =	vsel vm5, s7, v19;
	v12 =	vsel vm6, v21, v12;
	v21 =	vsel vm2, s7, v13  }
0xa5: {  	v22 =	vld [tilespmem:s9+$0xFFFFFFC0];
	v0 =	vsel vm6, s7, v0;
	vm0 =	vgt.f32 v24, v3;
	vm1 =	vgt.f32 v4, v1  }
0xa6: {  	s6 =	sadd.s32 $0x0, s20;
	v10 =	vld [tilespmem:s9+$0xFFFFFFD0];
	vm2 =	vgt.f32 v25, v26;
	vm3 =	vgt.f32 v8, v2;
	vm13 =	vgt.f32 v27, v7  }
0xa7: {  	v23 =	vld [tilespmem:s9+$0xFFFFFFE0];
	vm15 =	vgt.f32 v31, v11;
	v16 =	vsel vm0, v24, v3;
	v14 =	vsel vm0, s6, v5  }
0xa8: {  	v6 =	vld [tilespmem:s9+$0xFFFFFFF0];
	v13 =	vsel vm1, v4, v1;
	v15 =	vsel vm2, v25, v26;
	v9 =	vsel vm3, v8, v2  }
0xa9: {  	v3 =	vsel vm13, v27, v7;
	v7 =	vld [tilespmem:s9+$0x0];
	vm14 =	vgt.f32 v20, v28;
	vm0 =	vgt.f32 v18, v12  }
0xaa: {  	v4 =	vld [tilespmem:s9+$0x10];
	v2 =	vsel vm15, v31, v11;
	v21 =	vsel vm1, s6, v21;
	v19 =	vsel vm13, s6, v17  }
0xab: {  	v8 =	vld [tilespmem:s9+$0x20];
	v5 =	vsel vm14, v20, v28;
	v1 =	vsel vm0, v18, v12;
	v20 =	vsel vm2, s6, v29  }
0xac: {  	s8 =	simm.s32 $0x140;
	s7 =	simm.s32 $0x1;
	v11 =	vld [tilespmem:s9+$0x30];
	s9 =	simm.s32 $0x2;
	v18 =	vsel vm3, s6, v30;
	v17 =	vsel vm14, s6, v32;
	v12 =	vsel vm15, s6, v33  }
.LBB2_10:
0xad: {  	v24 =	vld [tilespmem:s8+$0xFFFFFFC0];
	p1 =	sne.s32 s9, $0xC7;
	vm1 =	vgt.f32 v22, v16;
	vm2 =	vgt.f32 v10, v13;
	v0 =	vsel vm0, s6, v0;
	s6 =	sadd.s32 s7, s20;
	s7 =	smov.u32 s9  }
0xae: {  	v16 =	vsel vm1, v22, v16;
	v14 =	vsel vm1, s6, v14;
	v13 =	vsel vm2, v10, v13;
	v10 =	vld [tilespmem:s8+$0xFFFFFFD0]  }
0xaf: {  	vm3 =	vgt.f32 v6, v9;
	vm1 =	vgt.f32 v23, v15;
	vm4 =	vgt.f32 v7, v3;
	v25 =	vld [tilespmem:s8+$0xFFFFFFE0]  }
.Ltmp6:
0xb0: {  	v9 =	vsel vm3, v6, v9;
	v15 =	vsel vm1, v23, v15;
	v3 =	vsel vm4, v7, v3;
	v6 =	vld [tilespmem:s8+$0xFFFFFFF0];
	(pc) =	sbr.rel @p1 .LBB2_10-.Ltmp6, $4  }
0xb1: {  	vm5 =	vgt.f32 v4, v5;
	vm6 =	vgt.f32 v8, v2;
	v7 =	vld [tilespmem:s8+$0x0];
	vm0 =	vgt.f32 v11, v1  }
0xb2: {  	v5 =	vsel vm5, v4, v5;
	v2 =	vsel vm6, v8, v2;
	v4 =	vld [tilespmem:s8+$0x10];
	v1 =	vsel vm0, v11, v1;
	v22 =	vmovc v24  }
0xb3: {  	v21 =	vsel vm2, s6, v21;
	v18 =	vsel vm3, s6, v18;
	v20 =	vsel vm1, s6, v20;
	v8 =	vld [tilespmem:s8+$0x20]  }
0xb4: {  	s9 =	sadd.s32 $0x1, s9;
	v19 =	vsel vm4, s6, v19;
	v17 =	vsel vm5, s6, v17;
	v12 =	vsel vm6, s6, v12;
	v11 =	vld [tilespmem:s8+$0x30];
	s8 =	sadd.s32 $0x80, s8;
	v23 =	vmovc v25  }
0xb5: {  	vm1 =	vgt.f32 v22, v16  }
0xb6: {  	s7 =	sadd.s32 s7, s20;
	v16 =	vsel vm1, v22, v16  }
0xb7: {  	vm2 =	vgt.f32 v10, v13;
	v14 =	vsel vm1, s7, v14;
	[tilespmem:$0xC800] =	vst v16  }
0xb8: {  	v10 =	vsel vm2, v10, v13;
	[tilespmem:$0xC880] =	vst v14  }
0xb9: {  	vm10 =	vgt.f32 v23, v15;
	v56 =	vsel vm2, s7, v21;
	[tilespmem:$0xC810] =	vst v10  }
0xba: {  	v57 =	vsel vm10, v23, v15;
	[tilespmem:$0xC890] =	vst v56  }
0xbb: {  	vm11 =	vgt.f32 v6, v9;
	v58 =	vsel vm10, s7, v20;
	[tilespmem:$0xC820] =	vst v57  }
0xbc: {  	v6 =	vsel vm11, v6, v9;
	[tilespmem:$0xC8A0] =	vst v58  }
0xbd: {  	vm12 =	vgt.f32 v7, v3;
	v59 =	vsel vm11, s7, v18;
	[tilespmem:$0xC830] =	vst v6  }
0xbe: {  	v3 =	vsel vm12, v7, v3;
	[tilespmem:$0xC8B0] =	vst v59  }
0xbf: {  	vm13 =	vgt.f32 v4, v5;
	v60 =	vsel vm12, s7, v19;
	[tilespmem:$0xC840] =	vst v3  }
0xc0: {  	v61 =	vsel vm13, v4, v5;
	[tilespmem:$0xC8C0] =	vst v60  }
0xc1: {  	vm14 =	vgt.f32 v8, v2;
	v62 =	vsel vm13, s7, v17;
	[tilespmem:$0xC850] =	vst v61  }
0xc2: {  	v2 =	vsel vm14, v8, v2;
	[tilespmem:$0xC8D0] =	vst v62  }
0xc3: {  	vm15 =	vgt.f32 v11, v1;
	v63 =	vsel vm14, s7, v12;
	[tilespmem:$0xC860] =	vst v2  }
0xc4: {  	v0 =	vsel vm0, s6, v0;
	v1 =	vsel vm15, v11, v1;
	[tilespmem:$0xC8E0] =	vst v63  }
0xc5: {  	v0 =	vsel vm15, s7, v0;
	[tilespmem:$0xC870] =	vst v1  }
0xc6: {  	s8 =	rddreg [dreg:$0x5];
	s9 =	simm.s32 $0xC800;
	[tilespmem:$0xC8F0] =	vst v0  }
0xc7: {  	[spmem:s8] =	stream.linear.scatter [tilespmem:s9], [sflag:$0x3], $0x10, $0x38;
	[tilespmem:$0xCC00] =	vst v63  }
0xc8: {  	_ =	swait.ge [sflag:s4], $0x10  }
0xc9: {  	[sflag:s4] =	ssyncset.done $0x0  }
0xca: {  	s9 =	simm.s32 $0xC880;
	s8 =	rddreg [dreg:$0x6];
	[sflag:s4] =	ssyncadd.s32 $0xFFFFFFF0  }
0xcb: {  	[spmem:s8] =	stream.linear.scatter [tilespmem:s9], [sflag:$0x3], $0x10, $0x38;
	[tilespmem:$0xCC00] =	vst v63  }
0xcc: {  	_ =	swait.ge [sflag:s4], $0x10  }
0xcd: {  	[sflag:s4] =	ssyncset.done $0x0  }
0xce: {  	s9 =	simm.s32 $0xC810;
	s8 =	rddreg [dreg:$0x7];
	[sflag:s4] =	ssyncadd.s32 $0xFFFFFFF0  }
0xcf: {  	[spmem:s8] =	stream.linear.scatter [tilespmem:s9], [sflag:$0x3], $0x10, $0x38;
	[tilespmem:$0xCC00] =	vst v63  }
0xd0: {  	_ =	swait.ge [sflag:s4], $0x10  }
0xd1: {  	[sflag:s4] =	ssyncset.done $0x0  }
0xd2: {  	s9 =	simm.s32 $0xC890;
	s8 =	rddreg [dreg:$0x8];
	[sflag:s4] =	ssyncadd.s32 $0xFFFFFFF0  }
0xd3: {  	[spmem:s8] =	stream.linear.scatter [tilespmem:s9], [sflag:$0x3], $0x10, $0x38;
	[tilespmem:$0xCC00] =	vst v63  }
0xd4: {  	_ =	swait.ge [sflag:s4], $0x10  }
0xd5: {  	[sflag:s4] =	ssyncset.done $0x0  }
0xd6: {  	s9 =	simm.s32 $0xC820;
	s8 =	rddreg [dreg:$0x9];
	[sflag:s4] =	ssyncadd.s32 $0xFFFFFFF0  }
0xd7: {  	[spmem:s8] =	stream.linear.scatter [tilespmem:s9], [sflag:$0x3], $0x10, $0x38;
	[tilespmem:$0xCC00] =	vst v63  }
0xd8: {  	_ =	swait.ge [sflag:s4], $0x10  }
0xd9: {  	[sflag:s4] =	ssyncset.done $0x0  }
0xda: {  	s8 =	simm.s32 $0xC8A0;
	s7 =	rddreg [dreg:$0xa];
	[sflag:s4] =	ssyncadd.s32 $0xFFFFFFF0  }
0xdb: {  	[spmem:s7] =	stream.linear.scatter [tilespmem:s8], [sflag:$0x3], $0x10, $0x38;
	[tilespmem:$0xCC00] =	vst v63  }
0xdc: {  	_ =	swait.ge [sflag:s4], $0x10  }
0xdd: {  	[sflag:s4] =	ssyncset.done $0x0  }
0xde: {  	s9 =	simm.s32 $0xC830;
	[sflag:s4] =	ssyncadd.s32 $0xFFFFFFF0  }
0xdf: {  	[spmem:s10] =	stream.linear.scatter [tilespmem:s9], [sflag:$0x3], $0x10, $0x38;
	[tilespmem:$0xCC00] =	vst v63  }
0xe0: {  	_ =	swait.ge [sflag:s4], $0x10  }
0xe1: {  	[sflag:s4] =	ssyncset.done $0x0  }
0xe2: {  	s7 =	simm.s32 $0xC8B0;
	[sflag:s4] =	ssyncadd.s32 $0xFFFFFFF0  }
0xe3: {  	[spmem:s11] =	stream.linear.scatter [tilespmem:s7], [sflag:$0x3], $0x10, $0x38;
	[tilespmem:$0xCC00] =	vst v63  }
0xe4: {  	_ =	swait.ge [sflag:s4], $0x10  }
0xe5: {  	[sflag:s4] =	ssyncset.done $0x0  }
0xe6: {  	s8 =	simm.s32 $0xC840;
	[sflag:s4] =	ssyncadd.s32 $0xFFFFFFF0  }
0xe7: {  	[spmem:s12] =	stream.linear.scatter [tilespmem:s8], [sflag:$0x3], $0x10, $0x38;
	[tilespmem:$0xCC00] =	vst v63  }
0xe8: {  	_ =	swait.ge [sflag:s4], $0x10  }
0xe9: {  	[sflag:s4] =	ssyncset.done $0x0  }
0xea: {  	s9 =	simm.s32 $0xC8C0;
	[sflag:s4] =	ssyncadd.s32 $0xFFFFFFF0  }
0xeb: {  	[spmem:s13] =	stream.linear.scatter [tilespmem:s9], [sflag:$0x3], $0x10, $0x38;
	[tilespmem:$0xCC00] =	vst v63  }
0xec: {  	_ =	swait.ge [sflag:s4], $0x10  }
0xed: {  	[sflag:s4] =	ssyncset.done $0x0  }
0xee: {  	s7 =	simm.s32 $0xC850;
	[sflag:s4] =	ssyncadd.s32 $0xFFFFFFF0  }
0xef: {  	[spmem:s14] =	stream.linear.scatter [tilespmem:s7], [sflag:$0x3], $0x10, $0x38;
	[tilespmem:$0xCC00] =	vst v63  }
0xf0: {  	_ =	swait.ge [sflag:s4], $0x10  }
0xf1: {  	[sflag:s4] =	ssyncset.done $0x0  }
0xf2: {  	s8 =	simm.s32 $0xC8D0;
	[sflag:s4] =	ssyncadd.s32 $0xFFFFFFF0  }
0xf3: {  	[spmem:s15] =	stream.linear.scatter [tilespmem:s8], [sflag:$0x3], $0x10, $0x38;
	[tilespmem:$0xCC00] =	vst v63  }
0xf4: {  	_ =	swait.ge [sflag:s4], $0x10  }
0xf5: {  	[sflag:s4] =	ssyncset.done $0x0  }
0xf6: {  	s9 =	simm.s32 $0xC860;
	[sflag:s4] =	ssyncadd.s32 $0xFFFFFFF0  }
0xf7: {  	[spmem:s16] =	stream.linear.scatter [tilespmem:s9], [sflag:$0x3], $0x10, $0x38;
	[tilespmem:$0xCC00] =	vst v63  }
0xf8: {  	_ =	swait.ge [sflag:s4], $0x10  }
0xf9: {  	[sflag:s4] =	ssyncset.done $0x0  }
0xfa: {  	s7 =	simm.s32 $0xC8E0;
	[sflag:s4] =	ssyncadd.s32 $0xFFFFFFF0  }
0xfb: {  	[spmem:s17] =	stream.linear.scatter [tilespmem:s7], [sflag:$0x3], $0x10, $0x38;
	[tilespmem:$0xCC00] =	vst v63  }
0xfc: {  	_ =	swait.ge [sflag:s4], $0x10  }
0xfd: {  	[sflag:s4] =	ssyncset.done $0x0  }
0xfe: {  	s8 =	simm.s32 $0xC870;
	[sflag:s4] =	ssyncadd.s32 $0xFFFFFFF0  }
0xff: {  	[spmem:s18] =	stream.linear.scatter [tilespmem:s8], [sflag:$0x3], $0x10, $0x38;
	[tilespmem:$0xCC00] =	vst v63  }
0x100: {  	_ =	swait.ge [sflag:s4], $0x10  }
0x101: {  	[sflag:s4] =	ssyncset.done $0x0  }
0x102: {  	s9 =	simm.s32 $0xC8F0;
	[sflag:s4] =	ssyncadd.s32 $0xFFFFFFF0  }
0x103: {  	[spmem:s19] =	stream.linear.scatter [tilespmem:s9], [sflag:$0x3], $0x10, $0x38;
	[tilespmem:$0xCC00] =	vst v63  }
.Ltmp7:
0x104: {  	_ =	swait.ge [sflag:s4], $0x10;
	(pc) =	sbr.rel @p0 .LBB2_13-.Ltmp7, $3  }
0x105: {  	[sflag:s4] =	ssyncset.done $0x0  }
0x106: {  	[sflag:s4] =	ssyncadd.s32 $0xFFFFFFF0  }
0x107: {  	[bflag:$0x0] =	sbarrier.arrive $0xFFFF;
	_ =	sdelay $0x1  }
0x108: {  	s6 =	rddreg [dreg:$0xb];
	s7 =	simm.s32 $0xC900  }
0x109: {  	[tilespmem:s7], [sflag:$0x3] =	stream.linear.gather [spmem:s6], $0x100, $0x38;
	[tilespmem:$0xCC00] =	vst v63  }
0x10a: {  	_ =	swait.ge [sflag:s4], $0x100  }
0x10b: {  	[sflag:s4] =	ssyncset.done $0x0  }
0x10c: {  	s9 =	simm.s32 $0xCA00;
	s8 =	rddreg [dreg:$0xc];
	[sflag:s4] =	ssyncadd.s32 $0xFFFFFF00  }
0x10d: {  	[tilespmem:s9], [sflag:$0x3] =	stream.linear.gather [spmem:s8], $0x100, $0x38;
	[tilespmem:$0xCC00] =	vst v63  }
0x10e: {  	_ =	swait.ge [sflag:s4], $0x100  }
0x10f: {  	[sflag:s4] =	ssyncset.done $0x0  }
0x110: {  	[sflag:s4] =	ssyncadd.s32 $0xFFFFFF00  }
0x111: {  	v0 =	vld [tilespmem:$0xC900]  }
0x112: {  	v1 =	vld [tilespmem:$0xCA00]  }
0x113: {  	v2 =	vld [tilespmem:$0xC910]  }
0x114: {  	v3 =	vld [tilespmem:$0xCA10];
	_ =	sdelay $0x2  }
0x115: {  	v4 =	vld [tilespmem:$0xC920]  }
0x116: {  	v5 =	vld [tilespmem:$0xCA20]  }
0x117: {  	vm0 =	veq.f32 v2, v0;
	vm1 =	vlt.s32 v3, v1  }
0x118: {  	vm10 =	vgt.f32 v2, v0;
	vm0 =	vmand vm0, vm1  }
0x119: {  	v6 =	vld [tilespmem:$0xC930];
	vm0 =	vmor vm10, vm0  }
0x11a: {  	v39 =	vld [tilespmem:$0xCA30];
	v0 =	vsel vm0, v2, v0;
	v1 =	vsel vm0, v3, v1  }
0x11b: {  	vm11 =	veq.f32 v4, v0;
	vm12 =	vlt.s32 v5, v1  }
0x11c: {  	vm13 =	vgt.f32 v4, v0;
	vm0 =	vmand vm11, vm12  }
0x11d: {  	v40 =	vld [tilespmem:$0xC940];
	vm0 =	vmor vm13, vm0  }
0x11e: {  	v41 =	vld [tilespmem:$0xCA40];
	v0 =	vsel vm0, v4, v0;
	v1 =	vsel vm0, v5, v1  }
0x11f: {  	vm14 =	veq.f32 v6, v0;
	vm15 =	vlt.s32 v39, v1  }
0x120: {  	vm4 =	vgt.f32 v6, v0;
	vm0 =	vmand vm14, vm15  }
0x121: {  	v42 =	vld [tilespmem:$0xC950];
	vm0 =	vmor vm4, vm0  }
0x122: {  	v43 =	vld [tilespmem:$0xCA50];
	v0 =	vsel vm0, v6, v0;
	v1 =	vsel vm0, v39, v1  }
0x123: {  	vm5 =	veq.f32 v40, v0;
	vm6 =	vlt.s32 v41, v1  }
0x124: {  	vm7 =	vgt.f32 v40, v0;
	vm0 =	vmand vm5, vm6  }
0x125: {  	v44 =	vld [tilespmem:$0xC960];
	vm0 =	vmor vm7, vm0  }
0x126: {  	v45 =	vld [tilespmem:$0xCA60];
	v0 =	vsel vm0, v40, v0;
	v1 =	vsel vm0, v41, v1  }
0x127: {  	vm8 =	veq.f32 v42, v0;
	vm9 =	vlt.s32 v43, v1  }
0x128: {  	vm10 =	vgt.f32 v42, v0;
	vm0 =	vmand vm8, vm9  }
0x129: {  	v46 =	vld [tilespmem:$0xC970];
	vm0 =	vmor vm10, vm0  }
0x12a: {  	v47 =	vld [tilespmem:$0xCA70];
	v0 =	vsel vm0, v42, v0;
	v1 =	vsel vm0, v43, v1  }
0x12b: {  	vm11 =	veq.f32 v44, v0;
	vm12 =	vlt.s32 v45, v1  }
0x12c: {  	vm13 =	vgt.f32 v44, v0;
	vm0 =	vmand vm11, vm12  }
0x12d: {  	v48 =	vld [tilespmem:$0xC980];
	vm0 =	vmor vm13, vm0  }
0x12e: {  	v49 =	vld [tilespmem:$0xCA80];
	v0 =	vsel vm0, v44, v0;
	v1 =	vsel vm0, v45, v1  }
0x12f: {  	vm14 =	veq.f32 v46, v0;
	vm15 =	vlt.s32 v47, v1  }
0x130: {  	vm4 =	vgt.f32 v46, v0;
	vm0 =	vmand vm14, vm15  }
0x131: {  	v50 =	vld [tilespmem:$0xC990];
	vm0 =	vmor vm4, vm0  }
0x132: {  	v51 =	vld [tilespmem:$0xCA90];
	v0 =	vsel vm0, v46, v0;
	v1 =	vsel vm0, v47, v1  }
0x133: {  	vm5 =	veq.f32 v48, v0;
	vm6 =	vlt.s32 v49, v1  }
0x134: {  	vm7 =	vgt.f32 v48, v0;
	vm0 =	vmand vm5, vm6  }
0x135: {  	v52 =	vld [tilespmem:$0xC9A0];
	vm0 =	vmor vm7, vm0  }
0x136: {  	v53 =	vld [tilespmem:$0xCAA0];
	v0 =	vsel vm0, v48, v0;
	v1 =	vsel vm0, v49, v1  }
0x137: {  	vm8 =	veq.f32 v50, v0;
	vm9 =	vlt.s32 v51, v1  }
0x138: {  	vm10 =	vgt.f32 v50, v0;
	vm0 =	vmand vm8, vm9  }
0x139: {  	v54 =	vld [tilespmem:$0xC9B0];
	vm0 =	vmor vm10, vm0  }
0x13a: {  	v55 =	vld [tilespmem:$0xCAB0];
	v0 =	vsel vm0, v50, v0;
	v1 =	vsel vm0, v51, v1  }
0x13b: {  	vm11 =	veq.f32 v52, v0;
	vm12 =	vlt.s32 v53, v1  }
0x13c: {  	vm13 =	vgt.f32 v52, v0;
	vm0 =	vmand vm11, vm12  }
0x13d: {  	v56 =	vld [tilespmem:$0xC9C0];
	vm0 =	vmor vm13, vm0  }
0x13e: {  	v57 =	vld [tilespmem:$0xCAC0];
	v0 =	vsel vm0, v52, v0;
	v1 =	vsel vm0, v53, v1  }
0x13f: {  	vm14 =	veq.f32 v54, v0;
	vm15 =	vlt.s32 v55, v1  }
0x140: {  	vm4 =	vgt.f32 v54, v0;
	vm0 =	vmand vm14, vm15  }
0x141: {  	v58 =	vld [tilespmem:$0xC9D0];
	vm0 =	vmor vm4, vm0  }
0x142: {  	v59 =	vld [tilespmem:$0xCAD0];
	v0 =	vsel vm0, v54, v0;
	v1 =	vsel vm0, v55, v1  }
0x143: {  	vm5 =	veq.f32 v56, v0;
	vm6 =	vlt.s32 v57, v1  }
0x144: {  	vm7 =	vgt.f32 v56, v0;
	vm0 =	vmand vm5, vm6  }
0x145: {  	v60 =	vld [tilespmem:$0xC9E0];
	vm0 =	vmor vm7, vm0  }
0x146: {  	v61 =	vld [tilespmem:$0xCAE0];
	v0 =	vsel vm0, v56, v0;
	v1 =	vsel vm0, v57, v1  }
0x147: {  	vm8 =	veq.f32 v58, v0;
	vm9 =	vlt.s32 v59, v1  }
0x148: {  	vm10 =	vgt.f32 v58, v0;
	vm0 =	vmand vm8, vm9  }
0x149: {  	v62 =	vld [tilespmem:$0xC9F0];
	vm0 =	vmor vm10, vm0  }
0x14a: {  	v63 =	vld [tilespmem:$0xCAF0];
	v0 =	vsel vm0, v58, v0;
	v1 =	vsel vm0, v59, v1  }
0x14b: {  	vm11 =	veq.f32 v60, v0;
	vm12 =	vlt.s32 v61, v1  }
0x14c: {  	vm13 =	vgt.f32 v60, v0;
	vm0 =	vmand vm11, vm12  }
0x14d: {  	vm0 =	vmor vm13, vm0  }
0x14e: {  	v0 =	vsel vm0, v60, v0;
	v1 =	vsel vm0, v61, v1  }
0x14f: {  	vm14 =	veq.f32 v62, v0;
	vm15 =	vlt.s32 v63, v1  }
0x150: {  	vm2 =	vgt.f32 v62, v0;
	vm0 =	vmand vm14, vm15  }
0x151: {  	vm0 =	vmor vm2, vm0  }
0x152: {  	v0 =	vsel vm0, v62, v0  }
0x153: {  	v1 =	vsel vm0, v63, v1;
	[tilespmem:$0xC800] =	vst v0  }
0x154: {  	s9 =	simm.s32 $0xC800;
	s8 =	rddreg [dreg:$0xd];
	[tilespmem:$0xC880] =	vst v1  }
0x155: {  	[hbm4b:s8+s2] =	stream.linear.scatter [tilespmem:s9], [sflag:$0x3], $0x10, $0x38;
	[tilespmem:$0xCC00] =	vst v63  }
0x156: {  	_ =	swait.ge [sflag:s4], $0x10  }
0x157: {  	s9 =	simm.s32 $0xC880;
	[sflag:s4] =	ssyncset.done $0x0  }
.Ltmp8:
0x158: {  	s8 =	rddreg [dreg:$0xe];
	[sflag:s4] =	ssyncadd.s32 $0xFFFFFFF0;
	(pc) =	sbr.rel .LBB2_13-.Ltmp8, $4  }
0x159: {  	[hbm4b:s8+s2] =	stream.linear.scatter [tilespmem:s9], [sflag:$0x3], $0x10, $0x38;
	[tilespmem:$0xCC00] =	vst v63  }
0x15a: {  	_ =	swait.ge [sflag:s4], $0x10  }
0x15b: {  	[sflag:s4] =	ssyncset.done $0x0  }
0x15c: {  	[sflag:s4] =	ssyncadd.s32 $0xFFFFFFF0  }
.LBB2_14:
0x15d: {  	_ =	sfence.sel $0x180000  }
0x15e: {  	[bflag:$0x0] =	sbarrier.arrive $0xFFFF  }
0x15f: {  	_ =	strace $0x90000047  }
0x160: {  	s0 =	stileid.u32;
	[bflag:$0x2] =	sbarrier.arrive $0xFFFF  }
0x161: {  	p0 =	sne.s32 s0, $0x0;
	s0 =	rddreg [dreg:$0x4]  }
0x162: {  	s0 =	sadd.s32 @!p0 $0x100000, s0  }
0x163: {  	[sflag:s0] =	ssyncadd.tile.s32 @!p0 $0x1;
	_ =	shalt  }
.Lfunc_end2:
_tile_overlayer_lowered:
.L_overlay_start_2:
0x164: {  	(tag) =	ssettag $0x2  }
0x165: {  	s0 =	rddreg [dreg:$0x0];
	s2 =	stileid.u32  }
0x166: {  	s1 =	rddreg [dreg:$0x1];
	p0 =	sne.s32 s2, $0x0  }
0x167: {  	s3 =	rddreg [dreg:$0x2];
	[bflag:$0x3] =	sbarrier.arrive $0xFFFF;
	s2 =	simm.s32 @!p0 $0x1C03  }
0x168: {  	[timem:s3], [sflag:s2] =	dma.local @!p0 [hbm:s0], s1  }
0x169: {  	s0 =	simm.s32 @!p0 $0x3  }
0x16a: {  	_ =	swait.ge @!p0 [sflag:s0], s1  }
0x16b: {  	s1 =	ssub.s32 @!p0 $0x0, s1;
	[sflag:s0] =	ssyncset.done @!p0 $0x0  }
0x16c: {  	[sflag:s0] =	ssyncadd.s32 @!p0 s1  }
0x16d: {  	[bflag:$0x3] =	sbarrier.arrive $0xFFFF  }
0x16e: {  	_ =	shalt  }

</sc_bundles>
